<compile_context>
chip_gen: v7x
topology: tpu7x:2x2x1
jax: 0.10.2.dev20260603
libtpu: 0.0.44.dev20260713+nightly
codegen_flags: <defaults>
</compile_context>

<pallas_src>
import functools

import jax
import jax.numpy as jnp
from jax import lax
from jax.experimental import pallas as pl
from jax.experimental.pallas import tpu as pltpu
from jax.experimental.pallas import tpu_sc as plsc

N = 10000
E = 320000
R = 8
D = 128

NC, NS, L = 2, 16, 16
NW = NC * NS
EB = 128
E_PAD = 327680
ROWS = E_PAD // EB
RPW = ROWS // NW

AR = 10240
ARS = AR // NS
CH = 16
RC0 = 128
RC1 = 32
NB = 80128
NBS = NB // NS
JUNK_B = N * R

BN = 2000
NT = N // BN

_mesh = plsc.VectorSubcoreMesh(core_axis_name="c", subcore_axis_name="s")
_sc_params = pltpu.CompilerParams(use_tc_tiling_on_sc=False)



def _mm_body(x_ref, w_ref, o_ref):
    o_ref[0] = jnp.dot(x_ref[...], w_ref[0],
                       preferred_element_type=jnp.float32,
                       precision=lax.Precision.HIGHEST)


def _transform(x, w_all):
    return pl.pallas_call(
        _mm_body,
        grid=(NT, R + 1),
        in_specs=[pl.BlockSpec((BN, D), lambda n, r: (n, 0)),
                  pl.BlockSpec((1, D, D), lambda n, r: (r, 0, 0))],
        out_specs=pl.BlockSpec((1, BN, D), lambda n, r: (r, n, 0)),
        out_shape=jax.ShapeDtypeStruct((R + 1, N, D), jnp.float32),
    )(x, w_all)


def _inv_body(c_ref, o_ref):
    o_ref[...] = 1.0 / jnp.maximum(c_ref[0] + c_ref[1], 1.0)


def _invert_counts(cnt_parts):
    c2 = cnt_parts.reshape(NC, NB * 16 // D, D)
    m = c2.shape[1]
    inv = pl.pallas_call(
        _inv_body,
        grid=(4,),
        in_specs=[pl.BlockSpec((NC, m // 4, D), lambda i: (0, i, 0))],
        out_specs=pl.BlockSpec((m // 4, D), lambda i: (i, 0)),
        out_shape=jax.ShapeDtypeStruct((m, D), jnp.float32),
    )(c2)
    return inv.reshape(NB, 16)


def _combine_body(root_ref, p_ref, b_ref, o_ref, *, relu):
    v = root_ref[0] + p_ref[0] + p_ref[1] + b_ref[...]
    o_ref[...] = jnp.maximum(v, 0.0) if relu else v


def _combine(h_all, parts, b, relu):
    return pl.pallas_call(
        functools.partial(_combine_body, relu=relu),
        grid=(NT,),
        in_specs=[pl.BlockSpec((1, BN, D), lambda n: (R, n, 0)),
                  pl.BlockSpec((NC, BN, D), lambda n: (0, n, 0)),
                  pl.BlockSpec((1, D), lambda n: (0, 0))],
        out_specs=pl.BlockSpec((BN, D), lambda n: (n, 0)),
        out_shape=jax.ShapeDtypeStruct((N, D), jnp.float32),
    )(h_all, parts, b.reshape(1, D))



@functools.partial(
    pl.kernel, mesh=_mesh,
    out_type=jax.ShapeDtypeStruct((NC, NB, 16), jnp.float32),
    scratch_types=[
        pltpu.VMEM((RPW, EB), jnp.int32),
        pltpu.VMEM((EB, 16), jnp.float32),
        pltpu.VMEM_SHARED((NB, 16), jnp.float32),
    ],
    compiler_params=_sc_params,
)
def _sc_counts(key_hbm, zero_hbm, out_hbm, key_v, ones_v, cnt_sh):
    c = lax.axis_index("c")
    s = lax.axis_index("s")
    w = c * NS + s
    pltpu.sync_copy(zero_hbm.at[pl.ds(s * NBS, NBS)],
                    cnt_sh.at[pl.ds(s * NBS, NBS)])
    pltpu.sync_copy(key_hbm.at[pl.ds(w * RPW, RPW)], key_v)

    @pl.loop(0, EB)
    def _fill(e):
        ones_v[e, :] = jnp.full((16,), 1.0, jnp.float32)

    plsc.subcore_barrier()

    @pl.loop(0, RPW)
    def _scatter(j):
        pltpu.sync_copy(ones_v, cnt_sh.at[key_v.at[j]], add=True)

    plsc.subcore_barrier()
    pltpu.sync_copy(cnt_sh.at[pl.ds(s * NBS, NBS)],
                    out_hbm.at[c].at[pl.ds(s * NBS, NBS)])


@functools.partial(
    pl.kernel, mesh=_mesh,
    out_type=jax.ShapeDtypeStruct((NC, AR, D), jnp.float32),
    scratch_types=[
        pltpu.VMEM((CH, EB), jnp.int32),
        pltpu.VMEM((CH, EB), jnp.int32),
        pltpu.VMEM((CH, EB), jnp.int32),
        pltpu.VMEM((2, EB, D), jnp.float32),
        pltpu.VMEM((2, EB, 16), jnp.float32),
        pltpu.VMEM_SHARED((AR, D), jnp.float32),
        [pltpu.SemaphoreType.DMA] * 2,
        [pltpu.SemaphoreType.DMA] * 2,
    ],
    compiler_params=_sc_params,
)
def _sc_agg(hflat_hbm, inv_hbm, g_hbm, key_hbm, dst_hbm, zero_hbm, out_hbm,
            g_v, key_v, dst_v, rows_v, inv_v, acc_sh, gsems, ssems):
    c = lax.axis_index("c")
    s = lax.axis_index("s")
    with jax.named_scope("agg_init"):
        pltpu.sync_copy(zero_hbm.at[pl.ds(s * ARS, ARS)],
                        acc_sh.at[pl.ds(s * ARS, ARS)])
        plsc.subcore_barrier()

    def _issue_gathers(j, buf):
        pltpu.async_copy(hflat_hbm.at[g_v.at[j]], rows_v.at[buf], gsems[buf])
        pltpu.async_copy(inv_hbm.at[key_v.at[j]], inv_v.at[buf], gsems[buf])

    def _wait_gathers(buf):
        pltpu.make_async_copy(hflat_hbm.at[g_v.at[0]], rows_v.at[buf],
                              gsems[buf]).wait()
        pltpu.make_async_copy(inv_hbm.at[key_v.at[0]], inv_v.at[buf],
                              gsems[buf]).wait()

    def _scale(buf):
        @pl.loop(0, EB)
        def _(e):
            iv = inv_v[buf, e, :]
            for t in range(D // 16):
                sl = pl.ds(t * 16, 16)
                rows_v[buf, e, sl] = rows_v[buf, e, sl] * iv

    def _scatter(j, buf):
        pltpu.async_copy(rows_v.at[buf], acc_sh.at[dst_v.at[j]],
                         ssems[buf], add=True)

    def _wait_scatter(buf):
        pltpu.make_async_copy(rows_v.at[buf], acc_sh.at[dst_v.at[0]],
                              ssems[buf]).wait()

    def _run_core(n_tile_rows, core_base):
        @pl.loop(0, n_tile_rows // CH)
        def _group(grp):
            base = core_base + s * n_tile_rows + grp * CH
            pltpu.sync_copy(g_hbm.at[pl.ds(base, CH)], g_v)
            pltpu.sync_copy(key_hbm.at[pl.ds(base, CH)], key_v)
            pltpu.sync_copy(dst_hbm.at[pl.ds(base, CH)], dst_v)

            _issue_gathers(0, 0)
            _issue_gathers(1, 1)

            @pl.loop(2, CH, step=2)
            def _block(j):
                _wait_gathers(0)
                _scale(0)
                _scatter(j - 2, 0)
                _wait_gathers(1)
                _scale(1)
                _scatter(j - 1, 1)
                _wait_scatter(0)
                _issue_gathers(j, 0)
                _wait_scatter(1)
                _issue_gathers(j + 1, 1)

            _wait_gathers(0)
            _scale(0)
            _scatter(CH - 2, 0)
            _wait_gathers(1)
            _scale(1)
            _scatter(CH - 1, 1)
            _wait_scatter(0)
            _wait_scatter(1)

    with jax.named_scope("agg_edges"):
        @pl.when(c == 0)
        def _():
            _run_core(RC0, 0)

        @pl.when(c == 1)
        def _():
            _run_core(RC1, NS * RC0)

    with jax.named_scope("agg_out"):
        plsc.subcore_barrier()

        @pl.loop(0, ARS // EB)
        def _out(k):
            row = s * ARS + k * EB
            pltpu.sync_copy(acc_sh.at[pl.ds(row, EB)], rows_v.at[0])
            pltpu.sync_copy(rows_v.at[0], out_hbm.at[c].at[pl.ds(row, EB)])



def kernel(x, edge_index, edge_type, W_rel1, W_root1, b1, W_rel2, W_root2, b2):
    src = edge_index[0]
    dst = edge_index[1]
    pad = E_PAD - E

    g = edge_type * N + src
    keyb = dst * R + edge_type
    pad_i = jnp.arange(pad, dtype=jnp.int32)
    g_p = jnp.concatenate(
        [g, jnp.zeros((pad,), jnp.int32)]).reshape(ROWS, EB)
    key_p = jnp.concatenate(
        [keyb, JUNK_B + pad_i % (NB - JUNK_B)]).reshape(ROWS, EB)
    dst_p = jnp.concatenate(
        [dst, N + pad_i % (AR - N)]).reshape(ROWS, EB)

    z_cnt = jnp.zeros((NB, 16), jnp.float32)
    z_acc = jnp.zeros((AR, D), jnp.float32)

    cnt_parts = _sc_counts(key_p, z_cnt)
    inv16 = _invert_counts(cnt_parts)

    w_all1 = jnp.concatenate([W_rel1, W_root1[None]], axis=0)
    w_all2 = jnp.concatenate([W_rel2, W_root2[None]], axis=0)

    h_all1 = _transform(x, w_all1)
    parts1 = _sc_agg(h_all1.reshape((R + 1) * N, D), inv16,
                     g_p, key_p, dst_p, z_acc)
    h1 = _combine(h_all1, parts1, b1, relu=True)

    h_all2 = _transform(h1, w_all2)
    parts2 = _sc_agg(h_all2.reshape((R + 1) * N, D), inv16,
                     g_p, key_p, dst_p, z_acc)
    return _combine(h_all2, parts2, b2, relu=False)

# --- scband reference (transcript-rebuilt; emitter-appended) ---
"""Pipeline reference for scband-rgcn-335007449370 (READ-ONLY COPY).

The authoritative reference and input builder live on the scoring server;
editing this copy changes nothing except your own understanding.
"""

import jax, jax.numpy as jnp
import numpy as np

N_NODES = 10000
N_EDGES = 320000
N_REL = 8
D = 128


def rgcn_layer(x, edge_index, edge_type, W_rel, W_root, b):
    # PyG-style RGCNConv: out[i] = x[i] @ W_root + b + sum_r mean_{e in rel r, dst=i} (x[src_e] @ W_r)
    src = edge_index[0]
    dst = edge_index[1]
    n = x.shape[0]
    out = x @ W_root + b
    num_rel = W_rel.shape[0]
    for r in range(num_rel):
        h = x @ W_rel[r]  # [N, out] transform once per relation
        mask = (edge_type == r).astype(x.dtype)[:, None]  # [E, 1]
        m = h[src] * mask  # gather + mask: [E, out]
        sums = jax.ops.segment_sum(m, dst, num_segments=n)
        counts = jax.ops.segment_sum(mask, dst, num_segments=n)
        out = out + sums / jnp.maximum(counts, 1.0)
    return out


def setup_inputs(seed: int = 0) -> dict:
    key = jax.random.key(seed)
    ks = jax.random.split(key, 10)
    s = 1.0 / np.sqrt(D)
    x = jax.random.normal(ks[0], (N_NODES, D), dtype=jnp.float32)
    edge_index = jax.random.randint(ks[1], (2, N_EDGES), 0, N_NODES, dtype=jnp.int32)
    edge_type = jax.random.randint(ks[2], (N_EDGES,), 0, N_REL, dtype=jnp.int32)
    W_rel1 = jax.random.normal(ks[3], (N_REL, D, D), dtype=jnp.float32) * s
    W_root1 = jax.random.normal(ks[4], (D, D), dtype=jnp.float32) * s
    b1 = jnp.zeros((D,), dtype=jnp.float32)
    W_rel2 = jax.random.normal(ks[5], (N_REL, D, D), dtype=jnp.float32) * s
    W_root2 = jax.random.normal(ks[6], (D, D), dtype=jnp.float32) * s
    b2 = jnp.zeros((D,), dtype=jnp.float32)
    return {"x": x, "edge_index": edge_index, "edge_type": edge_type,
            "W_rel1": W_rel1, "W_root1": W_root1, "b1": b1,
            "W_rel2": W_rel2, "W_root2": W_root2, "b2": b2}


def reference(x, edge_index, edge_type, W_rel1, W_root1, b1, W_rel2, W_root2, b2):
    h = rgcn_layer(x, edge_index, edge_type, W_rel1, W_root1, b1)
    h = jax.nn.relu(h)
    out = rgcn_layer(h, edge_index, edge_type, W_rel2, W_root2, b2)
    return out

if __name__ == "__main__":
    import jax
    _d = setup_inputs()
    print(jax.jit(kernel)(*tuple(_d.values())))

</pallas_src>

<mosaic_0001>
#map = affine_map<(d0, d1) -> (0, 0)>
#map1 = affine_map<(d0, d1) -> (0, 0, 0)>
module attributes {stable_mosaic.version = 14 : i64} {
  func.func @_sc_agg(%arg0: i32, %arg1: i32, %arg2: memref<90000x128xf32, #tpu.memory_space<hbm>>, %arg3: memref<80128x16xf32, #tpu.memory_space<hbm>>, %arg4: memref<2560x128xi32, #tpu.memory_space<hbm>>, %arg5: memref<2560x128xi32, #tpu.memory_space<hbm>>, %arg6: memref<2560x128xi32, #tpu.memory_space<hbm>>, %arg7: memref<10240x128xf32, #tpu.memory_space<hbm>>, %arg8: memref<2x10240x128xf32, #tpu.memory_space<hbm>>, %arg9: memref<16x128xi32, #tpu.memory_space<vmem>>, %arg10: memref<16x128xi32, #tpu.memory_space<vmem>>, %arg11: memref<16x128xi32, #tpu.memory_space<vmem>>, %arg12: memref<2x128x128xf32, #tpu.memory_space<vmem>>, %arg13: memref<2x128x16xf32, #tpu.memory_space<vmem>>, %arg14: memref<10240x128xf32, #tpu.memory_space<vmem_shared>>, %arg15: memref<!tpu.dma_semaphore, #tpu.memory_space<semaphore_mem>>, %arg16: memref<!tpu.dma_semaphore, #tpu.memory_space<semaphore_mem>>, %arg17: memref<!tpu.dma_semaphore, #tpu.memory_space<semaphore_mem>>, %arg18: memref<!tpu.dma_semaphore, #tpu.memory_space<semaphore_mem>>) attributes {dimension_semantics = [#tpu.dimension_semantics<core_parallel>, #tpu.dimension_semantics<subcore_parallel>], iteration_bounds = array<i64: 2, 16>, scalar_prefetch = 0 : i64, scratch_operands = 10 : i64, tpu.core_type = #tpu.core_type<sc_vector_subcore>, window_params = [{transform_indices = #map}, {transform_indices = #map}, {transform_indices = #map}, {transform_indices = #map}, {transform_indices = #map}, {transform_indices = #map}, {transform_indices = #map1}]} {
    "tpu.trace_start"() <{level = 10 : i32, message = "agg_init"}> : () -> ()
    %mul3A = arith.constant 640 : i32
    %mul3A_0 = arith.muli %arg1, %mul3A : i32
    %mul3A_1 = arith.constant 640 : i32
    %mul3A_2 = arith.muli %arg1, %mul3A_1 : i32
    "tpu.region"() ({
      %run_scoped3A = tpu.sem_alloc : memref<!tpu.dma_semaphore, #tpu.memory_space<semaphore_mem>>
      %dma_start3A = arith.constant 0 : i32
      %dma_start3A_15 = tpu.memref_slice %arg14[%mul3A_2, %dma_start3A] : memref<10240x128xf32, #tpu.memory_space<vmem_shared>> -> memref<640x128xf32, #tpu.memory_space<vmem_shared>>
      %dma_start3A_16 = arith.constant 0 : i32
      %dma_start3A_17 = tpu.memref_slice %arg7[%mul3A_0, %dma_start3A_16] : memref<10240x128xf32, #tpu.memory_space<hbm>> -> memref<640x128xf32, #tpu.memory_space<hbm>>
      tpu.enqueue_dma source(%dma_start3A_17 : memref<640x128xf32, #tpu.memory_space<hbm>>) target(%dma_start3A_15 : memref<640x128xf32, #tpu.memory_space<vmem_shared>>) target_semaphore(%run_scoped3A : memref<!tpu.dma_semaphore, #tpu.memory_space<semaphore_mem>>)
      %dma_wait3A = arith.constant 0 : i32
      %dma_wait3A_18 = tpu.memref_slice %arg14[%mul3A_2, %dma_wait3A] : memref<10240x128xf32, #tpu.memory_space<vmem_shared>> -> memref<640x128xf32, #tpu.memory_space<vmem_shared>>
      %dma_wait3A_19 = arith.constant 0 : i32
      %dma_wait3A_20 = tpu.memref_slice %arg7[%mul3A_0, %dma_wait3A_19] : memref<10240x128xf32, #tpu.memory_space<hbm>> -> memref<640x128xf32, #tpu.memory_space<hbm>>
      tpu.wait_dma2 semaphore(%run_scoped3A : memref<!tpu.dma_semaphore, #tpu.memory_space<semaphore_mem>>) src(%dma_wait3A_20 : memref<640x128xf32, #tpu.memory_space<hbm>>) dst(%dma_wait3A_18 : memref<640x128xf32, #tpu.memory_space<vmem_shared>>)
      tpu.yield
    }) : () -> ()
    %barrier3A = arith.constant 0 : index
    tpu.barrier barrier_id(%barrier3A)
    %eq3A = arith.constant 0 : i32
    "tpu.trace_stop"() : () -> ()
    "tpu.trace_start"() <{level = 10 : i32, message = "agg_edges"}> : () -> ()
    %eq3A_3 = arith.cmpi eq, %arg0, %eq3A : i32
    %convert_element_type3A = arith.extui %eq3A_3 : i1 to i32
    %cond3A = arith.constant 0 : i32
    %cond3A_4 = arith.cmpi ne, %convert_element_type3A, %cond3A : i32
    scf.if %cond3A_4 {
      %scan3A_15 = arith.constant 0 : i32
      %scan3A_16 = arith.constant 8 : i32
      %scan3A_17 = arith.addi %scan3A_15, %scan3A_16 : i32
      %scan3A_18 = arith.constant 1 : i32
      scf.for %scan3A_20 = %scan3A_15 to %scan3A_17 step %scan3A_18  : i32 {
        %mul3A_21 = arith.constant 1 : i32
        %mul3A_22 = arith.muli %scan3A_20, %mul3A_21 : i32
        %add3A = arith.constant 0 : i32
        %add3A_23 = arith.addi %add3A, %mul3A_22 : i32
        %mul3A_24 = arith.constant 128 : i32
        %mul3A_25 = arith.muli %arg1, %mul3A_24 : i32
        %add3A_26 = arith.constant 0 : i32
        %add3A_27 = arith.addi %add3A_26, %mul3A_25 : i32
        %mul3A_28 = arith.constant 16 : i32
        %mul3A_29 = arith.muli %add3A_23, %mul3A_28 : i32
        %add3A_30 = arith.addi %add3A_27, %mul3A_29 : i32
        "tpu.region"() ({
          %run_scoped3A = tpu.sem_alloc : memref<!tpu.dma_semaphore, #tpu.memory_space<semaphore_mem>>
          %dma_start3A_188 = arith.constant 0 : i32
          %dma_start3A_189 = tpu.memref_slice %arg4[%add3A_30, %dma_start3A_188] : memref<2560x128xi32, #tpu.memory_space<hbm>> -> memref<16x128xi32, #tpu.memory_space<hbm>>
          %dma_start3A_190 = arith.constant 0 : i32
          %dma_start3A_191 = tpu.memref_slice %arg4[%add3A_30, %dma_start3A_190] : memref<2560x128xi32, #tpu.memory_space<hbm>> -> memref<16x128xi32, #tpu.memory_space<hbm>>
          tpu.enqueue_dma source(%dma_start3A_191 : memref<16x128xi32, #tpu.memory_space<hbm>>) target(%arg9 : memref<16x128xi32, #tpu.memory_space<vmem>>) target_semaphore(%run_scoped3A : memref<!tpu.dma_semaphore, #tpu.memory_space<semaphore_mem>>)
          %dma_wait3A_192 = arith.constant 0 : i32
          %dma_wait3A_193 = tpu.memref_slice %arg4[%add3A_30, %dma_wait3A_192] : memref<2560x128xi32, #tpu.memory_space<hbm>> -> memref<16x128xi32, #tpu.memory_space<hbm>>
          %dma_wait3A_194 = arith.constant 0 : i32
          %dma_wait3A_195 = tpu.memref_slice %arg4[%add3A_30, %dma_wait3A_194] : memref<2560x128xi32, #tpu.memory_space<hbm>> -> memref<16x128xi32, #tpu.memory_space<hbm>>
          tpu.wait_dma2 semaphore(%run_scoped3A : memref<!tpu.dma_semaphore, #tpu.memory_space<semaphore_mem>>) src(%dma_wait3A_195 : memref<16x128xi32, #tpu.memory_space<hbm>>) dst(%arg9 : memref<16x128xi32, #tpu.memory_space<vmem>>)
          tpu.yield
        }) : () -> ()
        "tpu.region"() ({
          %run_scoped3A = tpu.sem_alloc : memref<!tpu.dma_semaphore, #tpu.memory_space<semaphore_mem>>
          %dma_start3A_188 = arith.constant 0 : i32
          %dma_start3A_189 = tpu.memref_slice %arg5[%add3A_30, %dma_start3A_188] : memref<2560x128xi32, #tpu.memory_space<hbm>> -> memref<16x128xi32, #tpu.memory_space<hbm>>
          %dma_start3A_190 = arith.constant 0 : i32
          %dma_start3A_191 = tpu.memref_slice %arg5[%add3A_30, %dma_start3A_190] : memref<2560x128xi32, #tpu.memory_space<hbm>> -> memref<16x128xi32, #tpu.memory_space<hbm>>
          tpu.enqueue_dma source(%dma_start3A_191 : memref<16x128xi32, #tpu.memory_space<hbm>>) target(%arg10 : memref<16x128xi32, #tpu.memory_space<vmem>>) target_semaphore(%run_scoped3A : memref<!tpu.dma_semaphore, #tpu.memory_space<semaphore_mem>>)
          %dma_wait3A_192 = arith.constant 0 : i32
          %dma_wait3A_193 = tpu.memref_slice %arg5[%add3A_30, %dma_wait3A_192] : memref<2560x128xi32, #tpu.memory_space<hbm>> -> memref<16x128xi32, #tpu.memory_space<hbm>>
          %dma_wait3A_194 = arith.constant 0 : i32
          %dma_wait3A_195 = tpu.memref_slice %arg5[%add3A_30, %dma_wait3A_194] : memref<2560x128xi32, #tpu.memory_space<hbm>> -> memref<16x128xi32, #tpu.memory_space<hbm>>
          tpu.wait_dma2 semaphore(%run_scoped3A : memref<!tpu.dma_semaphore, #tpu.memory_space<semaphore_mem>>) src(%dma_wait3A_195 : memref<16x128xi32, #tpu.memory_space<hbm>>) dst(%arg10 : memref<16x128xi32, #tpu.memory_space<vmem>>)
          tpu.yield
        }) : () -> ()
        "tpu.region"() ({
          %run_scoped3A = tpu.sem_alloc : memref<!tpu.dma_semaphore, #tpu.memory_space<semaphore_mem>>
          %dma_start3A_188 = arith.constant 0 : i32
          %dma_start3A_189 = tpu.memref_slice %arg6[%add3A_30, %dma_start3A_188] : memref<2560x128xi32, #tpu.memory_space<hbm>> -> memref<16x128xi32, #tpu.memory_space<hbm>>
          %dma_start3A_190 = arith.constant 0 : i32
          %dma_start3A_191 = tpu.memref_slice %arg6[%add3A_30, %dma_start3A_190] : memref<2560x128xi32, #tpu.memory_space<hbm>> -> memref<16x128xi32, #tpu.memory_space<hbm>>
          tpu.enqueue_dma source(%dma_start3A_191 : memref<16x128xi32, #tpu.memory_space<hbm>>) target(%arg11 : memref<16x128xi32, #tpu.memory_space<vmem>>) target_semaphore(%run_scoped3A : memref<!tpu.dma_semaphore, #tpu.memory_space<semaphore_mem>>)
          %dma_wait3A_192 = arith.constant 0 : i32
          %dma_wait3A_193 = tpu.memref_slice %arg6[%add3A_30, %dma_wait3A_192] : memref<2560x128xi32, #tpu.memory_space<hbm>> -> memref<16x128xi32, #tpu.memory_space<hbm>>
          %dma_wait3A_194 = arith.constant 0 : i32
          %dma_wait3A_195 = tpu.memref_slice %arg6[%add3A_30, %dma_wait3A_194] : memref<2560x128xi32, #tpu.memory_space<hbm>> -> memref<16x128xi32, #tpu.memory_space<hbm>>
          tpu.wait_dma2 semaphore(%run_scoped3A : memref<!tpu.dma_semaphore, #tpu.memory_space<semaphore_mem>>) src(%dma_wait3A_195 : memref<16x128xi32, #tpu.memory_space<hbm>>) dst(%arg11 : memref<16x128xi32, #tpu.memory_space<vmem>>)
          tpu.yield
        }) : () -> ()
        %dma_start3A = arith.constant 0 : i32
        %dma_start3A_31 = arith.constant 0 : i32
        %dma_start3A_32 = arith.constant 0 : i32
        %dma_start3A_33 = arith.constant 0 : i32
        %dma_start3A_34 = tpu.memref_slice %arg12[%dma_start3A_31, %dma_start3A_32, %dma_start3A_33] : memref<2x128x128xf32, #tpu.memory_space<vmem>> -> memref<1x128x128xf32, #tpu.memory_space<vmem>>
        %dma_start3A_35 = tpu.memref_squeeze %dma_start3A_34 : memref<1x128x128xf32, #tpu.memory_space<vmem>> -> memref<128x128xf32, #tpu.memory_space<vmem>>
        %dma_start3A_36 = arith.constant 0 : i32
        %dma_start3A_37 = tpu.memref_slice %arg9[%dma_start3A, %dma_start3A_36] : memref<16x128xi32, #tpu.memory_space<vmem>> -> memref<1x128xi32, #tpu.memory_space<vmem>>
        %dma_start3A_38 = tpu.memref_squeeze %dma_start3A_37 : memref<1x128xi32, #tpu.memory_space<vmem>> -> memref<128xi32, #tpu.memory_space<vmem>>
        %dma_start3A_39 = arith.constant 0 : i32
        %dma_start3A_40 = arith.constant 0 : i32
        %dma_start3A_41 = tpu.memref_slice %arg2[%dma_start3A_39, %dma_start3A_40] : memref<90000x128xf32, #tpu.memory_space<hbm>> -> memref<90000x128xf32, #tpu.memory_space<hbm>>
        tpu.enqueue_indirect_dma source(%dma_start3A_41 : memref<90000x128xf32, #tpu.memory_space<hbm>>) target(%dma_start3A_35 : memref<128x128xf32, #tpu.memory_space<vmem>>) offsets(%dma_start3A_38 : memref<128xi32, #tpu.memory_space<vmem>>) semaphore(%arg15 : memref<!tpu.dma_semaphore, #tpu.memory_space<semaphore_mem>>)
        %dma_start3A_42 = arith.constant 0 : i32
        %dma_start3A_43 = arith.constant 0 : i32
        %dma_start3A_44 = arith.constant 0 : i32
        %dma_start3A_45 = arith.constant 0 : i32
        %dma_start3A_46 = tpu.memref_slice %arg13[%dma_start3A_43, %dma_start3A_44, %dma_start3A_45] : memref<2x128x16xf32, #tpu.memory_space<vmem>> -> memref<1x128x16xf32, #tpu.memory_space<vmem>>
        %dma_start3A_47 = tpu.memref_squeeze %dma_start3A_46 : memref<1x128x16xf32, #tpu.memory_space<vmem>> -> memref<128x16xf32, #tpu.memory_space<vmem>>
        %dma_start3A_48 = arith.constant 0 : i32
        %dma_start3A_49 = tpu.memref_slice %arg10[%dma_start3A_42, %dma_start3A_48] : memref<16x128xi32, #tpu.memory_space<vmem>> -> memref<1x128xi32, #tpu.memory_space<vmem>>
        %dma_start3A_50 = tpu.memref_squeeze %dma_start3A_49 : memref<1x128xi32, #tpu.memory_space<vmem>> -> memref<128xi32, #tpu.memory_space<vmem>>
        %dma_start3A_51 = arith.constant 0 : i32
        %dma_start3A_52 = arith.constant 0 : i32
        %dma_start3A_53 = tpu.memref_slice %arg3[%dma_start3A_51, %dma_start3A_52] : memref<80128x16xf32, #tpu.memory_space<hbm>> -> memref<80128x16xf32, #tpu.memory_space<hbm>>
        tpu.enqueue_indirect_dma source(%dma_start3A_53 : memref<80128x16xf32, #tpu.memory_space<hbm>>) target(%dma_start3A_47 : memref<128x16xf32, #tpu.memory_space<vmem>>) offsets(%dma_start3A_50 : memref<128xi32, #tpu.memory_space<vmem>>) semaphore(%arg15 : memref<!tpu.dma_semaphore, #tpu.memory_space<semaphore_mem>>)
        %dma_start3A_54 = arith.constant 1 : i32
        %dma_start3A_55 = arith.constant 1 : i32
        %dma_start3A_56 = arith.constant 0 : i32
        %dma_start3A_57 = arith.constant 0 : i32
        %dma_start3A_58 = tpu.memref_slice %arg12[%dma_start3A_55, %dma_start3A_56, %dma_start3A_57] : memref<2x128x128xf32, #tpu.memory_space<vmem>> -> memref<1x128x128xf32, #tpu.memory_space<vmem>>
        %dma_start3A_59 = tpu.memref_squeeze %dma_start3A_58 : memref<1x128x128xf32, #tpu.memory_space<vmem>> -> memref<128x128xf32, #tpu.memory_space<vmem>>
        %dma_start3A_60 = arith.constant 0 : i32
        %dma_start3A_61 = tpu.memref_slice %arg9[%dma_start3A_54, %dma_start3A_60] : memref<16x128xi32, #tpu.memory_space<vmem>> -> memref<1x128xi32, #tpu.memory_space<vmem>>
        %dma_start3A_62 = tpu.memref_squeeze %dma_start3A_61 : memref<1x128xi32, #tpu.memory_space<vmem>> -> memref<128xi32, #tpu.memory_space<vmem>>
        %dma_start3A_63 = arith.constant 0 : i32
        %dma_start3A_64 = arith.constant 0 : i32
        %dma_start3A_65 = tpu.memref_slice %arg2[%dma_start3A_63, %dma_start3A_64] : memref<90000x128xf32, #tpu.memory_space<hbm>> -> memref<90000x128xf32, #tpu.memory_space<hbm>>
        tpu.enqueue_indirect_dma source(%dma_start3A_65 : memref<90000x128xf32, #tpu.memory_space<hbm>>) target(%dma_start3A_59 : memref<128x128xf32, #tpu.memory_space<vmem>>) offsets(%dma_start3A_62 : memref<128xi32, #tpu.memory_space<vmem>>) semaphore(%arg16 : memref<!tpu.dma_semaphore, #tpu.memory_space<semaphore_mem>>)
        %dma_start3A_66 = arith.constant 1 : i32
        %dma_start3A_67 = arith.constant 1 : i32
        %dma_start3A_68 = arith.constant 0 : i32
        %dma_start3A_69 = arith.constant 0 : i32
        %dma_start3A_70 = tpu.memref_slice %arg13[%dma_start3A_67, %dma_start3A_68, %dma_start3A_69] : memref<2x128x16xf32, #tpu.memory_space<vmem>> -> memref<1x128x16xf32, #tpu.memory_space<vmem>>
        %dma_start3A_71 = tpu.memref_squeeze %dma_start3A_70 : memref<1x128x16xf32, #tpu.memory_space<vmem>> -> memref<128x16xf32, #tpu.memory_space<vmem>>
        %dma_start3A_72 = arith.constant 0 : i32
        %dma_start3A_73 = tpu.memref_slice %arg10[%dma_start3A_66, %dma_start3A_72] : memref<16x128xi32, #tpu.memory_space<vmem>> -> memref<1x128xi32, #tpu.memory_space<vmem>>
        %dma_start3A_74 = tpu.memref_squeeze %dma_start3A_73 : memref<1x128xi32, #tpu.memory_space<vmem>> -> memref<128xi32, #tpu.memory_space<vmem>>
        %dma_start3A_75 = arith.constant 0 : i32
        %dma_start3A_76 = arith.constant 0 : i32
        %dma_start3A_77 = tpu.memref_slice %arg3[%dma_start3A_75, %dma_start3A_76] : memref<80128x16xf32, #tpu.memory_space<hbm>> -> memref<80128x16xf32, #tpu.memory_space<hbm>>
        tpu.enqueue_indirect_dma source(%dma_start3A_77 : memref<80128x16xf32, #tpu.memory_space<hbm>>) target(%dma_start3A_71 : memref<128x16xf32, #tpu.memory_space<vmem>>) offsets(%dma_start3A_74 : memref<128xi32, #tpu.memory_space<vmem>>) semaphore(%arg16 : memref<!tpu.dma_semaphore, #tpu.memory_space<semaphore_mem>>)
        %scan3A_78 = arith.constant 0 : i32
        %scan3A_79 = arith.constant 7 : i32
        %scan3A_80 = arith.addi %scan3A_78, %scan3A_79 : i32
        %scan3A_81 = arith.constant 1 : i32
        scf.for %scan3A_188 = %scan3A_78 to %scan3A_80 step %scan3A_81  : i32 {
          %mul3A_189 = arith.constant 2 : i32
          %mul3A_190 = arith.muli %scan3A_188, %mul3A_189 : i32
          %add3A_191 = arith.constant 2 : i32
          %add3A_192 = arith.addi %add3A_191, %mul3A_190 : i32
          %dma_wait3A_193 = arith.constant 0 : i32
          %dma_wait3A_194 = arith.constant 0 : i32
          %dma_wait3A_195 = arith.constant 0 : i32
          %dma_wait3A_196 = arith.constant 0 : i32
          %dma_wait3A_197 = tpu.memref_slice %arg12[%dma_wait3A_194, %dma_wait3A_195, %dma_wait3A_196] : memref<2x128x128xf32, #tpu.memory_space<vmem>> -> memref<1x128x128xf32, #tpu.memory_space<vmem>>
          %dma_wait3A_198 = tpu.memref_squeeze %dma_wait3A_197 : memref<1x128x128xf32, #tpu.memory_space<vmem>> -> memref<128x128xf32, #tpu.memory_space<vmem>>
          %dma_wait3A_199 = arith.constant 0 : i32
          %dma_wait3A_200 = tpu.memref_slice %arg9[%dma_wait3A_193, %dma_wait3A_199] : memref<16x128xi32, #tpu.memory_space<vmem>> -> memref<1x128xi32, #tpu.memory_space<vmem>>
          %dma_wait3A_201 = tpu.memref_squeeze %dma_wait3A_200 : memref<1x128xi32, #tpu.memory_space<vmem>> -> memref<128xi32, #tpu.memory_space<vmem>>
          %dma_wait3A_202 = arith.constant 0 : i32
          %dma_wait3A_203 = arith.constant 0 : i32
          %dma_wait3A_204 = tpu.memref_slice %arg2[%dma_wait3A_202, %dma_wait3A_203] : memref<90000x128xf32, #tpu.memory_space<hbm>> -> memref<90000x128xf32, #tpu.memory_space<hbm>>
          tpu.wait_indirect_dma semaphore(%arg15 : memref<!tpu.dma_semaphore, #tpu.memory_space<semaphore_mem>>) src(%dma_wait3A_204 : memref<90000x128xf32, #tpu.memory_space<hbm>>) dst(%dma_wait3A_198 : memref<128x128xf32, #tpu.memory_space<vmem>>)
          %dma_wait3A_205 = arith.constant 0 : i32
          %dma_wait3A_206 = arith.constant 0 : i32
          %dma_wait3A_207 = arith.constant 0 : i32
          %dma_wait3A_208 = arith.constant 0 : i32
          %dma_wait3A_209 = tpu.memref_slice %arg13[%dma_wait3A_206, %dma_wait3A_207, %dma_wait3A_208] : memref<2x128x16xf32, #tpu.memory_space<vmem>> -> memref<1x128x16xf32, #tpu.memory_space<vmem>>
          %dma_wait3A_210 = tpu.memref_squeeze %dma_wait3A_209 : memref<1x128x16xf32, #tpu.memory_space<vmem>> -> memref<128x16xf32, #tpu.memory_space<vmem>>
          %dma_wait3A_211 = arith.constant 0 : i32
          %dma_wait3A_212 = tpu.memref_slice %arg10[%dma_wait3A_205, %dma_wait3A_211] : memref<16x128xi32, #tpu.memory_space<vmem>> -> memref<1x128xi32, #tpu.memory_space<vmem>>
          %dma_wait3A_213 = tpu.memref_squeeze %dma_wait3A_212 : memref<1x128xi32, #tpu.memory_space<vmem>> -> memref<128xi32, #tpu.memory_space<vmem>>
          %dma_wait3A_214 = arith.constant 0 : i32
          %dma_wait3A_215 = arith.constant 0 : i32
          %dma_wait3A_216 = tpu.memref_slice %arg3[%dma_wait3A_214, %dma_wait3A_215] : memref<80128x16xf32, #tpu.memory_space<hbm>> -> memref<80128x16xf32, #tpu.memory_space<hbm>>
          tpu.wait_indirect_dma semaphore(%arg15 : memref<!tpu.dma_semaphore, #tpu.memory_space<semaphore_mem>>) src(%dma_wait3A_216 : memref<80128x16xf32, #tpu.memory_space<hbm>>) dst(%dma_wait3A_210 : memref<128x16xf32, #tpu.memory_space<vmem>>)
          %scan3A_217 = arith.constant 0 : i32
          %scan3A_218 = arith.constant 128 : i32
          %scan3A_219 = arith.addi %scan3A_217, %scan3A_218 : i32
          %scan3A_220 = arith.constant 1 : i32
          scf.for %scan3A_346 = %scan3A_217 to %scan3A_219 step %scan3A_220  : i32 {
            %mul3A_347 = arith.constant 1 : i32
            %mul3A_348 = arith.muli %scan3A_346, %mul3A_347 : i32
            %add3A_349 = arith.constant 0 : i32
            %add3A_350 = arith.addi %add3A_349, %mul3A_348 : i32
            %get3A = arith.constant 0 : i32
            %get3A_351 = arith.index_cast %get3A : i32 to index
            %get3A_352 = arith.index_cast %add3A_350 : i32 to index
            %get3A_353 = arith.constant 0 : index
            %get3A_354 = tpu.vector_load %arg13[%get3A_351, %get3A_352, %get3A_353] {strides = array<i32>} : memref<2x128x16xf32, #tpu.memory_space<vmem>>, vector<1x1x16xf32>,
            %get3A_355 = vector.shape_cast %get3A_354 : vector<1x1x16xf32> to vector<16xf32>
            %get3A_356 = arith.constant 0 : i32
            %get3A_357 = arith.index_cast %get3A_356 : i32 to index
            %get3A_358 = arith.index_cast %add3A_350 : i32 to index
            %get3A_359 = arith.constant 0 : index
            %get3A_360 = tpu.vector_load %arg12[%get3A_357, %get3A_358, %get3A_359] {strides = array<i32>} : memref<2x128x128xf32, #tpu.memory_space<vmem>>, vector<1x1x16xf32>,
            %get3A_361 = vector.shape_cast %get3A_360 : vector<1x1x16xf32> to vector<16xf32>
            %mul3A_362 = arith.mulf %get3A_361, %get3A_355 : vector<16xf32>
            %swap3A = arith.constant 0 : i32
            %swap3A_363 = arith.index_cast %swap3A : i32 to index
            %swap3A_364 = arith.index_cast %add3A_350 : i32 to index
            %swap3A_365 = arith.constant 0 : index
            %swap3A_366 = tpu.vector_load %arg12[%swap3A_363, %swap3A_364, %swap3A_365] {strides = array<i32>} : memref<2x128x128xf32, #tpu.memory_space<vmem>>, vector<1x1x16xf32>,
            %swap3A_367 = vector.shape_cast %swap3A_366 : vector<1x1x16xf32> to vector<16xf32>
            %swap3A_368 = vector.shape_cast %mul3A_362 : vector<16xf32> to vector<1x1x16xf32>
            tpu.vector_store %arg12[%swap3A_363, %swap3A_364, %swap3A_365], %swap3A_368 {strides = array<i32>} : memref<2x128x128xf32, #tpu.memory_space<vmem>>, vector<1x1x16xf32>,
            %get3A_369 = arith.constant 0 : i32
            %get3A_370 = arith.index_cast %get3A_369 : i32 to index
            %get3A_371 = arith.index_cast %add3A_350 : i32 to index
            %get3A_372 = arith.constant 16 : index
            %get3A_373 = tpu.vector_load %arg12[%get3A_370, %get3A_371, %get3A_372] {strides = array<i32>} : memref<2x128x128xf32, #tpu.memory_space<vmem>>, vector<1x1x16xf32>,
            %get3A_374 = vector.shape_cast %get3A_373 : vector<1x1x16xf32> to vector<16xf32>
            %mul3A_375 = arith.mulf %get3A_374, %get3A_355 : vector<16xf32>
            %swap3A_376 = arith.constant 0 : i32
            %swap3A_377 = arith.index_cast %swap3A_376 : i32 to index
            %swap3A_378 = arith.index_cast %add3A_350 : i32 to index
            %swap3A_379 = arith.constant 16 : index
            %swap3A_380 = tpu.vector_load %arg12[%swap3A_377, %swap3A_378, %swap3A_379] {strides = array<i32>} : memref<2x128x128xf32, #tpu.memory_space<vmem>>, vector<1x1x16xf32>,
            %swap3A_381 = vector.shape_cast %swap3A_380 : vector<1x1x16xf32> to vector<16xf32>
            %swap3A_382 = vector.shape_cast %mul3A_375 : vector<16xf32> to vector<1x1x16xf32>
            tpu.vector_store %arg12[%swap3A_377, %swap3A_378, %swap3A_379], %swap3A_382 {strides = array<i32>} : memref<2x128x128xf32, #tpu.memory_space<vmem>>, vector<1x1x16xf32>,
            %get3A_383 = arith.constant 0 : i32
            %get3A_384 = arith.index_cast %get3A_383 : i32 to index
            %get3A_385 = arith.index_cast %add3A_350 : i32 to index
            %get3A_386 = arith.constant 32 : index
            %get3A_387 = tpu.vector_load %arg12[%get3A_384, %get3A_385, %get3A_386] {strides = array<i32>} : memref<2x128x128xf32, #tpu.memory_space<vmem>>, vector<1x1x16xf32>,
            %get3A_388 = vector.shape_cast %get3A_387 : vector<1x1x16xf32> to vector<16xf32>
            %mul3A_389 = arith.mulf %get3A_388, %get3A_355 : vector<16xf32>
            %swap3A_390 = arith.constant 0 : i32
            %swap3A_391 = arith.index_cast %swap3A_390 : i32 to index
            %swap3A_392 = arith.index_cast %add3A_350 : i32 to index
            %swap3A_393 = arith.constant 32 : index
            %swap3A_394 = tpu.vector_load %arg12[%swap3A_391, %swap3A_392, %swap3A_393] {strides = array<i32>} : memref<2x128x128xf32, #tpu.memory_space<vmem>>, vector<1x1x16xf32>,
            %swap3A_395 = vector.shape_cast %swap3A_394 : vector<1x1x16xf32> to vector<16xf32>
            %swap3A_396 = vector.shape_cast %mul3A_389 : vector<16xf32> to vector<1x1x16xf32>
            tpu.vector_store %arg12[%swap3A_391, %swap3A_392, %swap3A_393], %swap3A_396 {strides = array<i32>} : memref<2x128x128xf32, #tpu.memory_space<vmem>>, vector<1x1x16xf32>,
            %get3A_397 = arith.constant 0 : i32
            %get3A_398 = arith.index_cast %get3A_397 : i32 to index
            %get3A_399 = arith.index_cast %add3A_350 : i32 to index
            %get3A_400 = arith.constant 48 : index
            %get3A_401 = tpu.vector_load %arg12[%get3A_398, %get3A_399, %get3A_400] {strides = array<i32>} : memref<2x128x128xf32, #tpu.memory_space<vmem>>, vector<1x1x16xf32>,
            %get3A_402 = vector.shape_cast %get3A_401 : vector<1x1x16xf32> to vector<16xf32>
            %mul3A_403 = arith.mulf %get3A_402, %get3A_355 : vector<16xf32>
            %swap3A_404 = arith.constant 0 : i32
            %swap3A_405 = arith.index_cast %swap3A_404 : i32 to index
            %swap3A_406 = arith.index_cast %add3A_350 : i32 to index
            %swap3A_407 = arith.constant 48 : index
            %swap3A_408 = tpu.vector_load %arg12[%swap3A_405, %swap3A_406, %swap3A_407] {strides = array<i32>} : memref<2x128x128xf32, #tpu.memory_space<vmem>>, vector<1x1x16xf32>,
            %swap3A_409 = vector.shape_cast %swap3A_408 : vector<1x1x16xf32> to vector<16xf32>
            %swap3A_410 = vector.shape_cast %mul3A_403 : vector<16xf32> to vector<1x1x16xf32>
            tpu.vector_store %arg12[%swap3A_405, %swap3A_406, %swap3A_407], %swap3A_410 {strides = array<i32>} : memref<2x128x128xf32, #tpu.memory_space<vmem>>, vector<1x1x16xf32>,
            %get3A_411 = arith.constant 0 : i32
            %get3A_412 = arith.index_cast %get3A_411 : i32 to index
            %get3A_413 = arith.index_cast %add3A_350 : i32 to index
            %get3A_414 = arith.constant 64 : index
            %get3A_415 = tpu.vector_load %arg12[%get3A_412, %get3A_413, %get3A_414] {strides = array<i32>} : memref<2x128x128xf32, #tpu.memory_space<vmem>>, vector<1x1x16xf32>,
            %get3A_416 = vector.shape_cast %get3A_415 : vector<1x1x16xf32> to vector<16xf32>
            %mul3A_417 = arith.mulf %get3A_416, %get3A_355 : vector<16xf32>
            %swap3A_418 = arith.constant 0 : i32
            %swap3A_419 = arith.index_cast %swap3A_418 : i32 to index
            %swap3A_420 = arith.index_cast %add3A_350 : i32 to index
            %swap3A_421 = arith.constant 64 : index
            %swap3A_422 = tpu.vector_load %arg12[%swap3A_419, %swap3A_420, %swap3A_421] {strides = array<i32>} : memref<2x128x128xf32, #tpu.memory_space<vmem>>, vector<1x1x16xf32>,
            %swap3A_423 = vector.shape_cast %swap3A_422 : vector<1x1x16xf32> to vector<16xf32>
            %swap3A_424 = vector.shape_cast %mul3A_417 : vector<16xf32> to vector<1x1x16xf32>
            tpu.vector_store %arg12[%swap3A_419, %swap3A_420, %swap3A_421], %swap3A_424 {strides = array<i32>} : memref<2x128x128xf32, #tpu.memory_space<vmem>>, vector<1x1x16xf32>,
            %get3A_425 = arith.constant 0 : i32
            %get3A_426 = arith.index_cast %get3A_425 : i32 to index
            %get3A_427 = arith.index_cast %add3A_350 : i32 to index
            %get3A_428 = arith.constant 80 : index
            %get3A_429 = tpu.vector_load %arg12[%get3A_426, %get3A_427, %get3A_428] {strides = array<i32>} : memref<2x128x128xf32, #tpu.memory_space<vmem>>, vector<1x1x16xf32>,
            %get3A_430 = vector.shape_cast %get3A_429 : vector<1x1x16xf32> to vector<16xf32>
            %mul3A_431 = arith.mulf %get3A_430, %get3A_355 : vector<16xf32>
            %swap3A_432 = arith.constant 0 : i32
            %swap3A_433 = arith.index_cast %swap3A_432 : i32 to index
            %swap3A_434 = arith.index_cast %add3A_350 : i32 to index
            %swap3A_435 = arith.constant 80 : index
            %swap3A_436 = tpu.vector_load %arg12[%swap3A_433, %swap3A_434, %swap3A_435] {strides = array<i32>} : memref<2x128x128xf32, #tpu.memory_space<vmem>>, vector<1x1x16xf32>,
            %swap3A_437 = vector.shape_cast %swap3A_436 : vector<1x1x16xf32> to vector<16xf32>
            %swap3A_438 = vector.shape_cast %mul3A_431 : vector<16xf32> to vector<1x1x16xf32>
            tpu.vector_store %arg12[%swap3A_433, %swap3A_434, %swap3A_435], %swap3A_438 {strides = array<i32>} : memref<2x128x128xf32, #tpu.memory_space<vmem>>, vector<1x1x16xf32>,
            %get3A_439 = arith.constant 0 : i32
            %get3A_440 = arith.index_cast %get3A_439 : i32 to index
            %get3A_441 = arith.index_cast %add3A_350 : i32 to index
            %get3A_442 = arith.constant 96 : index
            %get3A_443 = tpu.vector_load %arg12[%get3A_440, %get3A_441, %get3A_442] {strides = array<i32>} : memref<2x128x128xf32, #tpu.memory_space<vmem>>, vector<1x1x16xf32>,
            %get3A_444 = vector.shape_cast %get3A_443 : vector<1x1x16xf32> to vector<16xf32>
            %mul3A_445 = arith.mulf %get3A_444, %get3A_355 : vector<16xf32>
            %swap3A_446 = arith.constant 0 : i32
            %swap3A_447 = arith.index_cast %swap3A_446 : i32 to index
            %swap3A_448 = arith.index_cast %add3A_350 : i32 to index
            %swap3A_449 = arith.constant 96 : index
            %swap3A_450 = tpu.vector_load %arg12[%swap3A_447, %swap3A_448, %swap3A_449] {strides = array<i32>} : memref<2x128x128xf32, #tpu.memory_space<vmem>>, vector<1x1x16xf32>,
            %swap3A_451 = vector.shape_cast %swap3A_450 : vector<1x1x16xf32> to vector<16xf32>
            %swap3A_452 = vector.shape_cast %mul3A_445 : vector<16xf32> to vector<1x1x16xf32>
            tpu.vector_store %arg12[%swap3A_447, %swap3A_448, %swap3A_449], %swap3A_452 {strides = array<i32>} : memref<2x128x128xf32, #tpu.memory_space<vmem>>, vector<1x1x16xf32>,
            %get3A_453 = arith.constant 0 : i32
            %get3A_454 = arith.index_cast %get3A_453 : i32 to index
            %get3A_455 = arith.index_cast %add3A_350 : i32 to index
            %get3A_456 = arith.constant 112 : index
            %get3A_457 = tpu.vector_load %arg12[%get3A_454, %get3A_455, %get3A_456] {strides = array<i32>} : memref<2x128x128xf32, #tpu.memory_space<vmem>>, vector<1x1x16xf32>,
            %get3A_458 = vector.shape_cast %get3A_457 : vector<1x1x16xf32> to vector<16xf32>
            %mul3A_459 = arith.mulf %get3A_458, %get3A_355 : vector<16xf32>
            %swap3A_460 = arith.constant 0 : i32
            %swap3A_461 = arith.index_cast %swap3A_460 : i32 to index
            %swap3A_462 = arith.index_cast %add3A_350 : i32 to index
            %swap3A_463 = arith.constant 112 : index
            %swap3A_464 = tpu.vector_load %arg12[%swap3A_461, %swap3A_462, %swap3A_463] {strides = array<i32>} : memref<2x128x128xf32, #tpu.memory_space<vmem>>, vector<1x1x16xf32>,
            %swap3A_465 = vector.shape_cast %swap3A_464 : vector<1x1x16xf32> to vector<16xf32>
            %swap3A_466 = vector.shape_cast %mul3A_459 : vector<16xf32> to vector<1x1x16xf32>
            tpu.vector_store %arg12[%swap3A_461, %swap3A_462, %swap3A_463], %swap3A_466 {strides = array<i32>} : memref<2x128x128xf32, #tpu.memory_space<vmem>>, vector<1x1x16xf32>,
          }
          %scan3A_221 = arith.constant 128 : i32
          %sub3A = arith.constant 2 : i32
          %sub3A_222 = arith.subi %add3A_192, %sub3A : i32
          %dma_start3A_223 = arith.constant 0 : i32
          %dma_start3A_224 = arith.constant 0 : i32
          %dma_start3A_225 = arith.constant 0 : i32
          %dma_start3A_226 = tpu.memref_slice %arg12[%dma_start3A_223, %dma_start3A_224, %dma_start3A_225] : memref<2x128x128xf32, #tpu.memory_space<vmem>> -> memref<1x128x128xf32, #tpu.memory_space<vmem>>
          %dma_start3A_227 = tpu.memref_squeeze %dma_start3A_226 : memref<1x128x128xf32, #tpu.memory_space<vmem>> -> memref<128x128xf32, #tpu.memory_space<vmem>>
          %dma_start3A_228 = arith.constant 0 : i32
          %dma_start3A_229 = tpu.memref_slice %arg11[%sub3A_222, %dma_start3A_228] : memref<16x128xi32, #tpu.memory_space<vmem>> -> memref<1x128xi32, #tpu.memory_space<vmem>>
          %dma_start3A_230 = tpu.memref_squeeze %dma_start3A_229 : memref<1x128xi32, #tpu.memory_space<vmem>> -> memref<128xi32, #tpu.memory_space<vmem>>
          %dma_start3A_231 = arith.constant 0 : i32
          %dma_start3A_232 = arith.constant 0 : i32
          %dma_start3A_233 = tpu.memref_slice %arg14[%dma_start3A_231, %dma_start3A_232] : memref<10240x128xf32, #tpu.memory_space<vmem_shared>> -> memref<10240x128xf32, #tpu.memory_space<vmem_shared>>
          tpu.enqueue_indirect_dma source(%dma_start3A_227 : memref<128x128xf32, #tpu.memory_space<vmem>>) target(%dma_start3A_233 : memref<10240x128xf32, #tpu.memory_space<vmem_shared>>) offsets(%dma_start3A_230 : memref<128xi32, #tpu.memory_space<vmem>>) semaphore(%arg17 : memref<!tpu.dma_semaphore, #tpu.memory_space<semaphore_mem>>) {add = true}
          %dma_wait3A_234 = arith.constant 0 : i32
          %dma_wait3A_235 = arith.constant 1 : i32
          %dma_wait3A_236 = arith.constant 0 : i32
          %dma_wait3A_237 = arith.constant 0 : i32
          %dma_wait3A_238 = tpu.memref_slice %arg12[%dma_wait3A_235, %dma_wait3A_236, %dma_wait3A_237] : memref<2x128x128xf32, #tpu.memory_space<vmem>> -> memref<1x128x128xf32, #tpu.memory_space<vmem>>
          %dma_wait3A_239 = tpu.memref_squeeze %dma_wait3A_238 : memref<1x128x128xf32, #tpu.memory_space<vmem>> -> memref<128x128xf32, #tpu.memory_space<vmem>>
          %dma_wait3A_240 = arith.constant 0 : i32
          %dma_wait3A_241 = tpu.memref_slice %arg9[%dma_wait3A_234, %dma_wait3A_240] : memref<16x128xi32, #tpu.memory_space<vmem>> -> memref<1x128xi32, #tpu.memory_space<vmem>>
          %dma_wait3A_242 = tpu.memref_squeeze %dma_wait3A_241 : memref<1x128xi32, #tpu.memory_space<vmem>> -> memref<128xi32, #tpu.memory_space<vmem>>
          %dma_wait3A_243 = arith.constant 0 : i32
          %dma_wait3A_244 = arith.constant 0 : i32
          %dma_wait3A_245 = tpu.memref_slice %arg2[%dma_wait3A_243, %dma_wait3A_244] : memref<90000x128xf32, #tpu.memory_space<hbm>> -> memref<90000x128xf32, #tpu.memory_space<hbm>>
          tpu.wait_indirect_dma semaphore(%arg16 : memref<!tpu.dma_semaphore, #tpu.memory_space<semaphore_mem>>) src(%dma_wait3A_245 : memref<90000x128xf32, #tpu.memory_space<hbm>>) dst(%dma_wait3A_239 : memref<128x128xf32, #tpu.memory_space<vmem>>)
          %dma_wait3A_246 = arith.constant 0 : i32
          %dma_wait3A_247 = arith.constant 1 : i32
          %dma_wait3A_248 = arith.constant 0 : i32
          %dma_wait3A_249 = arith.constant 0 : i32
          %dma_wait3A_250 = tpu.memref_slice %arg13[%dma_wait3A_247, %dma_wait3A_248, %dma_wait3A_249] : memref<2x128x16xf32, #tpu.memory_space<vmem>> -> memref<1x128x16xf32, #tpu.memory_space<vmem>>
          %dma_wait3A_251 = tpu.memref_squeeze %dma_wait3A_250 : memref<1x128x16xf32, #tpu.memory_space<vmem>> -> memref<128x16xf32, #tpu.memory_space<vmem>>
          %dma_wait3A_252 = arith.constant 0 : i32
          %dma_wait3A_253 = tpu.memref_slice %arg10[%dma_wait3A_246, %dma_wait3A_252] : memref<16x128xi32, #tpu.memory_space<vmem>> -> memref<1x128xi32, #tpu.memory_space<vmem>>
          %dma_wait3A_254 = tpu.memref_squeeze %dma_wait3A_253 : memref<1x128xi32, #tpu.memory_space<vmem>> -> memref<128xi32, #tpu.memory_space<vmem>>
          %dma_wait3A_255 = arith.constant 0 : i32
          %dma_wait3A_256 = arith.constant 0 : i32
          %dma_wait3A_257 = tpu.memref_slice %arg3[%dma_wait3A_255, %dma_wait3A_256] : memref<80128x16xf32, #tpu.memory_space<hbm>> -> memref<80128x16xf32, #tpu.memory_space<hbm>>
          tpu.wait_indirect_dma semaphore(%arg16 : memref<!tpu.dma_semaphore, #tpu.memory_space<semaphore_mem>>) src(%dma_wait3A_257 : memref<80128x16xf32, #tpu.memory_space<hbm>>) dst(%dma_wait3A_251 : memref<128x16xf32, #tpu.memory_space<vmem>>)
          %scan3A_258 = arith.constant 0 : i32
          %scan3A_259 = arith.constant 128 : i32
          %scan3A_260 = arith.addi %scan3A_258, %scan3A_259 : i32
          %scan3A_261 = arith.constant 1 : i32
          scf.for %scan3A_346 = %scan3A_258 to %scan3A_260 step %scan3A_261  : i32 {
            %mul3A_347 = arith.constant 1 : i32
            %mul3A_348 = arith.muli %scan3A_346, %mul3A_347 : i32
            %add3A_349 = arith.constant 0 : i32
            %add3A_350 = arith.addi %add3A_349, %mul3A_348 : i32
            %get3A = arith.constant 1 : i32
            %get3A_351 = arith.index_cast %get3A : i32 to index
            %get3A_352 = arith.index_cast %add3A_350 : i32 to index
            %get3A_353 = arith.constant 0 : index
            %get3A_354 = tpu.vector_load %arg13[%get3A_351, %get3A_352, %get3A_353] {strides = array<i32>} : memref<2x128x16xf32, #tpu.memory_space<vmem>>, vector<1x1x16xf32>,
            %get3A_355 = vector.shape_cast %get3A_354 : vector<1x1x16xf32> to vector<16xf32>
            %get3A_356 = arith.constant 1 : i32
            %get3A_357 = arith.index_cast %get3A_356 : i32 to index
            %get3A_358 = arith.index_cast %add3A_350 : i32 to index
            %get3A_359 = arith.constant 0 : index
            %get3A_360 = tpu.vector_load %arg12[%get3A_357, %get3A_358, %get3A_359] {strides = array<i32>} : memref<2x128x128xf32, #tpu.memory_space<vmem>>, vector<1x1x16xf32>,
            %get3A_361 = vector.shape_cast %get3A_360 : vector<1x1x16xf32> to vector<16xf32>
            %mul3A_362 = arith.mulf %get3A_361, %get3A_355 : vector<16xf32>
            %swap3A = arith.constant 1 : i32
            %swap3A_363 = arith.index_cast %swap3A : i32 to index
            %swap3A_364 = arith.index_cast %add3A_350 : i32 to index
            %swap3A_365 = arith.constant 0 : index
            %swap3A_366 = tpu.vector_load %arg12[%swap3A_363, %swap3A_364, %swap3A_365] {strides = array<i32>} : memref<2x128x128xf32, #tpu.memory_space<vmem>>, vector<1x1x16xf32>,
            %swap3A_367 = vector.shape_cast %swap3A_366 : vector<1x1x16xf32> to vector<16xf32>
            %swap3A_368 = vector.shape_cast %mul3A_362 : vector<16xf32> to vector<1x1x16xf32>
            tpu.vector_store %arg12[%swap3A_363, %swap3A_364, %swap3A_365], %swap3A_368 {strides = array<i32>} : memref<2x128x128xf32, #tpu.memory_space<vmem>>, vector<1x1x16xf32>,
            %get3A_369 = arith.constant 1 : i32
            %get3A_370 = arith.index_cast %get3A_369 : i32 to index
            %get3A_371 = arith.index_cast %add3A_350 : i32 to index
            %get3A_372 = arith.constant 16 : index
            %get3A_373 = tpu.vector_load %arg12[%get3A_370, %get3A_371, %get3A_372] {strides = array<i32>} : memref<2x128x128xf32, #tpu.memory_space<vmem>>, vector<1x1x16xf32>,
            %get3A_374 = vector.shape_cast %get3A_373 : vector<1x1x16xf32> to vector<16xf32>
            %mul3A_375 = arith.mulf %get3A_374, %get3A_355 : vector<16xf32>
            %swap3A_376 = arith.constant 1 : i32
            %swap3A_377 = arith.index_cast %swap3A_376 : i32 to index
            %swap3A_378 = arith.index_cast %add3A_350 : i32 to index
            %swap3A_379 = arith.constant 16 : index
            %swap3A_380 = tpu.vector_load %arg12[%swap3A_377, %swap3A_378, %swap3A_379] {strides = array<i32>} : memref<2x128x128xf32, #tpu.memory_space<vmem>>, vector<1x1x16xf32>,
            %swap3A_381 = vector.shape_cast %swap3A_380 : vector<1x1x16xf32> to vector<16xf32>
            %swap3A_382 = vector.shape_cast %mul3A_375 : vector<16xf32> to vector<1x1x16xf32>
            tpu.vector_store %arg12[%swap3A_377, %swap3A_378, %swap3A_379], %swap3A_382 {strides = array<i32>} : memref<2x128x128xf32, #tpu.memory_space<vmem>>, vector<1x1x16xf32>,
            %get3A_383 = arith.constant 1 : i32
            %get3A_384 = arith.index_cast %get3A_383 : i32 to index
            %get3A_385 = arith.index_cast %add3A_350 : i32 to index
            %get3A_386 = arith.constant 32 : index
            %get3A_387 = tpu.vector_load %arg12[%get3A_384, %get3A_385, %get3A_386] {strides = array<i32>} : memref<2x128x128xf32, #tpu.memory_space<vmem>>, vector<1x1x16xf32>,
            %get3A_388 = vector.shape_cast %get3A_387 : vector<1x1x16xf32> to vector<16xf32>
            %mul3A_389 = arith.mulf %get3A_388, %get3A_355 : vector<16xf32>
            %swap3A_390 = arith.constant 1 : i32
            %swap3A_391 = arith.index_cast %swap3A_390 : i32 to index
            %swap3A_392 = arith.index_cast %add3A_350 : i32 to index
            %swap3A_393 = arith.constant 32 : index
            %swap3A_394 = tpu.vector_load %arg12[%swap3A_391, %swap3A_392, %swap3A_393] {strides = array<i32>} : memref<2x128x128xf32, #tpu.memory_space<vmem>>, vector<1x1x16xf32>,
            %swap3A_395 = vector.shape_cast %swap3A_394 : vector<1x1x16xf32> to vector<16xf32>
            %swap3A_396 = vector.shape_cast %mul3A_389 : vector<16xf32> to vector<1x1x16xf32>
            tpu.vector_store %arg12[%swap3A_391, %swap3A_392, %swap3A_393], %swap3A_396 {strides = array<i32>} : memref<2x128x128xf32, #tpu.memory_space<vmem>>, vector<1x1x16xf32>,
            %get3A_397 = arith.constant 1 : i32
            %get3A_398 = arith.index_cast %get3A_397 : i32 to index
            %get3A_399 = arith.index_cast %add3A_350 : i32 to index
            %get3A_400 = arith.constant 48 : index
            %get3A_401 = tpu.vector_load %arg12[%get3A_398, %get3A_399, %get3A_400] {strides = array<i32>} : memref<2x128x128xf32, #tpu.memory_space<vmem>>, vector<1x1x16xf32>,
            %get3A_402 = vector.shape_cast %get3A_401 : vector<1x1x16xf32> to vector<16xf32>
            %mul3A_403 = arith.mulf %get3A_402, %get3A_355 : vector<16xf32>
            %swap3A_404 = arith.constant 1 : i32
            %swap3A_405 = arith.index_cast %swap3A_404 : i32 to index
            %swap3A_406 = arith.index_cast %add3A_350 : i32 to index
            %swap3A_407 = arith.constant 48 : index
            %swap3A_408 = tpu.vector_load %arg12[%swap3A_405, %swap3A_406, %swap3A_407] {strides = array<i32>} : memref<2x128x128xf32, #tpu.memory_space<vmem>>, vector<1x1x16xf32>,
            %swap3A_409 = vector.shape_cast %swap3A_408 : vector<1x1x16xf32> to vector<16xf32>
            %swap3A_410 = vector.shape_cast %mul3A_403 : vector<16xf32> to vector<1x1x16xf32>
            tpu.vector_store %arg12[%swap3A_405, %swap3A_406, %swap3A_407], %swap3A_410 {strides = array<i32>} : memref<2x128x128xf32, #tpu.memory_space<vmem>>, vector<1x1x16xf32>,
            %get3A_411 = arith.constant 1 : i32
            %get3A_412 = arith.index_cast %get3A_411 : i32 to index
            %get3A_413 = arith.index_cast %add3A_350 : i32 to index
            %get3A_414 = arith.constant 64 : index
            %get3A_415 = tpu.vector_load %arg12[%get3A_412, %get3A_413, %get3A_414] {strides = array<i32>} : memref<2x128x128xf32, #tpu.memory_space<vmem>>, vector<1x1x16xf32>,
            %get3A_416 = vector.shape_cast %get3A_415 : vector<1x1x16xf32> to vector<16xf32>
            %mul3A_417 = arith.mulf %get3A_416, %get3A_355 : vector<16xf32>
            %swap3A_418 = arith.constant 1 : i32
            %swap3A_419 = arith.index_cast %swap3A_418 : i32 to index
            %swap3A_420 = arith.index_cast %add3A_350 : i32 to index
            %swap3A_421 = arith.constant 64 : index
            %swap3A_422 = tpu.vector_load %arg12[%swap3A_419, %swap3A_420, %swap3A_421] {strides = array<i32>} : memref<2x128x128xf32, #tpu.memory_space<vmem>>, vector<1x1x16xf32>,
            %swap3A_423 = vector.shape_cast %swap3A_422 : vector<1x1x16xf32> to vector<16xf32>
            %swap3A_424 = vector.shape_cast %mul3A_417 : vector<16xf32> to vector<1x1x16xf32>
            tpu.vector_store %arg12[%swap3A_419, %swap3A_420, %swap3A_421], %swap3A_424 {strides = array<i32>} : memref<2x128x128xf32, #tpu.memory_space<vmem>>, vector<1x1x16xf32>,
            %get3A_425 = arith.constant 1 : i32
            %get3A_426 = arith.index_cast %get3A_425 : i32 to index
            %get3A_427 = arith.index_cast %add3A_350 : i32 to index
            %get3A_428 = arith.constant 80 : index
            %get3A_429 = tpu.vector_load %arg12[%get3A_426, %get3A_427, %get3A_428] {strides = array<i32>} : memref<2x128x128xf32, #tpu.memory_space<vmem>>, vector<1x1x16xf32>,
            %get3A_430 = vector.shape_cast %get3A_429 : vector<1x1x16xf32> to vector<16xf32>
            %mul3A_431 = arith.mulf %get3A_430, %get3A_355 : vector<16xf32>
            %swap3A_432 = arith.constant 1 : i32
            %swap3A_433 = arith.index_cast %swap3A_432 : i32 to index
            %swap3A_434 = arith.index_cast %add3A_350 : i32 to index
            %swap3A_435 = arith.constant 80 : index
            %swap3A_436 = tpu.vector_load %arg12[%swap3A_433, %swap3A_434, %swap3A_435] {strides = array<i32>} : memref<2x128x128xf32, #tpu.memory_space<vmem>>, vector<1x1x16xf32>,
            %swap3A_437 = vector.shape_cast %swap3A_436 : vector<1x1x16xf32> to vector<16xf32>
            %swap3A_438 = vector.shape_cast %mul3A_431 : vector<16xf32> to vector<1x1x16xf32>
            tpu.vector_store %arg12[%swap3A_433, %swap3A_434, %swap3A_435], %swap3A_438 {strides = array<i32>} : memref<2x128x128xf32, #tpu.memory_space<vmem>>, vector<1x1x16xf32>,
            %get3A_439 = arith.constant 1 : i32
            %get3A_440 = arith.index_cast %get3A_439 : i32 to index
            %get3A_441 = arith.index_cast %add3A_350 : i32 to index
            %get3A_442 = arith.constant 96 : index
            %get3A_443 = tpu.vector_load %arg12[%get3A_440, %get3A_441, %get3A_442] {strides = array<i32>} : memref<2x128x128xf32, #tpu.memory_space<vmem>>, vector<1x1x16xf32>,
            %get3A_444 = vector.shape_cast %get3A_443 : vector<1x1x16xf32> to vector<16xf32>
            %mul3A_445 = arith.mulf %get3A_444, %get3A_355 : vector<16xf32>
            %swap3A_446 = arith.constant 1 : i32
            %swap3A_447 = arith.index_cast %swap3A_446 : i32 to index
            %swap3A_448 = arith.index_cast %add3A_350 : i32 to index
            %swap3A_449 = arith.constant 96 : index
            %swap3A_450 = tpu.vector_load %arg12[%swap3A_447, %swap3A_448, %swap3A_449] {strides = array<i32>} : memref<2x128x128xf32, #tpu.memory_space<vmem>>, vector<1x1x16xf32>,
            %swap3A_451 = vector.shape_cast %swap3A_450 : vector<1x1x16xf32> to vector<16xf32>
            %swap3A_452 = vector.shape_cast %mul3A_445 : vector<16xf32> to vector<1x1x16xf32>
            tpu.vector_store %arg12[%swap3A_447, %swap3A_448, %swap3A_449], %swap3A_452 {strides = array<i32>} : memref<2x128x128xf32, #tpu.memory_space<vmem>>, vector<1x1x16xf32>,
            %get3A_453 = arith.constant 1 : i32
            %get3A_454 = arith.index_cast %get3A_453 : i32 to index
            %get3A_455 = arith.index_cast %add3A_350 : i32 to index
            %get3A_456 = arith.constant 112 : index
            %get3A_457 = tpu.vector_load %arg12[%get3A_454, %get3A_455, %get3A_456] {strides = array<i32>} : memref<2x128x128xf32, #tpu.memory_space<vmem>>, vector<1x1x16xf32>,
            %get3A_458 = vector.shape_cast %get3A_457 : vector<1x1x16xf32> to vector<16xf32>
            %mul3A_459 = arith.mulf %get3A_458, %get3A_355 : vector<16xf32>
            %swap3A_460 = arith.constant 1 : i32
            %swap3A_461 = arith.index_cast %swap3A_460 : i32 to index
            %swap3A_462 = arith.index_cast %add3A_350 : i32 to index
            %swap3A_463 = arith.constant 112 : index
            %swap3A_464 = tpu.vector_load %arg12[%swap3A_461, %swap3A_462, %swap3A_463] {strides = array<i32>} : memref<2x128x128xf32, #tpu.memory_space<vmem>>, vector<1x1x16xf32>,
            %swap3A_465 = vector.shape_cast %swap3A_464 : vector<1x1x16xf32> to vector<16xf32>
            %swap3A_466 = vector.shape_cast %mul3A_459 : vector<16xf32> to vector<1x1x16xf32>
            tpu.vector_store %arg12[%swap3A_461, %swap3A_462, %swap3A_463], %swap3A_466 {strides = array<i32>} : memref<2x128x128xf32, #tpu.memory_space<vmem>>, vector<1x1x16xf32>,
          }
          %scan3A_262 = arith.constant 128 : i32
          %sub3A_263 = arith.constant 1 : i32
          %sub3A_264 = arith.subi %add3A_192, %sub3A_263 : i32
          %dma_start3A_265 = arith.constant 1 : i32
          %dma_start3A_266 = arith.constant 0 : i32
          %dma_start3A_267 = arith.constant 0 : i32
          %dma_start3A_268 = tpu.memref_slice %arg12[%dma_start3A_265, %dma_start3A_266, %dma_start3A_267] : memref<2x128x128xf32, #tpu.memory_space<vmem>> -> memref<1x128x128xf32, #tpu.memory_space<vmem>>
          %dma_start3A_269 = tpu.memref_squeeze %dma_start3A_268 : memref<1x128x128xf32, #tpu.memory_space<vmem>> -> memref<128x128xf32, #tpu.memory_space<vmem>>
          %dma_start3A_270 = arith.constant 0 : i32
          %dma_start3A_271 = tpu.memref_slice %arg11[%sub3A_264, %dma_start3A_270] : memref<16x128xi32, #tpu.memory_space<vmem>> -> memref<1x128xi32, #tpu.memory_space<vmem>>
          %dma_start3A_272 = tpu.memref_squeeze %dma_start3A_271 : memref<1x128xi32, #tpu.memory_space<vmem>> -> memref<128xi32, #tpu.memory_space<vmem>>
          %dma_start3A_273 = arith.constant 0 : i32
          %dma_start3A_274 = arith.constant 0 : i32
          %dma_start3A_275 = tpu.memref_slice %arg14[%dma_start3A_273, %dma_start3A_274] : memref<10240x128xf32, #tpu.memory_space<vmem_shared>> -> memref<10240x128xf32, #tpu.memory_space<vmem_shared>>
          tpu.enqueue_indirect_dma source(%dma_start3A_269 : memref<128x128xf32, #tpu.memory_space<vmem>>) target(%dma_start3A_275 : memref<10240x128xf32, #tpu.memory_space<vmem_shared>>) offsets(%dma_start3A_272 : memref<128xi32, #tpu.memory_space<vmem>>) semaphore(%arg18 : memref<!tpu.dma_semaphore, #tpu.memory_space<semaphore_mem>>) {add = true}
          %dma_wait3A_276 = arith.constant 0 : i32
          %dma_wait3A_277 = arith.constant 0 : i32
          %dma_wait3A_278 = arith.constant 0 : i32
          %dma_wait3A_279 = arith.constant 0 : i32
          %dma_wait3A_280 = tpu.memref_slice %arg12[%dma_wait3A_276, %dma_wait3A_278, %dma_wait3A_279] : memref<2x128x128xf32, #tpu.memory_space<vmem>> -> memref<1x128x128xf32, #tpu.memory_space<vmem>>
          %dma_wait3A_281 = tpu.memref_squeeze %dma_wait3A_280 : memref<1x128x128xf32, #tpu.memory_space<vmem>> -> memref<128x128xf32, #tpu.memory_space<vmem>>
          %dma_wait3A_282 = arith.constant 0 : i32
          %dma_wait3A_283 = tpu.memref_slice %arg11[%dma_wait3A_277, %dma_wait3A_282] : memref<16x128xi32, #tpu.memory_space<vmem>> -> memref<1x128xi32, #tpu.memory_space<vmem>>
          %dma_wait3A_284 = tpu.memref_squeeze %dma_wait3A_283 : memref<1x128xi32, #tpu.memory_space<vmem>> -> memref<128xi32, #tpu.memory_space<vmem>>
          %dma_wait3A_285 = arith.constant 0 : i32
          %dma_wait3A_286 = arith.constant 0 : i32
          %dma_wait3A_287 = tpu.memref_slice %arg14[%dma_wait3A_285, %dma_wait3A_286] : memref<10240x128xf32, #tpu.memory_space<vmem_shared>> -> memref<10240x128xf32, #tpu.memory_space<vmem_shared>>
          tpu.wait_indirect_dma semaphore(%arg17 : memref<!tpu.dma_semaphore, #tpu.memory_space<semaphore_mem>>) src(%dma_wait3A_281 : memref<128x128xf32, #tpu.memory_space<vmem>>) dst(%dma_wait3A_287 : memref<10240x128xf32, #tpu.memory_space<vmem_shared>>)
          %dma_start3A_288 = arith.constant 0 : i32
          %dma_start3A_289 = arith.constant 0 : i32
          %dma_start3A_290 = arith.constant 0 : i32
          %dma_start3A_291 = tpu.memref_slice %arg12[%dma_start3A_288, %dma_start3A_289, %dma_start3A_290] : memref<2x128x128xf32, #tpu.memory_space<vmem>> -> memref<1x128x128xf32, #tpu.memory_space<vmem>>
          %dma_start3A_292 = tpu.memref_squeeze %dma_start3A_291 : memref<1x128x128xf32, #tpu.memory_space<vmem>> -> memref<128x128xf32, #tpu.memory_space<vmem>>
          %dma_start3A_293 = arith.constant 0 : i32
          %dma_start3A_294 = tpu.memref_slice %arg9[%add3A_192, %dma_start3A_293] : memref<16x128xi32, #tpu.memory_space<vmem>> -> memref<1x128xi32, #tpu.memory_space<vmem>>
          %dma_start3A_295 = tpu.memref_squeeze %dma_start3A_294 : memref<1x128xi32, #tpu.memory_space<vmem>> -> memref<128xi32, #tpu.memory_space<vmem>>
          %dma_start3A_296 = arith.constant 0 : i32
          %dma_start3A_297 = arith.constant 0 : i32
          %dma_start3A_298 = tpu.memref_slice %arg2[%dma_start3A_296, %dma_start3A_297] : memref<90000x128xf32, #tpu.memory_space<hbm>> -> memref<90000x128xf32, #tpu.memory_space<hbm>>
          tpu.enqueue_indirect_dma source(%dma_start3A_298 : memref<90000x128xf32, #tpu.memory_space<hbm>>) target(%dma_start3A_292 : memref<128x128xf32, #tpu.memory_space<vmem>>) offsets(%dma_start3A_295 : memref<128xi32, #tpu.memory_space<vmem>>) semaphore(%arg15 : memref<!tpu.dma_semaphore, #tpu.memory_space<semaphore_mem>>)
          %dma_start3A_299 = arith.constant 0 : i32
          %dma_start3A_300 = arith.constant 0 : i32
          %dma_start3A_301 = arith.constant 0 : i32
          %dma_start3A_302 = tpu.memref_slice %arg13[%dma_start3A_299, %dma_start3A_300, %dma_start3A_301] : memref<2x128x16xf32, #tpu.memory_space<vmem>> -> memref<1x128x16xf32, #tpu.memory_space<vmem>>
          %dma_start3A_303 = tpu.memref_squeeze %dma_start3A_302 : memref<1x128x16xf32, #tpu.memory_space<vmem>> -> memref<128x16xf32, #tpu.memory_space<vmem>>
          %dma_start3A_304 = arith.constant 0 : i32
          %dma_start3A_305 = tpu.memref_slice %arg10[%add3A_192, %dma_start3A_304] : memref<16x128xi32, #tpu.memory_space<vmem>> -> memref<1x128xi32, #tpu.memory_space<vmem>>
          %dma_start3A_306 = tpu.memref_squeeze %dma_start3A_305 : memref<1x128xi32, #tpu.memory_space<vmem>> -> memref<128xi32, #tpu.memory_space<vmem>>
          %dma_start3A_307 = arith.constant 0 : i32
          %dma_start3A_308 = arith.constant 0 : i32
          %dma_start3A_309 = tpu.memref_slice %arg3[%dma_start3A_307, %dma_start3A_308] : memref<80128x16xf32, #tpu.memory_space<hbm>> -> memref<80128x16xf32, #tpu.memory_space<hbm>>
          tpu.enqueue_indirect_dma source(%dma_start3A_309 : memref<80128x16xf32, #tpu.memory_space<hbm>>) target(%dma_start3A_303 : memref<128x16xf32, #tpu.memory_space<vmem>>) offsets(%dma_start3A_306 : memref<128xi32, #tpu.memory_space<vmem>>) semaphore(%arg15 : memref<!tpu.dma_semaphore, #tpu.memory_space<semaphore_mem>>)
          %dma_wait3A_310 = arith.constant 1 : i32
          %dma_wait3A_311 = arith.constant 0 : i32
          %dma_wait3A_312 = arith.constant 0 : i32
          %dma_wait3A_313 = arith.constant 0 : i32
          %dma_wait3A_314 = tpu.memref_slice %arg12[%dma_wait3A_310, %dma_wait3A_312, %dma_wait3A_313] : memref<2x128x128xf32, #tpu.memory_space<vmem>> -> memref<1x128x128xf32, #tpu.memory_space<vmem>>
          %dma_wait3A_315 = tpu.memref_squeeze %dma_wait3A_314 : memref<1x128x128xf32, #tpu.memory_space<vmem>> -> memref<128x128xf32, #tpu.memory_space<vmem>>
          %dma_wait3A_316 = arith.constant 0 : i32
          %dma_wait3A_317 = tpu.memref_slice %arg11[%dma_wait3A_311, %dma_wait3A_316] : memref<16x128xi32, #tpu.memory_space<vmem>> -> memref<1x128xi32, #tpu.memory_space<vmem>>
          %dma_wait3A_318 = tpu.memref_squeeze %dma_wait3A_317 : memref<1x128xi32, #tpu.memory_space<vmem>> -> memref<128xi32, #tpu.memory_space<vmem>>
          %dma_wait3A_319 = arith.constant 0 : i32
          %dma_wait3A_320 = arith.constant 0 : i32
          %dma_wait3A_321 = tpu.memref_slice %arg14[%dma_wait3A_319, %dma_wait3A_320] : memref<10240x128xf32, #tpu.memory_space<vmem_shared>> -> memref<10240x128xf32, #tpu.memory_space<vmem_shared>>
          tpu.wait_indirect_dma semaphore(%arg18 : memref<!tpu.dma_semaphore, #tpu.memory_space<semaphore_mem>>) src(%dma_wait3A_315 : memref<128x128xf32, #tpu.memory_space<vmem>>) dst(%dma_wait3A_321 : memref<10240x128xf32, #tpu.memory_space<vmem_shared>>)
          %add3A_322 = arith.constant 1 : i32
          %add3A_323 = arith.addi %add3A_192, %add3A_322 : i32
          %dma_start3A_324 = arith.constant 1 : i32
          %dma_start3A_325 = arith.constant 0 : i32
          %dma_start3A_326 = arith.constant 0 : i32
          %dma_start3A_327 = tpu.memref_slice %arg12[%dma_start3A_324, %dma_start3A_325, %dma_start3A_326] : memref<2x128x128xf32, #tpu.memory_space<vmem>> -> memref<1x128x128xf32, #tpu.memory_space<vmem>>
          %dma_start3A_328 = tpu.memref_squeeze %dma_start3A_327 : memref<1x128x128xf32, #tpu.memory_space<vmem>> -> memref<128x128xf32, #tpu.memory_space<vmem>>
          %dma_start3A_329 = arith.constant 0 : i32
          %dma_start3A_330 = tpu.memref_slice %arg9[%add3A_323, %dma_start3A_329] : memref<16x128xi32, #tpu.memory_space<vmem>> -> memref<1x128xi32, #tpu.memory_space<vmem>>
          %dma_start3A_331 = tpu.memref_squeeze %dma_start3A_330 : memref<1x128xi32, #tpu.memory_space<vmem>> -> memref<128xi32, #tpu.memory_space<vmem>>
          %dma_start3A_332 = arith.constant 0 : i32
          %dma_start3A_333 = arith.constant 0 : i32
          %dma_start3A_334 = tpu.memref_slice %arg2[%dma_start3A_332, %dma_start3A_333] : memref<90000x128xf32, #tpu.memory_space<hbm>> -> memref<90000x128xf32, #tpu.memory_space<hbm>>
          tpu.enqueue_indirect_dma source(%dma_start3A_334 : memref<90000x128xf32, #tpu.memory_space<hbm>>) target(%dma_start3A_328 : memref<128x128xf32, #tpu.memory_space<vmem>>) offsets(%dma_start3A_331 : memref<128xi32, #tpu.memory_space<vmem>>) semaphore(%arg16 : memref<!tpu.dma_semaphore, #tpu.memory_space<semaphore_mem>>)
          %dma_start3A_335 = arith.constant 1 : i32
          %dma_start3A_336 = arith.constant 0 : i32
          %dma_start3A_337 = arith.constant 0 : i32
          %dma_start3A_338 = tpu.memref_slice %arg13[%dma_start3A_335, %dma_start3A_336, %dma_start3A_337] : memref<2x128x16xf32, #tpu.memory_space<vmem>> -> memref<1x128x16xf32, #tpu.memory_space<vmem>>
          %dma_start3A_339 = tpu.memref_squeeze %dma_start3A_338 : memref<1x128x16xf32, #tpu.memory_space<vmem>> -> memref<128x16xf32, #tpu.memory_space<vmem>>
          %dma_start3A_340 = arith.constant 0 : i32
          %dma_start3A_341 = tpu.memref_slice %arg10[%add3A_323, %dma_start3A_340] : memref<16x128xi32, #tpu.memory_space<vmem>> -> memref<1x128xi32, #tpu.memory_space<vmem>>
          %dma_start3A_342 = tpu.memref_squeeze %dma_start3A_341 : memref<1x128xi32, #tpu.memory_space<vmem>> -> memref<128xi32, #tpu.memory_space<vmem>>
          %dma_start3A_343 = arith.constant 0 : i32
          %dma_start3A_344 = arith.constant 0 : i32
          %dma_start3A_345 = tpu.memref_slice %arg3[%dma_start3A_343, %dma_start3A_344] : memref<80128x16xf32, #tpu.memory_space<hbm>> -> memref<80128x16xf32, #tpu.memory_space<hbm>>
          tpu.enqueue_indirect_dma source(%dma_start3A_345 : memref<80128x16xf32, #tpu.memory_space<hbm>>) target(%dma_start3A_339 : memref<128x16xf32, #tpu.memory_space<vmem>>) offsets(%dma_start3A_342 : memref<128xi32, #tpu.memory_space<vmem>>) semaphore(%arg16 : memref<!tpu.dma_semaphore, #tpu.memory_space<semaphore_mem>>)
        }
        %scan3A_82 = arith.constant 7 : i32
        %dma_wait3A = arith.constant 0 : i32
        %dma_wait3A_83 = arith.constant 0 : i32
        %dma_wait3A_84 = arith.constant 0 : i32
        %dma_wait3A_85 = arith.constant 0 : i32
        %dma_wait3A_86 = tpu.memref_slice %arg12[%dma_wait3A_83, %dma_wait3A_84, %dma_wait3A_85] : memref<2x128x128xf32, #tpu.memory_space<vmem>> -> memref<1x128x128xf32, #tpu.memory_space<vmem>>
        %dma_wait3A_87 = tpu.memref_squeeze %dma_wait3A_86 : memref<1x128x128xf32, #tpu.memory_space<vmem>> -> memref<128x128xf32, #tpu.memory_space<vmem>>
        %dma_wait3A_88 = arith.constant 0 : i32
        %dma_wait3A_89 = tpu.memref_slice %arg9[%dma_wait3A, %dma_wait3A_88] : memref<16x128xi32, #tpu.memory_space<vmem>> -> memref<1x128xi32, #tpu.memory_space<vmem>>
        %dma_wait3A_90 = tpu.memref_squeeze %dma_wait3A_89 : memref<1x128xi32, #tpu.memory_space<vmem>> -> memref<128xi32, #tpu.memory_space<vmem>>
        %dma_wait3A_91 = arith.constant 0 : i32
        %dma_wait3A_92 = arith.constant 0 : i32
        %dma_wait3A_93 = tpu.memref_slice %arg2[%dma_wait3A_91, %dma_wait3A_92] : memref<90000x128xf32, #tpu.memory_space<hbm>> -> memref<90000x128xf32, #tpu.memory_space<hbm>>
        tpu.wait_indirect_dma semaphore(%arg15 : memref<!tpu.dma_semaphore, #tpu.memory_space<semaphore_mem>>) src(%dma_wait3A_93 : memref<90000x128xf32, #tpu.memory_space<hbm>>) dst(%dma_wait3A_87 : memref<128x128xf32, #tpu.memory_space<vmem>>)
        %dma_wait3A_94 = arith.constant 0 : i32
        %dma_wait3A_95 = arith.constant 0 : i32
        %dma_wait3A_96 = arith.constant 0 : i32
        %dma_wait3A_97 = arith.constant 0 : i32
        %dma_wait3A_98 = tpu.memref_slice %arg13[%dma_wait3A_95, %dma_wait3A_96, %dma_wait3A_97] : memref<2x128x16xf32, #tpu.memory_space<vmem>> -> memref<1x128x16xf32, #tpu.memory_space<vmem>>
        %dma_wait3A_99 = tpu.memref_squeeze %dma_wait3A_98 : memref<1x128x16xf32, #tpu.memory_space<vmem>> -> memref<128x16xf32, #tpu.memory_space<vmem>>
        %dma_wait3A_100 = arith.constant 0 : i32
        %dma_wait3A_101 = tpu.memref_slice %arg10[%dma_wait3A_94, %dma_wait3A_100] : memref<16x128xi32, #tpu.memory_space<vmem>> -> memref<1x128xi32, #tpu.memory_space<vmem>>
        %dma_wait3A_102 = tpu.memref_squeeze %dma_wait3A_101 : memref<1x128xi32, #tpu.memory_space<vmem>> -> memref<128xi32, #tpu.memory_space<vmem>>
        %dma_wait3A_103 = arith.constant 0 : i32
        %dma_wait3A_104 = arith.constant 0 : i32
        %dma_wait3A_105 = tpu.memref_slice %arg3[%dma_wait3A_103, %dma_wait3A_104] : memref<80128x16xf32, #tpu.memory_space<hbm>> -> memref<80128x16xf32, #tpu.memory_space<hbm>>
        tpu.wait_indirect_dma semaphore(%arg15 : memref<!tpu.dma_semaphore, #tpu.memory_space<semaphore_mem>>) src(%dma_wait3A_105 : memref<80128x16xf32, #tpu.memory_space<hbm>>) dst(%dma_wait3A_99 : memref<128x16xf32, #tpu.memory_space<vmem>>)
        %scan3A_106 = arith.constant 0 : i32
        %scan3A_107 = arith.constant 128 : i32
        %scan3A_108 = arith.addi %scan3A_106, %scan3A_107 : i32
        %scan3A_109 = arith.constant 1 : i32
        scf.for %scan3A_188 = %scan3A_106 to %scan3A_108 step %scan3A_109  : i32 {
          %mul3A_189 = arith.constant 1 : i32
          %mul3A_190 = arith.muli %scan3A_188, %mul3A_189 : i32
          %add3A_191 = arith.constant 0 : i32
          %add3A_192 = arith.addi %add3A_191, %mul3A_190 : i32
          %get3A = arith.constant 0 : i32
          %get3A_193 = arith.index_cast %get3A : i32 to index
          %get3A_194 = arith.index_cast %add3A_192 : i32 to index
          %get3A_195 = arith.constant 0 : index
          %get3A_196 = tpu.vector_load %arg13[%get3A_193, %get3A_194, %get3A_195] {strides = array<i32>} : memref<2x128x16xf32, #tpu.memory_space<vmem>>, vector<1x1x16xf32>,
          %get3A_197 = vector.shape_cast %get3A_196 : vector<1x1x16xf32> to vector<16xf32>
          %get3A_198 = arith.constant 0 : i32
          %get3A_199 = arith.index_cast %get3A_198 : i32 to index
          %get3A_200 = arith.index_cast %add3A_192 : i32 to index
          %get3A_201 = arith.constant 0 : index
          %get3A_202 = tpu.vector_load %arg12[%get3A_199, %get3A_200, %get3A_201] {strides = array<i32>} : memref<2x128x128xf32, #tpu.memory_space<vmem>>, vector<1x1x16xf32>,
          %get3A_203 = vector.shape_cast %get3A_202 : vector<1x1x16xf32> to vector<16xf32>
          %mul3A_204 = arith.mulf %get3A_203, %get3A_197 : vector<16xf32>
          %swap3A = arith.constant 0 : i32
          %swap3A_205 = arith.index_cast %swap3A : i32 to index
          %swap3A_206 = arith.index_cast %add3A_192 : i32 to index
          %swap3A_207 = arith.constant 0 : index
          %swap3A_208 = tpu.vector_load %arg12[%swap3A_205, %swap3A_206, %swap3A_207] {strides = array<i32>} : memref<2x128x128xf32, #tpu.memory_space<vmem>>, vector<1x1x16xf32>,
          %swap3A_209 = vector.shape_cast %swap3A_208 : vector<1x1x16xf32> to vector<16xf32>
          %swap3A_210 = vector.shape_cast %mul3A_204 : vector<16xf32> to vector<1x1x16xf32>
          tpu.vector_store %arg12[%swap3A_205, %swap3A_206, %swap3A_207], %swap3A_210 {strides = array<i32>} : memref<2x128x128xf32, #tpu.memory_space<vmem>>, vector<1x1x16xf32>,
          %get3A_211 = arith.constant 0 : i32
          %get3A_212 = arith.index_cast %get3A_211 : i32 to index
          %get3A_213 = arith.index_cast %add3A_192 : i32 to index
          %get3A_214 = arith.constant 16 : index
          %get3A_215 = tpu.vector_load %arg12[%get3A_212, %get3A_213, %get3A_214] {strides = array<i32>} : memref<2x128x128xf32, #tpu.memory_space<vmem>>, vector<1x1x16xf32>,
          %get3A_216 = vector.shape_cast %get3A_215 : vector<1x1x16xf32> to vector<16xf32>
          %mul3A_217 = arith.mulf %get3A_216, %get3A_197 : vector<16xf32>
          %swap3A_218 = arith.constant 0 : i32
          %swap3A_219 = arith.index_cast %swap3A_218 : i32 to index
          %swap3A_220 = arith.index_cast %add3A_192 : i32 to index
          %swap3A_221 = arith.constant 16 : index
          %swap3A_222 = tpu.vector_load %arg12[%swap3A_219, %swap3A_220, %swap3A_221] {strides = array<i32>} : memref<2x128x128xf32, #tpu.memory_space<vmem>>, vector<1x1x16xf32>,
          %swap3A_223 = vector.shape_cast %swap3A_222 : vector<1x1x16xf32> to vector<16xf32>
          %swap3A_224 = vector.shape_cast %mul3A_217 : vector<16xf32> to vector<1x1x16xf32>
          tpu.vector_store %arg12[%swap3A_219, %swap3A_220, %swap3A_221], %swap3A_224 {strides = array<i32>} : memref<2x128x128xf32, #tpu.memory_space<vmem>>, vector<1x1x16xf32>,
          %get3A_225 = arith.constant 0 : i32
          %get3A_226 = arith.index_cast %get3A_225 : i32 to index
          %get3A_227 = arith.index_cast %add3A_192 : i32 to index
          %get3A_228 = arith.constant 32 : index
          %get3A_229 = tpu.vector_load %arg12[%get3A_226, %get3A_227, %get3A_228] {strides = array<i32>} : memref<2x128x128xf32, #tpu.memory_space<vmem>>, vector<1x1x16xf32>,
          %get3A_230 = vector.shape_cast %get3A_229 : vector<1x1x16xf32> to vector<16xf32>
          %mul3A_231 = arith.mulf %get3A_230, %get3A_197 : vector<16xf32>
          %swap3A_232 = arith.constant 0 : i32
          %swap3A_233 = arith.index_cast %swap3A_232 : i32 to index
          %swap3A_234 = arith.index_cast %add3A_192 : i32 to index
          %swap3A_235 = arith.constant 32 : index
          %swap3A_236 = tpu.vector_load %arg12[%swap3A_233, %swap3A_234, %swap3A_235] {strides = array<i32>} : memref<2x128x128xf32, #tpu.memory_space<vmem>>, vector<1x1x16xf32>,
          %swap3A_237 = vector.shape_cast %swap3A_236 : vector<1x1x16xf32> to vector<16xf32>
          %swap3A_238 = vector.shape_cast %mul3A_231 : vector<16xf32> to vector<1x1x16xf32>
          tpu.vector_store %arg12[%swap3A_233, %swap3A_234, %swap3A_235], %swap3A_238 {strides = array<i32>} : memref<2x128x128xf32, #tpu.memory_space<vmem>>, vector<1x1x16xf32>,
          %get3A_239 = arith.constant 0 : i32
          %get3A_240 = arith.index_cast %get3A_239 : i32 to index
          %get3A_241 = arith.index_cast %add3A_192 : i32 to index
          %get3A_242 = arith.constant 48 : index
          %get3A_243 = tpu.vector_load %arg12[%get3A_240, %get3A_241, %get3A_242] {strides = array<i32>} : memref<2x128x128xf32, #tpu.memory_space<vmem>>, vector<1x1x16xf32>,
          %get3A_244 = vector.shape_cast %get3A_243 : vector<1x1x16xf32> to vector<16xf32>
          %mul3A_245 = arith.mulf %get3A_244, %get3A_197 : vector<16xf32>
          %swap3A_246 = arith.constant 0 : i32
          %swap3A_247 = arith.index_cast %swap3A_246 : i32 to index
          %swap3A_248 = arith.index_cast %add3A_192 : i32 to index
          %swap3A_249 = arith.constant 48 : index
          %swap3A_250 = tpu.vector_load %arg12[%swap3A_247, %swap3A_248, %swap3A_249] {strides = array<i32>} : memref<2x128x128xf32, #tpu.memory_space<vmem>>, vector<1x1x16xf32>,
          %swap3A_251 = vector.shape_cast %swap3A_250 : vector<1x1x16xf32> to vector<16xf32>
          %swap3A_252 = vector.shape_cast %mul3A_245 : vector<16xf32> to vector<1x1x16xf32>
          tpu.vector_store %arg12[%swap3A_247, %swap3A_248, %swap3A_249], %swap3A_252 {strides = array<i32>} : memref<2x128x128xf32, #tpu.memory_space<vmem>>, vector<1x1x16xf32>,
          %get3A_253 = arith.constant 0 : i32
          %get3A_254 = arith.index_cast %get3A_253 : i32 to index
          %get3A_255 = arith.index_cast %add3A_192 : i32 to index
          %get3A_256 = arith.constant 64 : index
          %get3A_257 = tpu.vector_load %arg12[%get3A_254, %get3A_255, %get3A_256] {strides = array<i32>} : memref<2x128x128xf32, #tpu.memory_space<vmem>>, vector<1x1x16xf32>,
          %get3A_258 = vector.shape_cast %get3A_257 : vector<1x1x16xf32> to vector<16xf32>
          %mul3A_259 = arith.mulf %get3A_258, %get3A_197 : vector<16xf32>
          %swap3A_260 = arith.constant 0 : i32
          %swap3A_261 = arith.index_cast %swap3A_260 : i32 to index
          %swap3A_262 = arith.index_cast %add3A_192 : i32 to index
          %swap3A_263 = arith.constant 64 : index
          %swap3A_264 = tpu.vector_load %arg12[%swap3A_261, %swap3A_262, %swap3A_263] {strides = array<i32>} : memref<2x128x128xf32, #tpu.memory_space<vmem>>, vector<1x1x16xf32>,
          %swap3A_265 = vector.shape_cast %swap3A_264 : vector<1x1x16xf32> to vector<16xf32>
          %swap3A_266 = vector.shape_cast %mul3A_259 : vector<16xf32> to vector<1x1x16xf32>
          tpu.vector_store %arg12[%swap3A_261, %swap3A_262, %swap3A_263], %swap3A_266 {strides = array<i32>} : memref<2x128x128xf32, #tpu.memory_space<vmem>>, vector<1x1x16xf32>,
          %get3A_267 = arith.constant 0 : i32
          %get3A_268 = arith.index_cast %get3A_267 : i32 to index
          %get3A_269 = arith.index_cast %add3A_192 : i32 to index
          %get3A_270 = arith.constant 80 : index
          %get3A_271 = tpu.vector_load %arg12[%get3A_268, %get3A_269, %get3A_270] {strides = array<i32>} : memref<2x128x128xf32, #tpu.memory_space<vmem>>, vector<1x1x16xf32>,
          %get3A_272 = vector.shape_cast %get3A_271 : vector<1x1x16xf32> to vector<16xf32>
          %mul3A_273 = arith.mulf %get3A_272, %get3A_197 : vector<16xf32>
          %swap3A_274 = arith.constant 0 : i32
          %swap3A_275 = arith.index_cast %swap3A_274 : i32 to index
          %swap3A_276 = arith.index_cast %add3A_192 : i32 to index
          %swap3A_277 = arith.constant 80 : index
          %swap3A_278 = tpu.vector_load %arg12[%swap3A_275, %swap3A_276, %swap3A_277] {strides = array<i32>} : memref<2x128x128xf32, #tpu.memory_space<vmem>>, vector<1x1x16xf32>,
          %swap3A_279 = vector.shape_cast %swap3A_278 : vector<1x1x16xf32> to vector<16xf32>
          %swap3A_280 = vector.shape_cast %mul3A_273 : vector<16xf32> to vector<1x1x16xf32>
          tpu.vector_store %arg12[%swap3A_275, %swap3A_276, %swap3A_277], %swap3A_280 {strides = array<i32>} : memref<2x128x128xf32, #tpu.memory_space<vmem>>, vector<1x1x16xf32>,
          %get3A_281 = arith.constant 0 : i32
          %get3A_282 = arith.index_cast %get3A_281 : i32 to index
          %get3A_283 = arith.index_cast %add3A_192 : i32 to index
          %get3A_284 = arith.constant 96 : index
          %get3A_285 = tpu.vector_load %arg12[%get3A_282, %get3A_283, %get3A_284] {strides = array<i32>} : memref<2x128x128xf32, #tpu.memory_space<vmem>>, vector<1x1x16xf32>,
          %get3A_286 = vector.shape_cast %get3A_285 : vector<1x1x16xf32> to vector<16xf32>
          %mul3A_287 = arith.mulf %get3A_286, %get3A_197 : vector<16xf32>
          %swap3A_288 = arith.constant 0 : i32
          %swap3A_289 = arith.index_cast %swap3A_288 : i32 to index
          %swap3A_290 = arith.index_cast %add3A_192 : i32 to index
          %swap3A_291 = arith.constant 96 : index
          %swap3A_292 = tpu.vector_load %arg12[%swap3A_289, %swap3A_290, %swap3A_291] {strides = array<i32>} : memref<2x128x128xf32, #tpu.memory_space<vmem>>, vector<1x1x16xf32>,
          %swap3A_293 = vector.shape_cast %swap3A_292 : vector<1x1x16xf32> to vector<16xf32>
          %swap3A_294 = vector.shape_cast %mul3A_287 : vector<16xf32> to vector<1x1x16xf32>
          tpu.vector_store %arg12[%swap3A_289, %swap3A_290, %swap3A_291], %swap3A_294 {strides = array<i32>} : memref<2x128x128xf32, #tpu.memory_space<vmem>>, vector<1x1x16xf32>,
          %get3A_295 = arith.constant 0 : i32
          %get3A_296 = arith.index_cast %get3A_295 : i32 to index
          %get3A_297 = arith.index_cast %add3A_192 : i32 to index
          %get3A_298 = arith.constant 112 : index
          %get3A_299 = tpu.vector_load %arg12[%get3A_296, %get3A_297, %get3A_298] {strides = array<i32>} : memref<2x128x128xf32, #tpu.memory_space<vmem>>, vector<1x1x16xf32>,
          %get3A_300 = vector.shape_cast %get3A_299 : vector<1x1x16xf32> to vector<16xf32>
          %mul3A_301 = arith.mulf %get3A_300, %get3A_197 : vector<16xf32>
          %swap3A_302 = arith.constant 0 : i32
          %swap3A_303 = arith.index_cast %swap3A_302 : i32 to index
          %swap3A_304 = arith.index_cast %add3A_192 : i32 to index
          %swap3A_305 = arith.constant 112 : index
          %swap3A_306 = tpu.vector_load %arg12[%swap3A_303, %swap3A_304, %swap3A_305] {strides = array<i32>} : memref<2x128x128xf32, #tpu.memory_space<vmem>>, vector<1x1x16xf32>,
          %swap3A_307 = vector.shape_cast %swap3A_306 : vector<1x1x16xf32> to vector<16xf32>
          %swap3A_308 = vector.shape_cast %mul3A_301 : vector<16xf32> to vector<1x1x16xf32>
          tpu.vector_store %arg12[%swap3A_303, %swap3A_304, %swap3A_305], %swap3A_308 {strides = array<i32>} : memref<2x128x128xf32, #tpu.memory_space<vmem>>, vector<1x1x16xf32>,
        }
        %scan3A_110 = arith.constant 128 : i32
        %dma_start3A_111 = arith.constant 0 : i32
        %dma_start3A_112 = arith.constant 14 : i32
        %dma_start3A_113 = arith.constant 0 : i32
        %dma_start3A_114 = arith.constant 0 : i32
        %dma_start3A_115 = tpu.memref_slice %arg12[%dma_start3A_111, %dma_start3A_113, %dma_start3A_114] : memref<2x128x128xf32, #tpu.memory_space<vmem>> -> memref<1x128x128xf32, #tpu.memory_space<vmem>>
        %dma_start3A_116 = tpu.memref_squeeze %dma_start3A_115 : memref<1x128x128xf32, #tpu.memory_space<vmem>> -> memref<128x128xf32, #tpu.memory_space<vmem>>
        %dma_start3A_117 = arith.constant 0 : i32
        %dma_start3A_118 = tpu.memref_slice %arg11[%dma_start3A_112, %dma_start3A_117] : memref<16x128xi32, #tpu.memory_space<vmem>> -> memref<1x128xi32, #tpu.memory_space<vmem>>
        %dma_start3A_119 = tpu.memref_squeeze %dma_start3A_118 : memref<1x128xi32, #tpu.memory_space<vmem>> -> memref<128xi32, #tpu.memory_space<vmem>>
        %dma_start3A_120 = arith.constant 0 : i32
        %dma_start3A_121 = arith.constant 0 : i32
        %dma_start3A_122 = tpu.memref_slice %arg14[%dma_start3A_120, %dma_start3A_121] : memref<10240x128xf32, #tpu.memory_space<vmem_shared>> -> memref<10240x128xf32, #tpu.memory_space<vmem_shared>>
        tpu.enqueue_indirect_dma source(%dma_start3A_116 : memref<128x128xf32, #tpu.memory_space<vmem>>) target(%dma_start3A_122 : memref<10240x128xf32, #tpu.memory_space<vmem_shared>>) offsets(%dma_start3A_119 : memref<128xi32, #tpu.memory_space<vmem>>) semaphore(%arg17 : memref<!tpu.dma_semaphore, #tpu.memory_space<semaphore_mem>>) {add = true}
        %dma_wait3A_123 = arith.constant 0 : i32
        %dma_wait3A_124 = arith.constant 1 : i32
        %dma_wait3A_125 = arith.constant 0 : i32
        %dma_wait3A_126 = arith.constant 0 : i32
        %dma_wait3A_127 = tpu.memref_slice %arg12[%dma_wait3A_124, %dma_wait3A_125, %dma_wait3A_126] : memref<2x128x128xf32, #tpu.memory_space<vmem>> -> memref<1x128x128xf32, #tpu.memory_space<vmem>>
        %dma_wait3A_128 = tpu.memref_squeeze %dma_wait3A_127 : memref<1x128x128xf32, #tpu.memory_space<vmem>> -> memref<128x128xf32, #tpu.memory_space<vmem>>
        %dma_wait3A_129 = arith.constant 0 : i32
        %dma_wait3A_130 = tpu.memref_slice %arg9[%dma_wait3A_123, %dma_wait3A_129] : memref<16x128xi32, #tpu.memory_space<vmem>> -> memref<1x128xi32, #tpu.memory_space<vmem>>
        %dma_wait3A_131 = tpu.memref_squeeze %dma_wait3A_130 : memref<1x128xi32, #tpu.memory_space<vmem>> -> memref<128xi32, #tpu.memory_space<vmem>>
        %dma_wait3A_132 = arith.constant 0 : i32
        %dma_wait3A_133 = arith.constant 0 : i32
        %dma_wait3A_134 = tpu.memref_slice %arg2[%dma_wait3A_132, %dma_wait3A_133] : memref<90000x128xf32, #tpu.memory_space<hbm>> -> memref<90000x128xf32, #tpu.memory_space<hbm>>
        tpu.wait_indirect_dma semaphore(%arg16 : memref<!tpu.dma_semaphore, #tpu.memory_space<semaphore_mem>>) src(%dma_wait3A_134 : memref<90000x128xf32, #tpu.memory_space<hbm>>) dst(%dma_wait3A_128 : memref<128x128xf32, #tpu.memory_space<vmem>>)
        %dma_wait3A_135 = arith.constant 0 : i32
        %dma_wait3A_136 = arith.constant 1 : i32
        %dma_wait3A_137 = arith.constant 0 : i32
        %dma_wait3A_138 = arith.constant 0 : i32
        %dma_wait3A_139 = tpu.memref_slice %arg13[%dma_wait3A_136, %dma_wait3A_137, %dma_wait3A_138] : memref<2x128x16xf32, #tpu.memory_space<vmem>> -> memref<1x128x16xf32, #tpu.memory_space<vmem>>
        %dma_wait3A_140 = tpu.memref_squeeze %dma_wait3A_139 : memref<1x128x16xf32, #tpu.memory_space<vmem>> -> memref<128x16xf32, #tpu.memory_space<vmem>>
        %dma_wait3A_141 = arith.constant 0 : i32
        %dma_wait3A_142 = tpu.memref_slice %arg10[%dma_wait3A_135, %dma_wait3A_141] : memref<16x128xi32, #tpu.memory_space<vmem>> -> memref<1x128xi32, #tpu.memory_space<vmem>>
        %dma_wait3A_143 = tpu.memref_squeeze %dma_wait3A_142 : memref<1x128xi32, #tpu.memory_space<vmem>> -> memref<128xi32, #tpu.memory_space<vmem>>
        %dma_wait3A_144 = arith.constant 0 : i32
        %dma_wait3A_145 = arith.constant 0 : i32
        %dma_wait3A_146 = tpu.memref_slice %arg3[%dma_wait3A_144, %dma_wait3A_145] : memref<80128x16xf32, #tpu.memory_space<hbm>> -> memref<80128x16xf32, #tpu.memory_space<hbm>>
        tpu.wait_indirect_dma semaphore(%arg16 : memref<!tpu.dma_semaphore, #tpu.memory_space<semaphore_mem>>) src(%dma_wait3A_146 : memref<80128x16xf32, #tpu.memory_space<hbm>>) dst(%dma_wait3A_140 : memref<128x16xf32, #tpu.memory_space<vmem>>)
        %scan3A_147 = arith.constant 0 : i32
        %scan3A_148 = arith.constant 128 : i32
        %scan3A_149 = arith.addi %scan3A_147, %scan3A_148 : i32
        %scan3A_150 = arith.constant 1 : i32
        scf.for %scan3A_188 = %scan3A_147 to %scan3A_149 step %scan3A_150  : i32 {
          %mul3A_189 = arith.constant 1 : i32
          %mul3A_190 = arith.muli %scan3A_188, %mul3A_189 : i32
          %add3A_191 = arith.constant 0 : i32
          %add3A_192 = arith.addi %add3A_191, %mul3A_190 : i32
          %get3A = arith.constant 1 : i32
          %get3A_193 = arith.index_cast %get3A : i32 to index
          %get3A_194 = arith.index_cast %add3A_192 : i32 to index
          %get3A_195 = arith.constant 0 : index
          %get3A_196 = tpu.vector_load %arg13[%get3A_193, %get3A_194, %get3A_195] {strides = array<i32>} : memref<2x128x16xf32, #tpu.memory_space<vmem>>, vector<1x1x16xf32>,
          %get3A_197 = vector.shape_cast %get3A_196 : vector<1x1x16xf32> to vector<16xf32>
          %get3A_198 = arith.constant 1 : i32
          %get3A_199 = arith.index_cast %get3A_198 : i32 to index
          %get3A_200 = arith.index_cast %add3A_192 : i32 to index
          %get3A_201 = arith.constant 0 : index
          %get3A_202 = tpu.vector_load %arg12[%get3A_199, %get3A_200, %get3A_201] {strides = array<i32>} : memref<2x128x128xf32, #tpu.memory_space<vmem>>, vector<1x1x16xf32>,
          %get3A_203 = vector.shape_cast %get3A_202 : vector<1x1x16xf32> to vector<16xf32>
          %mul3A_204 = arith.mulf %get3A_203, %get3A_197 : vector<16xf32>
          %swap3A = arith.constant 1 : i32
          %swap3A_205 = arith.index_cast %swap3A : i32 to index
          %swap3A_206 = arith.index_cast %add3A_192 : i32 to index
          %swap3A_207 = arith.constant 0 : index
          %swap3A_208 = tpu.vector_load %arg12[%swap3A_205, %swap3A_206, %swap3A_207] {strides = array<i32>} : memref<2x128x128xf32, #tpu.memory_space<vmem>>, vector<1x1x16xf32>,
          %swap3A_209 = vector.shape_cast %swap3A_208 : vector<1x1x16xf32> to vector<16xf32>
          %swap3A_210 = vector.shape_cast %mul3A_204 : vector<16xf32> to vector<1x1x16xf32>
          tpu.vector_store %arg12[%swap3A_205, %swap3A_206, %swap3A_207], %swap3A_210 {strides = array<i32>} : memref<2x128x128xf32, #tpu.memory_space<vmem>>, vector<1x1x16xf32>,
          %get3A_211 = arith.constant 1 : i32
          %get3A_212 = arith.index_cast %get3A_211 : i32 to index
          %get3A_213 = arith.index_cast %add3A_192 : i32 to index
          %get3A_214 = arith.constant 16 : index
          %get3A_215 = tpu.vector_load %arg12[%get3A_212, %get3A_213, %get3A_214] {strides = array<i32>} : memref<2x128x128xf32, #tpu.memory_space<vmem>>, vector<1x1x16xf32>,
          %get3A_216 = vector.shape_cast %get3A_215 : vector<1x1x16xf32> to vector<16xf32>
          %mul3A_217 = arith.mulf %get3A_216, %get3A_197 : vector<16xf32>
          %swap3A_218 = arith.constant 1 : i32
          %swap3A_219 = arith.index_cast %swap3A_218 : i32 to index
          %swap3A_220 = arith.index_cast %add3A_192 : i32 to index
          %swap3A_221 = arith.constant 16 : index
          %swap3A_222 = tpu.vector_load %arg12[%swap3A_219, %swap3A_220, %swap3A_221] {strides = array<i32>} : memref<2x128x128xf32, #tpu.memory_space<vmem>>, vector<1x1x16xf32>,
          %swap3A_223 = vector.shape_cast %swap3A_222 : vector<1x1x16xf32> to vector<16xf32>
          %swap3A_224 = vector.shape_cast %mul3A_217 : vector<16xf32> to vector<1x1x16xf32>
          tpu.vector_store %arg12[%swap3A_219, %swap3A_220, %swap3A_221], %swap3A_224 {strides = array<i32>} : memref<2x128x128xf32, #tpu.memory_space<vmem>>, vector<1x1x16xf32>,
          %get3A_225 = arith.constant 1 : i32
          %get3A_226 = arith.index_cast %get3A_225 : i32 to index
          %get3A_227 = arith.index_cast %add3A_192 : i32 to index
          %get3A_228 = arith.constant 32 : index
          %get3A_229 = tpu.vector_load %arg12[%get3A_226, %get3A_227, %get3A_228] {strides = array<i32>} : memref<2x128x128xf32, #tpu.memory_space<vmem>>, vector<1x1x16xf32>,
          %get3A_230 = vector.shape_cast %get3A_229 : vector<1x1x16xf32> to vector<16xf32>
          %mul3A_231 = arith.mulf %get3A_230, %get3A_197 : vector<16xf32>
          %swap3A_232 = arith.constant 1 : i32
          %swap3A_233 = arith.index_cast %swap3A_232 : i32 to index
          %swap3A_234 = arith.index_cast %add3A_192 : i32 to index
          %swap3A_235 = arith.constant 32 : index
          %swap3A_236 = tpu.vector_load %arg12[%swap3A_233, %swap3A_234, %swap3A_235] {strides = array<i32>} : memref<2x128x128xf32, #tpu.memory_space<vmem>>, vector<1x1x16xf32>,
          %swap3A_237 = vector.shape_cast %swap3A_236 : vector<1x1x16xf32> to vector<16xf32>
          %swap3A_238 = vector.shape_cast %mul3A_231 : vector<16xf32> to vector<1x1x16xf32>
          tpu.vector_store %arg12[%swap3A_233, %swap3A_234, %swap3A_235], %swap3A_238 {strides = array<i32>} : memref<2x128x128xf32, #tpu.memory_space<vmem>>, vector<1x1x16xf32>,
          %get3A_239 = arith.constant 1 : i32
          %get3A_240 = arith.index_cast %get3A_239 : i32 to index
          %get3A_241 = arith.index_cast %add3A_192 : i32 to index
          %get3A_242 = arith.constant 48 : index
          %get3A_243 = tpu.vector_load %arg12[%get3A_240, %get3A_241, %get3A_242] {strides = array<i32>} : memref<2x128x128xf32, #tpu.memory_space<vmem>>, vector<1x1x16xf32>,
          %get3A_244 = vector.shape_cast %get3A_243 : vector<1x1x16xf32> to vector<16xf32>
          %mul3A_245 = arith.mulf %get3A_244, %get3A_197 : vector<16xf32>
          %swap3A_246 = arith.constant 1 : i32
          %swap3A_247 = arith.index_cast %swap3A_246 : i32 to index
          %swap3A_248 = arith.index_cast %add3A_192 : i32 to index
          %swap3A_249 = arith.constant 48 : index
          %swap3A_250 = tpu.vector_load %arg12[%swap3A_247, %swap3A_248, %swap3A_249] {strides = array<i32>} : memref<2x128x128xf32, #tpu.memory_space<vmem>>, vector<1x1x16xf32>,
          %swap3A_251 = vector.shape_cast %swap3A_250 : vector<1x1x16xf32> to vector<16xf32>
          %swap3A_252 = vector.shape_cast %mul3A_245 : vector<16xf32> to vector<1x1x16xf32>
          tpu.vector_store %arg12[%swap3A_247, %swap3A_248, %swap3A_249], %swap3A_252 {strides = array<i32>} : memref<2x128x128xf32, #tpu.memory_space<vmem>>, vector<1x1x16xf32>,
          %get3A_253 = arith.constant 1 : i32
          %get3A_254 = arith.index_cast %get3A_253 : i32 to index
          %get3A_255 = arith.index_cast %add3A_192 : i32 to index
          %get3A_256 = arith.constant 64 : index
          %get3A_257 = tpu.vector_load %arg12[%get3A_254, %get3A_255, %get3A_256] {strides = array<i32>} : memref<2x128x128xf32, #tpu.memory_space<vmem>>, vector<1x1x16xf32>,
          %get3A_258 = vector.shape_cast %get3A_257 : vector<1x1x16xf32> to vector<16xf32>
          %mul3A_259 = arith.mulf %get3A_258, %get3A_197 : vector<16xf32>
          %swap3A_260 = arith.constant 1 : i32
          %swap3A_261 = arith.index_cast %swap3A_260 : i32 to index
          %swap3A_262 = arith.index_cast %add3A_192 : i32 to index
          %swap3A_263 = arith.constant 64 : index
          %swap3A_264 = tpu.vector_load %arg12[%swap3A_261, %swap3A_262, %swap3A_263] {strides = array<i32>} : memref<2x128x128xf32, #tpu.memory_space<vmem>>, vector<1x1x16xf32>,
          %swap3A_265 = vector.shape_cast %swap3A_264 : vector<1x1x16xf32> to vector<16xf32>
          %swap3A_266 = vector.shape_cast %mul3A_259 : vector<16xf32> to vector<1x1x16xf32>
          tpu.vector_store %arg12[%swap3A_261, %swap3A_262, %swap3A_263], %swap3A_266 {strides = array<i32>} : memref<2x128x128xf32, #tpu.memory_space<vmem>>, vector<1x1x16xf32>,
          %get3A_267 = arith.constant 1 : i32
          %get3A_268 = arith.index_cast %get3A_267 : i32 to index
          %get3A_269 = arith.index_cast %add3A_192 : i32 to index
          %get3A_270 = arith.constant 80 : index
          %get3A_271 = tpu.vector_load %arg12[%get3A_268, %get3A_269, %get3A_270] {strides = array<i32>} : memref<2x128x128xf32, #tpu.memory_space<vmem>>, vector<1x1x16xf32>,
          %get3A_272 = vector.shape_cast %get3A_271 : vector<1x1x16xf32> to vector<16xf32>
          %mul3A_273 = arith.mulf %get3A_272, %get3A_197 : vector<16xf32>
          %swap3A_274 = arith.constant 1 : i32
          %swap3A_275 = arith.index_cast %swap3A_274 : i32 to index
          %swap3A_276 = arith.index_cast %add3A_192 : i32 to index
          %swap3A_277 = arith.constant 80 : index
          %swap3A_278 = tpu.vector_load %arg12[%swap3A_275, %swap3A_276, %swap3A_277] {strides = array<i32>} : memref<2x128x128xf32, #tpu.memory_space<vmem>>, vector<1x1x16xf32>,
          %swap3A_279 = vector.shape_cast %swap3A_278 : vector<1x1x16xf32> to vector<16xf32>
          %swap3A_280 = vector.shape_cast %mul3A_273 : vector<16xf32> to vector<1x1x16xf32>
          tpu.vector_store %arg12[%swap3A_275, %swap3A_276, %swap3A_277], %swap3A_280 {strides = array<i32>} : memref<2x128x128xf32, #tpu.memory_space<vmem>>, vector<1x1x16xf32>,
          %get3A_281 = arith.constant 1 : i32
          %get3A_282 = arith.index_cast %get3A_281 : i32 to index
          %get3A_283 = arith.index_cast %add3A_192 : i32 to index
          %get3A_284 = arith.constant 96 : index
          %get3A_285 = tpu.vector_load %arg12[%get3A_282, %get3A_283, %get3A_284] {strides = array<i32>} : memref<2x128x128xf32, #tpu.memory_space<vmem>>, vector<1x1x16xf32>,
          %get3A_286 = vector.shape_cast %get3A_285 : vector<1x1x16xf32> to vector<16xf32>
          %mul3A_287 = arith.mulf %get3A_286, %get3A_197 : vector<16xf32>
          %swap3A_288 = arith.constant 1 : i32
          %swap3A_289 = arith.index_cast %swap3A_288 : i32 to index
          %swap3A_290 = arith.index_cast %add3A_192 : i32 to index
          %swap3A_291 = arith.constant 96 : index
          %swap3A_292 = tpu.vector_load %arg12[%swap3A_289, %swap3A_290, %swap3A_291] {strides = array<i32>} : memref<2x128x128xf32, #tpu.memory_space<vmem>>, vector<1x1x16xf32>,
          %swap3A_293 = vector.shape_cast %swap3A_292 : vector<1x1x16xf32> to vector<16xf32>
          %swap3A_294 = vector.shape_cast %mul3A_287 : vector<16xf32> to vector<1x1x16xf32>
          tpu.vector_store %arg12[%swap3A_289, %swap3A_290, %swap3A_291], %swap3A_294 {strides = array<i32>} : memref<2x128x128xf32, #tpu.memory_space<vmem>>, vector<1x1x16xf32>,
          %get3A_295 = arith.constant 1 : i32
          %get3A_296 = arith.index_cast %get3A_295 : i32 to index
          %get3A_297 = arith.index_cast %add3A_192 : i32 to index
          %get3A_298 = arith.constant 112 : index
          %get3A_299 = tpu.vector_load %arg12[%get3A_296, %get3A_297, %get3A_298] {strides = array<i32>} : memref<2x128x128xf32, #tpu.memory_space<vmem>>, vector<1x1x16xf32>,
          %get3A_300 = vector.shape_cast %get3A_299 : vector<1x1x16xf32> to vector<16xf32>
          %mul3A_301 = arith.mulf %get3A_300, %get3A_197 : vector<16xf32>
          %swap3A_302 = arith.constant 1 : i32
          %swap3A_303 = arith.index_cast %swap3A_302 : i32 to index
          %swap3A_304 = arith.index_cast %add3A_192 : i32 to index
          %swap3A_305 = arith.constant 112 : index
          %swap3A_306 = tpu.vector_load %arg12[%swap3A_303, %swap3A_304, %swap3A_305] {strides = array<i32>} : memref<2x128x128xf32, #tpu.memory_space<vmem>>, vector<1x1x16xf32>,
          %swap3A_307 = vector.shape_cast %swap3A_306 : vector<1x1x16xf32> to vector<16xf32>
          %swap3A_308 = vector.shape_cast %mul3A_301 : vector<16xf32> to vector<1x1x16xf32>
          tpu.vector_store %arg12[%swap3A_303, %swap3A_304, %swap3A_305], %swap3A_308 {strides = array<i32>} : memref<2x128x128xf32, #tpu.memory_space<vmem>>, vector<1x1x16xf32>,
        }
        %scan3A_151 = arith.constant 128 : i32
        %dma_start3A_152 = arith.constant 1 : i32
        %dma_start3A_153 = arith.constant 15 : i32
        %dma_start3A_154 = arith.constant 0 : i32
        %dma_start3A_155 = arith.constant 0 : i32
        %dma_start3A_156 = tpu.memref_slice %arg12[%dma_start3A_152, %dma_start3A_154, %dma_start3A_155] : memref<2x128x128xf32, #tpu.memory_space<vmem>> -> memref<1x128x128xf32, #tpu.memory_space<vmem>>
        %dma_start3A_157 = tpu.memref_squeeze %dma_start3A_156 : memref<1x128x128xf32, #tpu.memory_space<vmem>> -> memref<128x128xf32, #tpu.memory_space<vmem>>
        %dma_start3A_158 = arith.constant 0 : i32
        %dma_start3A_159 = tpu.memref_slice %arg11[%dma_start3A_153, %dma_start3A_158] : memref<16x128xi32, #tpu.memory_space<vmem>> -> memref<1x128xi32, #tpu.memory_space<vmem>>
        %dma_start3A_160 = tpu.memref_squeeze %dma_start3A_159 : memref<1x128xi32, #tpu.memory_space<vmem>> -> memref<128xi32, #tpu.memory_space<vmem>>
        %dma_start3A_161 = arith.constant 0 : i32
        %dma_start3A_162 = arith.constant 0 : i32
        %dma_start3A_163 = tpu.memref_slice %arg14[%dma_start3A_161, %dma_start3A_162] : memref<10240x128xf32, #tpu.memory_space<vmem_shared>> -> memref<10240x128xf32, #tpu.memory_space<vmem_shared>>
        tpu.enqueue_indirect_dma source(%dma_start3A_157 : memref<128x128xf32, #tpu.memory_space<vmem>>) target(%dma_start3A_163 : memref<10240x128xf32, #tpu.memory_space<vmem_shared>>) offsets(%dma_start3A_160 : memref<128xi32, #tpu.memory_space<vmem>>) semaphore(%arg18 : memref<!tpu.dma_semaphore, #tpu.memory_space<semaphore_mem>>) {add = true}
        %dma_wait3A_164 = arith.constant 0 : i32
        %dma_wait3A_165 = arith.constant 0 : i32
        %dma_wait3A_166 = arith.constant 0 : i32
        %dma_wait3A_167 = arith.constant 0 : i32
        %dma_wait3A_168 = tpu.memref_slice %arg12[%dma_wait3A_164, %dma_wait3A_166, %dma_wait3A_167] : memref<2x128x128xf32, #tpu.memory_space<vmem>> -> memref<1x128x128xf32, #tpu.memory_space<vmem>>
        %dma_wait3A_169 = tpu.memref_squeeze %dma_wait3A_168 : memref<1x128x128xf32, #tpu.memory_space<vmem>> -> memref<128x128xf32, #tpu.memory_space<vmem>>
        %dma_wait3A_170 = arith.constant 0 : i32
        %dma_wait3A_171 = tpu.memref_slice %arg11[%dma_wait3A_165, %dma_wait3A_170] : memref<16x128xi32, #tpu.memory_space<vmem>> -> memref<1x128xi32, #tpu.memory_space<vmem>>
        %dma_wait3A_172 = tpu.memref_squeeze %dma_wait3A_171 : memref<1x128xi32, #tpu.memory_space<vmem>> -> memref<128xi32, #tpu.memory_space<vmem>>
        %dma_wait3A_173 = arith.constant 0 : i32
        %dma_wait3A_174 = arith.constant 0 : i32
        %dma_wait3A_175 = tpu.memref_slice %arg14[%dma_wait3A_173, %dma_wait3A_174] : memref<10240x128xf32, #tpu.memory_space<vmem_shared>> -> memref<10240x128xf32, #tpu.memory_space<vmem_shared>>
        tpu.wait_indirect_dma semaphore(%arg17 : memref<!tpu.dma_semaphore, #tpu.memory_space<semaphore_mem>>) src(%dma_wait3A_169 : memref<128x128xf32, #tpu.memory_space<vmem>>) dst(%dma_wait3A_175 : memref<10240x128xf32, #tpu.memory_space<vmem_shared>>)
        %dma_wait3A_176 = arith.constant 1 : i32
        %dma_wait3A_177 = arith.constant 0 : i32
        %dma_wait3A_178 = arith.constant 0 : i32
        %dma_wait3A_179 = arith.constant 0 : i32
        %dma_wait3A_180 = tpu.memref_slice %arg12[%dma_wait3A_176, %dma_wait3A_178, %dma_wait3A_179] : memref<2x128x128xf32, #tpu.memory_space<vmem>> -> memref<1x128x128xf32, #tpu.memory_space<vmem>>
        %dma_wait3A_181 = tpu.memref_squeeze %dma_wait3A_180 : memref<1x128x128xf32, #tpu.memory_space<vmem>> -> memref<128x128xf32, #tpu.memory_space<vmem>>
        %dma_wait3A_182 = arith.constant 0 : i32
        %dma_wait3A_183 = tpu.memref_slice %arg11[%dma_wait3A_177, %dma_wait3A_182] : memref<16x128xi32, #tpu.memory_space<vmem>> -> memref<1x128xi32, #tpu.memory_space<vmem>>
        %dma_wait3A_184 = tpu.memref_squeeze %dma_wait3A_183 : memref<1x128xi32, #tpu.memory_space<vmem>> -> memref<128xi32, #tpu.memory_space<vmem>>
        %dma_wait3A_185 = arith.constant 0 : i32
        %dma_wait3A_186 = arith.constant 0 : i32
        %dma_wait3A_187 = tpu.memref_slice %arg14[%dma_wait3A_185, %dma_wait3A_186] : memref<10240x128xf32, #tpu.memory_space<vmem_shared>> -> memref<10240x128xf32, #tpu.memory_space<vmem_shared>>
        tpu.wait_indirect_dma semaphore(%arg18 : memref<!tpu.dma_semaphore, #tpu.memory_space<semaphore_mem>>) src(%dma_wait3A_181 : memref<128x128xf32, #tpu.memory_space<vmem>>) dst(%dma_wait3A_187 : memref<10240x128xf32, #tpu.memory_space<vmem_shared>>)
      }
      %scan3A_19 = arith.constant 8 : i32
    } else {
    }
    %eq3A_5 = arith.constant 1 : i32
    %eq3A_6 = arith.cmpi eq, %arg0, %eq3A_5 : i32
    %convert_element_type3A_7 = arith.extui %eq3A_6 : i1 to i32
    %cond3A_8 = arith.constant 0 : i32
    %cond3A_9 = arith.cmpi ne, %convert_element_type3A_7, %cond3A_8 : i32
    scf.if %cond3A_9 {
      %scan3A_15 = arith.constant 0 : i32
      %scan3A_16 = arith.constant 2 : i32
      %scan3A_17 = arith.addi %scan3A_15, %scan3A_16 : i32
      %scan3A_18 = arith.constant 1 : i32
      scf.for %scan3A_20 = %scan3A_15 to %scan3A_17 step %scan3A_18  : i32 {
        %mul3A_21 = arith.constant 1 : i32
        %mul3A_22 = arith.muli %scan3A_20, %mul3A_21 : i32
        %add3A = arith.constant 0 : i32
        %add3A_23 = arith.addi %add3A, %mul3A_22 : i32
        %mul3A_24 = arith.constant 32 : i32
        %mul3A_25 = arith.muli %arg1, %mul3A_24 : i32
        %add3A_26 = arith.constant 2048 : i32
        %add3A_27 = arith.addi %add3A_26, %mul3A_25 : i32
        %mul3A_28 = arith.constant 16 : i32
        %mul3A_29 = arith.muli %add3A_23, %mul3A_28 : i32
        %add3A_30 = arith.addi %add3A_27, %mul3A_29 : i32
        "tpu.region"() ({
          %run_scoped3A = tpu.sem_alloc : memref<!tpu.dma_semaphore, #tpu.memory_space<semaphore_mem>>
          %dma_start3A_188 = arith.constant 0 : i32
          %dma_start3A_189 = tpu.memref_slice %arg4[%add3A_30, %dma_start3A_188] : memref<2560x128xi32, #tpu.memory_space<hbm>> -> memref<16x128xi32, #tpu.memory_space<hbm>>
          %dma_start3A_190 = arith.constant 0 : i32
          %dma_start3A_191 = tpu.memref_slice %arg4[%add3A_30, %dma_start3A_190] : memref<2560x128xi32, #tpu.memory_space<hbm>> -> memref<16x128xi32, #tpu.memory_space<hbm>>
          tpu.enqueue_dma source(%dma_start3A_191 : memref<16x128xi32, #tpu.memory_space<hbm>>) target(%arg9 : memref<16x128xi32, #tpu.memory_space<vmem>>) target_semaphore(%run_scoped3A : memref<!tpu.dma_semaphore, #tpu.memory_space<semaphore_mem>>)
          %dma_wait3A_192 = arith.constant 0 : i32
          %dma_wait3A_193 = tpu.memref_slice %arg4[%add3A_30, %dma_wait3A_192] : memref<2560x128xi32, #tpu.memory_space<hbm>> -> memref<16x128xi32, #tpu.memory_space<hbm>>
          %dma_wait3A_194 = arith.constant 0 : i32
          %dma_wait3A_195 = tpu.memref_slice %arg4[%add3A_30, %dma_wait3A_194] : memref<2560x128xi32, #tpu.memory_space<hbm>> -> memref<16x128xi32, #tpu.memory_space<hbm>>
          tpu.wait_dma2 semaphore(%run_scoped3A : memref<!tpu.dma_semaphore, #tpu.memory_space<semaphore_mem>>) src(%dma_wait3A_195 : memref<16x128xi32, #tpu.memory_space<hbm>>) dst(%arg9 : memref<16x128xi32, #tpu.memory_space<vmem>>)
          tpu.yield
        }) : () -> ()
        "tpu.region"() ({
          %run_scoped3A = tpu.sem_alloc : memref<!tpu.dma_semaphore, #tpu.memory_space<semaphore_mem>>
          %dma_start3A_188 = arith.constant 0 : i32
          %dma_start3A_189 = tpu.memref_slice %arg5[%add3A_30, %dma_start3A_188] : memref<2560x128xi32, #tpu.memory_space<hbm>> -> memref<16x128xi32, #tpu.memory_space<hbm>>
          %dma_start3A_190 = arith.constant 0 : i32
          %dma_start3A_191 = tpu.memref_slice %arg5[%add3A_30, %dma_start3A_190] : memref<2560x128xi32, #tpu.memory_space<hbm>> -> memref<16x128xi32, #tpu.memory_space<hbm>>
          tpu.enqueue_dma source(%dma_start3A_191 : memref<16x128xi32, #tpu.memory_space<hbm>>) target(%arg10 : memref<16x128xi32, #tpu.memory_space<vmem>>) target_semaphore(%run_scoped3A : memref<!tpu.dma_semaphore, #tpu.memory_space<semaphore_mem>>)
          %dma_wait3A_192 = arith.constant 0 : i32
          %dma_wait3A_193 = tpu.memref_slice %arg5[%add3A_30, %dma_wait3A_192] : memref<2560x128xi32, #tpu.memory_space<hbm>> -> memref<16x128xi32, #tpu.memory_space<hbm>>
          %dma_wait3A_194 = arith.constant 0 : i32
          %dma_wait3A_195 = tpu.memref_slice %arg5[%add3A_30, %dma_wait3A_194] : memref<2560x128xi32, #tpu.memory_space<hbm>> -> memref<16x128xi32, #tpu.memory_space<hbm>>
          tpu.wait_dma2 semaphore(%run_scoped3A : memref<!tpu.dma_semaphore, #tpu.memory_space<semaphore_mem>>) src(%dma_wait3A_195 : memref<16x128xi32, #tpu.memory_space<hbm>>) dst(%arg10 : memref<16x128xi32, #tpu.memory_space<vmem>>)
          tpu.yield
        }) : () -> ()
        "tpu.region"() ({
          %run_scoped3A = tpu.sem_alloc : memref<!tpu.dma_semaphore, #tpu.memory_space<semaphore_mem>>
          %dma_start3A_188 = arith.constant 0 : i32
          %dma_start3A_189 = tpu.memref_slice %arg6[%add3A_30, %dma_start3A_188] : memref<2560x128xi32, #tpu.memory_space<hbm>> -> memref<16x128xi32, #tpu.memory_space<hbm>>
          %dma_start3A_190 = arith.constant 0 : i32
          %dma_start3A_191 = tpu.memref_slice %arg6[%add3A_30, %dma_start3A_190] : memref<2560x128xi32, #tpu.memory_space<hbm>> -> memref<16x128xi32, #tpu.memory_space<hbm>>
          tpu.enqueue_dma source(%dma_start3A_191 : memref<16x128xi32, #tpu.memory_space<hbm>>) target(%arg11 : memref<16x128xi32, #tpu.memory_space<vmem>>) target_semaphore(%run_scoped3A : memref<!tpu.dma_semaphore, #tpu.memory_space<semaphore_mem>>)
          %dma_wait3A_192 = arith.constant 0 : i32
          %dma_wait3A_193 = tpu.memref_slice %arg6[%add3A_30, %dma_wait3A_192] : memref<2560x128xi32, #tpu.memory_space<hbm>> -> memref<16x128xi32, #tpu.memory_space<hbm>>
          %dma_wait3A_194 = arith.constant 0 : i32
          %dma_wait3A_195 = tpu.memref_slice %arg6[%add3A_30, %dma_wait3A_194] : memref<2560x128xi32, #tpu.memory_space<hbm>> -> memref<16x128xi32, #tpu.memory_space<hbm>>
          tpu.wait_dma2 semaphore(%run_scoped3A : memref<!tpu.dma_semaphore, #tpu.memory_space<semaphore_mem>>) src(%dma_wait3A_195 : memref<16x128xi32, #tpu.memory_space<hbm>>) dst(%arg11 : memref<16x128xi32, #tpu.memory_space<vmem>>)
          tpu.yield
        }) : () -> ()
        %dma_start3A = arith.constant 0 : i32
        %dma_start3A_31 = arith.constant 0 : i32
        %dma_start3A_32 = arith.constant 0 : i32
        %dma_start3A_33 = arith.constant 0 : i32
        %dma_start3A_34 = tpu.memref_slice %arg12[%dma_start3A_31, %dma_start3A_32, %dma_start3A_33] : memref<2x128x128xf32, #tpu.memory_space<vmem>> -> memref<1x128x128xf32, #tpu.memory_space<vmem>>
        %dma_start3A_35 = tpu.memref_squeeze %dma_start3A_34 : memref<1x128x128xf32, #tpu.memory_space<vmem>> -> memref<128x128xf32, #tpu.memory_space<vmem>>
        %dma_start3A_36 = arith.constant 0 : i32
        %dma_start3A_37 = tpu.memref_slice %arg9[%dma_start3A, %dma_start3A_36] : memref<16x128xi32, #tpu.memory_space<vmem>> -> memref<1x128xi32, #tpu.memory_space<vmem>>
        %dma_start3A_38 = tpu.memref_squeeze %dma_start3A_37 : memref<1x128xi32, #tpu.memory_space<vmem>> -> memref<128xi32, #tpu.memory_space<vmem>>
        %dma_start3A_39 = arith.constant 0 : i32
        %dma_start3A_40 = arith.constant 0 : i32
        %dma_start3A_41 = tpu.memref_slice %arg2[%dma_start3A_39, %dma_start3A_40] : memref<90000x128xf32, #tpu.memory_space<hbm>> -> memref<90000x128xf32, #tpu.memory_space<hbm>>
        tpu.enqueue_indirect_dma source(%dma_start3A_41 : memref<90000x128xf32, #tpu.memory_space<hbm>>) target(%dma_start3A_35 : memref<128x128xf32, #tpu.memory_space<vmem>>) offsets(%dma_start3A_38 : memref<128xi32, #tpu.memory_space<vmem>>) semaphore(%arg15 : memref<!tpu.dma_semaphore, #tpu.memory_space<semaphore_mem>>)
        %dma_start3A_42 = arith.constant 0 : i32
        %dma_start3A_43 = arith.constant 0 : i32
        %dma_start3A_44 = arith.constant 0 : i32
        %dma_start3A_45 = arith.constant 0 : i32
        %dma_start3A_46 = tpu.memref_slice %arg13[%dma_start3A_43, %dma_start3A_44, %dma_start3A_45] : memref<2x128x16xf32, #tpu.memory_space<vmem>> -> memref<1x128x16xf32, #tpu.memory_space<vmem>>
        %dma_start3A_47 = tpu.memref_squeeze %dma_start3A_46 : memref<1x128x16xf32, #tpu.memory_space<vmem>> -> memref<128x16xf32, #tpu.memory_space<vmem>>
        %dma_start3A_48 = arith.constant 0 : i32
        %dma_start3A_49 = tpu.memref_slice %arg10[%dma_start3A_42, %dma_start3A_48] : memref<16x128xi32, #tpu.memory_space<vmem>> -> memref<1x128xi32, #tpu.memory_space<vmem>>
        %dma_start3A_50 = tpu.memref_squeeze %dma_start3A_49 : memref<1x128xi32, #tpu.memory_space<vmem>> -> memref<128xi32, #tpu.memory_space<vmem>>
        %dma_start3A_51 = arith.constant 0 : i32
        %dma_start3A_52 = arith.constant 0 : i32
        %dma_start3A_53 = tpu.memref_slice %arg3[%dma_start3A_51, %dma_start3A_52] : memref<80128x16xf32, #tpu.memory_space<hbm>> -> memref<80128x16xf32, #tpu.memory_space<hbm>>
        tpu.enqueue_indirect_dma source(%dma_start3A_53 : memref<80128x16xf32, #tpu.memory_space<hbm>>) target(%dma_start3A_47 : memref<128x16xf32, #tpu.memory_space<vmem>>) offsets(%dma_start3A_50 : memref<128xi32, #tpu.memory_space<vmem>>) semaphore(%arg15 : memref<!tpu.dma_semaphore, #tpu.memory_space<semaphore_mem>>)
        %dma_start3A_54 = arith.constant 1 : i32
        %dma_start3A_55 = arith.constant 1 : i32
        %dma_start3A_56 = arith.constant 0 : i32
        %dma_start3A_57 = arith.constant 0 : i32
        %dma_start3A_58 = tpu.memref_slice %arg12[%dma_start3A_55, %dma_start3A_56, %dma_start3A_57] : memref<2x128x128xf32, #tpu.memory_space<vmem>> -> memref<1x128x128xf32, #tpu.memory_space<vmem>>
        %dma_start3A_59 = tpu.memref_squeeze %dma_start3A_58 : memref<1x128x128xf32, #tpu.memory_space<vmem>> -> memref<128x128xf32, #tpu.memory_space<vmem>>
        %dma_start3A_60 = arith.constant 0 : i32
        %dma_start3A_61 = tpu.memref_slice %arg9[%dma_start3A_54, %dma_start3A_60] : memref<16x128xi32, #tpu.memory_space<vmem>> -> memref<1x128xi32, #tpu.memory_space<vmem>>
        %dma_start3A_62 = tpu.memref_squeeze %dma_start3A_61 : memref<1x128xi32, #tpu.memory_space<vmem>> -> memref<128xi32, #tpu.memory_space<vmem>>
        %dma_start3A_63 = arith.constant 0 : i32
        %dma_start3A_64 = arith.constant 0 : i32
        %dma_start3A_65 = tpu.memref_slice %arg2[%dma_start3A_63, %dma_start3A_64] : memref<90000x128xf32, #tpu.memory_space<hbm>> -> memref<90000x128xf32, #tpu.memory_space<hbm>>
        tpu.enqueue_indirect_dma source(%dma_start3A_65 : memref<90000x128xf32, #tpu.memory_space<hbm>>) target(%dma_start3A_59 : memref<128x128xf32, #tpu.memory_space<vmem>>) offsets(%dma_start3A_62 : memref<128xi32, #tpu.memory_space<vmem>>) semaphore(%arg16 : memref<!tpu.dma_semaphore, #tpu.memory_space<semaphore_mem>>)
        %dma_start3A_66 = arith.constant 1 : i32
        %dma_start3A_67 = arith.constant 1 : i32
        %dma_start3A_68 = arith.constant 0 : i32
        %dma_start3A_69 = arith.constant 0 : i32
        %dma_start3A_70 = tpu.memref_slice %arg13[%dma_start3A_67, %dma_start3A_68, %dma_start3A_69] : memref<2x128x16xf32, #tpu.memory_space<vmem>> -> memref<1x128x16xf32, #tpu.memory_space<vmem>>
        %dma_start3A_71 = tpu.memref_squeeze %dma_start3A_70 : memref<1x128x16xf32, #tpu.memory_space<vmem>> -> memref<128x16xf32, #tpu.memory_space<vmem>>
        %dma_start3A_72 = arith.constant 0 : i32
        %dma_start3A_73 = tpu.memref_slice %arg10[%dma_start3A_66, %dma_start3A_72] : memref<16x128xi32, #tpu.memory_space<vmem>> -> memref<1x128xi32, #tpu.memory_space<vmem>>
        %dma_start3A_74 = tpu.memref_squeeze %dma_start3A_73 : memref<1x128xi32, #tpu.memory_space<vmem>> -> memref<128xi32, #tpu.memory_space<vmem>>
        %dma_start3A_75 = arith.constant 0 : i32
        %dma_start3A_76 = arith.constant 0 : i32
        %dma_start3A_77 = tpu.memref_slice %arg3[%dma_start3A_75, %dma_start3A_76] : memref<80128x16xf32, #tpu.memory_space<hbm>> -> memref<80128x16xf32, #tpu.memory_space<hbm>>
        tpu.enqueue_indirect_dma source(%dma_start3A_77 : memref<80128x16xf32, #tpu.memory_space<hbm>>) target(%dma_start3A_71 : memref<128x16xf32, #tpu.memory_space<vmem>>) offsets(%dma_start3A_74 : memref<128xi32, #tpu.memory_space<vmem>>) semaphore(%arg16 : memref<!tpu.dma_semaphore, #tpu.memory_space<semaphore_mem>>)
        %scan3A_78 = arith.constant 0 : i32
        %scan3A_79 = arith.constant 7 : i32
        %scan3A_80 = arith.addi %scan3A_78, %scan3A_79 : i32
        %scan3A_81 = arith.constant 1 : i32
        scf.for %scan3A_188 = %scan3A_78 to %scan3A_80 step %scan3A_81  : i32 {
          %mul3A_189 = arith.constant 2 : i32
          %mul3A_190 = arith.muli %scan3A_188, %mul3A_189 : i32
          %add3A_191 = arith.constant 2 : i32
          %add3A_192 = arith.addi %add3A_191, %mul3A_190 : i32
          %dma_wait3A_193 = arith.constant 0 : i32
          %dma_wait3A_194 = arith.constant 0 : i32
          %dma_wait3A_195 = arith.constant 0 : i32
          %dma_wait3A_196 = arith.constant 0 : i32
          %dma_wait3A_197 = tpu.memref_slice %arg12[%dma_wait3A_194, %dma_wait3A_195, %dma_wait3A_196] : memref<2x128x128xf32, #tpu.memory_space<vmem>> -> memref<1x128x128xf32, #tpu.memory_space<vmem>>
          %dma_wait3A_198 = tpu.memref_squeeze %dma_wait3A_197 : memref<1x128x128xf32, #tpu.memory_space<vmem>> -> memref<128x128xf32, #tpu.memory_space<vmem>>
          %dma_wait3A_199 = arith.constant 0 : i32
          %dma_wait3A_200 = tpu.memref_slice %arg9[%dma_wait3A_193, %dma_wait3A_199] : memref<16x128xi32, #tpu.memory_space<vmem>> -> memref<1x128xi32, #tpu.memory_space<vmem>>
          %dma_wait3A_201 = tpu.memref_squeeze %dma_wait3A_200 : memref<1x128xi32, #tpu.memory_space<vmem>> -> memref<128xi32, #tpu.memory_space<vmem>>
          %dma_wait3A_202 = arith.constant 0 : i32
          %dma_wait3A_203 = arith.constant 0 : i32
          %dma_wait3A_204 = tpu.memref_slice %arg2[%dma_wait3A_202, %dma_wait3A_203] : memref<90000x128xf32, #tpu.memory_space<hbm>> -> memref<90000x128xf32, #tpu.memory_space<hbm>>
          tpu.wait_indirect_dma semaphore(%arg15 : memref<!tpu.dma_semaphore, #tpu.memory_space<semaphore_mem>>) src(%dma_wait3A_204 : memref<90000x128xf32, #tpu.memory_space<hbm>>) dst(%dma_wait3A_198 : memref<128x128xf32, #tpu.memory_space<vmem>>)
          %dma_wait3A_205 = arith.constant 0 : i32
          %dma_wait3A_206 = arith.constant 0 : i32
          %dma_wait3A_207 = arith.constant 0 : i32
          %dma_wait3A_208 = arith.constant 0 : i32
          %dma_wait3A_209 = tpu.memref_slice %arg13[%dma_wait3A_206, %dma_wait3A_207, %dma_wait3A_208] : memref<2x128x16xf32, #tpu.memory_space<vmem>> -> memref<1x128x16xf32, #tpu.memory_space<vmem>>
          %dma_wait3A_210 = tpu.memref_squeeze %dma_wait3A_209 : memref<1x128x16xf32, #tpu.memory_space<vmem>> -> memref<128x16xf32, #tpu.memory_space<vmem>>
          %dma_wait3A_211 = arith.constant 0 : i32
          %dma_wait3A_212 = tpu.memref_slice %arg10[%dma_wait3A_205, %dma_wait3A_211] : memref<16x128xi32, #tpu.memory_space<vmem>> -> memref<1x128xi32, #tpu.memory_space<vmem>>
          %dma_wait3A_213 = tpu.memref_squeeze %dma_wait3A_212 : memref<1x128xi32, #tpu.memory_space<vmem>> -> memref<128xi32, #tpu.memory_space<vmem>>
          %dma_wait3A_214 = arith.constant 0 : i32
          %dma_wait3A_215 = arith.constant 0 : i32
          %dma_wait3A_216 = tpu.memref_slice %arg3[%dma_wait3A_214, %dma_wait3A_215] : memref<80128x16xf32, #tpu.memory_space<hbm>> -> memref<80128x16xf32, #tpu.memory_space<hbm>>
          tpu.wait_indirect_dma semaphore(%arg15 : memref<!tpu.dma_semaphore, #tpu.memory_space<semaphore_mem>>) src(%dma_wait3A_216 : memref<80128x16xf32, #tpu.memory_space<hbm>>) dst(%dma_wait3A_210 : memref<128x16xf32, #tpu.memory_space<vmem>>)
          %scan3A_217 = arith.constant 0 : i32
          %scan3A_218 = arith.constant 128 : i32
          %scan3A_219 = arith.addi %scan3A_217, %scan3A_218 : i32
          %scan3A_220 = arith.constant 1 : i32
          scf.for %scan3A_346 = %scan3A_217 to %scan3A_219 step %scan3A_220  : i32 {
            %mul3A_347 = arith.constant 1 : i32
            %mul3A_348 = arith.muli %scan3A_346, %mul3A_347 : i32
            %add3A_349 = arith.constant 0 : i32
            %add3A_350 = arith.addi %add3A_349, %mul3A_348 : i32
            %get3A = arith.constant 0 : i32
            %get3A_351 = arith.index_cast %get3A : i32 to index
            %get3A_352 = arith.index_cast %add3A_350 : i32 to index
            %get3A_353 = arith.constant 0 : index
            %get3A_354 = tpu.vector_load %arg13[%get3A_351, %get3A_352, %get3A_353] {strides = array<i32>} : memref<2x128x16xf32, #tpu.memory_space<vmem>>, vector<1x1x16xf32>,
            %get3A_355 = vector.shape_cast %get3A_354 : vector<1x1x16xf32> to vector<16xf32>
            %get3A_356 = arith.constant 0 : i32
            %get3A_357 = arith.index_cast %get3A_356 : i32 to index
            %get3A_358 = arith.index_cast %add3A_350 : i32 to index
            %get3A_359 = arith.constant 0 : index
            %get3A_360 = tpu.vector_load %arg12[%get3A_357, %get3A_358, %get3A_359] {strides = array<i32>} : memref<2x128x128xf32, #tpu.memory_space<vmem>>, vector<1x1x16xf32>,
            %get3A_361 = vector.shape_cast %get3A_360 : vector<1x1x16xf32> to vector<16xf32>
            %mul3A_362 = arith.mulf %get3A_361, %get3A_355 : vector<16xf32>
            %swap3A = arith.constant 0 : i32
            %swap3A_363 = arith.index_cast %swap3A : i32 to index
            %swap3A_364 = arith.index_cast %add3A_350 : i32 to index
            %swap3A_365 = arith.constant 0 : index
            %swap3A_366 = tpu.vector_load %arg12[%swap3A_363, %swap3A_364, %swap3A_365] {strides = array<i32>} : memref<2x128x128xf32, #tpu.memory_space<vmem>>, vector<1x1x16xf32>,
            %swap3A_367 = vector.shape_cast %swap3A_366 : vector<1x1x16xf32> to vector<16xf32>
            %swap3A_368 = vector.shape_cast %mul3A_362 : vector<16xf32> to vector<1x1x16xf32>
            tpu.vector_store %arg12[%swap3A_363, %swap3A_364, %swap3A_365], %swap3A_368 {strides = array<i32>} : memref<2x128x128xf32, #tpu.memory_space<vmem>>, vector<1x1x16xf32>,
            %get3A_369 = arith.constant 0 : i32
            %get3A_370 = arith.index_cast %get3A_369 : i32 to index
            %get3A_371 = arith.index_cast %add3A_350 : i32 to index
            %get3A_372 = arith.constant 16 : index
            %get3A_373 = tpu.vector_load %arg12[%get3A_370, %get3A_371, %get3A_372] {strides = array<i32>} : memref<2x128x128xf32, #tpu.memory_space<vmem>>, vector<1x1x16xf32>,
            %get3A_374 = vector.shape_cast %get3A_373 : vector<1x1x16xf32> to vector<16xf32>
            %mul3A_375 = arith.mulf %get3A_374, %get3A_355 : vector<16xf32>
            %swap3A_376 = arith.constant 0 : i32
            %swap3A_377 = arith.index_cast %swap3A_376 : i32 to index
            %swap3A_378 = arith.index_cast %add3A_350 : i32 to index
            %swap3A_379 = arith.constant 16 : index
            %swap3A_380 = tpu.vector_load %arg12[%swap3A_377, %swap3A_378, %swap3A_379] {strides = array<i32>} : memref<2x128x128xf32, #tpu.memory_space<vmem>>, vector<1x1x16xf32>,
            %swap3A_381 = vector.shape_cast %swap3A_380 : vector<1x1x16xf32> to vector<16xf32>
            %swap3A_382 = vector.shape_cast %mul3A_375 : vector<16xf32> to vector<1x1x16xf32>
            tpu.vector_store %arg12[%swap3A_377, %swap3A_378, %swap3A_379], %swap3A_382 {strides = array<i32>} : memref<2x128x128xf32, #tpu.memory_space<vmem>>, vector<1x1x16xf32>,
            %get3A_383 = arith.constant 0 : i32
            %get3A_384 = arith.index_cast %get3A_383 : i32 to index
            %get3A_385 = arith.index_cast %add3A_350 : i32 to index
            %get3A_386 = arith.constant 32 : index
            %get3A_387 = tpu.vector_load %arg12[%get3A_384, %get3A_385, %get3A_386] {strides = array<i32>} : memref<2x128x128xf32, #tpu.memory_space<vmem>>, vector<1x1x16xf32>,
            %get3A_388 = vector.shape_cast %get3A_387 : vector<1x1x16xf32> to vector<16xf32>
            %mul3A_389 = arith.mulf %get3A_388, %get3A_355 : vector<16xf32>
            %swap3A_390 = arith.constant 0 : i32
            %swap3A_391 = arith.index_cast %swap3A_390 : i32 to index
            %swap3A_392 = arith.index_cast %add3A_350 : i32 to index
            %swap3A_393 = arith.constant 32 : index
            %swap3A_394 = tpu.vector_load %arg12[%swap3A_391, %swap3A_392, %swap3A_393] {strides = array<i32>} : memref<2x128x128xf32, #tpu.memory_space<vmem>>, vector<1x1x16xf32>,
            %swap3A_395 = vector.shape_cast %swap3A_394 : vector<1x1x16xf32> to vector<16xf32>
            %swap3A_396 = vector.shape_cast %mul3A_389 : vector<16xf32> to vector<1x1x16xf32>
            tpu.vector_store %arg12[%swap3A_391, %swap3A_392, %swap3A_393], %swap3A_396 {strides = array<i32>} : memref<2x128x128xf32, #tpu.memory_space<vmem>>, vector<1x1x16xf32>,
            %get3A_397 = arith.constant 0 : i32
            %get3A_398 = arith.index_cast %get3A_397 : i32 to index
            %get3A_399 = arith.index_cast %add3A_350 : i32 to index
            %get3A_400 = arith.constant 48 : index
            %get3A_401 = tpu.vector_load %arg12[%get3A_398, %get3A_399, %get3A_400] {strides = array<i32>} : memref<2x128x128xf32, #tpu.memory_space<vmem>>, vector<1x1x16xf32>,
            %get3A_402 = vector.shape_cast %get3A_401 : vector<1x1x16xf32> to vector<16xf32>
            %mul3A_403 = arith.mulf %get3A_402, %get3A_355 : vector<16xf32>
            %swap3A_404 = arith.constant 0 : i32
            %swap3A_405 = arith.index_cast %swap3A_404 : i32 to index
            %swap3A_406 = arith.index_cast %add3A_350 : i32 to index
            %swap3A_407 = arith.constant 48 : index
            %swap3A_408 = tpu.vector_load %arg12[%swap3A_405, %swap3A_406, %swap3A_407] {strides = array<i32>} : memref<2x128x128xf32, #tpu.memory_space<vmem>>, vector<1x1x16xf32>,
            %swap3A_409 = vector.shape_cast %swap3A_408 : vector<1x1x16xf32> to vector<16xf32>
            %swap3A_410 = vector.shape_cast %mul3A_403 : vector<16xf32> to vector<1x1x16xf32>
            tpu.vector_store %arg12[%swap3A_405, %swap3A_406, %swap3A_407], %swap3A_410 {strides = array<i32>} : memref<2x128x128xf32, #tpu.memory_space<vmem>>, vector<1x1x16xf32>,
            %get3A_411 = arith.constant 0 : i32
            %get3A_412 = arith.index_cast %get3A_411 : i32 to index
            %get3A_413 = arith.index_cast %add3A_350 : i32 to index
            %get3A_414 = arith.constant 64 : index
            %get3A_415 = tpu.vector_load %arg12[%get3A_412, %get3A_413, %get3A_414] {strides = array<i32>} : memref<2x128x128xf32, #tpu.memory_space<vmem>>, vector<1x1x16xf32>,
            %get3A_416 = vector.shape_cast %get3A_415 : vector<1x1x16xf32> to vector<16xf32>
            %mul3A_417 = arith.mulf %get3A_416, %get3A_355 : vector<16xf32>
            %swap3A_418 = arith.constant 0 : i32
            %swap3A_419 = arith.index_cast %swap3A_418 : i32 to index
            %swap3A_420 = arith.index_cast %add3A_350 : i32 to index
            %swap3A_421 = arith.constant 64 : index
            %swap3A_422 = tpu.vector_load %arg12[%swap3A_419, %swap3A_420, %swap3A_421] {strides = array<i32>} : memref<2x128x128xf32, #tpu.memory_space<vmem>>, vector<1x1x16xf32>,
            %swap3A_423 = vector.shape_cast %swap3A_422 : vector<1x1x16xf32> to vector<16xf32>
            %swap3A_424 = vector.shape_cast %mul3A_417 : vector<16xf32> to vector<1x1x16xf32>
            tpu.vector_store %arg12[%swap3A_419, %swap3A_420, %swap3A_421], %swap3A_424 {strides = array<i32>} : memref<2x128x128xf32, #tpu.memory_space<vmem>>, vector<1x1x16xf32>,
            %get3A_425 = arith.constant 0 : i32
            %get3A_426 = arith.index_cast %get3A_425 : i32 to index
            %get3A_427 = arith.index_cast %add3A_350 : i32 to index
            %get3A_428 = arith.constant 80 : index
            %get3A_429 = tpu.vector_load %arg12[%get3A_426, %get3A_427, %get3A_428] {strides = array<i32>} : memref<2x128x128xf32, #tpu.memory_space<vmem>>, vector<1x1x16xf32>,
            %get3A_430 = vector.shape_cast %get3A_429 : vector<1x1x16xf32> to vector<16xf32>
            %mul3A_431 = arith.mulf %get3A_430, %get3A_355 : vector<16xf32>
            %swap3A_432 = arith.constant 0 : i32
            %swap3A_433 = arith.index_cast %swap3A_432 : i32 to index
            %swap3A_434 = arith.index_cast %add3A_350 : i32 to index
            %swap3A_435 = arith.constant 80 : index
            %swap3A_436 = tpu.vector_load %arg12[%swap3A_433, %swap3A_434, %swap3A_435] {strides = array<i32>} : memref<2x128x128xf32, #tpu.memory_space<vmem>>, vector<1x1x16xf32>,
            %swap3A_437 = vector.shape_cast %swap3A_436 : vector<1x1x16xf32> to vector<16xf32>
            %swap3A_438 = vector.shape_cast %mul3A_431 : vector<16xf32> to vector<1x1x16xf32>
            tpu.vector_store %arg12[%swap3A_433, %swap3A_434, %swap3A_435], %swap3A_438 {strides = array<i32>} : memref<2x128x128xf32, #tpu.memory_space<vmem>>, vector<1x1x16xf32>,
            %get3A_439 = arith.constant 0 : i32
            %get3A_440 = arith.index_cast %get3A_439 : i32 to index
            %get3A_441 = arith.index_cast %add3A_350 : i32 to index
            %get3A_442 = arith.constant 96 : index
            %get3A_443 = tpu.vector_load %arg12[%get3A_440, %get3A_441, %get3A_442] {strides = array<i32>} : memref<2x128x128xf32, #tpu.memory_space<vmem>>, vector<1x1x16xf32>,
            %get3A_444 = vector.shape_cast %get3A_443 : vector<1x1x16xf32> to vector<16xf32>
            %mul3A_445 = arith.mulf %get3A_444, %get3A_355 : vector<16xf32>
            %swap3A_446 = arith.constant 0 : i32
            %swap3A_447 = arith.index_cast %swap3A_446 : i32 to index
            %swap3A_448 = arith.index_cast %add3A_350 : i32 to index
            %swap3A_449 = arith.constant 96 : index
            %swap3A_450 = tpu.vector_load %arg12[%swap3A_447, %swap3A_448, %swap3A_449] {strides = array<i32>} : memref<2x128x128xf32, #tpu.memory_space<vmem>>, vector<1x1x16xf32>,
            %swap3A_451 = vector.shape_cast %swap3A_450 : vector<1x1x16xf32> to vector<16xf32>
            %swap3A_452 = vector.shape_cast %mul3A_445 : vector<16xf32> to vector<1x1x16xf32>
            tpu.vector_store %arg12[%swap3A_447, %swap3A_448, %swap3A_449], %swap3A_452 {strides = array<i32>} : memref<2x128x128xf32, #tpu.memory_space<vmem>>, vector<1x1x16xf32>,
            %get3A_453 = arith.constant 0 : i32
            %get3A_454 = arith.index_cast %get3A_453 : i32 to index
            %get3A_455 = arith.index_cast %add3A_350 : i32 to index
            %get3A_456 = arith.constant 112 : index
            %get3A_457 = tpu.vector_load %arg12[%get3A_454, %get3A_455, %get3A_456] {strides = array<i32>} : memref<2x128x128xf32, #tpu.memory_space<vmem>>, vector<1x1x16xf32>,
            %get3A_458 = vector.shape_cast %get3A_457 : vector<1x1x16xf32> to vector<16xf32>
            %mul3A_459 = arith.mulf %get3A_458, %get3A_355 : vector<16xf32>
            %swap3A_460 = arith.constant 0 : i32
            %swap3A_461 = arith.index_cast %swap3A_460 : i32 to index
            %swap3A_462 = arith.index_cast %add3A_350 : i32 to index
            %swap3A_463 = arith.constant 112 : index
            %swap3A_464 = tpu.vector_load %arg12[%swap3A_461, %swap3A_462, %swap3A_463] {strides = array<i32>} : memref<2x128x128xf32, #tpu.memory_space<vmem>>, vector<1x1x16xf32>,
            %swap3A_465 = vector.shape_cast %swap3A_464 : vector<1x1x16xf32> to vector<16xf32>
            %swap3A_466 = vector.shape_cast %mul3A_459 : vector<16xf32> to vector<1x1x16xf32>
            tpu.vector_store %arg12[%swap3A_461, %swap3A_462, %swap3A_463], %swap3A_466 {strides = array<i32>} : memref<2x128x128xf32, #tpu.memory_space<vmem>>, vector<1x1x16xf32>,
          }
          %scan3A_221 = arith.constant 128 : i32
          %sub3A = arith.constant 2 : i32
          %sub3A_222 = arith.subi %add3A_192, %sub3A : i32
          %dma_start3A_223 = arith.constant 0 : i32
          %dma_start3A_224 = arith.constant 0 : i32
          %dma_start3A_225 = arith.constant 0 : i32
          %dma_start3A_226 = tpu.memref_slice %arg12[%dma_start3A_223, %dma_start3A_224, %dma_start3A_225] : memref<2x128x128xf32, #tpu.memory_space<vmem>> -> memref<1x128x128xf32, #tpu.memory_space<vmem>>
          %dma_start3A_227 = tpu.memref_squeeze %dma_start3A_226 : memref<1x128x128xf32, #tpu.memory_space<vmem>> -> memref<128x128xf32, #tpu.memory_space<vmem>>
          %dma_start3A_228 = arith.constant 0 : i32
          %dma_start3A_229 = tpu.memref_slice %arg11[%sub3A_222, %dma_start3A_228] : memref<16x128xi32, #tpu.memory_space<vmem>> -> memref<1x128xi32, #tpu.memory_space<vmem>>
          %dma_start3A_230 = tpu.memref_squeeze %dma_start3A_229 : memref<1x128xi32, #tpu.memory_space<vmem>> -> memref<128xi32, #tpu.memory_space<vmem>>
          %dma_start3A_231 = arith.constant 0 : i32
          %dma_start3A_232 = arith.constant 0 : i32
          %dma_start3A_233 = tpu.memref_slice %arg14[%dma_start3A_231, %dma_start3A_232] : memref<10240x128xf32, #tpu.memory_space<vmem_shared>> -> memref<10240x128xf32, #tpu.memory_space<vmem_shared>>
          tpu.enqueue_indirect_dma source(%dma_start3A_227 : memref<128x128xf32, #tpu.memory_space<vmem>>) target(%dma_start3A_233 : memref<10240x128xf32, #tpu.memory_space<vmem_shared>>) offsets(%dma_start3A_230 : memref<128xi32, #tpu.memory_space<vmem>>) semaphore(%arg17 : memref<!tpu.dma_semaphore, #tpu.memory_space<semaphore_mem>>) {add = true}
          %dma_wait3A_234 = arith.constant 0 : i32
          %dma_wait3A_235 = arith.constant 1 : i32
          %dma_wait3A_236 = arith.constant 0 : i32
          %dma_wait3A_237 = arith.constant 0 : i32
          %dma_wait3A_238 = tpu.memref_slice %arg12[%dma_wait3A_235, %dma_wait3A_236, %dma_wait3A_237] : memref<2x128x128xf32, #tpu.memory_space<vmem>> -> memref<1x128x128xf32, #tpu.memory_space<vmem>>
          %dma_wait3A_239 = tpu.memref_squeeze %dma_wait3A_238 : memref<1x128x128xf32, #tpu.memory_space<vmem>> -> memref<128x128xf32, #tpu.memory_space<vmem>>
          %dma_wait3A_240 = arith.constant 0 : i32
          %dma_wait3A_241 = tpu.memref_slice %arg9[%dma_wait3A_234, %dma_wait3A_240] : memref<16x128xi32, #tpu.memory_space<vmem>> -> memref<1x128xi32, #tpu.memory_space<vmem>>
          %dma_wait3A_242 = tpu.memref_squeeze %dma_wait3A_241 : memref<1x128xi32, #tpu.memory_space<vmem>> -> memref<128xi32, #tpu.memory_space<vmem>>
          %dma_wait3A_243 = arith.constant 0 : i32
          %dma_wait3A_244 = arith.constant 0 : i32
          %dma_wait3A_245 = tpu.memref_slice %arg2[%dma_wait3A_243, %dma_wait3A_244] : memref<90000x128xf32, #tpu.memory_space<hbm>> -> memref<90000x128xf32, #tpu.memory_space<hbm>>
          tpu.wait_indirect_dma semaphore(%arg16 : memref<!tpu.dma_semaphore, #tpu.memory_space<semaphore_mem>>) src(%dma_wait3A_245 : memref<90000x128xf32, #tpu.memory_space<hbm>>) dst(%dma_wait3A_239 : memref<128x128xf32, #tpu.memory_space<vmem>>)
          %dma_wait3A_246 = arith.constant 0 : i32
          %dma_wait3A_247 = arith.constant 1 : i32
          %dma_wait3A_248 = arith.constant 0 : i32
          %dma_wait3A_249 = arith.constant 0 : i32
          %dma_wait3A_250 = tpu.memref_slice %arg13[%dma_wait3A_247, %dma_wait3A_248, %dma_wait3A_249] : memref<2x128x16xf32, #tpu.memory_space<vmem>> -> memref<1x128x16xf32, #tpu.memory_space<vmem>>
          %dma_wait3A_251 = tpu.memref_squeeze %dma_wait3A_250 : memref<1x128x16xf32, #tpu.memory_space<vmem>> -> memref<128x16xf32, #tpu.memory_space<vmem>>
          %dma_wait3A_252 = arith.constant 0 : i32
          %dma_wait3A_253 = tpu.memref_slice %arg10[%dma_wait3A_246, %dma_wait3A_252] : memref<16x128xi32, #tpu.memory_space<vmem>> -> memref<1x128xi32, #tpu.memory_space<vmem>>
          %dma_wait3A_254 = tpu.memref_squeeze %dma_wait3A_253 : memref<1x128xi32, #tpu.memory_space<vmem>> -> memref<128xi32, #tpu.memory_space<vmem>>
          %dma_wait3A_255 = arith.constant 0 : i32
          %dma_wait3A_256 = arith.constant 0 : i32
          %dma_wait3A_257 = tpu.memref_slice %arg3[%dma_wait3A_255, %dma_wait3A_256] : memref<80128x16xf32, #tpu.memory_space<hbm>> -> memref<80128x16xf32, #tpu.memory_space<hbm>>
          tpu.wait_indirect_dma semaphore(%arg16 : memref<!tpu.dma_semaphore, #tpu.memory_space<semaphore_mem>>) src(%dma_wait3A_257 : memref<80128x16xf32, #tpu.memory_space<hbm>>) dst(%dma_wait3A_251 : memref<128x16xf32, #tpu.memory_space<vmem>>)
          %scan3A_258 = arith.constant 0 : i32
          %scan3A_259 = arith.constant 128 : i32
          %scan3A_260 = arith.addi %scan3A_258, %scan3A_259 : i32
          %scan3A_261 = arith.constant 1 : i32
          scf.for %scan3A_346 = %scan3A_258 to %scan3A_260 step %scan3A_261  : i32 {
            %mul3A_347 = arith.constant 1 : i32
            %mul3A_348 = arith.muli %scan3A_346, %mul3A_347 : i32
            %add3A_349 = arith.constant 0 : i32
            %add3A_350 = arith.addi %add3A_349, %mul3A_348 : i32
            %get3A = arith.constant 1 : i32
            %get3A_351 = arith.index_cast %get3A : i32 to index
            %get3A_352 = arith.index_cast %add3A_350 : i32 to index
            %get3A_353 = arith.constant 0 : index
            %get3A_354 = tpu.vector_load %arg13[%get3A_351, %get3A_352, %get3A_353] {strides = array<i32>} : memref<2x128x16xf32, #tpu.memory_space<vmem>>, vector<1x1x16xf32>,
            %get3A_355 = vector.shape_cast %get3A_354 : vector<1x1x16xf32> to vector<16xf32>
            %get3A_356 = arith.constant 1 : i32
            %get3A_357 = arith.index_cast %get3A_356 : i32 to index
            %get3A_358 = arith.index_cast %add3A_350 : i32 to index
            %get3A_359 = arith.constant 0 : index
            %get3A_360 = tpu.vector_load %arg12[%get3A_357, %get3A_358, %get3A_359] {strides = array<i32>} : memref<2x128x128xf32, #tpu.memory_space<vmem>>, vector<1x1x16xf32>,
            %get3A_361 = vector.shape_cast %get3A_360 : vector<1x1x16xf32> to vector<16xf32>
            %mul3A_362 = arith.mulf %get3A_361, %get3A_355 : vector<16xf32>
            %swap3A = arith.constant 1 : i32
            %swap3A_363 = arith.index_cast %swap3A : i32 to index
            %swap3A_364 = arith.index_cast %add3A_350 : i32 to index
            %swap3A_365 = arith.constant 0 : index
            %swap3A_366 = tpu.vector_load %arg12[%swap3A_363, %swap3A_364, %swap3A_365] {strides = array<i32>} : memref<2x128x128xf32, #tpu.memory_space<vmem>>, vector<1x1x16xf32>,
            %swap3A_367 = vector.shape_cast %swap3A_366 : vector<1x1x16xf32> to vector<16xf32>
            %swap3A_368 = vector.shape_cast %mul3A_362 : vector<16xf32> to vector<1x1x16xf32>
            tpu.vector_store %arg12[%swap3A_363, %swap3A_364, %swap3A_365], %swap3A_368 {strides = array<i32>} : memref<2x128x128xf32, #tpu.memory_space<vmem>>, vector<1x1x16xf32>,
            %get3A_369 = arith.constant 1 : i32
            %get3A_370 = arith.index_cast %get3A_369 : i32 to index
            %get3A_371 = arith.index_cast %add3A_350 : i32 to index
            %get3A_372 = arith.constant 16 : index
            %get3A_373 = tpu.vector_load %arg12[%get3A_370, %get3A_371, %get3A_372] {strides = array<i32>} : memref<2x128x128xf32, #tpu.memory_space<vmem>>, vector<1x1x16xf32>,
            %get3A_374 = vector.shape_cast %get3A_373 : vector<1x1x16xf32> to vector<16xf32>
            %mul3A_375 = arith.mulf %get3A_374, %get3A_355 : vector<16xf32>
            %swap3A_376 = arith.constant 1 : i32
            %swap3A_377 = arith.index_cast %swap3A_376 : i32 to index
            %swap3A_378 = arith.index_cast %add3A_350 : i32 to index
            %swap3A_379 = arith.constant 16 : index
            %swap3A_380 = tpu.vector_load %arg12[%swap3A_377, %swap3A_378, %swap3A_379] {strides = array<i32>} : memref<2x128x128xf32, #tpu.memory_space<vmem>>, vector<1x1x16xf32>,
            %swap3A_381 = vector.shape_cast %swap3A_380 : vector<1x1x16xf32> to vector<16xf32>
            %swap3A_382 = vector.shape_cast %mul3A_375 : vector<16xf32> to vector<1x1x16xf32>
            tpu.vector_store %arg12[%swap3A_377, %swap3A_378, %swap3A_379], %swap3A_382 {strides = array<i32>} : memref<2x128x128xf32, #tpu.memory_space<vmem>>, vector<1x1x16xf32>,
            %get3A_383 = arith.constant 1 : i32
            %get3A_384 = arith.index_cast %get3A_383 : i32 to index
            %get3A_385 = arith.index_cast %add3A_350 : i32 to index
            %get3A_386 = arith.constant 32 : index
            %get3A_387 = tpu.vector_load %arg12[%get3A_384, %get3A_385, %get3A_386] {strides = array<i32>} : memref<2x128x128xf32, #tpu.memory_space<vmem>>, vector<1x1x16xf32>,
            %get3A_388 = vector.shape_cast %get3A_387 : vector<1x1x16xf32> to vector<16xf32>
            %mul3A_389 = arith.mulf %get3A_388, %get3A_355 : vector<16xf32>
            %swap3A_390 = arith.constant 1 : i32
            %swap3A_391 = arith.index_cast %swap3A_390 : i32 to index
            %swap3A_392 = arith.index_cast %add3A_350 : i32 to index
            %swap3A_393 = arith.constant 32 : index
            %swap3A_394 = tpu.vector_load %arg12[%swap3A_391, %swap3A_392, %swap3A_393] {strides = array<i32>} : memref<2x128x128xf32, #tpu.memory_space<vmem>>, vector<1x1x16xf32>,
            %swap3A_395 = vector.shape_cast %swap3A_394 : vector<1x1x16xf32> to vector<16xf32>
            %swap3A_396 = vector.shape_cast %mul3A_389 : vector<16xf32> to vector<1x1x16xf32>
            tpu.vector_store %arg12[%swap3A_391, %swap3A_392, %swap3A_393], %swap3A_396 {strides = array<i32>} : memref<2x128x128xf32, #tpu.memory_space<vmem>>, vector<1x1x16xf32>,
            %get3A_397 = arith.constant 1 : i32
            %get3A_398 = arith.index_cast %get3A_397 : i32 to index
            %get3A_399 = arith.index_cast %add3A_350 : i32 to index
            %get3A_400 = arith.constant 48 : index
            %get3A_401 = tpu.vector_load %arg12[%get3A_398, %get3A_399, %get3A_400] {strides = array<i32>} : memref<2x128x128xf32, #tpu.memory_space<vmem>>, vector<1x1x16xf32>,
            %get3A_402 = vector.shape_cast %get3A_401 : vector<1x1x16xf32> to vector<16xf32>
            %mul3A_403 = arith.mulf %get3A_402, %get3A_355 : vector<16xf32>
            %swap3A_404 = arith.constant 1 : i32
            %swap3A_405 = arith.index_cast %swap3A_404 : i32 to index
            %swap3A_406 = arith.index_cast %add3A_350 : i32 to index
            %swap3A_407 = arith.constant 48 : index
            %swap3A_408 = tpu.vector_load %arg12[%swap3A_405, %swap3A_406, %swap3A_407] {strides = array<i32>} : memref<2x128x128xf32, #tpu.memory_space<vmem>>, vector<1x1x16xf32>,
            %swap3A_409 = vector.shape_cast %swap3A_408 : vector<1x1x16xf32> to vector<16xf32>
            %swap3A_410 = vector.shape_cast %mul3A_403 : vector<16xf32> to vector<1x1x16xf32>
            tpu.vector_store %arg12[%swap3A_405, %swap3A_406, %swap3A_407], %swap3A_410 {strides = array<i32>} : memref<2x128x128xf32, #tpu.memory_space<vmem>>, vector<1x1x16xf32>,
            %get3A_411 = arith.constant 1 : i32
            %get3A_412 = arith.index_cast %get3A_411 : i32 to index
            %get3A_413 = arith.index_cast %add3A_350 : i32 to index
            %get3A_414 = arith.constant 64 : index
            %get3A_415 = tpu.vector_load %arg12[%get3A_412, %get3A_413, %get3A_414] {strides = array<i32>} : memref<2x128x128xf32, #tpu.memory_space<vmem>>, vector<1x1x16xf32>,
            %get3A_416 = vector.shape_cast %get3A_415 : vector<1x1x16xf32> to vector<16xf32>
            %mul3A_417 = arith.mulf %get3A_416, %get3A_355 : vector<16xf32>
            %swap3A_418 = arith.constant 1 : i32
            %swap3A_419 = arith.index_cast %swap3A_418 : i32 to index
            %swap3A_420 = arith.index_cast %add3A_350 : i32 to index
            %swap3A_421 = arith.constant 64 : index
            %swap3A_422 = tpu.vector_load %arg12[%swap3A_419, %swap3A_420, %swap3A_421] {strides = array<i32>} : memref<2x128x128xf32, #tpu.memory_space<vmem>>, vector<1x1x16xf32>,
            %swap3A_423 = vector.shape_cast %swap3A_422 : vector<1x1x16xf32> to vector<16xf32>
            %swap3A_424 = vector.shape_cast %mul3A_417 : vector<16xf32> to vector<1x1x16xf32>
            tpu.vector_store %arg12[%swap3A_419, %swap3A_420, %swap3A_421], %swap3A_424 {strides = array<i32>} : memref<2x128x128xf32, #tpu.memory_space<vmem>>, vector<1x1x16xf32>,
            %get3A_425 = arith.constant 1 : i32
            %get3A_426 = arith.index_cast %get3A_425 : i32 to index
            %get3A_427 = arith.index_cast %add3A_350 : i32 to index
            %get3A_428 = arith.constant 80 : index
            %get3A_429 = tpu.vector_load %arg12[%get3A_426, %get3A_427, %get3A_428] {strides = array<i32>} : memref<2x128x128xf32, #tpu.memory_space<vmem>>, vector<1x1x16xf32>,
            %get3A_430 = vector.shape_cast %get3A_429 : vector<1x1x16xf32> to vector<16xf32>
            %mul3A_431 = arith.mulf %get3A_430, %get3A_355 : vector<16xf32>
            %swap3A_432 = arith.constant 1 : i32
            %swap3A_433 = arith.index_cast %swap3A_432 : i32 to index
            %swap3A_434 = arith.index_cast %add3A_350 : i32 to index
            %swap3A_435 = arith.constant 80 : index
            %swap3A_436 = tpu.vector_load %arg12[%swap3A_433, %swap3A_434, %swap3A_435] {strides = array<i32>} : memref<2x128x128xf32, #tpu.memory_space<vmem>>, vector<1x1x16xf32>,
            %swap3A_437 = vector.shape_cast %swap3A_436 : vector<1x1x16xf32> to vector<16xf32>
            %swap3A_438 = vector.shape_cast %mul3A_431 : vector<16xf32> to vector<1x1x16xf32>
            tpu.vector_store %arg12[%swap3A_433, %swap3A_434, %swap3A_435], %swap3A_438 {strides = array<i32>} : memref<2x128x128xf32, #tpu.memory_space<vmem>>, vector<1x1x16xf32>,
            %get3A_439 = arith.constant 1 : i32
            %get3A_440 = arith.index_cast %get3A_439 : i32 to index
            %get3A_441 = arith.index_cast %add3A_350 : i32 to index
            %get3A_442 = arith.constant 96 : index
            %get3A_443 = tpu.vector_load %arg12[%get3A_440, %get3A_441, %get3A_442] {strides = array<i32>} : memref<2x128x128xf32, #tpu.memory_space<vmem>>, vector<1x1x16xf32>,
            %get3A_444 = vector.shape_cast %get3A_443 : vector<1x1x16xf32> to vector<16xf32>
            %mul3A_445 = arith.mulf %get3A_444, %get3A_355 : vector<16xf32>
            %swap3A_446 = arith.constant 1 : i32
            %swap3A_447 = arith.index_cast %swap3A_446 : i32 to index
            %swap3A_448 = arith.index_cast %add3A_350 : i32 to index
            %swap3A_449 = arith.constant 96 : index
            %swap3A_450 = tpu.vector_load %arg12[%swap3A_447, %swap3A_448, %swap3A_449] {strides = array<i32>} : memref<2x128x128xf32, #tpu.memory_space<vmem>>, vector<1x1x16xf32>,
            %swap3A_451 = vector.shape_cast %swap3A_450 : vector<1x1x16xf32> to vector<16xf32>
            %swap3A_452 = vector.shape_cast %mul3A_445 : vector<16xf32> to vector<1x1x16xf32>
            tpu.vector_store %arg12[%swap3A_447, %swap3A_448, %swap3A_449], %swap3A_452 {strides = array<i32>} : memref<2x128x128xf32, #tpu.memory_space<vmem>>, vector<1x1x16xf32>,
            %get3A_453 = arith.constant 1 : i32
            %get3A_454 = arith.index_cast %get3A_453 : i32 to index
            %get3A_455 = arith.index_cast %add3A_350 : i32 to index
            %get3A_456 = arith.constant 112 : index
            %get3A_457 = tpu.vector_load %arg12[%get3A_454, %get3A_455, %get3A_456] {strides = array<i32>} : memref<2x128x128xf32, #tpu.memory_space<vmem>>, vector<1x1x16xf32>,
            %get3A_458 = vector.shape_cast %get3A_457 : vector<1x1x16xf32> to vector<16xf32>
            %mul3A_459 = arith.mulf %get3A_458, %get3A_355 : vector<16xf32>
            %swap3A_460 = arith.constant 1 : i32
            %swap3A_461 = arith.index_cast %swap3A_460 : i32 to index
            %swap3A_462 = arith.index_cast %add3A_350 : i32 to index
            %swap3A_463 = arith.constant 112 : index
            %swap3A_464 = tpu.vector_load %arg12[%swap3A_461, %swap3A_462, %swap3A_463] {strides = array<i32>} : memref<2x128x128xf32, #tpu.memory_space<vmem>>, vector<1x1x16xf32>,
            %swap3A_465 = vector.shape_cast %swap3A_464 : vector<1x1x16xf32> to vector<16xf32>
            %swap3A_466 = vector.shape_cast %mul3A_459 : vector<16xf32> to vector<1x1x16xf32>
            tpu.vector_store %arg12[%swap3A_461, %swap3A_462, %swap3A_463], %swap3A_466 {strides = array<i32>} : memref<2x128x128xf32, #tpu.memory_space<vmem>>, vector<1x1x16xf32>,
          }
          %scan3A_262 = arith.constant 128 : i32
          %sub3A_263 = arith.constant 1 : i32
          %sub3A_264 = arith.subi %add3A_192, %sub3A_263 : i32
          %dma_start3A_265 = arith.constant 1 : i32
          %dma_start3A_266 = arith.constant 0 : i32
          %dma_start3A_267 = arith.constant 0 : i32
          %dma_start3A_268 = tpu.memref_slice %arg12[%dma_start3A_265, %dma_start3A_266, %dma_start3A_267] : memref<2x128x128xf32, #tpu.memory_space<vmem>> -> memref<1x128x128xf32, #tpu.memory_space<vmem>>
          %dma_start3A_269 = tpu.memref_squeeze %dma_start3A_268 : memref<1x128x128xf32, #tpu.memory_space<vmem>> -> memref<128x128xf32, #tpu.memory_space<vmem>>
          %dma_start3A_270 = arith.constant 0 : i32
          %dma_start3A_271 = tpu.memref_slice %arg11[%sub3A_264, %dma_start3A_270] : memref<16x128xi32, #tpu.memory_space<vmem>> -> memref<1x128xi32, #tpu.memory_space<vmem>>
          %dma_start3A_272 = tpu.memref_squeeze %dma_start3A_271 : memref<1x128xi32, #tpu.memory_space<vmem>> -> memref<128xi32, #tpu.memory_space<vmem>>
          %dma_start3A_273 = arith.constant 0 : i32
          %dma_start3A_274 = arith.constant 0 : i32
          %dma_start3A_275 = tpu.memref_slice %arg14[%dma_start3A_273, %dma_start3A_274] : memref<10240x128xf32, #tpu.memory_space<vmem_shared>> -> memref<10240x128xf32, #tpu.memory_space<vmem_shared>>
          tpu.enqueue_indirect_dma source(%dma_start3A_269 : memref<128x128xf32, #tpu.memory_space<vmem>>) target(%dma_start3A_275 : memref<10240x128xf32, #tpu.memory_space<vmem_shared>>) offsets(%dma_start3A_272 : memref<128xi32, #tpu.memory_space<vmem>>) semaphore(%arg18 : memref<!tpu.dma_semaphore, #tpu.memory_space<semaphore_mem>>) {add = true}
          %dma_wait3A_276 = arith.constant 0 : i32
          %dma_wait3A_277 = arith.constant 0 : i32
          %dma_wait3A_278 = arith.constant 0 : i32
          %dma_wait3A_279 = arith.constant 0 : i32
          %dma_wait3A_280 = tpu.memref_slice %arg12[%dma_wait3A_276, %dma_wait3A_278, %dma_wait3A_279] : memref<2x128x128xf32, #tpu.memory_space<vmem>> -> memref<1x128x128xf32, #tpu.memory_space<vmem>>
          %dma_wait3A_281 = tpu.memref_squeeze %dma_wait3A_280 : memref<1x128x128xf32, #tpu.memory_space<vmem>> -> memref<128x128xf32, #tpu.memory_space<vmem>>
          %dma_wait3A_282 = arith.constant 0 : i32
          %dma_wait3A_283 = tpu.memref_slice %arg11[%dma_wait3A_277, %dma_wait3A_282] : memref<16x128xi32, #tpu.memory_space<vmem>> -> memref<1x128xi32, #tpu.memory_space<vmem>>
          %dma_wait3A_284 = tpu.memref_squeeze %dma_wait3A_283 : memref<1x128xi32, #tpu.memory_space<vmem>> -> memref<128xi32, #tpu.memory_space<vmem>>
          %dma_wait3A_285 = arith.constant 0 : i32
          %dma_wait3A_286 = arith.constant 0 : i32
          %dma_wait3A_287 = tpu.memref_slice %arg14[%dma_wait3A_285, %dma_wait3A_286] : memref<10240x128xf32, #tpu.memory_space<vmem_shared>> -> memref<10240x128xf32, #tpu.memory_space<vmem_shared>>
          tpu.wait_indirect_dma semaphore(%arg17 : memref<!tpu.dma_semaphore, #tpu.memory_space<semaphore_mem>>) src(%dma_wait3A_281 : memref<128x128xf32, #tpu.memory_space<vmem>>) dst(%dma_wait3A_287 : memref<10240x128xf32, #tpu.memory_space<vmem_shared>>)
          %dma_start3A_288 = arith.constant 0 : i32
          %dma_start3A_289 = arith.constant 0 : i32
          %dma_start3A_290 = arith.constant 0 : i32
          %dma_start3A_291 = tpu.memref_slice %arg12[%dma_start3A_288, %dma_start3A_289, %dma_start3A_290] : memref<2x128x128xf32, #tpu.memory_space<vmem>> -> memref<1x128x128xf32, #tpu.memory_space<vmem>>
          %dma_start3A_292 = tpu.memref_squeeze %dma_start3A_291 : memref<1x128x128xf32, #tpu.memory_space<vmem>> -> memref<128x128xf32, #tpu.memory_space<vmem>>
          %dma_start3A_293 = arith.constant 0 : i32
          %dma_start3A_294 = tpu.memref_slice %arg9[%add3A_192, %dma_start3A_293] : memref<16x128xi32, #tpu.memory_space<vmem>> -> memref<1x128xi32, #tpu.memory_space<vmem>>
          %dma_start3A_295 = tpu.memref_squeeze %dma_start3A_294 : memref<1x128xi32, #tpu.memory_space<vmem>> -> memref<128xi32, #tpu.memory_space<vmem>>
          %dma_start3A_296 = arith.constant 0 : i32
          %dma_start3A_297 = arith.constant 0 : i32
          %dma_start3A_298 = tpu.memref_slice %arg2[%dma_start3A_296, %dma_start3A_297] : memref<90000x128xf32, #tpu.memory_space<hbm>> -> memref<90000x128xf32, #tpu.memory_space<hbm>>
          tpu.enqueue_indirect_dma source(%dma_start3A_298 : memref<90000x128xf32, #tpu.memory_space<hbm>>) target(%dma_start3A_292 : memref<128x128xf32, #tpu.memory_space<vmem>>) offsets(%dma_start3A_295 : memref<128xi32, #tpu.memory_space<vmem>>) semaphore(%arg15 : memref<!tpu.dma_semaphore, #tpu.memory_space<semaphore_mem>>)
          %dma_start3A_299 = arith.constant 0 : i32
          %dma_start3A_300 = arith.constant 0 : i32
          %dma_start3A_301 = arith.constant 0 : i32
          %dma_start3A_302 = tpu.memref_slice %arg13[%dma_start3A_299, %dma_start3A_300, %dma_start3A_301] : memref<2x128x16xf32, #tpu.memory_space<vmem>> -> memref<1x128x16xf32, #tpu.memory_space<vmem>>
          %dma_start3A_303 = tpu.memref_squeeze %dma_start3A_302 : memref<1x128x16xf32, #tpu.memory_space<vmem>> -> memref<128x16xf32, #tpu.memory_space<vmem>>
          %dma_start3A_304 = arith.constant 0 : i32
          %dma_start3A_305 = tpu.memref_slice %arg10[%add3A_192, %dma_start3A_304] : memref<16x128xi32, #tpu.memory_space<vmem>> -> memref<1x128xi32, #tpu.memory_space<vmem>>
          %dma_start3A_306 = tpu.memref_squeeze %dma_start3A_305 : memref<1x128xi32, #tpu.memory_space<vmem>> -> memref<128xi32, #tpu.memory_space<vmem>>
          %dma_start3A_307 = arith.constant 0 : i32
          %dma_start3A_308 = arith.constant 0 : i32
          %dma_start3A_309 = tpu.memref_slice %arg3[%dma_start3A_307, %dma_start3A_308] : memref<80128x16xf32, #tpu.memory_space<hbm>> -> memref<80128x16xf32, #tpu.memory_space<hbm>>
          tpu.enqueue_indirect_dma source(%dma_start3A_309 : memref<80128x16xf32, #tpu.memory_space<hbm>>) target(%dma_start3A_303 : memref<128x16xf32, #tpu.memory_space<vmem>>) offsets(%dma_start3A_306 : memref<128xi32, #tpu.memory_space<vmem>>) semaphore(%arg15 : memref<!tpu.dma_semaphore, #tpu.memory_space<semaphore_mem>>)
          %dma_wait3A_310 = arith.constant 1 : i32
          %dma_wait3A_311 = arith.constant 0 : i32
          %dma_wait3A_312 = arith.constant 0 : i32
          %dma_wait3A_313 = arith.constant 0 : i32
          %dma_wait3A_314 = tpu.memref_slice %arg12[%dma_wait3A_310, %dma_wait3A_312, %dma_wait3A_313] : memref<2x128x128xf32, #tpu.memory_space<vmem>> -> memref<1x128x128xf32, #tpu.memory_space<vmem>>
          %dma_wait3A_315 = tpu.memref_squeeze %dma_wait3A_314 : memref<1x128x128xf32, #tpu.memory_space<vmem>> -> memref<128x128xf32, #tpu.memory_space<vmem>>
          %dma_wait3A_316 = arith.constant 0 : i32
          %dma_wait3A_317 = tpu.memref_slice %arg11[%dma_wait3A_311, %dma_wait3A_316] : memref<16x128xi32, #tpu.memory_space<vmem>> -> memref<1x128xi32, #tpu.memory_space<vmem>>
          %dma_wait3A_318 = tpu.memref_squeeze %dma_wait3A_317 : memref<1x128xi32, #tpu.memory_space<vmem>> -> memref<128xi32, #tpu.memory_space<vmem>>
          %dma_wait3A_319 = arith.constant 0 : i32
          %dma_wait3A_320 = arith.constant 0 : i32
          %dma_wait3A_321 = tpu.memref_slice %arg14[%dma_wait3A_319, %dma_wait3A_320] : memref<10240x128xf32, #tpu.memory_space<vmem_shared>> -> memref<10240x128xf32, #tpu.memory_space<vmem_shared>>
          tpu.wait_indirect_dma semaphore(%arg18 : memref<!tpu.dma_semaphore, #tpu.memory_space<semaphore_mem>>) src(%dma_wait3A_315 : memref<128x128xf32, #tpu.memory_space<vmem>>) dst(%dma_wait3A_321 : memref<10240x128xf32, #tpu.memory_space<vmem_shared>>)
          %add3A_322 = arith.constant 1 : i32
          %add3A_323 = arith.addi %add3A_192, %add3A_322 : i32
          %dma_start3A_324 = arith.constant 1 : i32
          %dma_start3A_325 = arith.constant 0 : i32
          %dma_start3A_326 = arith.constant 0 : i32
          %dma_start3A_327 = tpu.memref_slice %arg12[%dma_start3A_324, %dma_start3A_325, %dma_start3A_326] : memref<2x128x128xf32, #tpu.memory_space<vmem>> -> memref<1x128x128xf32, #tpu.memory_space<vmem>>
          %dma_start3A_328 = tpu.memref_squeeze %dma_start3A_327 : memref<1x128x128xf32, #tpu.memory_space<vmem>> -> memref<128x128xf32, #tpu.memory_space<vmem>>
          %dma_start3A_329 = arith.constant 0 : i32
          %dma_start3A_330 = tpu.memref_slice %arg9[%add3A_323, %dma_start3A_329] : memref<16x128xi32, #tpu.memory_space<vmem>> -> memref<1x128xi32, #tpu.memory_space<vmem>>
          %dma_start3A_331 = tpu.memref_squeeze %dma_start3A_330 : memref<1x128xi32, #tpu.memory_space<vmem>> -> memref<128xi32, #tpu.memory_space<vmem>>
          %dma_start3A_332 = arith.constant 0 : i32
          %dma_start3A_333 = arith.constant 0 : i32
          %dma_start3A_334 = tpu.memref_slice %arg2[%dma_start3A_332, %dma_start3A_333] : memref<90000x128xf32, #tpu.memory_space<hbm>> -> memref<90000x128xf32, #tpu.memory_space<hbm>>
          tpu.enqueue_indirect_dma source(%dma_start3A_334 : memref<90000x128xf32, #tpu.memory_space<hbm>>) target(%dma_start3A_328 : memref<128x128xf32, #tpu.memory_space<vmem>>) offsets(%dma_start3A_331 : memref<128xi32, #tpu.memory_space<vmem>>) semaphore(%arg16 : memref<!tpu.dma_semaphore, #tpu.memory_space<semaphore_mem>>)
          %dma_start3A_335 = arith.constant 1 : i32
          %dma_start3A_336 = arith.constant 0 : i32
          %dma_start3A_337 = arith.constant 0 : i32
          %dma_start3A_338 = tpu.memref_slice %arg13[%dma_start3A_335, %dma_start3A_336, %dma_start3A_337] : memref<2x128x16xf32, #tpu.memory_space<vmem>> -> memref<1x128x16xf32, #tpu.memory_space<vmem>>
          %dma_start3A_339 = tpu.memref_squeeze %dma_start3A_338 : memref<1x128x16xf32, #tpu.memory_space<vmem>> -> memref<128x16xf32, #tpu.memory_space<vmem>>
          %dma_start3A_340 = arith.constant 0 : i32
          %dma_start3A_341 = tpu.memref_slice %arg10[%add3A_323, %dma_start3A_340] : memref<16x128xi32, #tpu.memory_space<vmem>> -> memref<1x128xi32, #tpu.memory_space<vmem>>
          %dma_start3A_342 = tpu.memref_squeeze %dma_start3A_341 : memref<1x128xi32, #tpu.memory_space<vmem>> -> memref<128xi32, #tpu.memory_space<vmem>>
          %dma_start3A_343 = arith.constant 0 : i32
          %dma_start3A_344 = arith.constant 0 : i32
          %dma_start3A_345 = tpu.memref_slice %arg3[%dma_start3A_343, %dma_start3A_344] : memref<80128x16xf32, #tpu.memory_space<hbm>> -> memref<80128x16xf32, #tpu.memory_space<hbm>>
          tpu.enqueue_indirect_dma source(%dma_start3A_345 : memref<80128x16xf32, #tpu.memory_space<hbm>>) target(%dma_start3A_339 : memref<128x16xf32, #tpu.memory_space<vmem>>) offsets(%dma_start3A_342 : memref<128xi32, #tpu.memory_space<vmem>>) semaphore(%arg16 : memref<!tpu.dma_semaphore, #tpu.memory_space<semaphore_mem>>)
        }
        %scan3A_82 = arith.constant 7 : i32
        %dma_wait3A = arith.constant 0 : i32
        %dma_wait3A_83 = arith.constant 0 : i32
        %dma_wait3A_84 = arith.constant 0 : i32
        %dma_wait3A_85 = arith.constant 0 : i32
        %dma_wait3A_86 = tpu.memref_slice %arg12[%dma_wait3A_83, %dma_wait3A_84, %dma_wait3A_85] : memref<2x128x128xf32, #tpu.memory_space<vmem>> -> memref<1x128x128xf32, #tpu.memory_space<vmem>>
        %dma_wait3A_87 = tpu.memref_squeeze %dma_wait3A_86 : memref<1x128x128xf32, #tpu.memory_space<vmem>> -> memref<128x128xf32, #tpu.memory_space<vmem>>
        %dma_wait3A_88 = arith.constant 0 : i32
        %dma_wait3A_89 = tpu.memref_slice %arg9[%dma_wait3A, %dma_wait3A_88] : memref<16x128xi32, #tpu.memory_space<vmem>> -> memref<1x128xi32, #tpu.memory_space<vmem>>
        %dma_wait3A_90 = tpu.memref_squeeze %dma_wait3A_89 : memref<1x128xi32, #tpu.memory_space<vmem>> -> memref<128xi32, #tpu.memory_space<vmem>>
        %dma_wait3A_91 = arith.constant 0 : i32
        %dma_wait3A_92 = arith.constant 0 : i32
        %dma_wait3A_93 = tpu.memref_slice %arg2[%dma_wait3A_91, %dma_wait3A_92] : memref<90000x128xf32, #tpu.memory_space<hbm>> -> memref<90000x128xf32, #tpu.memory_space<hbm>>
        tpu.wait_indirect_dma semaphore(%arg15 : memref<!tpu.dma_semaphore, #tpu.memory_space<semaphore_mem>>) src(%dma_wait3A_93 : memref<90000x128xf32, #tpu.memory_space<hbm>>) dst(%dma_wait3A_87 : memref<128x128xf32, #tpu.memory_space<vmem>>)
        %dma_wait3A_94 = arith.constant 0 : i32
        %dma_wait3A_95 = arith.constant 0 : i32
        %dma_wait3A_96 = arith.constant 0 : i32
        %dma_wait3A_97 = arith.constant 0 : i32
        %dma_wait3A_98 = tpu.memref_slice %arg13[%dma_wait3A_95, %dma_wait3A_96, %dma_wait3A_97] : memref<2x128x16xf32, #tpu.memory_space<vmem>> -> memref<1x128x16xf32, #tpu.memory_space<vmem>>
        %dma_wait3A_99 = tpu.memref_squeeze %dma_wait3A_98 : memref<1x128x16xf32, #tpu.memory_space<vmem>> -> memref<128x16xf32, #tpu.memory_space<vmem>>
        %dma_wait3A_100 = arith.constant 0 : i32
        %dma_wait3A_101 = tpu.memref_slice %arg10[%dma_wait3A_94, %dma_wait3A_100] : memref<16x128xi32, #tpu.memory_space<vmem>> -> memref<1x128xi32, #tpu.memory_space<vmem>>
        %dma_wait3A_102 = tpu.memref_squeeze %dma_wait3A_101 : memref<1x128xi32, #tpu.memory_space<vmem>> -> memref<128xi32, #tpu.memory_space<vmem>>
        %dma_wait3A_103 = arith.constant 0 : i32
        %dma_wait3A_104 = arith.constant 0 : i32
        %dma_wait3A_105 = tpu.memref_slice %arg3[%dma_wait3A_103, %dma_wait3A_104] : memref<80128x16xf32, #tpu.memory_space<hbm>> -> memref<80128x16xf32, #tpu.memory_space<hbm>>
        tpu.wait_indirect_dma semaphore(%arg15 : memref<!tpu.dma_semaphore, #tpu.memory_space<semaphore_mem>>) src(%dma_wait3A_105 : memref<80128x16xf32, #tpu.memory_space<hbm>>) dst(%dma_wait3A_99 : memref<128x16xf32, #tpu.memory_space<vmem>>)
        %scan3A_106 = arith.constant 0 : i32
        %scan3A_107 = arith.constant 128 : i32
        %scan3A_108 = arith.addi %scan3A_106, %scan3A_107 : i32
        %scan3A_109 = arith.constant 1 : i32
        scf.for %scan3A_188 = %scan3A_106 to %scan3A_108 step %scan3A_109  : i32 {
          %mul3A_189 = arith.constant 1 : i32
          %mul3A_190 = arith.muli %scan3A_188, %mul3A_189 : i32
          %add3A_191 = arith.constant 0 : i32
          %add3A_192 = arith.addi %add3A_191, %mul3A_190 : i32
          %get3A = arith.constant 0 : i32
          %get3A_193 = arith.index_cast %get3A : i32 to index
          %get3A_194 = arith.index_cast %add3A_192 : i32 to index
          %get3A_195 = arith.constant 0 : index
          %get3A_196 = tpu.vector_load %arg13[%get3A_193, %get3A_194, %get3A_195] {strides = array<i32>} : memref<2x128x16xf32, #tpu.memory_space<vmem>>, vector<1x1x16xf32>,
          %get3A_197 = vector.shape_cast %get3A_196 : vector<1x1x16xf32> to vector<16xf32>
          %get3A_198 = arith.constant 0 : i32
          %get3A_199 = arith.index_cast %get3A_198 : i32 to index
          %get3A_200 = arith.index_cast %add3A_192 : i32 to index
          %get3A_201 = arith.constant 0 : index
          %get3A_202 = tpu.vector_load %arg12[%get3A_199, %get3A_200, %get3A_201] {strides = array<i32>} : memref<2x128x128xf32, #tpu.memory_space<vmem>>, vector<1x1x16xf32>,
          %get3A_203 = vector.shape_cast %get3A_202 : vector<1x1x16xf32> to vector<16xf32>
          %mul3A_204 = arith.mulf %get3A_203, %get3A_197 : vector<16xf32>
          %swap3A = arith.constant 0 : i32
          %swap3A_205 = arith.index_cast %swap3A : i32 to index
          %swap3A_206 = arith.index_cast %add3A_192 : i32 to index
          %swap3A_207 = arith.constant 0 : index
          %swap3A_208 = tpu.vector_load %arg12[%swap3A_205, %swap3A_206, %swap3A_207] {strides = array<i32>} : memref<2x128x128xf32, #tpu.memory_space<vmem>>, vector<1x1x16xf32>,
          %swap3A_209 = vector.shape_cast %swap3A_208 : vector<1x1x16xf32> to vector<16xf32>
          %swap3A_210 = vector.shape_cast %mul3A_204 : vector<16xf32> to vector<1x1x16xf32>
          tpu.vector_store %arg12[%swap3A_205, %swap3A_206, %swap3A_207], %swap3A_210 {strides = array<i32>} : memref<2x128x128xf32, #tpu.memory_space<vmem>>, vector<1x1x16xf32>,
          %get3A_211 = arith.constant 0 : i32
          %get3A_212 = arith.index_cast %get3A_211 : i32 to index
          %get3A_213 = arith.index_cast %add3A_192 : i32 to index
          %get3A_214 = arith.constant 16 : index
          %get3A_215 = tpu.vector_load %arg12[%get3A_212, %get3A_213, %get3A_214] {strides = array<i32>} : memref<2x128x128xf32, #tpu.memory_space<vmem>>, vector<1x1x16xf32>,
          %get3A_216 = vector.shape_cast %get3A_215 : vector<1x1x16xf32> to vector<16xf32>
          %mul3A_217 = arith.mulf %get3A_216, %get3A_197 : vector<16xf32>
          %swap3A_218 = arith.constant 0 : i32
          %swap3A_219 = arith.index_cast %swap3A_218 : i32 to index
          %swap3A_220 = arith.index_cast %add3A_192 : i32 to index
          %swap3A_221 = arith.constant 16 : index
          %swap3A_222 = tpu.vector_load %arg12[%swap3A_219, %swap3A_220, %swap3A_221] {strides = array<i32>} : memref<2x128x128xf32, #tpu.memory_space<vmem>>, vector<1x1x16xf32>,
          %swap3A_223 = vector.shape_cast %swap3A_222 : vector<1x1x16xf32> to vector<16xf32>
          %swap3A_224 = vector.shape_cast %mul3A_217 : vector<16xf32> to vector<1x1x16xf32>
          tpu.vector_store %arg12[%swap3A_219, %swap3A_220, %swap3A_221], %swap3A_224 {strides = array<i32>} : memref<2x128x128xf32, #tpu.memory_space<vmem>>, vector<1x1x16xf32>,
          %get3A_225 = arith.constant 0 : i32
          %get3A_226 = arith.index_cast %get3A_225 : i32 to index
          %get3A_227 = arith.index_cast %add3A_192 : i32 to index
          %get3A_228 = arith.constant 32 : index
          %get3A_229 = tpu.vector_load %arg12[%get3A_226, %get3A_227, %get3A_228] {strides = array<i32>} : memref<2x128x128xf32, #tpu.memory_space<vmem>>, vector<1x1x16xf32>,
          %get3A_230 = vector.shape_cast %get3A_229 : vector<1x1x16xf32> to vector<16xf32>
          %mul3A_231 = arith.mulf %get3A_230, %get3A_197 : vector<16xf32>
          %swap3A_232 = arith.constant 0 : i32
          %swap3A_233 = arith.index_cast %swap3A_232 : i32 to index
          %swap3A_234 = arith.index_cast %add3A_192 : i32 to index
          %swap3A_235 = arith.constant 32 : index
          %swap3A_236 = tpu.vector_load %arg12[%swap3A_233, %swap3A_234, %swap3A_235] {strides = array<i32>} : memref<2x128x128xf32, #tpu.memory_space<vmem>>, vector<1x1x16xf32>,
          %swap3A_237 = vector.shape_cast %swap3A_236 : vector<1x1x16xf32> to vector<16xf32>
          %swap3A_238 = vector.shape_cast %mul3A_231 : vector<16xf32> to vector<1x1x16xf32>
          tpu.vector_store %arg12[%swap3A_233, %swap3A_234, %swap3A_235], %swap3A_238 {strides = array<i32>} : memref<2x128x128xf32, #tpu.memory_space<vmem>>, vector<1x1x16xf32>,
          %get3A_239 = arith.constant 0 : i32
          %get3A_240 = arith.index_cast %get3A_239 : i32 to index
          %get3A_241 = arith.index_cast %add3A_192 : i32 to index
          %get3A_242 = arith.constant 48 : index
          %get3A_243 = tpu.vector_load %arg12[%get3A_240, %get3A_241, %get3A_242] {strides = array<i32>} : memref<2x128x128xf32, #tpu.memory_space<vmem>>, vector<1x1x16xf32>,
          %get3A_244 = vector.shape_cast %get3A_243 : vector<1x1x16xf32> to vector<16xf32>
          %mul3A_245 = arith.mulf %get3A_244, %get3A_197 : vector<16xf32>
          %swap3A_246 = arith.constant 0 : i32
          %swap3A_247 = arith.index_cast %swap3A_246 : i32 to index
          %swap3A_248 = arith.index_cast %add3A_192 : i32 to index
          %swap3A_249 = arith.constant 48 : index
          %swap3A_250 = tpu.vector_load %arg12[%swap3A_247, %swap3A_248, %swap3A_249] {strides = array<i32>} : memref<2x128x128xf32, #tpu.memory_space<vmem>>, vector<1x1x16xf32>,
          %swap3A_251 = vector.shape_cast %swap3A_250 : vector<1x1x16xf32> to vector<16xf32>
          %swap3A_252 = vector.shape_cast %mul3A_245 : vector<16xf32> to vector<1x1x16xf32>
          tpu.vector_store %arg12[%swap3A_247, %swap3A_248, %swap3A_249], %swap3A_252 {strides = array<i32>} : memref<2x128x128xf32, #tpu.memory_space<vmem>>, vector<1x1x16xf32>,
          %get3A_253 = arith.constant 0 : i32
          %get3A_254 = arith.index_cast %get3A_253 : i32 to index
          %get3A_255 = arith.index_cast %add3A_192 : i32 to index
          %get3A_256 = arith.constant 64 : index
          %get3A_257 = tpu.vector_load %arg12[%get3A_254, %get3A_255, %get3A_256] {strides = array<i32>} : memref<2x128x128xf32, #tpu.memory_space<vmem>>, vector<1x1x16xf32>,
          %get3A_258 = vector.shape_cast %get3A_257 : vector<1x1x16xf32> to vector<16xf32>
          %mul3A_259 = arith.mulf %get3A_258, %get3A_197 : vector<16xf32>
          %swap3A_260 = arith.constant 0 : i32
          %swap3A_261 = arith.index_cast %swap3A_260 : i32 to index
          %swap3A_262 = arith.index_cast %add3A_192 : i32 to index
          %swap3A_263 = arith.constant 64 : index
          %swap3A_264 = tpu.vector_load %arg12[%swap3A_261, %swap3A_262, %swap3A_263] {strides = array<i32>} : memref<2x128x128xf32, #tpu.memory_space<vmem>>, vector<1x1x16xf32>,
          %swap3A_265 = vector.shape_cast %swap3A_264 : vector<1x1x16xf32> to vector<16xf32>
          %swap3A_266 = vector.shape_cast %mul3A_259 : vector<16xf32> to vector<1x1x16xf32>
          tpu.vector_store %arg12[%swap3A_261, %swap3A_262, %swap3A_263], %swap3A_266 {strides = array<i32>} : memref<2x128x128xf32, #tpu.memory_space<vmem>>, vector<1x1x16xf32>,
          %get3A_267 = arith.constant 0 : i32
          %get3A_268 = arith.index_cast %get3A_267 : i32 to index
          %get3A_269 = arith.index_cast %add3A_192 : i32 to index
          %get3A_270 = arith.constant 80 : index
          %get3A_271 = tpu.vector_load %arg12[%get3A_268, %get3A_269, %get3A_270] {strides = array<i32>} : memref<2x128x128xf32, #tpu.memory_space<vmem>>, vector<1x1x16xf32>,
          %get3A_272 = vector.shape_cast %get3A_271 : vector<1x1x16xf32> to vector<16xf32>
          %mul3A_273 = arith.mulf %get3A_272, %get3A_197 : vector<16xf32>
          %swap3A_274 = arith.constant 0 : i32
          %swap3A_275 = arith.index_cast %swap3A_274 : i32 to index
          %swap3A_276 = arith.index_cast %add3A_192 : i32 to index
          %swap3A_277 = arith.constant 80 : index
          %swap3A_278 = tpu.vector_load %arg12[%swap3A_275, %swap3A_276, %swap3A_277] {strides = array<i32>} : memref<2x128x128xf32, #tpu.memory_space<vmem>>, vector<1x1x16xf32>,
          %swap3A_279 = vector.shape_cast %swap3A_278 : vector<1x1x16xf32> to vector<16xf32>
          %swap3A_280 = vector.shape_cast %mul3A_273 : vector<16xf32> to vector<1x1x16xf32>
          tpu.vector_store %arg12[%swap3A_275, %swap3A_276, %swap3A_277], %swap3A_280 {strides = array<i32>} : memref<2x128x128xf32, #tpu.memory_space<vmem>>, vector<1x1x16xf32>,
          %get3A_281 = arith.constant 0 : i32
          %get3A_282 = arith.index_cast %get3A_281 : i32 to index
          %get3A_283 = arith.index_cast %add3A_192 : i32 to index
          %get3A_284 = arith.constant 96 : index
          %get3A_285 = tpu.vector_load %arg12[%get3A_282, %get3A_283, %get3A_284] {strides = array<i32>} : memref<2x128x128xf32, #tpu.memory_space<vmem>>, vector<1x1x16xf32>,
          %get3A_286 = vector.shape_cast %get3A_285 : vector<1x1x16xf32> to vector<16xf32>
          %mul3A_287 = arith.mulf %get3A_286, %get3A_197 : vector<16xf32>
          %swap3A_288 = arith.constant 0 : i32
          %swap3A_289 = arith.index_cast %swap3A_288 : i32 to index
          %swap3A_290 = arith.index_cast %add3A_192 : i32 to index
          %swap3A_291 = arith.constant 96 : index
          %swap3A_292 = tpu.vector_load %arg12[%swap3A_289, %swap3A_290, %swap3A_291] {strides = array<i32>} : memref<2x128x128xf32, #tpu.memory_space<vmem>>, vector<1x1x16xf32>,
          %swap3A_293 = vector.shape_cast %swap3A_292 : vector<1x1x16xf32> to vector<16xf32>
          %swap3A_294 = vector.shape_cast %mul3A_287 : vector<16xf32> to vector<1x1x16xf32>
          tpu.vector_store %arg12[%swap3A_289, %swap3A_290, %swap3A_291], %swap3A_294 {strides = array<i32>} : memref<2x128x128xf32, #tpu.memory_space<vmem>>, vector<1x1x16xf32>,
          %get3A_295 = arith.constant 0 : i32
          %get3A_296 = arith.index_cast %get3A_295 : i32 to index
          %get3A_297 = arith.index_cast %add3A_192 : i32 to index
          %get3A_298 = arith.constant 112 : index
          %get3A_299 = tpu.vector_load %arg12[%get3A_296, %get3A_297, %get3A_298] {strides = array<i32>} : memref<2x128x128xf32, #tpu.memory_space<vmem>>, vector<1x1x16xf32>,
          %get3A_300 = vector.shape_cast %get3A_299 : vector<1x1x16xf32> to vector<16xf32>
          %mul3A_301 = arith.mulf %get3A_300, %get3A_197 : vector<16xf32>
          %swap3A_302 = arith.constant 0 : i32
          %swap3A_303 = arith.index_cast %swap3A_302 : i32 to index
          %swap3A_304 = arith.index_cast %add3A_192 : i32 to index
          %swap3A_305 = arith.constant 112 : index
          %swap3A_306 = tpu.vector_load %arg12[%swap3A_303, %swap3A_304, %swap3A_305] {strides = array<i32>} : memref<2x128x128xf32, #tpu.memory_space<vmem>>, vector<1x1x16xf32>,
          %swap3A_307 = vector.shape_cast %swap3A_306 : vector<1x1x16xf32> to vector<16xf32>
          %swap3A_308 = vector.shape_cast %mul3A_301 : vector<16xf32> to vector<1x1x16xf32>
          tpu.vector_store %arg12[%swap3A_303, %swap3A_304, %swap3A_305], %swap3A_308 {strides = array<i32>} : memref<2x128x128xf32, #tpu.memory_space<vmem>>, vector<1x1x16xf32>,
        }
        %scan3A_110 = arith.constant 128 : i32
        %dma_start3A_111 = arith.constant 0 : i32
        %dma_start3A_112 = arith.constant 14 : i32
        %dma_start3A_113 = arith.constant 0 : i32
        %dma_start3A_114 = arith.constant 0 : i32
        %dma_start3A_115 = tpu.memref_slice %arg12[%dma_start3A_111, %dma_start3A_113, %dma_start3A_114] : memref<2x128x128xf32, #tpu.memory_space<vmem>> -> memref<1x128x128xf32, #tpu.memory_space<vmem>>
        %dma_start3A_116 = tpu.memref_squeeze %dma_start3A_115 : memref<1x128x128xf32, #tpu.memory_space<vmem>> -> memref<128x128xf32, #tpu.memory_space<vmem>>
        %dma_start3A_117 = arith.constant 0 : i32
        %dma_start3A_118 = tpu.memref_slice %arg11[%dma_start3A_112, %dma_start3A_117] : memref<16x128xi32, #tpu.memory_space<vmem>> -> memref<1x128xi32, #tpu.memory_space<vmem>>
        %dma_start3A_119 = tpu.memref_squeeze %dma_start3A_118 : memref<1x128xi32, #tpu.memory_space<vmem>> -> memref<128xi32, #tpu.memory_space<vmem>>
        %dma_start3A_120 = arith.constant 0 : i32
        %dma_start3A_121 = arith.constant 0 : i32
        %dma_start3A_122 = tpu.memref_slice %arg14[%dma_start3A_120, %dma_start3A_121] : memref<10240x128xf32, #tpu.memory_space<vmem_shared>> -> memref<10240x128xf32, #tpu.memory_space<vmem_shared>>
        tpu.enqueue_indirect_dma source(%dma_start3A_116 : memref<128x128xf32, #tpu.memory_space<vmem>>) target(%dma_start3A_122 : memref<10240x128xf32, #tpu.memory_space<vmem_shared>>) offsets(%dma_start3A_119 : memref<128xi32, #tpu.memory_space<vmem>>) semaphore(%arg17 : memref<!tpu.dma_semaphore, #tpu.memory_space<semaphore_mem>>) {add = true}
        %dma_wait3A_123 = arith.constant 0 : i32
        %dma_wait3A_124 = arith.constant 1 : i32
        %dma_wait3A_125 = arith.constant 0 : i32
        %dma_wait3A_126 = arith.constant 0 : i32
        %dma_wait3A_127 = tpu.memref_slice %arg12[%dma_wait3A_124, %dma_wait3A_125, %dma_wait3A_126] : memref<2x128x128xf32, #tpu.memory_space<vmem>> -> memref<1x128x128xf32, #tpu.memory_space<vmem>>
        %dma_wait3A_128 = tpu.memref_squeeze %dma_wait3A_127 : memref<1x128x128xf32, #tpu.memory_space<vmem>> -> memref<128x128xf32, #tpu.memory_space<vmem>>
        %dma_wait3A_129 = arith.constant 0 : i32
        %dma_wait3A_130 = tpu.memref_slice %arg9[%dma_wait3A_123, %dma_wait3A_129] : memref<16x128xi32, #tpu.memory_space<vmem>> -> memref<1x128xi32, #tpu.memory_space<vmem>>
        %dma_wait3A_131 = tpu.memref_squeeze %dma_wait3A_130 : memref<1x128xi32, #tpu.memory_space<vmem>> -> memref<128xi32, #tpu.memory_space<vmem>>
        %dma_wait3A_132 = arith.constant 0 : i32
        %dma_wait3A_133 = arith.constant 0 : i32
        %dma_wait3A_134 = tpu.memref_slice %arg2[%dma_wait3A_132, %dma_wait3A_133] : memref<90000x128xf32, #tpu.memory_space<hbm>> -> memref<90000x128xf32, #tpu.memory_space<hbm>>
        tpu.wait_indirect_dma semaphore(%arg16 : memref<!tpu.dma_semaphore, #tpu.memory_space<semaphore_mem>>) src(%dma_wait3A_134 : memref<90000x128xf32, #tpu.memory_space<hbm>>) dst(%dma_wait3A_128 : memref<128x128xf32, #tpu.memory_space<vmem>>)
        %dma_wait3A_135 = arith.constant 0 : i32
        %dma_wait3A_136 = arith.constant 1 : i32
        %dma_wait3A_137 = arith.constant 0 : i32
        %dma_wait3A_138 = arith.constant 0 : i32
        %dma_wait3A_139 = tpu.memref_slice %arg13[%dma_wait3A_136, %dma_wait3A_137, %dma_wait3A_138] : memref<2x128x16xf32, #tpu.memory_space<vmem>> -> memref<1x128x16xf32, #tpu.memory_space<vmem>>
        %dma_wait3A_140 = tpu.memref_squeeze %dma_wait3A_139 : memref<1x128x16xf32, #tpu.memory_space<vmem>> -> memref<128x16xf32, #tpu.memory_space<vmem>>
        %dma_wait3A_141 = arith.constant 0 : i32
        %dma_wait3A_142 = tpu.memref_slice %arg10[%dma_wait3A_135, %dma_wait3A_141] : memref<16x128xi32, #tpu.memory_space<vmem>> -> memref<1x128xi32, #tpu.memory_space<vmem>>
        %dma_wait3A_143 = tpu.memref_squeeze %dma_wait3A_142 : memref<1x128xi32, #tpu.memory_space<vmem>> -> memref<128xi32, #tpu.memory_space<vmem>>
        %dma_wait3A_144 = arith.constant 0 : i32
        %dma_wait3A_145 = arith.constant 0 : i32
        %dma_wait3A_146 = tpu.memref_slice %arg3[%dma_wait3A_144, %dma_wait3A_145] : memref<80128x16xf32, #tpu.memory_space<hbm>> -> memref<80128x16xf32, #tpu.memory_space<hbm>>
        tpu.wait_indirect_dma semaphore(%arg16 : memref<!tpu.dma_semaphore, #tpu.memory_space<semaphore_mem>>) src(%dma_wait3A_146 : memref<80128x16xf32, #tpu.memory_space<hbm>>) dst(%dma_wait3A_140 : memref<128x16xf32, #tpu.memory_space<vmem>>)
        %scan3A_147 = arith.constant 0 : i32
        %scan3A_148 = arith.constant 128 : i32
        %scan3A_149 = arith.addi %scan3A_147, %scan3A_148 : i32
        %scan3A_150 = arith.constant 1 : i32
        scf.for %scan3A_188 = %scan3A_147 to %scan3A_149 step %scan3A_150  : i32 {
          %mul3A_189 = arith.constant 1 : i32
          %mul3A_190 = arith.muli %scan3A_188, %mul3A_189 : i32
          %add3A_191 = arith.constant 0 : i32
          %add3A_192 = arith.addi %add3A_191, %mul3A_190 : i32
          %get3A = arith.constant 1 : i32
          %get3A_193 = arith.index_cast %get3A : i32 to index
          %get3A_194 = arith.index_cast %add3A_192 : i32 to index
          %get3A_195 = arith.constant 0 : index
          %get3A_196 = tpu.vector_load %arg13[%get3A_193, %get3A_194, %get3A_195] {strides = array<i32>} : memref<2x128x16xf32, #tpu.memory_space<vmem>>, vector<1x1x16xf32>,
          %get3A_197 = vector.shape_cast %get3A_196 : vector<1x1x16xf32> to vector<16xf32>
          %get3A_198 = arith.constant 1 : i32
          %get3A_199 = arith.index_cast %get3A_198 : i32 to index
          %get3A_200 = arith.index_cast %add3A_192 : i32 to index
          %get3A_201 = arith.constant 0 : index
          %get3A_202 = tpu.vector_load %arg12[%get3A_199, %get3A_200, %get3A_201] {strides = array<i32>} : memref<2x128x128xf32, #tpu.memory_space<vmem>>, vector<1x1x16xf32>,
          %get3A_203 = vector.shape_cast %get3A_202 : vector<1x1x16xf32> to vector<16xf32>
          %mul3A_204 = arith.mulf %get3A_203, %get3A_197 : vector<16xf32>
          %swap3A = arith.constant 1 : i32
          %swap3A_205 = arith.index_cast %swap3A : i32 to index
          %swap3A_206 = arith.index_cast %add3A_192 : i32 to index
          %swap3A_207 = arith.constant 0 : index
          %swap3A_208 = tpu.vector_load %arg12[%swap3A_205, %swap3A_206, %swap3A_207] {strides = array<i32>} : memref<2x128x128xf32, #tpu.memory_space<vmem>>, vector<1x1x16xf32>,
          %swap3A_209 = vector.shape_cast %swap3A_208 : vector<1x1x16xf32> to vector<16xf32>
          %swap3A_210 = vector.shape_cast %mul3A_204 : vector<16xf32> to vector<1x1x16xf32>
          tpu.vector_store %arg12[%swap3A_205, %swap3A_206, %swap3A_207], %swap3A_210 {strides = array<i32>} : memref<2x128x128xf32, #tpu.memory_space<vmem>>, vector<1x1x16xf32>,
          %get3A_211 = arith.constant 1 : i32
          %get3A_212 = arith.index_cast %get3A_211 : i32 to index
          %get3A_213 = arith.index_cast %add3A_192 : i32 to index
          %get3A_214 = arith.constant 16 : index
          %get3A_215 = tpu.vector_load %arg12[%get3A_212, %get3A_213, %get3A_214] {strides = array<i32>} : memref<2x128x128xf32, #tpu.memory_space<vmem>>, vector<1x1x16xf32>,
          %get3A_216 = vector.shape_cast %get3A_215 : vector<1x1x16xf32> to vector<16xf32>
          %mul3A_217 = arith.mulf %get3A_216, %get3A_197 : vector<16xf32>
          %swap3A_218 = arith.constant 1 : i32
          %swap3A_219 = arith.index_cast %swap3A_218 : i32 to index
          %swap3A_220 = arith.index_cast %add3A_192 : i32 to index
          %swap3A_221 = arith.constant 16 : index
          %swap3A_222 = tpu.vector_load %arg12[%swap3A_219, %swap3A_220, %swap3A_221] {strides = array<i32>} : memref<2x128x128xf32, #tpu.memory_space<vmem>>, vector<1x1x16xf32>,
          %swap3A_223 = vector.shape_cast %swap3A_222 : vector<1x1x16xf32> to vector<16xf32>
          %swap3A_224 = vector.shape_cast %mul3A_217 : vector<16xf32> to vector<1x1x16xf32>
          tpu.vector_store %arg12[%swap3A_219, %swap3A_220, %swap3A_221], %swap3A_224 {strides = array<i32>} : memref<2x128x128xf32, #tpu.memory_space<vmem>>, vector<1x1x16xf32>,
          %get3A_225 = arith.constant 1 : i32
          %get3A_226 = arith.index_cast %get3A_225 : i32 to index
          %get3A_227 = arith.index_cast %add3A_192 : i32 to index
          %get3A_228 = arith.constant 32 : index
          %get3A_229 = tpu.vector_load %arg12[%get3A_226, %get3A_227, %get3A_228] {strides = array<i32>} : memref<2x128x128xf32, #tpu.memory_space<vmem>>, vector<1x1x16xf32>,
          %get3A_230 = vector.shape_cast %get3A_229 : vector<1x1x16xf32> to vector<16xf32>
          %mul3A_231 = arith.mulf %get3A_230, %get3A_197 : vector<16xf32>
          %swap3A_232 = arith.constant 1 : i32
          %swap3A_233 = arith.index_cast %swap3A_232 : i32 to index
          %swap3A_234 = arith.index_cast %add3A_192 : i32 to index
          %swap3A_235 = arith.constant 32 : index
          %swap3A_236 = tpu.vector_load %arg12[%swap3A_233, %swap3A_234, %swap3A_235] {strides = array<i32>} : memref<2x128x128xf32, #tpu.memory_space<vmem>>, vector<1x1x16xf32>,
          %swap3A_237 = vector.shape_cast %swap3A_236 : vector<1x1x16xf32> to vector<16xf32>
          %swap3A_238 = vector.shape_cast %mul3A_231 : vector<16xf32> to vector<1x1x16xf32>
          tpu.vector_store %arg12[%swap3A_233, %swap3A_234, %swap3A_235], %swap3A_238 {strides = array<i32>} : memref<2x128x128xf32, #tpu.memory_space<vmem>>, vector<1x1x16xf32>,
          %get3A_239 = arith.constant 1 : i32
          %get3A_240 = arith.index_cast %get3A_239 : i32 to index
          %get3A_241 = arith.index_cast %add3A_192 : i32 to index
          %get3A_242 = arith.constant 48 : index
          %get3A_243 = tpu.vector_load %arg12[%get3A_240, %get3A_241, %get3A_242] {strides = array<i32>} : memref<2x128x128xf32, #tpu.memory_space<vmem>>, vector<1x1x16xf32>,
          %get3A_244 = vector.shape_cast %get3A_243 : vector<1x1x16xf32> to vector<16xf32>
          %mul3A_245 = arith.mulf %get3A_244, %get3A_197 : vector<16xf32>
          %swap3A_246 = arith.constant 1 : i32
          %swap3A_247 = arith.index_cast %swap3A_246 : i32 to index
          %swap3A_248 = arith.index_cast %add3A_192 : i32 to index
          %swap3A_249 = arith.constant 48 : index
          %swap3A_250 = tpu.vector_load %arg12[%swap3A_247, %swap3A_248, %swap3A_249] {strides = array<i32>} : memref<2x128x128xf32, #tpu.memory_space<vmem>>, vector<1x1x16xf32>,
          %swap3A_251 = vector.shape_cast %swap3A_250 : vector<1x1x16xf32> to vector<16xf32>
          %swap3A_252 = vector.shape_cast %mul3A_245 : vector<16xf32> to vector<1x1x16xf32>
          tpu.vector_store %arg12[%swap3A_247, %swap3A_248, %swap3A_249], %swap3A_252 {strides = array<i32>} : memref<2x128x128xf32, #tpu.memory_space<vmem>>, vector<1x1x16xf32>,
          %get3A_253 = arith.constant 1 : i32
          %get3A_254 = arith.index_cast %get3A_253 : i32 to index
          %get3A_255 = arith.index_cast %add3A_192 : i32 to index
          %get3A_256 = arith.constant 64 : index
          %get3A_257 = tpu.vector_load %arg12[%get3A_254, %get3A_255, %get3A_256] {strides = array<i32>} : memref<2x128x128xf32, #tpu.memory_space<vmem>>, vector<1x1x16xf32>,
          %get3A_258 = vector.shape_cast %get3A_257 : vector<1x1x16xf32> to vector<16xf32>
          %mul3A_259 = arith.mulf %get3A_258, %get3A_197 : vector<16xf32>
          %swap3A_260 = arith.constant 1 : i32
          %swap3A_261 = arith.index_cast %swap3A_260 : i32 to index
          %swap3A_262 = arith.index_cast %add3A_192 : i32 to index
          %swap3A_263 = arith.constant 64 : index
          %swap3A_264 = tpu.vector_load %arg12[%swap3A_261, %swap3A_262, %swap3A_263] {strides = array<i32>} : memref<2x128x128xf32, #tpu.memory_space<vmem>>, vector<1x1x16xf32>,
          %swap3A_265 = vector.shape_cast %swap3A_264 : vector<1x1x16xf32> to vector<16xf32>
          %swap3A_266 = vector.shape_cast %mul3A_259 : vector<16xf32> to vector<1x1x16xf32>
          tpu.vector_store %arg12[%swap3A_261, %swap3A_262, %swap3A_263], %swap3A_266 {strides = array<i32>} : memref<2x128x128xf32, #tpu.memory_space<vmem>>, vector<1x1x16xf32>,
          %get3A_267 = arith.constant 1 : i32
          %get3A_268 = arith.index_cast %get3A_267 : i32 to index
          %get3A_269 = arith.index_cast %add3A_192 : i32 to index
          %get3A_270 = arith.constant 80 : index
          %get3A_271 = tpu.vector_load %arg12[%get3A_268, %get3A_269, %get3A_270] {strides = array<i32>} : memref<2x128x128xf32, #tpu.memory_space<vmem>>, vector<1x1x16xf32>,
          %get3A_272 = vector.shape_cast %get3A_271 : vector<1x1x16xf32> to vector<16xf32>
          %mul3A_273 = arith.mulf %get3A_272, %get3A_197 : vector<16xf32>
          %swap3A_274 = arith.constant 1 : i32
          %swap3A_275 = arith.index_cast %swap3A_274 : i32 to index
          %swap3A_276 = arith.index_cast %add3A_192 : i32 to index
          %swap3A_277 = arith.constant 80 : index
          %swap3A_278 = tpu.vector_load %arg12[%swap3A_275, %swap3A_276, %swap3A_277] {strides = array<i32>} : memref<2x128x128xf32, #tpu.memory_space<vmem>>, vector<1x1x16xf32>,
          %swap3A_279 = vector.shape_cast %swap3A_278 : vector<1x1x16xf32> to vector<16xf32>
          %swap3A_280 = vector.shape_cast %mul3A_273 : vector<16xf32> to vector<1x1x16xf32>
          tpu.vector_store %arg12[%swap3A_275, %swap3A_276, %swap3A_277], %swap3A_280 {strides = array<i32>} : memref<2x128x128xf32, #tpu.memory_space<vmem>>, vector<1x1x16xf32>,
          %get3A_281 = arith.constant 1 : i32
          %get3A_282 = arith.index_cast %get3A_281 : i32 to index
          %get3A_283 = arith.index_cast %add3A_192 : i32 to index
          %get3A_284 = arith.constant 96 : index
          %get3A_285 = tpu.vector_load %arg12[%get3A_282, %get3A_283, %get3A_284] {strides = array<i32>} : memref<2x128x128xf32, #tpu.memory_space<vmem>>, vector<1x1x16xf32>,
          %get3A_286 = vector.shape_cast %get3A_285 : vector<1x1x16xf32> to vector<16xf32>
          %mul3A_287 = arith.mulf %get3A_286, %get3A_197 : vector<16xf32>
          %swap3A_288 = arith.constant 1 : i32
          %swap3A_289 = arith.index_cast %swap3A_288 : i32 to index
          %swap3A_290 = arith.index_cast %add3A_192 : i32 to index
          %swap3A_291 = arith.constant 96 : index
          %swap3A_292 = tpu.vector_load %arg12[%swap3A_289, %swap3A_290, %swap3A_291] {strides = array<i32>} : memref<2x128x128xf32, #tpu.memory_space<vmem>>, vector<1x1x16xf32>,
          %swap3A_293 = vector.shape_cast %swap3A_292 : vector<1x1x16xf32> to vector<16xf32>
          %swap3A_294 = vector.shape_cast %mul3A_287 : vector<16xf32> to vector<1x1x16xf32>
          tpu.vector_store %arg12[%swap3A_289, %swap3A_290, %swap3A_291], %swap3A_294 {strides = array<i32>} : memref<2x128x128xf32, #tpu.memory_space<vmem>>, vector<1x1x16xf32>,
          %get3A_295 = arith.constant 1 : i32
          %get3A_296 = arith.index_cast %get3A_295 : i32 to index
          %get3A_297 = arith.index_cast %add3A_192 : i32 to index
          %get3A_298 = arith.constant 112 : index
          %get3A_299 = tpu.vector_load %arg12[%get3A_296, %get3A_297, %get3A_298] {strides = array<i32>} : memref<2x128x128xf32, #tpu.memory_space<vmem>>, vector<1x1x16xf32>,
          %get3A_300 = vector.shape_cast %get3A_299 : vector<1x1x16xf32> to vector<16xf32>
          %mul3A_301 = arith.mulf %get3A_300, %get3A_197 : vector<16xf32>
          %swap3A_302 = arith.constant 1 : i32
          %swap3A_303 = arith.index_cast %swap3A_302 : i32 to index
          %swap3A_304 = arith.index_cast %add3A_192 : i32 to index
          %swap3A_305 = arith.constant 112 : index
          %swap3A_306 = tpu.vector_load %arg12[%swap3A_303, %swap3A_304, %swap3A_305] {strides = array<i32>} : memref<2x128x128xf32, #tpu.memory_space<vmem>>, vector<1x1x16xf32>,
          %swap3A_307 = vector.shape_cast %swap3A_306 : vector<1x1x16xf32> to vector<16xf32>
          %swap3A_308 = vector.shape_cast %mul3A_301 : vector<16xf32> to vector<1x1x16xf32>
          tpu.vector_store %arg12[%swap3A_303, %swap3A_304, %swap3A_305], %swap3A_308 {strides = array<i32>} : memref<2x128x128xf32, #tpu.memory_space<vmem>>, vector<1x1x16xf32>,
        }
        %scan3A_151 = arith.constant 128 : i32
        %dma_start3A_152 = arith.constant 1 : i32
        %dma_start3A_153 = arith.constant 15 : i32
        %dma_start3A_154 = arith.constant 0 : i32
        %dma_start3A_155 = arith.constant 0 : i32
        %dma_start3A_156 = tpu.memref_slice %arg12[%dma_start3A_152, %dma_start3A_154, %dma_start3A_155] : memref<2x128x128xf32, #tpu.memory_space<vmem>> -> memref<1x128x128xf32, #tpu.memory_space<vmem>>
        %dma_start3A_157 = tpu.memref_squeeze %dma_start3A_156 : memref<1x128x128xf32, #tpu.memory_space<vmem>> -> memref<128x128xf32, #tpu.memory_space<vmem>>
        %dma_start3A_158 = arith.constant 0 : i32
        %dma_start3A_159 = tpu.memref_slice %arg11[%dma_start3A_153, %dma_start3A_158] : memref<16x128xi32, #tpu.memory_space<vmem>> -> memref<1x128xi32, #tpu.memory_space<vmem>>
        %dma_start3A_160 = tpu.memref_squeeze %dma_start3A_159 : memref<1x128xi32, #tpu.memory_space<vmem>> -> memref<128xi32, #tpu.memory_space<vmem>>
        %dma_start3A_161 = arith.constant 0 : i32
        %dma_start3A_162 = arith.constant 0 : i32
        %dma_start3A_163 = tpu.memref_slice %arg14[%dma_start3A_161, %dma_start3A_162] : memref<10240x128xf32, #tpu.memory_space<vmem_shared>> -> memref<10240x128xf32, #tpu.memory_space<vmem_shared>>
        tpu.enqueue_indirect_dma source(%dma_start3A_157 : memref<128x128xf32, #tpu.memory_space<vmem>>) target(%dma_start3A_163 : memref<10240x128xf32, #tpu.memory_space<vmem_shared>>) offsets(%dma_start3A_160 : memref<128xi32, #tpu.memory_space<vmem>>) semaphore(%arg18 : memref<!tpu.dma_semaphore, #tpu.memory_space<semaphore_mem>>) {add = true}
        %dma_wait3A_164 = arith.constant 0 : i32
        %dma_wait3A_165 = arith.constant 0 : i32
        %dma_wait3A_166 = arith.constant 0 : i32
        %dma_wait3A_167 = arith.constant 0 : i32
        %dma_wait3A_168 = tpu.memref_slice %arg12[%dma_wait3A_164, %dma_wait3A_166, %dma_wait3A_167] : memref<2x128x128xf32, #tpu.memory_space<vmem>> -> memref<1x128x128xf32, #tpu.memory_space<vmem>>
        %dma_wait3A_169 = tpu.memref_squeeze %dma_wait3A_168 : memref<1x128x128xf32, #tpu.memory_space<vmem>> -> memref<128x128xf32, #tpu.memory_space<vmem>>
        %dma_wait3A_170 = arith.constant 0 : i32
        %dma_wait3A_171 = tpu.memref_slice %arg11[%dma_wait3A_165, %dma_wait3A_170] : memref<16x128xi32, #tpu.memory_space<vmem>> -> memref<1x128xi32, #tpu.memory_space<vmem>>
        %dma_wait3A_172 = tpu.memref_squeeze %dma_wait3A_171 : memref<1x128xi32, #tpu.memory_space<vmem>> -> memref<128xi32, #tpu.memory_space<vmem>>
        %dma_wait3A_173 = arith.constant 0 : i32
        %dma_wait3A_174 = arith.constant 0 : i32
        %dma_wait3A_175 = tpu.memref_slice %arg14[%dma_wait3A_173, %dma_wait3A_174] : memref<10240x128xf32, #tpu.memory_space<vmem_shared>> -> memref<10240x128xf32, #tpu.memory_space<vmem_shared>>
        tpu.wait_indirect_dma semaphore(%arg17 : memref<!tpu.dma_semaphore, #tpu.memory_space<semaphore_mem>>) src(%dma_wait3A_169 : memref<128x128xf32, #tpu.memory_space<vmem>>) dst(%dma_wait3A_175 : memref<10240x128xf32, #tpu.memory_space<vmem_shared>>)
        %dma_wait3A_176 = arith.constant 1 : i32
        %dma_wait3A_177 = arith.constant 0 : i32
        %dma_wait3A_178 = arith.constant 0 : i32
        %dma_wait3A_179 = arith.constant 0 : i32
        %dma_wait3A_180 = tpu.memref_slice %arg12[%dma_wait3A_176, %dma_wait3A_178, %dma_wait3A_179] : memref<2x128x128xf32, #tpu.memory_space<vmem>> -> memref<1x128x128xf32, #tpu.memory_space<vmem>>
        %dma_wait3A_181 = tpu.memref_squeeze %dma_wait3A_180 : memref<1x128x128xf32, #tpu.memory_space<vmem>> -> memref<128x128xf32, #tpu.memory_space<vmem>>
        %dma_wait3A_182 = arith.constant 0 : i32
        %dma_wait3A_183 = tpu.memref_slice %arg11[%dma_wait3A_177, %dma_wait3A_182] : memref<16x128xi32, #tpu.memory_space<vmem>> -> memref<1x128xi32, #tpu.memory_space<vmem>>
        %dma_wait3A_184 = tpu.memref_squeeze %dma_wait3A_183 : memref<1x128xi32, #tpu.memory_space<vmem>> -> memref<128xi32, #tpu.memory_space<vmem>>
        %dma_wait3A_185 = arith.constant 0 : i32
        %dma_wait3A_186 = arith.constant 0 : i32
        %dma_wait3A_187 = tpu.memref_slice %arg14[%dma_wait3A_185, %dma_wait3A_186] : memref<10240x128xf32, #tpu.memory_space<vmem_shared>> -> memref<10240x128xf32, #tpu.memory_space<vmem_shared>>
        tpu.wait_indirect_dma semaphore(%arg18 : memref<!tpu.dma_semaphore, #tpu.memory_space<semaphore_mem>>) src(%dma_wait3A_181 : memref<128x128xf32, #tpu.memory_space<vmem>>) dst(%dma_wait3A_187 : memref<10240x128xf32, #tpu.memory_space<vmem_shared>>)
      }
      %scan3A_19 = arith.constant 2 : i32
    } else {
    }
    "tpu.trace_stop"() : () -> ()
    "tpu.trace_start"() <{level = 10 : i32, message = "agg_out"}> : () -> ()
    %barrier3A_10 = arith.constant 0 : index
    tpu.barrier barrier_id(%barrier3A_10)
    %scan3A = arith.constant 0 : i32
    %scan3A_11 = arith.constant 5 : i32
    %scan3A_12 = arith.addi %scan3A, %scan3A_11 : i32
    %scan3A_13 = arith.constant 1 : i32
    scf.for %scan3A_15 = %scan3A to %scan3A_12 step %scan3A_13  : i32 {
      %mul3A_16 = arith.constant 1 : i32
      %mul3A_17 = arith.muli %scan3A_15, %mul3A_16 : i32
      %add3A = arith.constant 0 : i32
      %add3A_18 = arith.addi %add3A, %mul3A_17 : i32
      %mul3A_19 = arith.constant 640 : i32
      %mul3A_20 = arith.muli %arg1, %mul3A_19 : i32
      %mul3A_21 = arith.constant 128 : i32
      %mul3A_22 = arith.muli %add3A_18, %mul3A_21 : i32
      %add3A_23 = arith.addi %mul3A_20, %mul3A_22 : i32
      %run_scoped3A = arith.constant 0 : i32
      "tpu.region"() ({
        %run_scoped3A_25 = tpu.sem_alloc : memref<!tpu.dma_semaphore, #tpu.memory_space<semaphore_mem>>
        %dma_start3A = arith.constant 0 : i32
        %dma_start3A_26 = arith.constant 0 : i32
        %dma_start3A_27 = tpu.memref_slice %arg12[%run_scoped3A, %dma_start3A, %dma_start3A_26] : memref<2x128x128xf32, #tpu.memory_space<vmem>> -> memref<1x128x128xf32, #tpu.memory_space<vmem>>
        %dma_start3A_28 = tpu.memref_squeeze %dma_start3A_27 : memref<1x128x128xf32, #tpu.memory_space<vmem>> -> memref<128x128xf32, #tpu.memory_space<vmem>>
        %dma_start3A_29 = arith.constant 0 : i32
        %dma_start3A_30 = tpu.memref_slice %arg14[%add3A_23, %dma_start3A_29] : memref<10240x128xf32, #tpu.memory_space<vmem_shared>> -> memref<128x128xf32, #tpu.memory_space<vmem_shared>>
        %dma_start3A_31 = arith.constant 0 : i32
        %dma_start3A_32 = arith.constant 0 : i32
        %dma_start3A_33 = tpu.memref_slice %arg12[%run_scoped3A, %dma_start3A_31, %dma_start3A_32] : memref<2x128x128xf32, #tpu.memory_space<vmem>> -> memref<1x128x128xf32, #tpu.memory_space<vmem>>
        %dma_start3A_34 = tpu.memref_squeeze %dma_start3A_33 : memref<1x128x128xf32, #tpu.memory_space<vmem>> -> memref<128x128xf32, #tpu.memory_space<vmem>>
        %dma_start3A_35 = arith.constant 0 : i32
        %dma_start3A_36 = tpu.memref_slice %arg14[%add3A_23, %dma_start3A_35] : memref<10240x128xf32, #tpu.memory_space<vmem_shared>> -> memref<128x128xf32, #tpu.memory_space<vmem_shared>>
        tpu.enqueue_dma source(%dma_start3A_36 : memref<128x128xf32, #tpu.memory_space<vmem_shared>>) target(%dma_start3A_34 : memref<128x128xf32, #tpu.memory_space<vmem>>) target_semaphore(%run_scoped3A_25 : memref<!tpu.dma_semaphore, #tpu.memory_space<semaphore_mem>>)
        %dma_wait3A = arith.constant 0 : i32
        %dma_wait3A_37 = arith.constant 0 : i32
        %dma_wait3A_38 = tpu.memref_slice %arg12[%run_scoped3A, %dma_wait3A, %dma_wait3A_37] : memref<2x128x128xf32, #tpu.memory_space<vmem>> -> memref<1x128x128xf32, #tpu.memory_space<vmem>>
        %dma_wait3A_39 = tpu.memref_squeeze %dma_wait3A_38 : memref<1x128x128xf32, #tpu.memory_space<vmem>> -> memref<128x128xf32, #tpu.memory_space<vmem>>
        %dma_wait3A_40 = arith.constant 0 : i32
        %dma_wait3A_41 = tpu.memref_slice %arg14[%add3A_23, %dma_wait3A_40] : memref<10240x128xf32, #tpu.memory_space<vmem_shared>> -> memref<128x128xf32, #tpu.memory_space<vmem_shared>>
        %dma_wait3A_42 = arith.constant 0 : i32
        %dma_wait3A_43 = arith.constant 0 : i32
        %dma_wait3A_44 = tpu.memref_slice %arg12[%run_scoped3A, %dma_wait3A_42, %dma_wait3A_43] : memref<2x128x128xf32, #tpu.memory_space<vmem>> -> memref<1x128x128xf32, #tpu.memory_space<vmem>>
        %dma_wait3A_45 = tpu.memref_squeeze %dma_wait3A_44 : memref<1x128x128xf32, #tpu.memory_space<vmem>> -> memref<128x128xf32, #tpu.memory_space<vmem>>
        %dma_wait3A_46 = arith.constant 0 : i32
        %dma_wait3A_47 = tpu.memref_slice %arg14[%add3A_23, %dma_wait3A_46] : memref<10240x128xf32, #tpu.memory_space<vmem_shared>> -> memref<128x128xf32, #tpu.memory_space<vmem_shared>>
        tpu.wait_dma2 semaphore(%run_scoped3A_25 : memref<!tpu.dma_semaphore, #tpu.memory_space<semaphore_mem>>) src(%dma_wait3A_47 : memref<128x128xf32, #tpu.memory_space<vmem_shared>>) dst(%dma_wait3A_45 : memref<128x128xf32, #tpu.memory_space<vmem>>)
        tpu.yield
      }) : () -> ()
      %run_scoped3A_24 = arith.constant 0 : i32
      "tpu.region"() ({
        %run_scoped3A_25 = tpu.sem_alloc : memref<!tpu.dma_semaphore, #tpu.memory_space<semaphore_mem>>
        %dma_start3A = arith.constant 0 : i32
        %dma_start3A_26 = arith.constant 0 : i32
        %dma_start3A_27 = tpu.memref_slice %arg12[%run_scoped3A_24, %dma_start3A, %dma_start3A_26] : memref<2x128x128xf32, #tpu.memory_space<vmem>> -> memref<1x128x128xf32, #tpu.memory_space<vmem>>
        %dma_start3A_28 = tpu.memref_squeeze %dma_start3A_27 : memref<1x128x128xf32, #tpu.memory_space<vmem>> -> memref<128x128xf32, #tpu.memory_space<vmem>>
        %dma_start3A_29 = arith.constant 0 : i32
        %dma_start3A_30 = arith.constant 0 : i32
        %dma_start3A_31 = tpu.memref_slice %arg8[%arg0, %dma_start3A_29, %dma_start3A_30] : memref<2x10240x128xf32, #tpu.memory_space<hbm>> -> memref<1x10240x128xf32, #tpu.memory_space<hbm>>
        %dma_start3A_32 = tpu.memref_squeeze %dma_start3A_31 : memref<1x10240x128xf32, #tpu.memory_space<hbm>> -> memref<10240x128xf32, #tpu.memory_space<hbm>>
        %dma_start3A_33 = arith.constant 0 : i32
        %dma_start3A_34 = tpu.memref_slice %dma_start3A_32[%add3A_23, %dma_start3A_33] : memref<10240x128xf32, #tpu.memory_space<hbm>> -> memref<128x128xf32, #tpu.memory_space<hbm>>
        %dma_start3A_35 = arith.constant 0 : i32
        %dma_start3A_36 = arith.constant 0 : i32
        %dma_start3A_37 = tpu.memref_slice %arg8[%arg0, %dma_start3A_35, %dma_start3A_36] : memref<2x10240x128xf32, #tpu.memory_space<hbm>> -> memref<1x10240x128xf32, #tpu.memory_space<hbm>>
        %dma_start3A_38 = tpu.memref_squeeze %dma_start3A_37 : memref<1x10240x128xf32, #tpu.memory_space<hbm>> -> memref<10240x128xf32, #tpu.memory_space<hbm>>
        %dma_start3A_39 = arith.constant 0 : i32
        %dma_start3A_40 = tpu.memref_slice %dma_start3A_38[%add3A_23, %dma_start3A_39] : memref<10240x128xf32, #tpu.memory_space<hbm>> -> memref<128x128xf32, #tpu.memory_space<hbm>>
        %dma_start3A_41 = arith.constant 0 : i32
        %dma_start3A_42 = arith.constant 0 : i32
        %dma_start3A_43 = tpu.memref_slice %arg12[%run_scoped3A_24, %dma_start3A_41, %dma_start3A_42] : memref<2x128x128xf32, #tpu.memory_space<vmem>> -> memref<1x128x128xf32, #tpu.memory_space<vmem>>
        %dma_start3A_44 = tpu.memref_squeeze %dma_start3A_43 : memref<1x128x128xf32, #tpu.memory_space<vmem>> -> memref<128x128xf32, #tpu.memory_space<vmem>>
        tpu.enqueue_dma source(%dma_start3A_44 : memref<128x128xf32, #tpu.memory_space<vmem>>) target(%dma_start3A_40 : memref<128x128xf32, #tpu.memory_space<hbm>>) target_semaphore(%run_scoped3A_25 : memref<!tpu.dma_semaphore, #tpu.memory_space<semaphore_mem>>)
        %dma_wait3A = arith.constant 0 : i32
        %dma_wait3A_45 = arith.constant 0 : i32
        %dma_wait3A_46 = tpu.memref_slice %arg12[%run_scoped3A_24, %dma_wait3A, %dma_wait3A_45] : memref<2x128x128xf32, #tpu.memory_space<vmem>> -> memref<1x128x128xf32, #tpu.memory_space<vmem>>
        %dma_wait3A_47 = tpu.memref_squeeze %dma_wait3A_46 : memref<1x128x128xf32, #tpu.memory_space<vmem>> -> memref<128x128xf32, #tpu.memory_space<vmem>>
        %dma_wait3A_48 = arith.constant 0 : i32
        %dma_wait3A_49 = arith.constant 0 : i32
        %dma_wait3A_50 = tpu.memref_slice %arg8[%arg0, %dma_wait3A_48, %dma_wait3A_49] : memref<2x10240x128xf32, #tpu.memory_space<hbm>> -> memref<1x10240x128xf32, #tpu.memory_space<hbm>>
        %dma_wait3A_51 = tpu.memref_squeeze %dma_wait3A_50 : memref<1x10240x128xf32, #tpu.memory_space<hbm>> -> memref<10240x128xf32, #tpu.memory_space<hbm>>
        %dma_wait3A_52 = arith.constant 0 : i32
        %dma_wait3A_53 = tpu.memref_slice %dma_wait3A_51[%add3A_23, %dma_wait3A_52] : memref<10240x128xf32, #tpu.memory_space<hbm>> -> memref<128x128xf32, #tpu.memory_space<hbm>>
        %dma_wait3A_54 = arith.constant 0 : i32
        %dma_wait3A_55 = arith.constant 0 : i32
        %dma_wait3A_56 = tpu.memref_slice %arg8[%arg0, %dma_wait3A_54, %dma_wait3A_55] : memref<2x10240x128xf32, #tpu.memory_space<hbm>> -> memref<1x10240x128xf32, #tpu.memory_space<hbm>>
        %dma_wait3A_57 = tpu.memref_squeeze %dma_wait3A_56 : memref<1x10240x128xf32, #tpu.memory_space<hbm>> -> memref<10240x128xf32, #tpu.memory_space<hbm>>
        %dma_wait3A_58 = arith.constant 0 : i32
        %dma_wait3A_59 = tpu.memref_slice %dma_wait3A_57[%add3A_23, %dma_wait3A_58] : memref<10240x128xf32, #tpu.memory_space<hbm>> -> memref<128x128xf32, #tpu.memory_space<hbm>>
        %dma_wait3A_60 = arith.constant 0 : i32
        %dma_wait3A_61 = arith.constant 0 : i32
        %dma_wait3A_62 = tpu.memref_slice %arg12[%run_scoped3A_24, %dma_wait3A_60, %dma_wait3A_61] : memref<2x128x128xf32, #tpu.memory_space<vmem>> -> memref<1x128x128xf32, #tpu.memory_space<vmem>>
        %dma_wait3A_63 = tpu.memref_squeeze %dma_wait3A_62 : memref<1x128x128xf32, #tpu.memory_space<vmem>> -> memref<128x128xf32, #tpu.memory_space<vmem>>
        tpu.wait_dma2 semaphore(%run_scoped3A_25 : memref<!tpu.dma_semaphore, #tpu.memory_space<semaphore_mem>>) src(%dma_wait3A_63 : memref<128x128xf32, #tpu.memory_space<vmem>>) dst(%dma_wait3A_59 : memref<128x128xf32, #tpu.memory_space<hbm>>)
        tpu.yield
      }) : () -> ()
    }
    %scan3A_14 = arith.constant 5 : i32
    "tpu.trace_stop"() : () -> ()
    return
  }
}

#map = affine_map<(d0, d1) -> (0, 0)>
#map1 = affine_map<(d0, d1) -> (0, 0, 0)>
module attributes {stable_mosaic.version = 14 : i64} {
  func.func @_sc_counts(%arg0: i32, %arg1: i32, %arg2: memref<2560x128xi32, #tpu.memory_space<hbm>>, %arg3: memref<80128x16xf32, #tpu.memory_space<hbm>>, %arg4: memref<2x80128x16xf32, #tpu.memory_space<hbm>>, %arg5: memref<80x128xi32, #tpu.memory_space<vmem>>, %arg6: memref<128x16xf32, #tpu.memory_space<vmem>>, %arg7: memref<80128x16xf32, #tpu.memory_space<vmem_shared>>) attributes {dimension_semantics = [#tpu.dimension_semantics<core_parallel>, #tpu.dimension_semantics<subcore_parallel>], iteration_bounds = array<i64: 2, 16>, scalar_prefetch = 0 : i64, scratch_operands = 3 : i64, tpu.core_type = #tpu.core_type<sc_vector_subcore>, window_params = [{transform_indices = #map}, {transform_indices = #map}, {transform_indices = #map1}]} {
    %mul3A = arith.constant 16 : i32
    %mul3A_0 = arith.muli %arg0, %mul3A : i32
    %add3A = arith.addi %mul3A_0, %arg1 : i32
    %mul3A_1 = arith.constant 5008 : i32
    %mul3A_2 = arith.muli %arg1, %mul3A_1 : i32
    %mul3A_3 = arith.constant 5008 : i32
    %mul3A_4 = arith.muli %arg1, %mul3A_3 : i32
    "tpu.region"() ({
      %run_scoped3A = tpu.sem_alloc : memref<!tpu.dma_semaphore, #tpu.memory_space<semaphore_mem>>
      %dma_start3A = arith.constant 0 : i32
      %dma_start3A_21 = tpu.memref_slice %arg7[%mul3A_4, %dma_start3A] : memref<80128x16xf32, #tpu.memory_space<vmem_shared>> -> memref<5008x16xf32, #tpu.memory_space<vmem_shared>>
      %dma_start3A_22 = arith.constant 0 : i32
      %dma_start3A_23 = tpu.memref_slice %arg3[%mul3A_2, %dma_start3A_22] : memref<80128x16xf32, #tpu.memory_space<hbm>> -> memref<5008x16xf32, #tpu.memory_space<hbm>>
      tpu.enqueue_dma source(%dma_start3A_23 : memref<5008x16xf32, #tpu.memory_space<hbm>>) target(%dma_start3A_21 : memref<5008x16xf32, #tpu.memory_space<vmem_shared>>) target_semaphore(%run_scoped3A : memref<!tpu.dma_semaphore, #tpu.memory_space<semaphore_mem>>)
      %dma_wait3A = arith.constant 0 : i32
      %dma_wait3A_24 = tpu.memref_slice %arg7[%mul3A_4, %dma_wait3A] : memref<80128x16xf32, #tpu.memory_space<vmem_shared>> -> memref<5008x16xf32, #tpu.memory_space<vmem_shared>>
      %dma_wait3A_25 = arith.constant 0 : i32
      %dma_wait3A_26 = tpu.memref_slice %arg3[%mul3A_2, %dma_wait3A_25] : memref<80128x16xf32, #tpu.memory_space<hbm>> -> memref<5008x16xf32, #tpu.memory_space<hbm>>
      tpu.wait_dma2 semaphore(%run_scoped3A : memref<!tpu.dma_semaphore, #tpu.memory_space<semaphore_mem>>) src(%dma_wait3A_26 : memref<5008x16xf32, #tpu.memory_space<hbm>>) dst(%dma_wait3A_24 : memref<5008x16xf32, #tpu.memory_space<vmem_shared>>)
      tpu.yield
    }) : () -> ()
    %mul3A_5 = arith.constant 80 : i32
    %mul3A_6 = arith.muli %add3A, %mul3A_5 : i32
    "tpu.region"() ({
      %run_scoped3A = tpu.sem_alloc : memref<!tpu.dma_semaphore, #tpu.memory_space<semaphore_mem>>
      %dma_start3A = arith.constant 0 : i32
      %dma_start3A_21 = tpu.memref_slice %arg2[%mul3A_6, %dma_start3A] : memref<2560x128xi32, #tpu.memory_space<hbm>> -> memref<80x128xi32, #tpu.memory_space<hbm>>
      %dma_start3A_22 = arith.constant 0 : i32
      %dma_start3A_23 = tpu.memref_slice %arg2[%mul3A_6, %dma_start3A_22] : memref<2560x128xi32, #tpu.memory_space<hbm>> -> memref<80x128xi32, #tpu.memory_space<hbm>>
      tpu.enqueue_dma source(%dma_start3A_23 : memref<80x128xi32, #tpu.memory_space<hbm>>) target(%arg5 : memref<80x128xi32, #tpu.memory_space<vmem>>) target_semaphore(%run_scoped3A : memref<!tpu.dma_semaphore, #tpu.memory_space<semaphore_mem>>)
      %dma_wait3A = arith.constant 0 : i32
      %dma_wait3A_24 = tpu.memref_slice %arg2[%mul3A_6, %dma_wait3A] : memref<2560x128xi32, #tpu.memory_space<hbm>> -> memref<80x128xi32, #tpu.memory_space<hbm>>
      %dma_wait3A_25 = arith.constant 0 : i32
      %dma_wait3A_26 = tpu.memref_slice %arg2[%mul3A_6, %dma_wait3A_25] : memref<2560x128xi32, #tpu.memory_space<hbm>> -> memref<80x128xi32, #tpu.memory_space<hbm>>
      tpu.wait_dma2 semaphore(%run_scoped3A : memref<!tpu.dma_semaphore, #tpu.memory_space<semaphore_mem>>) src(%dma_wait3A_26 : memref<80x128xi32, #tpu.memory_space<hbm>>) dst(%arg5 : memref<80x128xi32, #tpu.memory_space<vmem>>)
      tpu.yield
    }) : () -> ()
    %scan3A = arith.constant 0 : i32
    %scan3A_7 = arith.constant 128 : i32
    %scan3A_8 = arith.addi %scan3A, %scan3A_7 : i32
    %scan3A_9 = arith.constant 1 : i32
    scf.for %scan3A_21 = %scan3A to %scan3A_8 step %scan3A_9  : i32 {
      %mul3A_22 = arith.constant 1 : i32
      %mul3A_23 = arith.muli %scan3A_21, %mul3A_22 : i32
      %add3A_24 = arith.constant 0 : i32
      %add3A_25 = arith.addi %add3A_24, %mul3A_23 : i32
      %broadcast_in_dim3A = arith.constant 1.000000e+00 : f32
      %broadcast_in_dim3A_26 = vector.broadcast %broadcast_in_dim3A : f32 to vector<16xf32>
      %swap3A = arith.index_cast %add3A_25 : i32 to index
      %swap3A_27 = arith.constant 0 : index
      %swap3A_28 = tpu.vector_load %arg6[%swap3A, %swap3A_27] {strides = array<i32>} : memref<128x16xf32, #tpu.memory_space<vmem>>, vector<1x16xf32>,
      %swap3A_29 = vector.shape_cast %swap3A_28 : vector<1x16xf32> to vector<16xf32>
      %swap3A_30 = vector.shape_cast %broadcast_in_dim3A_26 : vector<16xf32> to vector<1x16xf32>
      tpu.vector_store %arg6[%swap3A, %swap3A_27], %swap3A_30 {strides = array<i32>} : memref<128x16xf32, #tpu.memory_space<vmem>>, vector<1x16xf32>,
    }
    %scan3A_10 = arith.constant 128 : i32
    %barrier3A = arith.constant 0 : index
    tpu.barrier barrier_id(%barrier3A)
    %scan3A_11 = arith.constant 0 : i32
    %scan3A_12 = arith.constant 80 : i32
    %scan3A_13 = arith.addi %scan3A_11, %scan3A_12 : i32
    %scan3A_14 = arith.constant 1 : i32
    scf.for %scan3A_21 = %scan3A_11 to %scan3A_13 step %scan3A_14  : i32 {
      %mul3A_22 = arith.constant 1 : i32
      %mul3A_23 = arith.muli %scan3A_21, %mul3A_22 : i32
      %add3A_24 = arith.constant 0 : i32
      %add3A_25 = arith.addi %add3A_24, %mul3A_23 : i32
      "tpu.region"() ({
        %run_scoped3A = tpu.sem_alloc : memref<!tpu.dma_semaphore, #tpu.memory_space<semaphore_mem>>
        %dma_start3A = arith.constant 0 : i32
        %dma_start3A_26 = tpu.memref_slice %arg5[%add3A_25, %dma_start3A] : memref<80x128xi32, #tpu.memory_space<vmem>> -> memref<1x128xi32, #tpu.memory_space<vmem>>
        %dma_start3A_27 = tpu.memref_squeeze %dma_start3A_26 : memref<1x128xi32, #tpu.memory_space<vmem>> -> memref<128xi32, #tpu.memory_space<vmem>>
        %dma_start3A_28 = arith.constant 0 : i32
        %dma_start3A_29 = arith.constant 0 : i32
        %dma_start3A_30 = tpu.memref_slice %arg7[%dma_start3A_28, %dma_start3A_29] : memref<80128x16xf32, #tpu.memory_space<vmem_shared>> -> memref<80128x16xf32, #tpu.memory_space<vmem_shared>>
        tpu.enqueue_indirect_dma source(%arg6 : memref<128x16xf32, #tpu.memory_space<vmem>>) target(%dma_start3A_30 : memref<80128x16xf32, #tpu.memory_space<vmem_shared>>) offsets(%dma_start3A_27 : memref<128xi32, #tpu.memory_space<vmem>>) semaphore(%run_scoped3A : memref<!tpu.dma_semaphore, #tpu.memory_space<semaphore_mem>>) {add = true}
        %dma_wait3A = arith.constant 0 : i32
        %dma_wait3A_31 = tpu.memref_slice %arg5[%add3A_25, %dma_wait3A] : memref<80x128xi32, #tpu.memory_space<vmem>> -> memref<1x128xi32, #tpu.memory_space<vmem>>
        %dma_wait3A_32 = tpu.memref_squeeze %dma_wait3A_31 : memref<1x128xi32, #tpu.memory_space<vmem>> -> memref<128xi32, #tpu.memory_space<vmem>>
        %dma_wait3A_33 = arith.constant 0 : i32
        %dma_wait3A_34 = arith.constant 0 : i32
        %dma_wait3A_35 = tpu.memref_slice %arg7[%dma_wait3A_33, %dma_wait3A_34] : memref<80128x16xf32, #tpu.memory_space<vmem_shared>> -> memref<80128x16xf32, #tpu.memory_space<vmem_shared>>
        tpu.wait_indirect_dma semaphore(%run_scoped3A : memref<!tpu.dma_semaphore, #tpu.memory_space<semaphore_mem>>) src(%arg6 : memref<128x16xf32, #tpu.memory_space<vmem>>) dst(%dma_wait3A_35 : memref<80128x16xf32, #tpu.memory_space<vmem_shared>>)
        tpu.yield
      }) : () -> ()
    }
    %scan3A_15 = arith.constant 80 : i32
    %barrier3A_16 = arith.constant 0 : index
    tpu.barrier barrier_id(%barrier3A_16)
    %mul3A_17 = arith.constant 5008 : i32
    %mul3A_18 = arith.muli %arg1, %mul3A_17 : i32
    %mul3A_19 = arith.constant 5008 : i32
    %mul3A_20 = arith.muli %arg1, %mul3A_19 : i32
    "tpu.region"() ({
      %run_scoped3A = tpu.sem_alloc : memref<!tpu.dma_semaphore, #tpu.memory_space<semaphore_mem>>
      %dma_start3A = arith.constant 0 : i32
      %dma_start3A_21 = arith.constant 0 : i32
      %dma_start3A_22 = tpu.memref_slice %arg4[%arg0, %dma_start3A, %dma_start3A_21] : memref<2x80128x16xf32, #tpu.memory_space<hbm>> -> memref<1x80128x16xf32, #tpu.memory_space<hbm>>
      %dma_start3A_23 = tpu.memref_squeeze %dma_start3A_22 : memref<1x80128x16xf32, #tpu.memory_space<hbm>> -> memref<80128x16xf32, #tpu.memory_space<hbm>>
      %dma_start3A_24 = arith.constant 0 : i32
      %dma_start3A_25 = tpu.memref_slice %dma_start3A_23[%mul3A_20, %dma_start3A_24] : memref<80128x16xf32, #tpu.memory_space<hbm>> -> memref<5008x16xf32, #tpu.memory_space<hbm>>
      %dma_start3A_26 = arith.constant 0 : i32
      %dma_start3A_27 = tpu.memref_slice %arg7[%mul3A_18, %dma_start3A_26] : memref<80128x16xf32, #tpu.memory_space<vmem_shared>> -> memref<5008x16xf32, #tpu.memory_space<vmem_shared>>
      tpu.enqueue_dma source(%dma_start3A_27 : memref<5008x16xf32, #tpu.memory_space<vmem_shared>>) target(%dma_start3A_25 : memref<5008x16xf32, #tpu.memory_space<hbm>>) target_semaphore(%run_scoped3A : memref<!tpu.dma_semaphore, #tpu.memory_space<semaphore_mem>>)
      %dma_wait3A = arith.constant 0 : i32
      %dma_wait3A_28 = arith.constant 0 : i32
      %dma_wait3A_29 = tpu.memref_slice %arg4[%arg0, %dma_wait3A, %dma_wait3A_28] : memref<2x80128x16xf32, #tpu.memory_space<hbm>> -> memref<1x80128x16xf32, #tpu.memory_space<hbm>>
      %dma_wait3A_30 = tpu.memref_squeeze %dma_wait3A_29 : memref<1x80128x16xf32, #tpu.memory_space<hbm>> -> memref<80128x16xf32, #tpu.memory_space<hbm>>
      %dma_wait3A_31 = arith.constant 0 : i32
      %dma_wait3A_32 = tpu.memref_slice %dma_wait3A_30[%mul3A_20, %dma_wait3A_31] : memref<80128x16xf32, #tpu.memory_space<hbm>> -> memref<5008x16xf32, #tpu.memory_space<hbm>>
      %dma_wait3A_33 = arith.constant 0 : i32
      %dma_wait3A_34 = tpu.memref_slice %arg7[%mul3A_18, %dma_wait3A_33] : memref<80128x16xf32, #tpu.memory_space<vmem_shared>> -> memref<5008x16xf32, #tpu.memory_space<vmem_shared>>
      tpu.wait_dma2 semaphore(%run_scoped3A : memref<!tpu.dma_semaphore, #tpu.memory_space<semaphore_mem>>) src(%dma_wait3A_34 : memref<5008x16xf32, #tpu.memory_space<vmem_shared>>) dst(%dma_wait3A_32 : memref<5008x16xf32, #tpu.memory_space<hbm>>)
      tpu.yield
    }) : () -> ()
    return
  }
}

#map = affine_map<(d0, d1) -> (0, 0)>
#map1 = affine_map<(d0, d1) -> (0, 0, 0)>
module attributes {stable_mosaic.version = 14 : i64} {
  func.func @_sc_agg(%arg0: i32, %arg1: i32, %arg2: memref<90000x128xf32, #tpu.memory_space<hbm>>, %arg3: memref<80128x16xf32, #tpu.memory_space<hbm>>, %arg4: memref<2560x128xi32, #tpu.memory_space<hbm>>, %arg5: memref<2560x128xi32, #tpu.memory_space<hbm>>, %arg6: memref<2560x128xi32, #tpu.memory_space<hbm>>, %arg7: memref<10240x128xf32, #tpu.memory_space<hbm>>, %arg8: memref<2x10240x128xf32, #tpu.memory_space<hbm>>, %arg9: memref<16x128xi32, #tpu.memory_space<vmem>>, %arg10: memref<16x128xi32, #tpu.memory_space<vmem>>, %arg11: memref<16x128xi32, #tpu.memory_space<vmem>>, %arg12: memref<2x128x128xf32, #tpu.memory_space<vmem>>, %arg13: memref<2x128x16xf32, #tpu.memory_space<vmem>>, %arg14: memref<10240x128xf32, #tpu.memory_space<vmem_shared>>, %arg15: memref<!tpu.dma_semaphore, #tpu.memory_space<semaphore_mem>>, %arg16: memref<!tpu.dma_semaphore, #tpu.memory_space<semaphore_mem>>, %arg17: memref<!tpu.dma_semaphore, #tpu.memory_space<semaphore_mem>>, %arg18: memref<!tpu.dma_semaphore, #tpu.memory_space<semaphore_mem>>) attributes {dimension_semantics = [#tpu.dimension_semantics<core_parallel>, #tpu.dimension_semantics<subcore_parallel>], iteration_bounds = array<i64: 2, 16>, scalar_prefetch = 0 : i64, scratch_operands = 10 : i64, tpu.core_type = #tpu.core_type<sc_vector_subcore>, window_params = [{transform_indices = #map}, {transform_indices = #map}, {transform_indices = #map}, {transform_indices = #map}, {transform_indices = #map}, {transform_indices = #map}, {transform_indices = #map1}]} {
    "tpu.trace_start"() <{level = 10 : i32, message = "agg_init"}> : () -> ()
    %mul3A = arith.constant 640 : i32
    %mul3A_0 = arith.muli %arg1, %mul3A : i32
    %mul3A_1 = arith.constant 640 : i32
    %mul3A_2 = arith.muli %arg1, %mul3A_1 : i32
    "tpu.region"() ({
      %run_scoped3A = tpu.sem_alloc : memref<!tpu.dma_semaphore, #tpu.memory_space<semaphore_mem>>
      %dma_start3A = arith.constant 0 : i32
      %dma_start3A_15 = tpu.memref_slice %arg14[%mul3A_2, %dma_start3A] : memref<10240x128xf32, #tpu.memory_space<vmem_shared>> -> memref<640x128xf32, #tpu.memory_space<vmem_shared>>
      %dma_start3A_16 = arith.constant 0 : i32
      %dma_start3A_17 = tpu.memref_slice %arg7[%mul3A_0, %dma_start3A_16] : memref<10240x128xf32, #tpu.memory_space<hbm>> -> memref<640x128xf32, #tpu.memory_space<hbm>>
      tpu.enqueue_dma source(%dma_start3A_17 : memref<640x128xf32, #tpu.memory_space<hbm>>) target(%dma_start3A_15 : memref<640x128xf32, #tpu.memory_space<vmem_shared>>) target_semaphore(%run_scoped3A : memref<!tpu.dma_semaphore, #tpu.memory_space<semaphore_mem>>)
      %dma_wait3A = arith.constant 0 : i32
      %dma_wait3A_18 = tpu.memref_slice %arg14[%mul3A_2, %dma_wait3A] : memref<10240x128xf32, #tpu.memory_space<vmem_shared>> -> memref<640x128xf32, #tpu.memory_space<vmem_shared>>
      %dma_wait3A_19 = arith.constant 0 : i32
      %dma_wait3A_20 = tpu.memref_slice %arg7[%mul3A_0, %dma_wait3A_19] : memref<10240x128xf32, #tpu.memory_space<hbm>> -> memref<640x128xf32, #tpu.memory_space<hbm>>
      tpu.wait_dma2 semaphore(%run_scoped3A : memref<!tpu.dma_semaphore, #tpu.memory_space<semaphore_mem>>) src(%dma_wait3A_20 : memref<640x128xf32, #tpu.memory_space<hbm>>) dst(%dma_wait3A_18 : memref<640x128xf32, #tpu.memory_space<vmem_shared>>)
      tpu.yield
    }) : () -> ()
    %barrier3A = arith.constant 0 : index
    tpu.barrier barrier_id(%barrier3A)
    %eq3A = arith.constant 0 : i32
    "tpu.trace_stop"() : () -> ()
    "tpu.trace_start"() <{level = 10 : i32, message = "agg_edges"}> : () -> ()
    %eq3A_3 = arith.cmpi eq, %arg0, %eq3A : i32
    %convert_element_type3A = arith.extui %eq3A_3 : i1 to i32
    %cond3A = arith.constant 0 : i32
    %cond3A_4 = arith.cmpi ne, %convert_element_type3A, %cond3A : i32
    scf.if %cond3A_4 {
      %scan3A_15 = arith.constant 0 : i32
      %scan3A_16 = arith.constant 8 : i32
      %scan3A_17 = arith.addi %scan3A_15, %scan3A_16 : i32
      %scan3A_18 = arith.constant 1 : i32
      scf.for %scan3A_20 = %scan3A_15 to %scan3A_17 step %scan3A_18  : i32 {
        %mul3A_21 = arith.constant 1 : i32
        %mul3A_22 = arith.muli %scan3A_20, %mul3A_21 : i32
        %add3A = arith.constant 0 : i32
        %add3A_23 = arith.addi %add3A, %mul3A_22 : i32
        %mul3A_24 = arith.constant 128 : i32
        %mul3A_25 = arith.muli %arg1, %mul3A_24 : i32
        %add3A_26 = arith.constant 0 : i32
        %add3A_27 = arith.addi %add3A_26, %mul3A_25 : i32
        %mul3A_28 = arith.constant 16 : i32
        %mul3A_29 = arith.muli %add3A_23, %mul3A_28 : i32
        %add3A_30 = arith.addi %add3A_27, %mul3A_29 : i32
        "tpu.region"() ({
          %run_scoped3A = tpu.sem_alloc : memref<!tpu.dma_semaphore, #tpu.memory_space<semaphore_mem>>
          %dma_start3A_188 = arith.constant 0 : i32
          %dma_start3A_189 = tpu.memref_slice %arg4[%add3A_30, %dma_start3A_188] : memref<2560x128xi32, #tpu.memory_space<hbm>> -> memref<16x128xi32, #tpu.memory_space<hbm>>
          %dma_start3A_190 = arith.constant 0 : i32
          %dma_start3A_191 = tpu.memref_slice %arg4[%add3A_30, %dma_start3A_190] : memref<2560x128xi32, #tpu.memory_space<hbm>> -> memref<16x128xi32, #tpu.memory_space<hbm>>
          tpu.enqueue_dma source(%dma_start3A_191 : memref<16x128xi32, #tpu.memory_space<hbm>>) target(%arg9 : memref<16x128xi32, #tpu.memory_space<vmem>>) target_semaphore(%run_scoped3A : memref<!tpu.dma_semaphore, #tpu.memory_space<semaphore_mem>>)
          %dma_wait3A_192 = arith.constant 0 : i32
          %dma_wait3A_193 = tpu.memref_slice %arg4[%add3A_30, %dma_wait3A_192] : memref<2560x128xi32, #tpu.memory_space<hbm>> -> memref<16x128xi32, #tpu.memory_space<hbm>>
          %dma_wait3A_194 = arith.constant 0 : i32
          %dma_wait3A_195 = tpu.memref_slice %arg4[%add3A_30, %dma_wait3A_194] : memref<2560x128xi32, #tpu.memory_space<hbm>> -> memref<16x128xi32, #tpu.memory_space<hbm>>
          tpu.wait_dma2 semaphore(%run_scoped3A : memref<!tpu.dma_semaphore, #tpu.memory_space<semaphore_mem>>) src(%dma_wait3A_195 : memref<16x128xi32, #tpu.memory_space<hbm>>) dst(%arg9 : memref<16x128xi32, #tpu.memory_space<vmem>>)
          tpu.yield
        }) : () -> ()
        "tpu.region"() ({
          %run_scoped3A = tpu.sem_alloc : memref<!tpu.dma_semaphore, #tpu.memory_space<semaphore_mem>>
          %dma_start3A_188 = arith.constant 0 : i32
          %dma_start3A_189 = tpu.memref_slice %arg5[%add3A_30, %dma_start3A_188] : memref<2560x128xi32, #tpu.memory_space<hbm>> -> memref<16x128xi32, #tpu.memory_space<hbm>>
          %dma_start3A_190 = arith.constant 0 : i32
          %dma_start3A_191 = tpu.memref_slice %arg5[%add3A_30, %dma_start3A_190] : memref<2560x128xi32, #tpu.memory_space<hbm>> -> memref<16x128xi32, #tpu.memory_space<hbm>>
          tpu.enqueue_dma source(%dma_start3A_191 : memref<16x128xi32, #tpu.memory_space<hbm>>) target(%arg10 : memref<16x128xi32, #tpu.memory_space<vmem>>) target_semaphore(%run_scoped3A : memref<!tpu.dma_semaphore, #tpu.memory_space<semaphore_mem>>)
          %dma_wait3A_192 = arith.constant 0 : i32
          %dma_wait3A_193 = tpu.memref_slice %arg5[%add3A_30, %dma_wait3A_192] : memref<2560x128xi32, #tpu.memory_space<hbm>> -> memref<16x128xi32, #tpu.memory_space<hbm>>
          %dma_wait3A_194 = arith.constant 0 : i32
          %dma_wait3A_195 = tpu.memref_slice %arg5[%add3A_30, %dma_wait3A_194] : memref<2560x128xi32, #tpu.memory_space<hbm>> -> memref<16x128xi32, #tpu.memory_space<hbm>>
          tpu.wait_dma2 semaphore(%run_scoped3A : memref<!tpu.dma_semaphore, #tpu.memory_space<semaphore_mem>>) src(%dma_wait3A_195 : memref<16x128xi32, #tpu.memory_space<hbm>>) dst(%arg10 : memref<16x128xi32, #tpu.memory_space<vmem>>)
          tpu.yield
        }) : () -> ()
        "tpu.region"() ({
          %run_scoped3A = tpu.sem_alloc : memref<!tpu.dma_semaphore, #tpu.memory_space<semaphore_mem>>
          %dma_start3A_188 = arith.constant 0 : i32
          %dma_start3A_189 = tpu.memref_slice %arg6[%add3A_30, %dma_start3A_188] : memref<2560x128xi32, #tpu.memory_space<hbm>> -> memref<16x128xi32, #tpu.memory_space<hbm>>
          %dma_start3A_190 = arith.constant 0 : i32
          %dma_start3A_191 = tpu.memref_slice %arg6[%add3A_30, %dma_start3A_190] : memref<2560x128xi32, #tpu.memory_space<hbm>> -> memref<16x128xi32, #tpu.memory_space<hbm>>
          tpu.enqueue_dma source(%dma_start3A_191 : memref<16x128xi32, #tpu.memory_space<hbm>>) target(%arg11 : memref<16x128xi32, #tpu.memory_space<vmem>>) target_semaphore(%run_scoped3A : memref<!tpu.dma_semaphore, #tpu.memory_space<semaphore_mem>>)
          %dma_wait3A_192 = arith.constant 0 : i32
          %dma_wait3A_193 = tpu.memref_slice %arg6[%add3A_30, %dma_wait3A_192] : memref<2560x128xi32, #tpu.memory_space<hbm>> -> memref<16x128xi32, #tpu.memory_space<hbm>>
          %dma_wait3A_194 = arith.constant 0 : i32
          %dma_wait3A_195 = tpu.memref_slice %arg6[%add3A_30, %dma_wait3A_194] : memref<2560x128xi32, #tpu.memory_space<hbm>> -> memref<16x128xi32, #tpu.memory_space<hbm>>
          tpu.wait_dma2 semaphore(%run_scoped3A : memref<!tpu.dma_semaphore, #tpu.memory_space<semaphore_mem>>) src(%dma_wait3A_195 : memref<16x128xi32, #tpu.memory_space<hbm>>) dst(%arg11 : memref<16x128xi32, #tpu.memory_space<vmem>>)
          tpu.yield
        }) : () -> ()
        %dma_start3A = arith.constant 0 : i32
        %dma_start3A_31 = arith.constant 0 : i32
        %dma_start3A_32 = arith.constant 0 : i32
        %dma_start3A_33 = arith.constant 0 : i32
        %dma_start3A_34 = tpu.memref_slice %arg12[%dma_start3A_31, %dma_start3A_32, %dma_start3A_33] : memref<2x128x128xf32, #tpu.memory_space<vmem>> -> memref<1x128x128xf32, #tpu.memory_space<vmem>>
        %dma_start3A_35 = tpu.memref_squeeze %dma_start3A_34 : memref<1x128x128xf32, #tpu.memory_space<vmem>> -> memref<128x128xf32, #tpu.memory_space<vmem>>
        %dma_start3A_36 = arith.constant 0 : i32
        %dma_start3A_37 = tpu.memref_slice %arg9[%dma_start3A, %dma_start3A_36] : memref<16x128xi32, #tpu.memory_space<vmem>> -> memref<1x128xi32, #tpu.memory_space<vmem>>
        %dma_start3A_38 = tpu.memref_squeeze %dma_start3A_37 : memref<1x128xi32, #tpu.memory_space<vmem>> -> memref<128xi32, #tpu.memory_space<vmem>>
        %dma_start3A_39 = arith.constant 0 : i32
        %dma_start3A_40 = arith.constant 0 : i32
        %dma_start3A_41 = tpu.memref_slice %arg2[%dma_start3A_39, %dma_start3A_40] : memref<90000x128xf32, #tpu.memory_space<hbm>> -> memref<90000x128xf32, #tpu.memory_space<hbm>>
        tpu.enqueue_indirect_dma source(%dma_start3A_41 : memref<90000x128xf32, #tpu.memory_space<hbm>>) target(%dma_start3A_35 : memref<128x128xf32, #tpu.memory_space<vmem>>) offsets(%dma_start3A_38 : memref<128xi32, #tpu.memory_space<vmem>>) semaphore(%arg15 : memref<!tpu.dma_semaphore, #tpu.memory_space<semaphore_mem>>)
        %dma_start3A_42 = arith.constant 0 : i32
        %dma_start3A_43 = arith.constant 0 : i32
        %dma_start3A_44 = arith.constant 0 : i32
        %dma_start3A_45 = arith.constant 0 : i32
        %dma_start3A_46 = tpu.memref_slice %arg13[%dma_start3A_43, %dma_start3A_44, %dma_start3A_45] : memref<2x128x16xf32, #tpu.memory_space<vmem>> -> memref<1x128x16xf32, #tpu.memory_space<vmem>>
        %dma_start3A_47 = tpu.memref_squeeze %dma_start3A_46 : memref<1x128x16xf32, #tpu.memory_space<vmem>> -> memref<128x16xf32, #tpu.memory_space<vmem>>
        %dma_start3A_48 = arith.constant 0 : i32
        %dma_start3A_49 = tpu.memref_slice %arg10[%dma_start3A_42, %dma_start3A_48] : memref<16x128xi32, #tpu.memory_space<vmem>> -> memref<1x128xi32, #tpu.memory_space<vmem>>
        %dma_start3A_50 = tpu.memref_squeeze %dma_start3A_49 : memref<1x128xi32, #tpu.memory_space<vmem>> -> memref<128xi32, #tpu.memory_space<vmem>>
        %dma_start3A_51 = arith.constant 0 : i32
        %dma_start3A_52 = arith.constant 0 : i32
        %dma_start3A_53 = tpu.memref_slice %arg3[%dma_start3A_51, %dma_start3A_52] : memref<80128x16xf32, #tpu.memory_space<hbm>> -> memref<80128x16xf32, #tpu.memory_space<hbm>>
        tpu.enqueue_indirect_dma source(%dma_start3A_53 : memref<80128x16xf32, #tpu.memory_space<hbm>>) target(%dma_start3A_47 : memref<128x16xf32, #tpu.memory_space<vmem>>) offsets(%dma_start3A_50 : memref<128xi32, #tpu.memory_space<vmem>>) semaphore(%arg15 : memref<!tpu.dma_semaphore, #tpu.memory_space<semaphore_mem>>)
        %dma_start3A_54 = arith.constant 1 : i32
        %dma_start3A_55 = arith.constant 1 : i32
        %dma_start3A_56 = arith.constant 0 : i32
        %dma_start3A_57 = arith.constant 0 : i32
        %dma_start3A_58 = tpu.memref_slice %arg12[%dma_start3A_55, %dma_start3A_56, %dma_start3A_57] : memref<2x128x128xf32, #tpu.memory_space<vmem>> -> memref<1x128x128xf32, #tpu.memory_space<vmem>>
        %dma_start3A_59 = tpu.memref_squeeze %dma_start3A_58 : memref<1x128x128xf32, #tpu.memory_space<vmem>> -> memref<128x128xf32, #tpu.memory_space<vmem>>
        %dma_start3A_60 = arith.constant 0 : i32
        %dma_start3A_61 = tpu.memref_slice %arg9[%dma_start3A_54, %dma_start3A_60] : memref<16x128xi32, #tpu.memory_space<vmem>> -> memref<1x128xi32, #tpu.memory_space<vmem>>
        %dma_start3A_62 = tpu.memref_squeeze %dma_start3A_61 : memref<1x128xi32, #tpu.memory_space<vmem>> -> memref<128xi32, #tpu.memory_space<vmem>>
        %dma_start3A_63 = arith.constant 0 : i32
        %dma_start3A_64 = arith.constant 0 : i32
        %dma_start3A_65 = tpu.memref_slice %arg2[%dma_start3A_63, %dma_start3A_64] : memref<90000x128xf32, #tpu.memory_space<hbm>> -> memref<90000x128xf32, #tpu.memory_space<hbm>>
        tpu.enqueue_indirect_dma source(%dma_start3A_65 : memref<90000x128xf32, #tpu.memory_space<hbm>>) target(%dma_start3A_59 : memref<128x128xf32, #tpu.memory_space<vmem>>) offsets(%dma_start3A_62 : memref<128xi32, #tpu.memory_space<vmem>>) semaphore(%arg16 : memref<!tpu.dma_semaphore, #tpu.memory_space<semaphore_mem>>)
        %dma_start3A_66 = arith.constant 1 : i32
        %dma_start3A_67 = arith.constant 1 : i32
        %dma_start3A_68 = arith.constant 0 : i32
        %dma_start3A_69 = arith.constant 0 : i32
        %dma_start3A_70 = tpu.memref_slice %arg13[%dma_start3A_67, %dma_start3A_68, %dma_start3A_69] : memref<2x128x16xf32, #tpu.memory_space<vmem>> -> memref<1x128x16xf32, #tpu.memory_space<vmem>>
        %dma_start3A_71 = tpu.memref_squeeze %dma_start3A_70 : memref<1x128x16xf32, #tpu.memory_space<vmem>> -> memref<128x16xf32, #tpu.memory_space<vmem>>
        %dma_start3A_72 = arith.constant 0 : i32
        %dma_start3A_73 = tpu.memref_slice %arg10[%dma_start3A_66, %dma_start3A_72] : memref<16x128xi32, #tpu.memory_space<vmem>> -> memref<1x128xi32, #tpu.memory_space<vmem>>
        %dma_start3A_74 = tpu.memref_squeeze %dma_start3A_73 : memref<1x128xi32, #tpu.memory_space<vmem>> -> memref<128xi32, #tpu.memory_space<vmem>>
        %dma_start3A_75 = arith.constant 0 : i32
        %dma_start3A_76 = arith.constant 0 : i32
        %dma_start3A_77 = tpu.memref_slice %arg3[%dma_start3A_75, %dma_start3A_76] : memref<80128x16xf32, #tpu.memory_space<hbm>> -> memref<80128x16xf32, #tpu.memory_space<hbm>>
        tpu.enqueue_indirect_dma source(%dma_start3A_77 : memref<80128x16xf32, #tpu.memory_space<hbm>>) target(%dma_start3A_71 : memref<128x16xf32, #tpu.memory_space<vmem>>) offsets(%dma_start3A_74 : memref<128xi32, #tpu.memory_space<vmem>>) semaphore(%arg16 : memref<!tpu.dma_semaphore, #tpu.memory_space<semaphore_mem>>)
        %scan3A_78 = arith.constant 0 : i32
        %scan3A_79 = arith.constant 7 : i32
        %scan3A_80 = arith.addi %scan3A_78, %scan3A_79 : i32
        %scan3A_81 = arith.constant 1 : i32
        scf.for %scan3A_188 = %scan3A_78 to %scan3A_80 step %scan3A_81  : i32 {
          %mul3A_189 = arith.constant 2 : i32
          %mul3A_190 = arith.muli %scan3A_188, %mul3A_189 : i32
          %add3A_191 = arith.constant 2 : i32
          %add3A_192 = arith.addi %add3A_191, %mul3A_190 : i32
          %dma_wait3A_193 = arith.constant 0 : i32
          %dma_wait3A_194 = arith.constant 0 : i32
          %dma_wait3A_195 = arith.constant 0 : i32
          %dma_wait3A_196 = arith.constant 0 : i32
          %dma_wait3A_197 = tpu.memref_slice %arg12[%dma_wait3A_194, %dma_wait3A_195, %dma_wait3A_196] : memref<2x128x128xf32, #tpu.memory_space<vmem>> -> memref<1x128x128xf32, #tpu.memory_space<vmem>>
          %dma_wait3A_198 = tpu.memref_squeeze %dma_wait3A_197 : memref<1x128x128xf32, #tpu.memory_space<vmem>> -> memref<128x128xf32, #tpu.memory_space<vmem>>
          %dma_wait3A_199 = arith.constant 0 : i32
          %dma_wait3A_200 = tpu.memref_slice %arg9[%dma_wait3A_193, %dma_wait3A_199] : memref<16x128xi32, #tpu.memory_space<vmem>> -> memref<1x128xi32, #tpu.memory_space<vmem>>
          %dma_wait3A_201 = tpu.memref_squeeze %dma_wait3A_200 : memref<1x128xi32, #tpu.memory_space<vmem>> -> memref<128xi32, #tpu.memory_space<vmem>>
          %dma_wait3A_202 = arith.constant 0 : i32
          %dma_wait3A_203 = arith.constant 0 : i32
          %dma_wait3A_204 = tpu.memref_slice %arg2[%dma_wait3A_202, %dma_wait3A_203] : memref<90000x128xf32, #tpu.memory_space<hbm>> -> memref<90000x128xf32, #tpu.memory_space<hbm>>
          tpu.wait_indirect_dma semaphore(%arg15 : memref<!tpu.dma_semaphore, #tpu.memory_space<semaphore_mem>>) src(%dma_wait3A_204 : memref<90000x128xf32, #tpu.memory_space<hbm>>) dst(%dma_wait3A_198 : memref<128x128xf32, #tpu.memory_space<vmem>>)
          %dma_wait3A_205 = arith.constant 0 : i32
          %dma_wait3A_206 = arith.constant 0 : i32
          %dma_wait3A_207 = arith.constant 0 : i32
          %dma_wait3A_208 = arith.constant 0 : i32
          %dma_wait3A_209 = tpu.memref_slice %arg13[%dma_wait3A_206, %dma_wait3A_207, %dma_wait3A_208] : memref<2x128x16xf32, #tpu.memory_space<vmem>> -> memref<1x128x16xf32, #tpu.memory_space<vmem>>
          %dma_wait3A_210 = tpu.memref_squeeze %dma_wait3A_209 : memref<1x128x16xf32, #tpu.memory_space<vmem>> -> memref<128x16xf32, #tpu.memory_space<vmem>>
          %dma_wait3A_211 = arith.constant 0 : i32
          %dma_wait3A_212 = tpu.memref_slice %arg10[%dma_wait3A_205, %dma_wait3A_211] : memref<16x128xi32, #tpu.memory_space<vmem>> -> memref<1x128xi32, #tpu.memory_space<vmem>>
          %dma_wait3A_213 = tpu.memref_squeeze %dma_wait3A_212 : memref<1x128xi32, #tpu.memory_space<vmem>> -> memref<128xi32, #tpu.memory_space<vmem>>
          %dma_wait3A_214 = arith.constant 0 : i32
          %dma_wait3A_215 = arith.constant 0 : i32
          %dma_wait3A_216 = tpu.memref_slice %arg3[%dma_wait3A_214, %dma_wait3A_215] : memref<80128x16xf32, #tpu.memory_space<hbm>> -> memref<80128x16xf32, #tpu.memory_space<hbm>>
          tpu.wait_indirect_dma semaphore(%arg15 : memref<!tpu.dma_semaphore, #tpu.memory_space<semaphore_mem>>) src(%dma_wait3A_216 : memref<80128x16xf32, #tpu.memory_space<hbm>>) dst(%dma_wait3A_210 : memref<128x16xf32, #tpu.memory_space<vmem>>)
          %scan3A_217 = arith.constant 0 : i32
          %scan3A_218 = arith.constant 128 : i32
          %scan3A_219 = arith.addi %scan3A_217, %scan3A_218 : i32
          %scan3A_220 = arith.constant 1 : i32
          scf.for %scan3A_346 = %scan3A_217 to %scan3A_219 step %scan3A_220  : i32 {
            %mul3A_347 = arith.constant 1 : i32
            %mul3A_348 = arith.muli %scan3A_346, %mul3A_347 : i32
            %add3A_349 = arith.constant 0 : i32
            %add3A_350 = arith.addi %add3A_349, %mul3A_348 : i32
            %get3A = arith.constant 0 : i32
            %get3A_351 = arith.index_cast %get3A : i32 to index
            %get3A_352 = arith.index_cast %add3A_350 : i32 to index
            %get3A_353 = arith.constant 0 : index
            %get3A_354 = tpu.vector_load %arg13[%get3A_351, %get3A_352, %get3A_353] {strides = array<i32>} : memref<2x128x16xf32, #tpu.memory_space<vmem>>, vector<1x1x16xf32>,
            %get3A_355 = vector.shape_cast %get3A_354 : vector<1x1x16xf32> to vector<16xf32>
            %get3A_356 = arith.constant 0 : i32
            %get3A_357 = arith.index_cast %get3A_356 : i32 to index
            %get3A_358 = arith.index_cast %add3A_350 : i32 to index
            %get3A_359 = arith.constant 0 : index
            %get3A_360 = tpu.vector_load %arg12[%get3A_357, %get3A_358, %get3A_359] {strides = array<i32>} : memref<2x128x128xf32, #tpu.memory_space<vmem>>, vector<1x1x16xf32>,
            %get3A_361 = vector.shape_cast %get3A_360 : vector<1x1x16xf32> to vector<16xf32>
            %mul3A_362 = arith.mulf %get3A_361, %get3A_355 : vector<16xf32>
            %swap3A = arith.constant 0 : i32
            %swap3A_363 = arith.index_cast %swap3A : i32 to index
            %swap3A_364 = arith.index_cast %add3A_350 : i32 to index
            %swap3A_365 = arith.constant 0 : index
            %swap3A_366 = tpu.vector_load %arg12[%swap3A_363, %swap3A_364, %swap3A_365] {strides = array<i32>} : memref<2x128x128xf32, #tpu.memory_space<vmem>>, vector<1x1x16xf32>,
            %swap3A_367 = vector.shape_cast %swap3A_366 : vector<1x1x16xf32> to vector<16xf32>
            %swap3A_368 = vector.shape_cast %mul3A_362 : vector<16xf32> to vector<1x1x16xf32>
            tpu.vector_store %arg12[%swap3A_363, %swap3A_364, %swap3A_365], %swap3A_368 {strides = array<i32>} : memref<2x128x128xf32, #tpu.memory_space<vmem>>, vector<1x1x16xf32>,
            %get3A_369 = arith.constant 0 : i32
            %get3A_370 = arith.index_cast %get3A_369 : i32 to index
            %get3A_371 = arith.index_cast %add3A_350 : i32 to index
            %get3A_372 = arith.constant 16 : index
            %get3A_373 = tpu.vector_load %arg12[%get3A_370, %get3A_371, %get3A_372] {strides = array<i32>} : memref<2x128x128xf32, #tpu.memory_space<vmem>>, vector<1x1x16xf32>,
            %get3A_374 = vector.shape_cast %get3A_373 : vector<1x1x16xf32> to vector<16xf32>
            %mul3A_375 = arith.mulf %get3A_374, %get3A_355 : vector<16xf32>
            %swap3A_376 = arith.constant 0 : i32
            %swap3A_377 = arith.index_cast %swap3A_376 : i32 to index
            %swap3A_378 = arith.index_cast %add3A_350 : i32 to index
            %swap3A_379 = arith.constant 16 : index
            %swap3A_380 = tpu.vector_load %arg12[%swap3A_377, %swap3A_378, %swap3A_379] {strides = array<i32>} : memref<2x128x128xf32, #tpu.memory_space<vmem>>, vector<1x1x16xf32>,
            %swap3A_381 = vector.shape_cast %swap3A_380 : vector<1x1x16xf32> to vector<16xf32>
            %swap3A_382 = vector.shape_cast %mul3A_375 : vector<16xf32> to vector<1x1x16xf32>
            tpu.vector_store %arg12[%swap3A_377, %swap3A_378, %swap3A_379], %swap3A_382 {strides = array<i32>} : memref<2x128x128xf32, #tpu.memory_space<vmem>>, vector<1x1x16xf32>,
            %get3A_383 = arith.constant 0 : i32
            %get3A_384 = arith.index_cast %get3A_383 : i32 to index
            %get3A_385 = arith.index_cast %add3A_350 : i32 to index
            %get3A_386 = arith.constant 32 : index
            %get3A_387 = tpu.vector_load %arg12[%get3A_384, %get3A_385, %get3A_386] {strides = array<i32>} : memref<2x128x128xf32, #tpu.memory_space<vmem>>, vector<1x1x16xf32>,
            %get3A_388 = vector.shape_cast %get3A_387 : vector<1x1x16xf32> to vector<16xf32>
            %mul3A_389 = arith.mulf %get3A_388, %get3A_355 : vector<16xf32>
            %swap3A_390 = arith.constant 0 : i32
            %swap3A_391 = arith.index_cast %swap3A_390 : i32 to index
            %swap3A_392 = arith.index_cast %add3A_350 : i32 to index
            %swap3A_393 = arith.constant 32 : index
            %swap3A_394 = tpu.vector_load %arg12[%swap3A_391, %swap3A_392, %swap3A_393] {strides = array<i32>} : memref<2x128x128xf32, #tpu.memory_space<vmem>>, vector<1x1x16xf32>,
            %swap3A_395 = vector.shape_cast %swap3A_394 : vector<1x1x16xf32> to vector<16xf32>
            %swap3A_396 = vector.shape_cast %mul3A_389 : vector<16xf32> to vector<1x1x16xf32>
            tpu.vector_store %arg12[%swap3A_391, %swap3A_392, %swap3A_393], %swap3A_396 {strides = array<i32>} : memref<2x128x128xf32, #tpu.memory_space<vmem>>, vector<1x1x16xf32>,
            %get3A_397 = arith.constant 0 : i32
            %get3A_398 = arith.index_cast %get3A_397 : i32 to index
            %get3A_399 = arith.index_cast %add3A_350 : i32 to index
            %get3A_400 = arith.constant 48 : index
            %get3A_401 = tpu.vector_load %arg12[%get3A_398, %get3A_399, %get3A_400] {strides = array<i32>} : memref<2x128x128xf32, #tpu.memory_space<vmem>>, vector<1x1x16xf32>,
            %get3A_402 = vector.shape_cast %get3A_401 : vector<1x1x16xf32> to vector<16xf32>
            %mul3A_403 = arith.mulf %get3A_402, %get3A_355 : vector<16xf32>
            %swap3A_404 = arith.constant 0 : i32
            %swap3A_405 = arith.index_cast %swap3A_404 : i32 to index
            %swap3A_406 = arith.index_cast %add3A_350 : i32 to index
            %swap3A_407 = arith.constant 48 : index
            %swap3A_408 = tpu.vector_load %arg12[%swap3A_405, %swap3A_406, %swap3A_407] {strides = array<i32>} : memref<2x128x128xf32, #tpu.memory_space<vmem>>, vector<1x1x16xf32>,
            %swap3A_409 = vector.shape_cast %swap3A_408 : vector<1x1x16xf32> to vector<16xf32>
            %swap3A_410 = vector.shape_cast %mul3A_403 : vector<16xf32> to vector<1x1x16xf32>
            tpu.vector_store %arg12[%swap3A_405, %swap3A_406, %swap3A_407], %swap3A_410 {strides = array<i32>} : memref<2x128x128xf32, #tpu.memory_space<vmem>>, vector<1x1x16xf32>,
            %get3A_411 = arith.constant 0 : i32
            %get3A_412 = arith.index_cast %get3A_411 : i32 to index
            %get3A_413 = arith.index_cast %add3A_350 : i32 to index
            %get3A_414 = arith.constant 64 : index
            %get3A_415 = tpu.vector_load %arg12[%get3A_412, %get3A_413, %get3A_414] {strides = array<i32>} : memref<2x128x128xf32, #tpu.memory_space<vmem>>, vector<1x1x16xf32>,
            %get3A_416 = vector.shape_cast %get3A_415 : vector<1x1x16xf32> to vector<16xf32>
            %mul3A_417 = arith.mulf %get3A_416, %get3A_355 : vector<16xf32>
            %swap3A_418 = arith.constant 0 : i32
            %swap3A_419 = arith.index_cast %swap3A_418 : i32 to index
            %swap3A_420 = arith.index_cast %add3A_350 : i32 to index
            %swap3A_421 = arith.constant 64 : index
            %swap3A_422 = tpu.vector_load %arg12[%swap3A_419, %swap3A_420, %swap3A_421] {strides = array<i32>} : memref<2x128x128xf32, #tpu.memory_space<vmem>>, vector<1x1x16xf32>,
            %swap3A_423 = vector.shape_cast %swap3A_422 : vector<1x1x16xf32> to vector<16xf32>
            %swap3A_424 = vector.shape_cast %mul3A_417 : vector<16xf32> to vector<1x1x16xf32>
            tpu.vector_store %arg12[%swap3A_419, %swap3A_420, %swap3A_421], %swap3A_424 {strides = array<i32>} : memref<2x128x128xf32, #tpu.memory_space<vmem>>, vector<1x1x16xf32>,
            %get3A_425 = arith.constant 0 : i32
            %get3A_426 = arith.index_cast %get3A_425 : i32 to index
            %get3A_427 = arith.index_cast %add3A_350 : i32 to index
            %get3A_428 = arith.constant 80 : index
            %get3A_429 = tpu.vector_load %arg12[%get3A_426, %get3A_427, %get3A_428] {strides = array<i32>} : memref<2x128x128xf32, #tpu.memory_space<vmem>>, vector<1x1x16xf32>,
            %get3A_430 = vector.shape_cast %get3A_429 : vector<1x1x16xf32> to vector<16xf32>
            %mul3A_431 = arith.mulf %get3A_430, %get3A_355 : vector<16xf32>
            %swap3A_432 = arith.constant 0 : i32
            %swap3A_433 = arith.index_cast %swap3A_432 : i32 to index
            %swap3A_434 = arith.index_cast %add3A_350 : i32 to index
            %swap3A_435 = arith.constant 80 : index
            %swap3A_436 = tpu.vector_load %arg12[%swap3A_433, %swap3A_434, %swap3A_435] {strides = array<i32>} : memref<2x128x128xf32, #tpu.memory_space<vmem>>, vector<1x1x16xf32>,
            %swap3A_437 = vector.shape_cast %swap3A_436 : vector<1x1x16xf32> to vector<16xf32>
            %swap3A_438 = vector.shape_cast %mul3A_431 : vector<16xf32> to vector<1x1x16xf32>
            tpu.vector_store %arg12[%swap3A_433, %swap3A_434, %swap3A_435], %swap3A_438 {strides = array<i32>} : memref<2x128x128xf32, #tpu.memory_space<vmem>>, vector<1x1x16xf32>,
            %get3A_439 = arith.constant 0 : i32
            %get3A_440 = arith.index_cast %get3A_439 : i32 to index
            %get3A_441 = arith.index_cast %add3A_350 : i32 to index
            %get3A_442 = arith.constant 96 : index
            %get3A_443 = tpu.vector_load %arg12[%get3A_440, %get3A_441, %get3A_442] {strides = array<i32>} : memref<2x128x128xf32, #tpu.memory_space<vmem>>, vector<1x1x16xf32>,
            %get3A_444 = vector.shape_cast %get3A_443 : vector<1x1x16xf32> to vector<16xf32>
            %mul3A_445 = arith.mulf %get3A_444, %get3A_355 : vector<16xf32>
            %swap3A_446 = arith.constant 0 : i32
            %swap3A_447 = arith.index_cast %swap3A_446 : i32 to index
            %swap3A_448 = arith.index_cast %add3A_350 : i32 to index
            %swap3A_449 = arith.constant 96 : index
            %swap3A_450 = tpu.vector_load %arg12[%swap3A_447, %swap3A_448, %swap3A_449] {strides = array<i32>} : memref<2x128x128xf32, #tpu.memory_space<vmem>>, vector<1x1x16xf32>,
            %swap3A_451 = vector.shape_cast %swap3A_450 : vector<1x1x16xf32> to vector<16xf32>
            %swap3A_452 = vector.shape_cast %mul3A_445 : vector<16xf32> to vector<1x1x16xf32>
            tpu.vector_store %arg12[%swap3A_447, %swap3A_448, %swap3A_449], %swap3A_452 {strides = array<i32>} : memref<2x128x128xf32, #tpu.memory_space<vmem>>, vector<1x1x16xf32>,
            %get3A_453 = arith.constant 0 : i32
            %get3A_454 = arith.index_cast %get3A_453 : i32 to index
            %get3A_455 = arith.index_cast %add3A_350 : i32 to index
            %get3A_456 = arith.constant 112 : index
            %get3A_457 = tpu.vector_load %arg12[%get3A_454, %get3A_455, %get3A_456] {strides = array<i32>} : memref<2x128x128xf32, #tpu.memory_space<vmem>>, vector<1x1x16xf32>,
            %get3A_458 = vector.shape_cast %get3A_457 : vector<1x1x16xf32> to vector<16xf32>
            %mul3A_459 = arith.mulf %get3A_458, %get3A_355 : vector<16xf32>
            %swap3A_460 = arith.constant 0 : i32
            %swap3A_461 = arith.index_cast %swap3A_460 : i32 to index
            %swap3A_462 = arith.index_cast %add3A_350 : i32 to index
            %swap3A_463 = arith.constant 112 : index
            %swap3A_464 = tpu.vector_load %arg12[%swap3A_461, %swap3A_462, %swap3A_463] {strides = array<i32>} : memref<2x128x128xf32, #tpu.memory_space<vmem>>, vector<1x1x16xf32>,
            %swap3A_465 = vector.shape_cast %swap3A_464 : vector<1x1x16xf32> to vector<16xf32>
            %swap3A_466 = vector.shape_cast %mul3A_459 : vector<16xf32> to vector<1x1x16xf32>
            tpu.vector_store %arg12[%swap3A_461, %swap3A_462, %swap3A_463], %swap3A_466 {strides = array<i32>} : memref<2x128x128xf32, #tpu.memory_space<vmem>>, vector<1x1x16xf32>,
          }
          %scan3A_221 = arith.constant 128 : i32
          %sub3A = arith.constant 2 : i32
          %sub3A_222 = arith.subi %add3A_192, %sub3A : i32
          %dma_start3A_223 = arith.constant 0 : i32
          %dma_start3A_224 = arith.constant 0 : i32
          %dma_start3A_225 = arith.constant 0 : i32
          %dma_start3A_226 = tpu.memref_slice %arg12[%dma_start3A_223, %dma_start3A_224, %dma_start3A_225] : memref<2x128x128xf32, #tpu.memory_space<vmem>> -> memref<1x128x128xf32, #tpu.memory_space<vmem>>
          %dma_start3A_227 = tpu.memref_squeeze %dma_start3A_226 : memref<1x128x128xf32, #tpu.memory_space<vmem>> -> memref<128x128xf32, #tpu.memory_space<vmem>>
          %dma_start3A_228 = arith.constant 0 : i32
          %dma_start3A_229 = tpu.memref_slice %arg11[%sub3A_222, %dma_start3A_228] : memref<16x128xi32, #tpu.memory_space<vmem>> -> memref<1x128xi32, #tpu.memory_space<vmem>>
          %dma_start3A_230 = tpu.memref_squeeze %dma_start3A_229 : memref<1x128xi32, #tpu.memory_space<vmem>> -> memref<128xi32, #tpu.memory_space<vmem>>
          %dma_start3A_231 = arith.constant 0 : i32
          %dma_start3A_232 = arith.constant 0 : i32
          %dma_start3A_233 = tpu.memref_slice %arg14[%dma_start3A_231, %dma_start3A_232] : memref<10240x128xf32, #tpu.memory_space<vmem_shared>> -> memref<10240x128xf32, #tpu.memory_space<vmem_shared>>
          tpu.enqueue_indirect_dma source(%dma_start3A_227 : memref<128x128xf32, #tpu.memory_space<vmem>>) target(%dma_start3A_233 : memref<10240x128xf32, #tpu.memory_space<vmem_shared>>) offsets(%dma_start3A_230 : memref<128xi32, #tpu.memory_space<vmem>>) semaphore(%arg17 : memref<!tpu.dma_semaphore, #tpu.memory_space<semaphore_mem>>) {add = true}
          %dma_wait3A_234 = arith.constant 0 : i32
          %dma_wait3A_235 = arith.constant 1 : i32
          %dma_wait3A_236 = arith.constant 0 : i32
          %dma_wait3A_237 = arith.constant 0 : i32
          %dma_wait3A_238 = tpu.memref_slice %arg12[%dma_wait3A_235, %dma_wait3A_236, %dma_wait3A_237] : memref<2x128x128xf32, #tpu.memory_space<vmem>> -> memref<1x128x128xf32, #tpu.memory_space<vmem>>
          %dma_wait3A_239 = tpu.memref_squeeze %dma_wait3A_238 : memref<1x128x128xf32, #tpu.memory_space<vmem>> -> memref<128x128xf32, #tpu.memory_space<vmem>>
          %dma_wait3A_240 = arith.constant 0 : i32
          %dma_wait3A_241 = tpu.memref_slice %arg9[%dma_wait3A_234, %dma_wait3A_240] : memref<16x128xi32, #tpu.memory_space<vmem>> -> memref<1x128xi32, #tpu.memory_space<vmem>>
          %dma_wait3A_242 = tpu.memref_squeeze %dma_wait3A_241 : memref<1x128xi32, #tpu.memory_space<vmem>> -> memref<128xi32, #tpu.memory_space<vmem>>
          %dma_wait3A_243 = arith.constant 0 : i32
          %dma_wait3A_244 = arith.constant 0 : i32
          %dma_wait3A_245 = tpu.memref_slice %arg2[%dma_wait3A_243, %dma_wait3A_244] : memref<90000x128xf32, #tpu.memory_space<hbm>> -> memref<90000x128xf32, #tpu.memory_space<hbm>>
          tpu.wait_indirect_dma semaphore(%arg16 : memref<!tpu.dma_semaphore, #tpu.memory_space<semaphore_mem>>) src(%dma_wait3A_245 : memref<90000x128xf32, #tpu.memory_space<hbm>>) dst(%dma_wait3A_239 : memref<128x128xf32, #tpu.memory_space<vmem>>)
          %dma_wait3A_246 = arith.constant 0 : i32
          %dma_wait3A_247 = arith.constant 1 : i32
          %dma_wait3A_248 = arith.constant 0 : i32
          %dma_wait3A_249 = arith.constant 0 : i32
          %dma_wait3A_250 = tpu.memref_slice %arg13[%dma_wait3A_247, %dma_wait3A_248, %dma_wait3A_249] : memref<2x128x16xf32, #tpu.memory_space<vmem>> -> memref<1x128x16xf32, #tpu.memory_space<vmem>>
          %dma_wait3A_251 = tpu.memref_squeeze %dma_wait3A_250 : memref<1x128x16xf32, #tpu.memory_space<vmem>> -> memref<128x16xf32, #tpu.memory_space<vmem>>
          %dma_wait3A_252 = arith.constant 0 : i32
          %dma_wait3A_253 = tpu.memref_slice %arg10[%dma_wait3A_246, %dma_wait3A_252] : memref<16x128xi32, #tpu.memory_space<vmem>> -> memref<1x128xi32, #tpu.memory_space<vmem>>
          %dma_wait3A_254 = tpu.memref_squeeze %dma_wait3A_253 : memref<1x128xi32, #tpu.memory_space<vmem>> -> memref<128xi32, #tpu.memory_space<vmem>>
          %dma_wait3A_255 = arith.constant 0 : i32
          %dma_wait3A_256 = arith.constant 0 : i32
          %dma_wait3A_257 = tpu.memref_slice %arg3[%dma_wait3A_255, %dma_wait3A_256] : memref<80128x16xf32, #tpu.memory_space<hbm>> -> memref<80128x16xf32, #tpu.memory_space<hbm>>
          tpu.wait_indirect_dma semaphore(%arg16 : memref<!tpu.dma_semaphore, #tpu.memory_space<semaphore_mem>>) src(%dma_wait3A_257 : memref<80128x16xf32, #tpu.memory_space<hbm>>) dst(%dma_wait3A_251 : memref<128x16xf32, #tpu.memory_space<vmem>>)
          %scan3A_258 = arith.constant 0 : i32
          %scan3A_259 = arith.constant 128 : i32
          %scan3A_260 = arith.addi %scan3A_258, %scan3A_259 : i32
          %scan3A_261 = arith.constant 1 : i32
          scf.for %scan3A_346 = %scan3A_258 to %scan3A_260 step %scan3A_261  : i32 {
            %mul3A_347 = arith.constant 1 : i32
            %mul3A_348 = arith.muli %scan3A_346, %mul3A_347 : i32
            %add3A_349 = arith.constant 0 : i32
            %add3A_350 = arith.addi %add3A_349, %mul3A_348 : i32
            %get3A = arith.constant 1 : i32
            %get3A_351 = arith.index_cast %get3A : i32 to index
            %get3A_352 = arith.index_cast %add3A_350 : i32 to index
            %get3A_353 = arith.constant 0 : index
            %get3A_354 = tpu.vector_load %arg13[%get3A_351, %get3A_352, %get3A_353] {strides = array<i32>} : memref<2x128x16xf32, #tpu.memory_space<vmem>>, vector<1x1x16xf32>,
            %get3A_355 = vector.shape_cast %get3A_354 : vector<1x1x16xf32> to vector<16xf32>
            %get3A_356 = arith.constant 1 : i32
            %get3A_357 = arith.index_cast %get3A_356 : i32 to index
            %get3A_358 = arith.index_cast %add3A_350 : i32 to index
            %get3A_359 = arith.constant 0 : index
            %get3A_360 = tpu.vector_load %arg12[%get3A_357, %get3A_358, %get3A_359] {strides = array<i32>} : memref<2x128x128xf32, #tpu.memory_space<vmem>>, vector<1x1x16xf32>,
            %get3A_361 = vector.shape_cast %get3A_360 : vector<1x1x16xf32> to vector<16xf32>
            %mul3A_362 = arith.mulf %get3A_361, %get3A_355 : vector<16xf32>
            %swap3A = arith.constant 1 : i32
            %swap3A_363 = arith.index_cast %swap3A : i32 to index
            %swap3A_364 = arith.index_cast %add3A_350 : i32 to index
            %swap3A_365 = arith.constant 0 : index
            %swap3A_366 = tpu.vector_load %arg12[%swap3A_363, %swap3A_364, %swap3A_365] {strides = array<i32>} : memref<2x128x128xf32, #tpu.memory_space<vmem>>, vector<1x1x16xf32>,
            %swap3A_367 = vector.shape_cast %swap3A_366 : vector<1x1x16xf32> to vector<16xf32>
            %swap3A_368 = vector.shape_cast %mul3A_362 : vector<16xf32> to vector<1x1x16xf32>
            tpu.vector_store %arg12[%swap3A_363, %swap3A_364, %swap3A_365], %swap3A_368 {strides = array<i32>} : memref<2x128x128xf32, #tpu.memory_space<vmem>>, vector<1x1x16xf32>,
            %get3A_369 = arith.constant 1 : i32
            %get3A_370 = arith.index_cast %get3A_369 : i32 to index
            %get3A_371 = arith.index_cast %add3A_350 : i32 to index
            %get3A_372 = arith.constant 16 : index
            %get3A_373 = tpu.vector_load %arg12[%get3A_370, %get3A_371, %get3A_372] {strides = array<i32>} : memref<2x128x128xf32, #tpu.memory_space<vmem>>, vector<1x1x16xf32>,
            %get3A_374 = vector.shape_cast %get3A_373 : vector<1x1x16xf32> to vector<16xf32>
            %mul3A_375 = arith.mulf %get3A_374, %get3A_355 : vector<16xf32>
            %swap3A_376 = arith.constant 1 : i32
            %swap3A_377 = arith.index_cast %swap3A_376 : i32 to index
            %swap3A_378 = arith.index_cast %add3A_350 : i32 to index
            %swap3A_379 = arith.constant 16 : index
            %swap3A_380 = tpu.vector_load %arg12[%swap3A_377, %swap3A_378, %swap3A_379] {strides = array<i32>} : memref<2x128x128xf32, #tpu.memory_space<vmem>>, vector<1x1x16xf32>,
            %swap3A_381 = vector.shape_cast %swap3A_380 : vector<1x1x16xf32> to vector<16xf32>
            %swap3A_382 = vector.shape_cast %mul3A_375 : vector<16xf32> to vector<1x1x16xf32>
            tpu.vector_store %arg12[%swap3A_377, %swap3A_378, %swap3A_379], %swap3A_382 {strides = array<i32>} : memref<2x128x128xf32, #tpu.memory_space<vmem>>, vector<1x1x16xf32>,
            %get3A_383 = arith.constant 1 : i32
            %get3A_384 = arith.index_cast %get3A_383 : i32 to index
            %get3A_385 = arith.index_cast %add3A_350 : i32 to index
            %get3A_386 = arith.constant 32 : index
            %get3A_387 = tpu.vector_load %arg12[%get3A_384, %get3A_385, %get3A_386] {strides = array<i32>} : memref<2x128x128xf32, #tpu.memory_space<vmem>>, vector<1x1x16xf32>,
            %get3A_388 = vector.shape_cast %get3A_387 : vector<1x1x16xf32> to vector<16xf32>
            %mul3A_389 = arith.mulf %get3A_388, %get3A_355 : vector<16xf32>
            %swap3A_390 = arith.constant 1 : i32
            %swap3A_391 = arith.index_cast %swap3A_390 : i32 to index
            %swap3A_392 = arith.index_cast %add3A_350 : i32 to index
            %swap3A_393 = arith.constant 32 : index
            %swap3A_394 = tpu.vector_load %arg12[%swap3A_391, %swap3A_392, %swap3A_393] {strides = array<i32>} : memref<2x128x128xf32, #tpu.memory_space<vmem>>, vector<1x1x16xf32>,
            %swap3A_395 = vector.shape_cast %swap3A_394 : vector<1x1x16xf32> to vector<16xf32>
            %swap3A_396 = vector.shape_cast %mul3A_389 : vector<16xf32> to vector<1x1x16xf32>
            tpu.vector_store %arg12[%swap3A_391, %swap3A_392, %swap3A_393], %swap3A_396 {strides = array<i32>} : memref<2x128x128xf32, #tpu.memory_space<vmem>>, vector<1x1x16xf32>,
            %get3A_397 = arith.constant 1 : i32
            %get3A_398 = arith.index_cast %get3A_397 : i32 to index
            %get3A_399 = arith.index_cast %add3A_350 : i32 to index
            %get3A_400 = arith.constant 48 : index
            %get3A_401 = tpu.vector_load %arg12[%get3A_398, %get3A_399, %get3A_400] {strides = array<i32>} : memref<2x128x128xf32, #tpu.memory_space<vmem>>, vector<1x1x16xf32>,
            %get3A_402 = vector.shape_cast %get3A_401 : vector<1x1x16xf32> to vector<16xf32>
            %mul3A_403 = arith.mulf %get3A_402, %get3A_355 : vector<16xf32>
            %swap3A_404 = arith.constant 1 : i32
            %swap3A_405 = arith.index_cast %swap3A_404 : i32 to index
            %swap3A_406 = arith.index_cast %add3A_350 : i32 to index
            %swap3A_407 = arith.constant 48 : index
            %swap3A_408 = tpu.vector_load %arg12[%swap3A_405, %swap3A_406, %swap3A_407] {strides = array<i32>} : memref<2x128x128xf32, #tpu.memory_space<vmem>>, vector<1x1x16xf32>,
            %swap3A_409 = vector.shape_cast %swap3A_408 : vector<1x1x16xf32> to vector<16xf32>
            %swap3A_410 = vector.shape_cast %mul3A_403 : vector<16xf32> to vector<1x1x16xf32>
            tpu.vector_store %arg12[%swap3A_405, %swap3A_406, %swap3A_407], %swap3A_410 {strides = array<i32>} : memref<2x128x128xf32, #tpu.memory_space<vmem>>, vector<1x1x16xf32>,
            %get3A_411 = arith.constant 1 : i32
            %get3A_412 = arith.index_cast %get3A_411 : i32 to index
            %get3A_413 = arith.index_cast %add3A_350 : i32 to index
            %get3A_414 = arith.constant 64 : index
            %get3A_415 = tpu.vector_load %arg12[%get3A_412, %get3A_413, %get3A_414] {strides = array<i32>} : memref<2x128x128xf32, #tpu.memory_space<vmem>>, vector<1x1x16xf32>,
            %get3A_416 = vector.shape_cast %get3A_415 : vector<1x1x16xf32> to vector<16xf32>
            %mul3A_417 = arith.mulf %get3A_416, %get3A_355 : vector<16xf32>
            %swap3A_418 = arith.constant 1 : i32
            %swap3A_419 = arith.index_cast %swap3A_418 : i32 to index
            %swap3A_420 = arith.index_cast %add3A_350 : i32 to index
            %swap3A_421 = arith.constant 64 : index
            %swap3A_422 = tpu.vector_load %arg12[%swap3A_419, %swap3A_420, %swap3A_421] {strides = array<i32>} : memref<2x128x128xf32, #tpu.memory_space<vmem>>, vector<1x1x16xf32>,
            %swap3A_423 = vector.shape_cast %swap3A_422 : vector<1x1x16xf32> to vector<16xf32>
            %swap3A_424 = vector.shape_cast %mul3A_417 : vector<16xf32> to vector<1x1x16xf32>
            tpu.vector_store %arg12[%swap3A_419, %swap3A_420, %swap3A_421], %swap3A_424 {strides = array<i32>} : memref<2x128x128xf32, #tpu.memory_space<vmem>>, vector<1x1x16xf32>,
            %get3A_425 = arith.constant 1 : i32
            %get3A_426 = arith.index_cast %get3A_425 : i32 to index
            %get3A_427 = arith.index_cast %add3A_350 : i32 to index
            %get3A_428 = arith.constant 80 : index
            %get3A_429 = tpu.vector_load %arg12[%get3A_426, %get3A_427, %get3A_428] {strides = array<i32>} : memref<2x128x128xf32, #tpu.memory_space<vmem>>, vector<1x1x16xf32>,
            %get3A_430 = vector.shape_cast %get3A_429 : vector<1x1x16xf32> to vector<16xf32>
            %mul3A_431 = arith.mulf %get3A_430, %get3A_355 : vector<16xf32>
            %swap3A_432 = arith.constant 1 : i32
            %swap3A_433 = arith.index_cast %swap3A_432 : i32 to index
            %swap3A_434 = arith.index_cast %add3A_350 : i32 to index
            %swap3A_435 = arith.constant 80 : index
            %swap3A_436 = tpu.vector_load %arg12[%swap3A_433, %swap3A_434, %swap3A_435] {strides = array<i32>} : memref<2x128x128xf32, #tpu.memory_space<vmem>>, vector<1x1x16xf32>,
            %swap3A_437 = vector.shape_cast %swap3A_436 : vector<1x1x16xf32> to vector<16xf32>
            %swap3A_438 = vector.shape_cast %mul3A_431 : vector<16xf32> to vector<1x1x16xf32>
            tpu.vector_store %arg12[%swap3A_433, %swap3A_434, %swap3A_435], %swap3A_438 {strides = array<i32>} : memref<2x128x128xf32, #tpu.memory_space<vmem>>, vector<1x1x16xf32>,
            %get3A_439 = arith.constant 1 : i32
            %get3A_440 = arith.index_cast %get3A_439 : i32 to index
            %get3A_441 = arith.index_cast %add3A_350 : i32 to index
            %get3A_442 = arith.constant 96 : index
            %get3A_443 = tpu.vector_load %arg12[%get3A_440, %get3A_441, %get3A_442] {strides = array<i32>} : memref<2x128x128xf32, #tpu.memory_space<vmem>>, vector<1x1x16xf32>,
            %get3A_444 = vector.shape_cast %get3A_443 : vector<1x1x16xf32> to vector<16xf32>
            %mul3A_445 = arith.mulf %get3A_444, %get3A_355 : vector<16xf32>
            %swap3A_446 = arith.constant 1 : i32
            %swap3A_447 = arith.index_cast %swap3A_446 : i32 to index
            %swap3A_448 = arith.index_cast %add3A_350 : i32 to index
            %swap3A_449 = arith.constant 96 : index
            %swap3A_450 = tpu.vector_load %arg12[%swap3A_447, %swap3A_448, %swap3A_449] {strides = array<i32>} : memref<2x128x128xf32, #tpu.memory_space<vmem>>, vector<1x1x16xf32>,
            %swap3A_451 = vector.shape_cast %swap3A_450 : vector<1x1x16xf32> to vector<16xf32>
            %swap3A_452 = vector.shape_cast %mul3A_445 : vector<16xf32> to vector<1x1x16xf32>
            tpu.vector_store %arg12[%swap3A_447, %swap3A_448, %swap3A_449], %swap3A_452 {strides = array<i32>} : memref<2x128x128xf32, #tpu.memory_space<vmem>>, vector<1x1x16xf32>,
            %get3A_453 = arith.constant 1 : i32
            %get3A_454 = arith.index_cast %get3A_453 : i32 to index
            %get3A_455 = arith.index_cast %add3A_350 : i32 to index
            %get3A_456 = arith.constant 112 : index
            %get3A_457 = tpu.vector_load %arg12[%get3A_454, %get3A_455, %get3A_456] {strides = array<i32>} : memref<2x128x128xf32, #tpu.memory_space<vmem>>, vector<1x1x16xf32>,
            %get3A_458 = vector.shape_cast %get3A_457 : vector<1x1x16xf32> to vector<16xf32>
            %mul3A_459 = arith.mulf %get3A_458, %get3A_355 : vector<16xf32>
            %swap3A_460 = arith.constant 1 : i32
            %swap3A_461 = arith.index_cast %swap3A_460 : i32 to index
            %swap3A_462 = arith.index_cast %add3A_350 : i32 to index
            %swap3A_463 = arith.constant 112 : index
            %swap3A_464 = tpu.vector_load %arg12[%swap3A_461, %swap3A_462, %swap3A_463] {strides = array<i32>} : memref<2x128x128xf32, #tpu.memory_space<vmem>>, vector<1x1x16xf32>,
            %swap3A_465 = vector.shape_cast %swap3A_464 : vector<1x1x16xf32> to vector<16xf32>
            %swap3A_466 = vector.shape_cast %mul3A_459 : vector<16xf32> to vector<1x1x16xf32>
            tpu.vector_store %arg12[%swap3A_461, %swap3A_462, %swap3A_463], %swap3A_466 {strides = array<i32>} : memref<2x128x128xf32, #tpu.memory_space<vmem>>, vector<1x1x16xf32>,
          }
          %scan3A_262 = arith.constant 128 : i32
          %sub3A_263 = arith.constant 1 : i32
          %sub3A_264 = arith.subi %add3A_192, %sub3A_263 : i32
          %dma_start3A_265 = arith.constant 1 : i32
          %dma_start3A_266 = arith.constant 0 : i32
          %dma_start3A_267 = arith.constant 0 : i32
          %dma_start3A_268 = tpu.memref_slice %arg12[%dma_start3A_265, %dma_start3A_266, %dma_start3A_267] : memref<2x128x128xf32, #tpu.memory_space<vmem>> -> memref<1x128x128xf32, #tpu.memory_space<vmem>>
          %dma_start3A_269 = tpu.memref_squeeze %dma_start3A_268 : memref<1x128x128xf32, #tpu.memory_space<vmem>> -> memref<128x128xf32, #tpu.memory_space<vmem>>
          %dma_start3A_270 = arith.constant 0 : i32
          %dma_start3A_271 = tpu.memref_slice %arg11[%sub3A_264, %dma_start3A_270] : memref<16x128xi32, #tpu.memory_space<vmem>> -> memref<1x128xi32, #tpu.memory_space<vmem>>
          %dma_start3A_272 = tpu.memref_squeeze %dma_start3A_271 : memref<1x128xi32, #tpu.memory_space<vmem>> -> memref<128xi32, #tpu.memory_space<vmem>>
          %dma_start3A_273 = arith.constant 0 : i32
          %dma_start3A_274 = arith.constant 0 : i32
          %dma_start3A_275 = tpu.memref_slice %arg14[%dma_start3A_273, %dma_start3A_274] : memref<10240x128xf32, #tpu.memory_space<vmem_shared>> -> memref<10240x128xf32, #tpu.memory_space<vmem_shared>>
          tpu.enqueue_indirect_dma source(%dma_start3A_269 : memref<128x128xf32, #tpu.memory_space<vmem>>) target(%dma_start3A_275 : memref<10240x128xf32, #tpu.memory_space<vmem_shared>>) offsets(%dma_start3A_272 : memref<128xi32, #tpu.memory_space<vmem>>) semaphore(%arg18 : memref<!tpu.dma_semaphore, #tpu.memory_space<semaphore_mem>>) {add = true}
          %dma_wait3A_276 = arith.constant 0 : i32
          %dma_wait3A_277 = arith.constant 0 : i32
          %dma_wait3A_278 = arith.constant 0 : i32
          %dma_wait3A_279 = arith.constant 0 : i32
          %dma_wait3A_280 = tpu.memref_slice %arg12[%dma_wait3A_276, %dma_wait3A_278, %dma_wait3A_279] : memref<2x128x128xf32, #tpu.memory_space<vmem>> -> memref<1x128x128xf32, #tpu.memory_space<vmem>>
          %dma_wait3A_281 = tpu.memref_squeeze %dma_wait3A_280 : memref<1x128x128xf32, #tpu.memory_space<vmem>> -> memref<128x128xf32, #tpu.memory_space<vmem>>
          %dma_wait3A_282 = arith.constant 0 : i32
          %dma_wait3A_283 = tpu.memref_slice %arg11[%dma_wait3A_277, %dma_wait3A_282] : memref<16x128xi32, #tpu.memory_space<vmem>> -> memref<1x128xi32, #tpu.memory_space<vmem>>
          %dma_wait3A_284 = tpu.memref_squeeze %dma_wait3A_283 : memref<1x128xi32, #tpu.memory_space<vmem>> -> memref<128xi32, #tpu.memory_space<vmem>>
          %dma_wait3A_285 = arith.constant 0 : i32
          %dma_wait3A_286 = arith.constant 0 : i32
          %dma_wait3A_287 = tpu.memref_slice %arg14[%dma_wait3A_285, %dma_wait3A_286] : memref<10240x128xf32, #tpu.memory_space<vmem_shared>> -> memref<10240x128xf32, #tpu.memory_space<vmem_shared>>
          tpu.wait_indirect_dma semaphore(%arg17 : memref<!tpu.dma_semaphore, #tpu.memory_space<semaphore_mem>>) src(%dma_wait3A_281 : memref<128x128xf32, #tpu.memory_space<vmem>>) dst(%dma_wait3A_287 : memref<10240x128xf32, #tpu.memory_space<vmem_shared>>)
          %dma_start3A_288 = arith.constant 0 : i32
          %dma_start3A_289 = arith.constant 0 : i32
          %dma_start3A_290 = arith.constant 0 : i32
          %dma_start3A_291 = tpu.memref_slice %arg12[%dma_start3A_288, %dma_start3A_289, %dma_start3A_290] : memref<2x128x128xf32, #tpu.memory_space<vmem>> -> memref<1x128x128xf32, #tpu.memory_space<vmem>>
          %dma_start3A_292 = tpu.memref_squeeze %dma_start3A_291 : memref<1x128x128xf32, #tpu.memory_space<vmem>> -> memref<128x128xf32, #tpu.memory_space<vmem>>
          %dma_start3A_293 = arith.constant 0 : i32
          %dma_start3A_294 = tpu.memref_slice %arg9[%add3A_192, %dma_start3A_293] : memref<16x128xi32, #tpu.memory_space<vmem>> -> memref<1x128xi32, #tpu.memory_space<vmem>>
          %dma_start3A_295 = tpu.memref_squeeze %dma_start3A_294 : memref<1x128xi32, #tpu.memory_space<vmem>> -> memref<128xi32, #tpu.memory_space<vmem>>
          %dma_start3A_296 = arith.constant 0 : i32
          %dma_start3A_297 = arith.constant 0 : i32
          %dma_start3A_298 = tpu.memref_slice %arg2[%dma_start3A_296, %dma_start3A_297] : memref<90000x128xf32, #tpu.memory_space<hbm>> -> memref<90000x128xf32, #tpu.memory_space<hbm>>
          tpu.enqueue_indirect_dma source(%dma_start3A_298 : memref<90000x128xf32, #tpu.memory_space<hbm>>) target(%dma_start3A_292 : memref<128x128xf32, #tpu.memory_space<vmem>>) offsets(%dma_start3A_295 : memref<128xi32, #tpu.memory_space<vmem>>) semaphore(%arg15 : memref<!tpu.dma_semaphore, #tpu.memory_space<semaphore_mem>>)
          %dma_start3A_299 = arith.constant 0 : i32
          %dma_start3A_300 = arith.constant 0 : i32
          %dma_start3A_301 = arith.constant 0 : i32
          %dma_start3A_302 = tpu.memref_slice %arg13[%dma_start3A_299, %dma_start3A_300, %dma_start3A_301] : memref<2x128x16xf32, #tpu.memory_space<vmem>> -> memref<1x128x16xf32, #tpu.memory_space<vmem>>
          %dma_start3A_303 = tpu.memref_squeeze %dma_start3A_302 : memref<1x128x16xf32, #tpu.memory_space<vmem>> -> memref<128x16xf32, #tpu.memory_space<vmem>>
          %dma_start3A_304 = arith.constant 0 : i32
          %dma_start3A_305 = tpu.memref_slice %arg10[%add3A_192, %dma_start3A_304] : memref<16x128xi32, #tpu.memory_space<vmem>> -> memref<1x128xi32, #tpu.memory_space<vmem>>
          %dma_start3A_306 = tpu.memref_squeeze %dma_start3A_305 : memref<1x128xi32, #tpu.memory_space<vmem>> -> memref<128xi32, #tpu.memory_space<vmem>>
          %dma_start3A_307 = arith.constant 0 : i32
          %dma_start3A_308 = arith.constant 0 : i32
          %dma_start3A_309 = tpu.memref_slice %arg3[%dma_start3A_307, %dma_start3A_308] : memref<80128x16xf32, #tpu.memory_space<hbm>> -> memref<80128x16xf32, #tpu.memory_space<hbm>>
          tpu.enqueue_indirect_dma source(%dma_start3A_309 : memref<80128x16xf32, #tpu.memory_space<hbm>>) target(%dma_start3A_303 : memref<128x16xf32, #tpu.memory_space<vmem>>) offsets(%dma_start3A_306 : memref<128xi32, #tpu.memory_space<vmem>>) semaphore(%arg15 : memref<!tpu.dma_semaphore, #tpu.memory_space<semaphore_mem>>)
          %dma_wait3A_310 = arith.constant 1 : i32
          %dma_wait3A_311 = arith.constant 0 : i32
          %dma_wait3A_312 = arith.constant 0 : i32
          %dma_wait3A_313 = arith.constant 0 : i32
          %dma_wait3A_314 = tpu.memref_slice %arg12[%dma_wait3A_310, %dma_wait3A_312, %dma_wait3A_313] : memref<2x128x128xf32, #tpu.memory_space<vmem>> -> memref<1x128x128xf32, #tpu.memory_space<vmem>>
          %dma_wait3A_315 = tpu.memref_squeeze %dma_wait3A_314 : memref<1x128x128xf32, #tpu.memory_space<vmem>> -> memref<128x128xf32, #tpu.memory_space<vmem>>
          %dma_wait3A_316 = arith.constant 0 : i32
          %dma_wait3A_317 = tpu.memref_slice %arg11[%dma_wait3A_311, %dma_wait3A_316] : memref<16x128xi32, #tpu.memory_space<vmem>> -> memref<1x128xi32, #tpu.memory_space<vmem>>
          %dma_wait3A_318 = tpu.memref_squeeze %dma_wait3A_317 : memref<1x128xi32, #tpu.memory_space<vmem>> -> memref<128xi32, #tpu.memory_space<vmem>>
          %dma_wait3A_319 = arith.constant 0 : i32
          %dma_wait3A_320 = arith.constant 0 : i32
          %dma_wait3A_321 = tpu.memref_slice %arg14[%dma_wait3A_319, %dma_wait3A_320] : memref<10240x128xf32, #tpu.memory_space<vmem_shared>> -> memref<10240x128xf32, #tpu.memory_space<vmem_shared>>
          tpu.wait_indirect_dma semaphore(%arg18 : memref<!tpu.dma_semaphore, #tpu.memory_space<semaphore_mem>>) src(%dma_wait3A_315 : memref<128x128xf32, #tpu.memory_space<vmem>>) dst(%dma_wait3A_321 : memref<10240x128xf32, #tpu.memory_space<vmem_shared>>)
          %add3A_322 = arith.constant 1 : i32
          %add3A_323 = arith.addi %add3A_192, %add3A_322 : i32
          %dma_start3A_324 = arith.constant 1 : i32
          %dma_start3A_325 = arith.constant 0 : i32
          %dma_start3A_326 = arith.constant 0 : i32
          %dma_start3A_327 = tpu.memref_slice %arg12[%dma_start3A_324, %dma_start3A_325, %dma_start3A_326] : memref<2x128x128xf32, #tpu.memory_space<vmem>> -> memref<1x128x128xf32, #tpu.memory_space<vmem>>
          %dma_start3A_328 = tpu.memref_squeeze %dma_start3A_327 : memref<1x128x128xf32, #tpu.memory_space<vmem>> -> memref<128x128xf32, #tpu.memory_space<vmem>>
          %dma_start3A_329 = arith.constant 0 : i32
          %dma_start3A_330 = tpu.memref_slice %arg9[%add3A_323, %dma_start3A_329] : memref<16x128xi32, #tpu.memory_space<vmem>> -> memref<1x128xi32, #tpu.memory_space<vmem>>
          %dma_start3A_331 = tpu.memref_squeeze %dma_start3A_330 : memref<1x128xi32, #tpu.memory_space<vmem>> -> memref<128xi32, #tpu.memory_space<vmem>>
          %dma_start3A_332 = arith.constant 0 : i32
          %dma_start3A_333 = arith.constant 0 : i32
          %dma_start3A_334 = tpu.memref_slice %arg2[%dma_start3A_332, %dma_start3A_333] : memref<90000x128xf32, #tpu.memory_space<hbm>> -> memref<90000x128xf32, #tpu.memory_space<hbm>>
          tpu.enqueue_indirect_dma source(%dma_start3A_334 : memref<90000x128xf32, #tpu.memory_space<hbm>>) target(%dma_start3A_328 : memref<128x128xf32, #tpu.memory_space<vmem>>) offsets(%dma_start3A_331 : memref<128xi32, #tpu.memory_space<vmem>>) semaphore(%arg16 : memref<!tpu.dma_semaphore, #tpu.memory_space<semaphore_mem>>)
          %dma_start3A_335 = arith.constant 1 : i32
          %dma_start3A_336 = arith.constant 0 : i32
          %dma_start3A_337 = arith.constant 0 : i32
          %dma_start3A_338 = tpu.memref_slice %arg13[%dma_start3A_335, %dma_start3A_336, %dma_start3A_337] : memref<2x128x16xf32, #tpu.memory_space<vmem>> -> memref<1x128x16xf32, #tpu.memory_space<vmem>>
          %dma_start3A_339 = tpu.memref_squeeze %dma_start3A_338 : memref<1x128x16xf32, #tpu.memory_space<vmem>> -> memref<128x16xf32, #tpu.memory_space<vmem>>
          %dma_start3A_340 = arith.constant 0 : i32
          %dma_start3A_341 = tpu.memref_slice %arg10[%add3A_323, %dma_start3A_340] : memref<16x128xi32, #tpu.memory_space<vmem>> -> memref<1x128xi32, #tpu.memory_space<vmem>>
          %dma_start3A_342 = tpu.memref_squeeze %dma_start3A_341 : memref<1x128xi32, #tpu.memory_space<vmem>> -> memref<128xi32, #tpu.memory_space<vmem>>
          %dma_start3A_343 = arith.constant 0 : i32
          %dma_start3A_344 = arith.constant 0 : i32
          %dma_start3A_345 = tpu.memref_slice %arg3[%dma_start3A_343, %dma_start3A_344] : memref<80128x16xf32, #tpu.memory_space<hbm>> -> memref<80128x16xf32, #tpu.memory_space<hbm>>
          tpu.enqueue_indirect_dma source(%dma_start3A_345 : memref<80128x16xf32, #tpu.memory_space<hbm>>) target(%dma_start3A_339 : memref<128x16xf32, #tpu.memory_space<vmem>>) offsets(%dma_start3A_342 : memref<128xi32, #tpu.memory_space<vmem>>) semaphore(%arg16 : memref<!tpu.dma_semaphore, #tpu.memory_space<semaphore_mem>>)
        }
        %scan3A_82 = arith.constant 7 : i32
        %dma_wait3A = arith.constant 0 : i32
        %dma_wait3A_83 = arith.constant 0 : i32
        %dma_wait3A_84 = arith.constant 0 : i32
        %dma_wait3A_85 = arith.constant 0 : i32
        %dma_wait3A_86 = tpu.memref_slice %arg12[%dma_wait3A_83, %dma_wait3A_84, %dma_wait3A_85] : memref<2x128x128xf32, #tpu.memory_space<vmem>> -> memref<1x128x128xf32, #tpu.memory_space<vmem>>
        %dma_wait3A_87 = tpu.memref_squeeze %dma_wait3A_86 : memref<1x128x128xf32, #tpu.memory_space<vmem>> -> memref<128x128xf32, #tpu.memory_space<vmem>>
        %dma_wait3A_88 = arith.constant 0 : i32
        %dma_wait3A_89 = tpu.memref_slice %arg9[%dma_wait3A, %dma_wait3A_88] : memref<16x128xi32, #tpu.memory_space<vmem>> -> memref<1x128xi32, #tpu.memory_space<vmem>>
        %dma_wait3A_90 = tpu.memref_squeeze %dma_wait3A_89 : memref<1x128xi32, #tpu.memory_space<vmem>> -> memref<128xi32, #tpu.memory_space<vmem>>
        %dma_wait3A_91 = arith.constant 0 : i32
        %dma_wait3A_92 = arith.constant 0 : i32
        %dma_wait3A_93 = tpu.memref_slice %arg2[%dma_wait3A_91, %dma_wait3A_92] : memref<90000x128xf32, #tpu.memory_space<hbm>> -> memref<90000x128xf32, #tpu.memory_space<hbm>>
        tpu.wait_indirect_dma semaphore(%arg15 : memref<!tpu.dma_semaphore, #tpu.memory_space<semaphore_mem>>) src(%dma_wait3A_93 : memref<90000x128xf32, #tpu.memory_space<hbm>>) dst(%dma_wait3A_87 : memref<128x128xf32, #tpu.memory_space<vmem>>)
        %dma_wait3A_94 = arith.constant 0 : i32
        %dma_wait3A_95 = arith.constant 0 : i32
        %dma_wait3A_96 = arith.constant 0 : i32
        %dma_wait3A_97 = arith.constant 0 : i32
        %dma_wait3A_98 = tpu.memref_slice %arg13[%dma_wait3A_95, %dma_wait3A_96, %dma_wait3A_97] : memref<2x128x16xf32, #tpu.memory_space<vmem>> -> memref<1x128x16xf32, #tpu.memory_space<vmem>>
        %dma_wait3A_99 = tpu.memref_squeeze %dma_wait3A_98 : memref<1x128x16xf32, #tpu.memory_space<vmem>> -> memref<128x16xf32, #tpu.memory_space<vmem>>
        %dma_wait3A_100 = arith.constant 0 : i32
        %dma_wait3A_101 = tpu.memref_slice %arg10[%dma_wait3A_94, %dma_wait3A_100] : memref<16x128xi32, #tpu.memory_space<vmem>> -> memref<1x128xi32, #tpu.memory_space<vmem>>
        %dma_wait3A_102 = tpu.memref_squeeze %dma_wait3A_101 : memref<1x128xi32, #tpu.memory_space<vmem>> -> memref<128xi32, #tpu.memory_space<vmem>>
        %dma_wait3A_103 = arith.constant 0 : i32
        %dma_wait3A_104 = arith.constant 0 : i32
        %dma_wait3A_105 = tpu.memref_slice %arg3[%dma_wait3A_103, %dma_wait3A_104] : memref<80128x16xf32, #tpu.memory_space<hbm>> -> memref<80128x16xf32, #tpu.memory_space<hbm>>
        tpu.wait_indirect_dma semaphore(%arg15 : memref<!tpu.dma_semaphore, #tpu.memory_space<semaphore_mem>>) src(%dma_wait3A_105 : memref<80128x16xf32, #tpu.memory_space<hbm>>) dst(%dma_wait3A_99 : memref<128x16xf32, #tpu.memory_space<vmem>>)
        %scan3A_106 = arith.constant 0 : i32
        %scan3A_107 = arith.constant 128 : i32
        %scan3A_108 = arith.addi %scan3A_106, %scan3A_107 : i32
        %scan3A_109 = arith.constant 1 : i32
        scf.for %scan3A_188 = %scan3A_106 to %scan3A_108 step %scan3A_109  : i32 {
          %mul3A_189 = arith.constant 1 : i32
          %mul3A_190 = arith.muli %scan3A_188, %mul3A_189 : i32
          %add3A_191 = arith.constant 0 : i32
          %add3A_192 = arith.addi %add3A_191, %mul3A_190 : i32
          %get3A = arith.constant 0 : i32
          %get3A_193 = arith.index_cast %get3A : i32 to index
          %get3A_194 = arith.index_cast %add3A_192 : i32 to index
          %get3A_195 = arith.constant 0 : index
          %get3A_196 = tpu.vector_load %arg13[%get3A_193, %get3A_194, %get3A_195] {strides = array<i32>} : memref<2x128x16xf32, #tpu.memory_space<vmem>>, vector<1x1x16xf32>,
          %get3A_197 = vector.shape_cast %get3A_196 : vector<1x1x16xf32> to vector<16xf32>
          %get3A_198 = arith.constant 0 : i32
          %get3A_199 = arith.index_cast %get3A_198 : i32 to index
          %get3A_200 = arith.index_cast %add3A_192 : i32 to index
          %get3A_201 = arith.constant 0 : index
          %get3A_202 = tpu.vector_load %arg12[%get3A_199, %get3A_200, %get3A_201] {strides = array<i32>} : memref<2x128x128xf32, #tpu.memory_space<vmem>>, vector<1x1x16xf32>,
          %get3A_203 = vector.shape_cast %get3A_202 : vector<1x1x16xf32> to vector<16xf32>
          %mul3A_204 = arith.mulf %get3A_203, %get3A_197 : vector<16xf32>
          %swap3A = arith.constant 0 : i32
          %swap3A_205 = arith.index_cast %swap3A : i32 to index
          %swap3A_206 = arith.index_cast %add3A_192 : i32 to index
          %swap3A_207 = arith.constant 0 : index
          %swap3A_208 = tpu.vector_load %arg12[%swap3A_205, %swap3A_206, %swap3A_207] {strides = array<i32>} : memref<2x128x128xf32, #tpu.memory_space<vmem>>, vector<1x1x16xf32>,
          %swap3A_209 = vector.shape_cast %swap3A_208 : vector<1x1x16xf32> to vector<16xf32>
          %swap3A_210 = vector.shape_cast %mul3A_204 : vector<16xf32> to vector<1x1x16xf32>
          tpu.vector_store %arg12[%swap3A_205, %swap3A_206, %swap3A_207], %swap3A_210 {strides = array<i32>} : memref<2x128x128xf32, #tpu.memory_space<vmem>>, vector<1x1x16xf32>,
          %get3A_211 = arith.constant 0 : i32
          %get3A_212 = arith.index_cast %get3A_211 : i32 to index
          %get3A_213 = arith.index_cast %add3A_192 : i32 to index
          %get3A_214 = arith.constant 16 : index
          %get3A_215 = tpu.vector_load %arg12[%get3A_212, %get3A_213, %get3A_214] {strides = array<i32>} : memref<2x128x128xf32, #tpu.memory_space<vmem>>, vector<1x1x16xf32>,
          %get3A_216 = vector.shape_cast %get3A_215 : vector<1x1x16xf32> to vector<16xf32>
          %mul3A_217 = arith.mulf %get3A_216, %get3A_197 : vector<16xf32>
          %swap3A_218 = arith.constant 0 : i32
          %swap3A_219 = arith.index_cast %swap3A_218 : i32 to index
          %swap3A_220 = arith.index_cast %add3A_192 : i32 to index
          %swap3A_221 = arith.constant 16 : index
          %swap3A_222 = tpu.vector_load %arg12[%swap3A_219, %swap3A_220, %swap3A_221] {strides = array<i32>} : memref<2x128x128xf32, #tpu.memory_space<vmem>>, vector<1x1x16xf32>,
          %swap3A_223 = vector.shape_cast %swap3A_222 : vector<1x1x16xf32> to vector<16xf32>
          %swap3A_224 = vector.shape_cast %mul3A_217 : vector<16xf32> to vector<1x1x16xf32>
          tpu.vector_store %arg12[%swap3A_219, %swap3A_220, %swap3A_221], %swap3A_224 {strides = array<i32>} : memref<2x128x128xf32, #tpu.memory_space<vmem>>, vector<1x1x16xf32>,
          %get3A_225 = arith.constant 0 : i32
          %get3A_226 = arith.index_cast %get3A_225 : i32 to index
          %get3A_227 = arith.index_cast %add3A_192 : i32 to index
          %get3A_228 = arith.constant 32 : index
          %get3A_229 = tpu.vector_load %arg12[%get3A_226, %get3A_227, %get3A_228] {strides = array<i32>} : memref<2x128x128xf32, #tpu.memory_space<vmem>>, vector<1x1x16xf32>,
          %get3A_230 = vector.shape_cast %get3A_229 : vector<1x1x16xf32> to vector<16xf32>
          %mul3A_231 = arith.mulf %get3A_230, %get3A_197 : vector<16xf32>
          %swap3A_232 = arith.constant 0 : i32
          %swap3A_233 = arith.index_cast %swap3A_232 : i32 to index
          %swap3A_234 = arith.index_cast %add3A_192 : i32 to index
          %swap3A_235 = arith.constant 32 : index
          %swap3A_236 = tpu.vector_load %arg12[%swap3A_233, %swap3A_234, %swap3A_235] {strides = array<i32>} : memref<2x128x128xf32, #tpu.memory_space<vmem>>, vector<1x1x16xf32>,
          %swap3A_237 = vector.shape_cast %swap3A_236 : vector<1x1x16xf32> to vector<16xf32>
          %swap3A_238 = vector.shape_cast %mul3A_231 : vector<16xf32> to vector<1x1x16xf32>
          tpu.vector_store %arg12[%swap3A_233, %swap3A_234, %swap3A_235], %swap3A_238 {strides = array<i32>} : memref<2x128x128xf32, #tpu.memory_space<vmem>>, vector<1x1x16xf32>,
          %get3A_239 = arith.constant 0 : i32
          %get3A_240 = arith.index_cast %get3A_239 : i32 to index
          %get3A_241 = arith.index_cast %add3A_192 : i32 to index
          %get3A_242 = arith.constant 48 : index
          %get3A_243 = tpu.vector_load %arg12[%get3A_240, %get3A_241, %get3A_242] {strides = array<i32>} : memref<2x128x128xf32, #tpu.memory_space<vmem>>, vector<1x1x16xf32>,
          %get3A_244 = vector.shape_cast %get3A_243 : vector<1x1x16xf32> to vector<16xf32>
          %mul3A_245 = arith.mulf %get3A_244, %get3A_197 : vector<16xf32>
          %swap3A_246 = arith.constant 0 : i32
          %swap3A_247 = arith.index_cast %swap3A_246 : i32 to index
          %swap3A_248 = arith.index_cast %add3A_192 : i32 to index
          %swap3A_249 = arith.constant 48 : index
          %swap3A_250 = tpu.vector_load %arg12[%swap3A_247, %swap3A_248, %swap3A_249] {strides = array<i32>} : memref<2x128x128xf32, #tpu.memory_space<vmem>>, vector<1x1x16xf32>,
          %swap3A_251 = vector.shape_cast %swap3A_250 : vector<1x1x16xf32> to vector<16xf32>
          %swap3A_252 = vector.shape_cast %mul3A_245 : vector<16xf32> to vector<1x1x16xf32>
          tpu.vector_store %arg12[%swap3A_247, %swap3A_248, %swap3A_249], %swap3A_252 {strides = array<i32>} : memref<2x128x128xf32, #tpu.memory_space<vmem>>, vector<1x1x16xf32>,
          %get3A_253 = arith.constant 0 : i32
          %get3A_254 = arith.index_cast %get3A_253 : i32 to index
          %get3A_255 = arith.index_cast %add3A_192 : i32 to index
          %get3A_256 = arith.constant 64 : index
          %get3A_257 = tpu.vector_load %arg12[%get3A_254, %get3A_255, %get3A_256] {strides = array<i32>} : memref<2x128x128xf32, #tpu.memory_space<vmem>>, vector<1x1x16xf32>,
          %get3A_258 = vector.shape_cast %get3A_257 : vector<1x1x16xf32> to vector<16xf32>
          %mul3A_259 = arith.mulf %get3A_258, %get3A_197 : vector<16xf32>
          %swap3A_260 = arith.constant 0 : i32
          %swap3A_261 = arith.index_cast %swap3A_260 : i32 to index
          %swap3A_262 = arith.index_cast %add3A_192 : i32 to index
          %swap3A_263 = arith.constant 64 : index
          %swap3A_264 = tpu.vector_load %arg12[%swap3A_261, %swap3A_262, %swap3A_263] {strides = array<i32>} : memref<2x128x128xf32, #tpu.memory_space<vmem>>, vector<1x1x16xf32>,
          %swap3A_265 = vector.shape_cast %swap3A_264 : vector<1x1x16xf32> to vector<16xf32>
          %swap3A_266 = vector.shape_cast %mul3A_259 : vector<16xf32> to vector<1x1x16xf32>
          tpu.vector_store %arg12[%swap3A_261, %swap3A_262, %swap3A_263], %swap3A_266 {strides = array<i32>} : memref<2x128x128xf32, #tpu.memory_space<vmem>>, vector<1x1x16xf32>,
          %get3A_267 = arith.constant 0 : i32
          %get3A_268 = arith.index_cast %get3A_267 : i32 to index
          %get3A_269 = arith.index_cast %add3A_192 : i32 to index
          %get3A_270 = arith.constant 80 : index
          %get3A_271 = tpu.vector_load %arg12[%get3A_268, %get3A_269, %get3A_270] {strides = array<i32>} : memref<2x128x128xf32, #tpu.memory_space<vmem>>, vector<1x1x16xf32>,
          %get3A_272 = vector.shape_cast %get3A_271 : vector<1x1x16xf32> to vector<16xf32>
          %mul3A_273 = arith.mulf %get3A_272, %get3A_197 : vector<16xf32>
          %swap3A_274 = arith.constant 0 : i32
          %swap3A_275 = arith.index_cast %swap3A_274 : i32 to index
          %swap3A_276 = arith.index_cast %add3A_192 : i32 to index
          %swap3A_277 = arith.constant 80 : index
          %swap3A_278 = tpu.vector_load %arg12[%swap3A_275, %swap3A_276, %swap3A_277] {strides = array<i32>} : memref<2x128x128xf32, #tpu.memory_space<vmem>>, vector<1x1x16xf32>,
          %swap3A_279 = vector.shape_cast %swap3A_278 : vector<1x1x16xf32> to vector<16xf32>
          %swap3A_280 = vector.shape_cast %mul3A_273 : vector<16xf32> to vector<1x1x16xf32>
          tpu.vector_store %arg12[%swap3A_275, %swap3A_276, %swap3A_277], %swap3A_280 {strides = array<i32>} : memref<2x128x128xf32, #tpu.memory_space<vmem>>, vector<1x1x16xf32>,
          %get3A_281 = arith.constant 0 : i32
          %get3A_282 = arith.index_cast %get3A_281 : i32 to index
          %get3A_283 = arith.index_cast %add3A_192 : i32 to index
          %get3A_284 = arith.constant 96 : index
          %get3A_285 = tpu.vector_load %arg12[%get3A_282, %get3A_283, %get3A_284] {strides = array<i32>} : memref<2x128x128xf32, #tpu.memory_space<vmem>>, vector<1x1x16xf32>,
          %get3A_286 = vector.shape_cast %get3A_285 : vector<1x1x16xf32> to vector<16xf32>
          %mul3A_287 = arith.mulf %get3A_286, %get3A_197 : vector<16xf32>
          %swap3A_288 = arith.constant 0 : i32
          %swap3A_289 = arith.index_cast %swap3A_288 : i32 to index
          %swap3A_290 = arith.index_cast %add3A_192 : i32 to index
          %swap3A_291 = arith.constant 96 : index
          %swap3A_292 = tpu.vector_load %arg12[%swap3A_289, %swap3A_290, %swap3A_291] {strides = array<i32>} : memref<2x128x128xf32, #tpu.memory_space<vmem>>, vector<1x1x16xf32>,
          %swap3A_293 = vector.shape_cast %swap3A_292 : vector<1x1x16xf32> to vector<16xf32>
          %swap3A_294 = vector.shape_cast %mul3A_287 : vector<16xf32> to vector<1x1x16xf32>
          tpu.vector_store %arg12[%swap3A_289, %swap3A_290, %swap3A_291], %swap3A_294 {strides = array<i32>} : memref<2x128x128xf32, #tpu.memory_space<vmem>>, vector<1x1x16xf32>,
          %get3A_295 = arith.constant 0 : i32
          %get3A_296 = arith.index_cast %get3A_295 : i32 to index
          %get3A_297 = arith.index_cast %add3A_192 : i32 to index
          %get3A_298 = arith.constant 112 : index
          %get3A_299 = tpu.vector_load %arg12[%get3A_296, %get3A_297, %get3A_298] {strides = array<i32>} : memref<2x128x128xf32, #tpu.memory_space<vmem>>, vector<1x1x16xf32>,
          %get3A_300 = vector.shape_cast %get3A_299 : vector<1x1x16xf32> to vector<16xf32>
          %mul3A_301 = arith.mulf %get3A_300, %get3A_197 : vector<16xf32>
          %swap3A_302 = arith.constant 0 : i32
          %swap3A_303 = arith.index_cast %swap3A_302 : i32 to index
          %swap3A_304 = arith.index_cast %add3A_192 : i32 to index
          %swap3A_305 = arith.constant 112 : index
          %swap3A_306 = tpu.vector_load %arg12[%swap3A_303, %swap3A_304, %swap3A_305] {strides = array<i32>} : memref<2x128x128xf32, #tpu.memory_space<vmem>>, vector<1x1x16xf32>,
          %swap3A_307 = vector.shape_cast %swap3A_306 : vector<1x1x16xf32> to vector<16xf32>
          %swap3A_308 = vector.shape_cast %mul3A_301 : vector<16xf32> to vector<1x1x16xf32>
          tpu.vector_store %arg12[%swap3A_303, %swap3A_304, %swap3A_305], %swap3A_308 {strides = array<i32>} : memref<2x128x128xf32, #tpu.memory_space<vmem>>, vector<1x1x16xf32>,
        }
        %scan3A_110 = arith.constant 128 : i32
        %dma_start3A_111 = arith.constant 0 : i32
        %dma_start3A_112 = arith.constant 14 : i32
        %dma_start3A_113 = arith.constant 0 : i32
        %dma_start3A_114 = arith.constant 0 : i32
        %dma_start3A_115 = tpu.memref_slice %arg12[%dma_start3A_111, %dma_start3A_113, %dma_start3A_114] : memref<2x128x128xf32, #tpu.memory_space<vmem>> -> memref<1x128x128xf32, #tpu.memory_space<vmem>>
        %dma_start3A_116 = tpu.memref_squeeze %dma_start3A_115 : memref<1x128x128xf32, #tpu.memory_space<vmem>> -> memref<128x128xf32, #tpu.memory_space<vmem>>
        %dma_start3A_117 = arith.constant 0 : i32
        %dma_start3A_118 = tpu.memref_slice %arg11[%dma_start3A_112, %dma_start3A_117] : memref<16x128xi32, #tpu.memory_space<vmem>> -> memref<1x128xi32, #tpu.memory_space<vmem>>
        %dma_start3A_119 = tpu.memref_squeeze %dma_start3A_118 : memref<1x128xi32, #tpu.memory_space<vmem>> -> memref<128xi32, #tpu.memory_space<vmem>>
        %dma_start3A_120 = arith.constant 0 : i32
        %dma_start3A_121 = arith.constant 0 : i32
        %dma_start3A_122 = tpu.memref_slice %arg14[%dma_start3A_120, %dma_start3A_121] : memref<10240x128xf32, #tpu.memory_space<vmem_shared>> -> memref<10240x128xf32, #tpu.memory_space<vmem_shared>>
        tpu.enqueue_indirect_dma source(%dma_start3A_116 : memref<128x128xf32, #tpu.memory_space<vmem>>) target(%dma_start3A_122 : memref<10240x128xf32, #tpu.memory_space<vmem_shared>>) offsets(%dma_start3A_119 : memref<128xi32, #tpu.memory_space<vmem>>) semaphore(%arg17 : memref<!tpu.dma_semaphore, #tpu.memory_space<semaphore_mem>>) {add = true}
        %dma_wait3A_123 = arith.constant 0 : i32
        %dma_wait3A_124 = arith.constant 1 : i32
        %dma_wait3A_125 = arith.constant 0 : i32
        %dma_wait3A_126 = arith.constant 0 : i32
        %dma_wait3A_127 = tpu.memref_slice %arg12[%dma_wait3A_124, %dma_wait3A_125, %dma_wait3A_126] : memref<2x128x128xf32, #tpu.memory_space<vmem>> -> memref<1x128x128xf32, #tpu.memory_space<vmem>>
        %dma_wait3A_128 = tpu.memref_squeeze %dma_wait3A_127 : memref<1x128x128xf32, #tpu.memory_space<vmem>> -> memref<128x128xf32, #tpu.memory_space<vmem>>
        %dma_wait3A_129 = arith.constant 0 : i32
        %dma_wait3A_130 = tpu.memref_slice %arg9[%dma_wait3A_123, %dma_wait3A_129] : memref<16x128xi32, #tpu.memory_space<vmem>> -> memref<1x128xi32, #tpu.memory_space<vmem>>
        %dma_wait3A_131 = tpu.memref_squeeze %dma_wait3A_130 : memref<1x128xi32, #tpu.memory_space<vmem>> -> memref<128xi32, #tpu.memory_space<vmem>>
        %dma_wait3A_132 = arith.constant 0 : i32
        %dma_wait3A_133 = arith.constant 0 : i32
        %dma_wait3A_134 = tpu.memref_slice %arg2[%dma_wait3A_132, %dma_wait3A_133] : memref<90000x128xf32, #tpu.memory_space<hbm>> -> memref<90000x128xf32, #tpu.memory_space<hbm>>
        tpu.wait_indirect_dma semaphore(%arg16 : memref<!tpu.dma_semaphore, #tpu.memory_space<semaphore_mem>>) src(%dma_wait3A_134 : memref<90000x128xf32, #tpu.memory_space<hbm>>) dst(%dma_wait3A_128 : memref<128x128xf32, #tpu.memory_space<vmem>>)
        %dma_wait3A_135 = arith.constant 0 : i32
        %dma_wait3A_136 = arith.constant 1 : i32
        %dma_wait3A_137 = arith.constant 0 : i32
        %dma_wait3A_138 = arith.constant 0 : i32
        %dma_wait3A_139 = tpu.memref_slice %arg13[%dma_wait3A_136, %dma_wait3A_137, %dma_wait3A_138] : memref<2x128x16xf32, #tpu.memory_space<vmem>> -> memref<1x128x16xf32, #tpu.memory_space<vmem>>
        %dma_wait3A_140 = tpu.memref_squeeze %dma_wait3A_139 : memref<1x128x16xf32, #tpu.memory_space<vmem>> -> memref<128x16xf32, #tpu.memory_space<vmem>>
        %dma_wait3A_141 = arith.constant 0 : i32
        %dma_wait3A_142 = tpu.memref_slice %arg10[%dma_wait3A_135, %dma_wait3A_141] : memref<16x128xi32, #tpu.memory_space<vmem>> -> memref<1x128xi32, #tpu.memory_space<vmem>>
        %dma_wait3A_143 = tpu.memref_squeeze %dma_wait3A_142 : memref<1x128xi32, #tpu.memory_space<vmem>> -> memref<128xi32, #tpu.memory_space<vmem>>
        %dma_wait3A_144 = arith.constant 0 : i32
        %dma_wait3A_145 = arith.constant 0 : i32
        %dma_wait3A_146 = tpu.memref_slice %arg3[%dma_wait3A_144, %dma_wait3A_145] : memref<80128x16xf32, #tpu.memory_space<hbm>> -> memref<80128x16xf32, #tpu.memory_space<hbm>>
        tpu.wait_indirect_dma semaphore(%arg16 : memref<!tpu.dma_semaphore, #tpu.memory_space<semaphore_mem>>) src(%dma_wait3A_146 : memref<80128x16xf32, #tpu.memory_space<hbm>>) dst(%dma_wait3A_140 : memref<128x16xf32, #tpu.memory_space<vmem>>)
        %scan3A_147 = arith.constant 0 : i32
        %scan3A_148 = arith.constant 128 : i32
        %scan3A_149 = arith.addi %scan3A_147, %scan3A_148 : i32
        %scan3A_150 = arith.constant 1 : i32
        scf.for %scan3A_188 = %scan3A_147 to %scan3A_149 step %scan3A_150  : i32 {
          %mul3A_189 = arith.constant 1 : i32
          %mul3A_190 = arith.muli %scan3A_188, %mul3A_189 : i32
          %add3A_191 = arith.constant 0 : i32
          %add3A_192 = arith.addi %add3A_191, %mul3A_190 : i32
          %get3A = arith.constant 1 : i32
          %get3A_193 = arith.index_cast %get3A : i32 to index
          %get3A_194 = arith.index_cast %add3A_192 : i32 to index
          %get3A_195 = arith.constant 0 : index
          %get3A_196 = tpu.vector_load %arg13[%get3A_193, %get3A_194, %get3A_195] {strides = array<i32>} : memref<2x128x16xf32, #tpu.memory_space<vmem>>, vector<1x1x16xf32>,
          %get3A_197 = vector.shape_cast %get3A_196 : vector<1x1x16xf32> to vector<16xf32>
          %get3A_198 = arith.constant 1 : i32
          %get3A_199 = arith.index_cast %get3A_198 : i32 to index
          %get3A_200 = arith.index_cast %add3A_192 : i32 to index
          %get3A_201 = arith.constant 0 : index
          %get3A_202 = tpu.vector_load %arg12[%get3A_199, %get3A_200, %get3A_201] {strides = array<i32>} : memref<2x128x128xf32, #tpu.memory_space<vmem>>, vector<1x1x16xf32>,
          %get3A_203 = vector.shape_cast %get3A_202 : vector<1x1x16xf32> to vector<16xf32>
          %mul3A_204 = arith.mulf %get3A_203, %get3A_197 : vector<16xf32>
          %swap3A = arith.constant 1 : i32
          %swap3A_205 = arith.index_cast %swap3A : i32 to index
          %swap3A_206 = arith.index_cast %add3A_192 : i32 to index
          %swap3A_207 = arith.constant 0 : index
          %swap3A_208 = tpu.vector_load %arg12[%swap3A_205, %swap3A_206, %swap3A_207] {strides = array<i32>} : memref<2x128x128xf32, #tpu.memory_space<vmem>>, vector<1x1x16xf32>,
          %swap3A_209 = vector.shape_cast %swap3A_208 : vector<1x1x16xf32> to vector<16xf32>
          %swap3A_210 = vector.shape_cast %mul3A_204 : vector<16xf32> to vector<1x1x16xf32>
          tpu.vector_store %arg12[%swap3A_205, %swap3A_206, %swap3A_207], %swap3A_210 {strides = array<i32>} : memref<2x128x128xf32, #tpu.memory_space<vmem>>, vector<1x1x16xf32>,
          %get3A_211 = arith.constant 1 : i32
          %get3A_212 = arith.index_cast %get3A_211 : i32 to index
          %get3A_213 = arith.index_cast %add3A_192 : i32 to index
          %get3A_214 = arith.constant 16 : index
          %get3A_215 = tpu.vector_load %arg12[%get3A_212, %get3A_213, %get3A_214] {strides = array<i32>} : memref<2x128x128xf32, #tpu.memory_space<vmem>>, vector<1x1x16xf32>,
          %get3A_216 = vector.shape_cast %get3A_215 : vector<1x1x16xf32> to vector<16xf32>
          %mul3A_217 = arith.mulf %get3A_216, %get3A_197 : vector<16xf32>
          %swap3A_218 = arith.constant 1 : i32
          %swap3A_219 = arith.index_cast %swap3A_218 : i32 to index
          %swap3A_220 = arith.index_cast %add3A_192 : i32 to index
          %swap3A_221 = arith.constant 16 : index
          %swap3A_222 = tpu.vector_load %arg12[%swap3A_219, %swap3A_220, %swap3A_221] {strides = array<i32>} : memref<2x128x128xf32, #tpu.memory_space<vmem>>, vector<1x1x16xf32>,
          %swap3A_223 = vector.shape_cast %swap3A_222 : vector<1x1x16xf32> to vector<16xf32>
          %swap3A_224 = vector.shape_cast %mul3A_217 : vector<16xf32> to vector<1x1x16xf32>
          tpu.vector_store %arg12[%swap3A_219, %swap3A_220, %swap3A_221], %swap3A_224 {strides = array<i32>} : memref<2x128x128xf32, #tpu.memory_space<vmem>>, vector<1x1x16xf32>,
          %get3A_225 = arith.constant 1 : i32
          %get3A_226 = arith.index_cast %get3A_225 : i32 to index
          %get3A_227 = arith.index_cast %add3A_192 : i32 to index
          %get3A_228 = arith.constant 32 : index
          %get3A_229 = tpu.vector_load %arg12[%get3A_226, %get3A_227, %get3A_228] {strides = array<i32>} : memref<2x128x128xf32, #tpu.memory_space<vmem>>, vector<1x1x16xf32>,
          %get3A_230 = vector.shape_cast %get3A_229 : vector<1x1x16xf32> to vector<16xf32>
          %mul3A_231 = arith.mulf %get3A_230, %get3A_197 : vector<16xf32>
          %swap3A_232 = arith.constant 1 : i32
          %swap3A_233 = arith.index_cast %swap3A_232 : i32 to index
          %swap3A_234 = arith.index_cast %add3A_192 : i32 to index
          %swap3A_235 = arith.constant 32 : index
          %swap3A_236 = tpu.vector_load %arg12[%swap3A_233, %swap3A_234, %swap3A_235] {strides = array<i32>} : memref<2x128x128xf32, #tpu.memory_space<vmem>>, vector<1x1x16xf32>,
          %swap3A_237 = vector.shape_cast %swap3A_236 : vector<1x1x16xf32> to vector<16xf32>
          %swap3A_238 = vector.shape_cast %mul3A_231 : vector<16xf32> to vector<1x1x16xf32>
          tpu.vector_store %arg12[%swap3A_233, %swap3A_234, %swap3A_235], %swap3A_238 {strides = array<i32>} : memref<2x128x128xf32, #tpu.memory_space<vmem>>, vector<1x1x16xf32>,
          %get3A_239 = arith.constant 1 : i32
          %get3A_240 = arith.index_cast %get3A_239 : i32 to index
          %get3A_241 = arith.index_cast %add3A_192 : i32 to index
          %get3A_242 = arith.constant 48 : index
          %get3A_243 = tpu.vector_load %arg12[%get3A_240, %get3A_241, %get3A_242] {strides = array<i32>} : memref<2x128x128xf32, #tpu.memory_space<vmem>>, vector<1x1x16xf32>,
          %get3A_244 = vector.shape_cast %get3A_243 : vector<1x1x16xf32> to vector<16xf32>
          %mul3A_245 = arith.mulf %get3A_244, %get3A_197 : vector<16xf32>
          %swap3A_246 = arith.constant 1 : i32
          %swap3A_247 = arith.index_cast %swap3A_246 : i32 to index
          %swap3A_248 = arith.index_cast %add3A_192 : i32 to index
          %swap3A_249 = arith.constant 48 : index
          %swap3A_250 = tpu.vector_load %arg12[%swap3A_247, %swap3A_248, %swap3A_249] {strides = array<i32>} : memref<2x128x128xf32, #tpu.memory_space<vmem>>, vector<1x1x16xf32>,
          %swap3A_251 = vector.shape_cast %swap3A_250 : vector<1x1x16xf32> to vector<16xf32>
          %swap3A_252 = vector.shape_cast %mul3A_245 : vector<16xf32> to vector<1x1x16xf32>
          tpu.vector_store %arg12[%swap3A_247, %swap3A_248, %swap3A_249], %swap3A_252 {strides = array<i32>} : memref<2x128x128xf32, #tpu.memory_space<vmem>>, vector<1x1x16xf32>,
          %get3A_253 = arith.constant 1 : i32
          %get3A_254 = arith.index_cast %get3A_253 : i32 to index
          %get3A_255 = arith.index_cast %add3A_192 : i32 to index
          %get3A_256 = arith.constant 64 : index
          %get3A_257 = tpu.vector_load %arg12[%get3A_254, %get3A_255, %get3A_256] {strides = array<i32>} : memref<2x128x128xf32, #tpu.memory_space<vmem>>, vector<1x1x16xf32>,
          %get3A_258 = vector.shape_cast %get3A_257 : vector<1x1x16xf32> to vector<16xf32>
          %mul3A_259 = arith.mulf %get3A_258, %get3A_197 : vector<16xf32>
          %swap3A_260 = arith.constant 1 : i32
          %swap3A_261 = arith.index_cast %swap3A_260 : i32 to index
          %swap3A_262 = arith.index_cast %add3A_192 : i32 to index
          %swap3A_263 = arith.constant 64 : index
          %swap3A_264 = tpu.vector_load %arg12[%swap3A_261, %swap3A_262, %swap3A_263] {strides = array<i32>} : memref<2x128x128xf32, #tpu.memory_space<vmem>>, vector<1x1x16xf32>,
          %swap3A_265 = vector.shape_cast %swap3A_264 : vector<1x1x16xf32> to vector<16xf32>
          %swap3A_266 = vector.shape_cast %mul3A_259 : vector<16xf32> to vector<1x1x16xf32>
          tpu.vector_store %arg12[%swap3A_261, %swap3A_262, %swap3A_263], %swap3A_266 {strides = array<i32>} : memref<2x128x128xf32, #tpu.memory_space<vmem>>, vector<1x1x16xf32>,
          %get3A_267 = arith.constant 1 : i32
          %get3A_268 = arith.index_cast %get3A_267 : i32 to index
          %get3A_269 = arith.index_cast %add3A_192 : i32 to index
          %get3A_270 = arith.constant 80 : index
          %get3A_271 = tpu.vector_load %arg12[%get3A_268, %get3A_269, %get3A_270] {strides = array<i32>} : memref<2x128x128xf32, #tpu.memory_space<vmem>>, vector<1x1x16xf32>,
          %get3A_272 = vector.shape_cast %get3A_271 : vector<1x1x16xf32> to vector<16xf32>
          %mul3A_273 = arith.mulf %get3A_272, %get3A_197 : vector<16xf32>
          %swap3A_274 = arith.constant 1 : i32
          %swap3A_275 = arith.index_cast %swap3A_274 : i32 to index
          %swap3A_276 = arith.index_cast %add3A_192 : i32 to index
          %swap3A_277 = arith.constant 80 : index
          %swap3A_278 = tpu.vector_load %arg12[%swap3A_275, %swap3A_276, %swap3A_277] {strides = array<i32>} : memref<2x128x128xf32, #tpu.memory_space<vmem>>, vector<1x1x16xf32>,
          %swap3A_279 = vector.shape_cast %swap3A_278 : vector<1x1x16xf32> to vector<16xf32>
          %swap3A_280 = vector.shape_cast %mul3A_273 : vector<16xf32> to vector<1x1x16xf32>
          tpu.vector_store %arg12[%swap3A_275, %swap3A_276, %swap3A_277], %swap3A_280 {strides = array<i32>} : memref<2x128x128xf32, #tpu.memory_space<vmem>>, vector<1x1x16xf32>,
          %get3A_281 = arith.constant 1 : i32
          %get3A_282 = arith.index_cast %get3A_281 : i32 to index
          %get3A_283 = arith.index_cast %add3A_192 : i32 to index
          %get3A_284 = arith.constant 96 : index
          %get3A_285 = tpu.vector_load %arg12[%get3A_282, %get3A_283, %get3A_284] {strides = array<i32>} : memref<2x128x128xf32, #tpu.memory_space<vmem>>, vector<1x1x16xf32>,
          %get3A_286 = vector.shape_cast %get3A_285 : vector<1x1x16xf32> to vector<16xf32>
          %mul3A_287 = arith.mulf %get3A_286, %get3A_197 : vector<16xf32>
          %swap3A_288 = arith.constant 1 : i32
          %swap3A_289 = arith.index_cast %swap3A_288 : i32 to index
          %swap3A_290 = arith.index_cast %add3A_192 : i32 to index
          %swap3A_291 = arith.constant 96 : index
          %swap3A_292 = tpu.vector_load %arg12[%swap3A_289, %swap3A_290, %swap3A_291] {strides = array<i32>} : memref<2x128x128xf32, #tpu.memory_space<vmem>>, vector<1x1x16xf32>,
          %swap3A_293 = vector.shape_cast %swap3A_292 : vector<1x1x16xf32> to vector<16xf32>
          %swap3A_294 = vector.shape_cast %mul3A_287 : vector<16xf32> to vector<1x1x16xf32>
          tpu.vector_store %arg12[%swap3A_289, %swap3A_290, %swap3A_291], %swap3A_294 {strides = array<i32>} : memref<2x128x128xf32, #tpu.memory_space<vmem>>, vector<1x1x16xf32>,
          %get3A_295 = arith.constant 1 : i32
          %get3A_296 = arith.index_cast %get3A_295 : i32 to index
          %get3A_297 = arith.index_cast %add3A_192 : i32 to index
          %get3A_298 = arith.constant 112 : index
          %get3A_299 = tpu.vector_load %arg12[%get3A_296, %get3A_297, %get3A_298] {strides = array<i32>} : memref<2x128x128xf32, #tpu.memory_space<vmem>>, vector<1x1x16xf32>,
          %get3A_300 = vector.shape_cast %get3A_299 : vector<1x1x16xf32> to vector<16xf32>
          %mul3A_301 = arith.mulf %get3A_300, %get3A_197 : vector<16xf32>
          %swap3A_302 = arith.constant 1 : i32
          %swap3A_303 = arith.index_cast %swap3A_302 : i32 to index
          %swap3A_304 = arith.index_cast %add3A_192 : i32 to index
          %swap3A_305 = arith.constant 112 : index
          %swap3A_306 = tpu.vector_load %arg12[%swap3A_303, %swap3A_304, %swap3A_305] {strides = array<i32>} : memref<2x128x128xf32, #tpu.memory_space<vmem>>, vector<1x1x16xf32>,
          %swap3A_307 = vector.shape_cast %swap3A_306 : vector<1x1x16xf32> to vector<16xf32>
          %swap3A_308 = vector.shape_cast %mul3A_301 : vector<16xf32> to vector<1x1x16xf32>
          tpu.vector_store %arg12[%swap3A_303, %swap3A_304, %swap3A_305], %swap3A_308 {strides = array<i32>} : memref<2x128x128xf32, #tpu.memory_space<vmem>>, vector<1x1x16xf32>,
        }
        %scan3A_151 = arith.constant 128 : i32
        %dma_start3A_152 = arith.constant 1 : i32
        %dma_start3A_153 = arith.constant 15 : i32
        %dma_start3A_154 = arith.constant 0 : i32
        %dma_start3A_155 = arith.constant 0 : i32
        %dma_start3A_156 = tpu.memref_slice %arg12[%dma_start3A_152, %dma_start3A_154, %dma_start3A_155] : memref<2x128x128xf32, #tpu.memory_space<vmem>> -> memref<1x128x128xf32, #tpu.memory_space<vmem>>
        %dma_start3A_157 = tpu.memref_squeeze %dma_start3A_156 : memref<1x128x128xf32, #tpu.memory_space<vmem>> -> memref<128x128xf32, #tpu.memory_space<vmem>>
        %dma_start3A_158 = arith.constant 0 : i32
        %dma_start3A_159 = tpu.memref_slice %arg11[%dma_start3A_153, %dma_start3A_158] : memref<16x128xi32, #tpu.memory_space<vmem>> -> memref<1x128xi32, #tpu.memory_space<vmem>>
        %dma_start3A_160 = tpu.memref_squeeze %dma_start3A_159 : memref<1x128xi32, #tpu.memory_space<vmem>> -> memref<128xi32, #tpu.memory_space<vmem>>
        %dma_start3A_161 = arith.constant 0 : i32
        %dma_start3A_162 = arith.constant 0 : i32
        %dma_start3A_163 = tpu.memref_slice %arg14[%dma_start3A_161, %dma_start3A_162] : memref<10240x128xf32, #tpu.memory_space<vmem_shared>> -> memref<10240x128xf32, #tpu.memory_space<vmem_shared>>
        tpu.enqueue_indirect_dma source(%dma_start3A_157 : memref<128x128xf32, #tpu.memory_space<vmem>>) target(%dma_start3A_163 : memref<10240x128xf32, #tpu.memory_space<vmem_shared>>) offsets(%dma_start3A_160 : memref<128xi32, #tpu.memory_space<vmem>>) semaphore(%arg18 : memref<!tpu.dma_semaphore, #tpu.memory_space<semaphore_mem>>) {add = true}
        %dma_wait3A_164 = arith.constant 0 : i32
        %dma_wait3A_165 = arith.constant 0 : i32
        %dma_wait3A_166 = arith.constant 0 : i32
        %dma_wait3A_167 = arith.constant 0 : i32
        %dma_wait3A_168 = tpu.memref_slice %arg12[%dma_wait3A_164, %dma_wait3A_166, %dma_wait3A_167] : memref<2x128x128xf32, #tpu.memory_space<vmem>> -> memref<1x128x128xf32, #tpu.memory_space<vmem>>
        %dma_wait3A_169 = tpu.memref_squeeze %dma_wait3A_168 : memref<1x128x128xf32, #tpu.memory_space<vmem>> -> memref<128x128xf32, #tpu.memory_space<vmem>>
        %dma_wait3A_170 = arith.constant 0 : i32
        %dma_wait3A_171 = tpu.memref_slice %arg11[%dma_wait3A_165, %dma_wait3A_170] : memref<16x128xi32, #tpu.memory_space<vmem>> -> memref<1x128xi32, #tpu.memory_space<vmem>>
        %dma_wait3A_172 = tpu.memref_squeeze %dma_wait3A_171 : memref<1x128xi32, #tpu.memory_space<vmem>> -> memref<128xi32, #tpu.memory_space<vmem>>
        %dma_wait3A_173 = arith.constant 0 : i32
        %dma_wait3A_174 = arith.constant 0 : i32
        %dma_wait3A_175 = tpu.memref_slice %arg14[%dma_wait3A_173, %dma_wait3A_174] : memref<10240x128xf32, #tpu.memory_space<vmem_shared>> -> memref<10240x128xf32, #tpu.memory_space<vmem_shared>>
        tpu.wait_indirect_dma semaphore(%arg17 : memref<!tpu.dma_semaphore, #tpu.memory_space<semaphore_mem>>) src(%dma_wait3A_169 : memref<128x128xf32, #tpu.memory_space<vmem>>) dst(%dma_wait3A_175 : memref<10240x128xf32, #tpu.memory_space<vmem_shared>>)
        %dma_wait3A_176 = arith.constant 1 : i32
        %dma_wait3A_177 = arith.constant 0 : i32
        %dma_wait3A_178 = arith.constant 0 : i32
        %dma_wait3A_179 = arith.constant 0 : i32
        %dma_wait3A_180 = tpu.memref_slice %arg12[%dma_wait3A_176, %dma_wait3A_178, %dma_wait3A_179] : memref<2x128x128xf32, #tpu.memory_space<vmem>> -> memref<1x128x128xf32, #tpu.memory_space<vmem>>
        %dma_wait3A_181 = tpu.memref_squeeze %dma_wait3A_180 : memref<1x128x128xf32, #tpu.memory_space<vmem>> -> memref<128x128xf32, #tpu.memory_space<vmem>>
        %dma_wait3A_182 = arith.constant 0 : i32
        %dma_wait3A_183 = tpu.memref_slice %arg11[%dma_wait3A_177, %dma_wait3A_182] : memref<16x128xi32, #tpu.memory_space<vmem>> -> memref<1x128xi32, #tpu.memory_space<vmem>>
        %dma_wait3A_184 = tpu.memref_squeeze %dma_wait3A_183 : memref<1x128xi32, #tpu.memory_space<vmem>> -> memref<128xi32, #tpu.memory_space<vmem>>
        %dma_wait3A_185 = arith.constant 0 : i32
        %dma_wait3A_186 = arith.constant 0 : i32
        %dma_wait3A_187 = tpu.memref_slice %arg14[%dma_wait3A_185, %dma_wait3A_186] : memref<10240x128xf32, #tpu.memory_space<vmem_shared>> -> memref<10240x128xf32, #tpu.memory_space<vmem_shared>>
        tpu.wait_indirect_dma semaphore(%arg18 : memref<!tpu.dma_semaphore, #tpu.memory_space<semaphore_mem>>) src(%dma_wait3A_181 : memref<128x128xf32, #tpu.memory_space<vmem>>) dst(%dma_wait3A_187 : memref<10240x128xf32, #tpu.memory_space<vmem_shared>>)
      }
      %scan3A_19 = arith.constant 8 : i32
    } else {
    }
    %eq3A_5 = arith.constant 1 : i32
    %eq3A_6 = arith.cmpi eq, %arg0, %eq3A_5 : i32
    %convert_element_type3A_7 = arith.extui %eq3A_6 : i1 to i32
    %cond3A_8 = arith.constant 0 : i32
    %cond3A_9 = arith.cmpi ne, %convert_element_type3A_7, %cond3A_8 : i32
    scf.if %cond3A_9 {
      %scan3A_15 = arith.constant 0 : i32
      %scan3A_16 = arith.constant 2 : i32
      %scan3A_17 = arith.addi %scan3A_15, %scan3A_16 : i32
      %scan3A_18 = arith.constant 1 : i32
      scf.for %scan3A_20 = %scan3A_15 to %scan3A_17 step %scan3A_18  : i32 {
        %mul3A_21 = arith.constant 1 : i32
        %mul3A_22 = arith.muli %scan3A_20, %mul3A_21 : i32
        %add3A = arith.constant 0 : i32
        %add3A_23 = arith.addi %add3A, %mul3A_22 : i32
        %mul3A_24 = arith.constant 32 : i32
        %mul3A_25 = arith.muli %arg1, %mul3A_24 : i32
        %add3A_26 = arith.constant 2048 : i32
        %add3A_27 = arith.addi %add3A_26, %mul3A_25 : i32
        %mul3A_28 = arith.constant 16 : i32
        %mul3A_29 = arith.muli %add3A_23, %mul3A_28 : i32
        %add3A_30 = arith.addi %add3A_27, %mul3A_29 : i32
        "tpu.region"() ({
          %run_scoped3A = tpu.sem_alloc : memref<!tpu.dma_semaphore, #tpu.memory_space<semaphore_mem>>
          %dma_start3A_188 = arith.constant 0 : i32
          %dma_start3A_189 = tpu.memref_slice %arg4[%add3A_30, %dma_start3A_188] : memref<2560x128xi32, #tpu.memory_space<hbm>> -> memref<16x128xi32, #tpu.memory_space<hbm>>
          %dma_start3A_190 = arith.constant 0 : i32
          %dma_start3A_191 = tpu.memref_slice %arg4[%add3A_30, %dma_start3A_190] : memref<2560x128xi32, #tpu.memory_space<hbm>> -> memref<16x128xi32, #tpu.memory_space<hbm>>
          tpu.enqueue_dma source(%dma_start3A_191 : memref<16x128xi32, #tpu.memory_space<hbm>>) target(%arg9 : memref<16x128xi32, #tpu.memory_space<vmem>>) target_semaphore(%run_scoped3A : memref<!tpu.dma_semaphore, #tpu.memory_space<semaphore_mem>>)
          %dma_wait3A_192 = arith.constant 0 : i32
          %dma_wait3A_193 = tpu.memref_slice %arg4[%add3A_30, %dma_wait3A_192] : memref<2560x128xi32, #tpu.memory_space<hbm>> -> memref<16x128xi32, #tpu.memory_space<hbm>>
          %dma_wait3A_194 = arith.constant 0 : i32
          %dma_wait3A_195 = tpu.memref_slice %arg4[%add3A_30, %dma_wait3A_194] : memref<2560x128xi32, #tpu.memory_space<hbm>> -> memref<16x128xi32, #tpu.memory_space<hbm>>
          tpu.wait_dma2 semaphore(%run_scoped3A : memref<!tpu.dma_semaphore, #tpu.memory_space<semaphore_mem>>) src(%dma_wait3A_195 : memref<16x128xi32, #tpu.memory_space<hbm>>) dst(%arg9 : memref<16x128xi32, #tpu.memory_space<vmem>>)
          tpu.yield
        }) : () -> ()
        "tpu.region"() ({
          %run_scoped3A = tpu.sem_alloc : memref<!tpu.dma_semaphore, #tpu.memory_space<semaphore_mem>>
          %dma_start3A_188 = arith.constant 0 : i32
          %dma_start3A_189 = tpu.memref_slice %arg5[%add3A_30, %dma_start3A_188] : memref<2560x128xi32, #tpu.memory_space<hbm>> -> memref<16x128xi32, #tpu.memory_space<hbm>>
          %dma_start3A_190 = arith.constant 0 : i32
          %dma_start3A_191 = tpu.memref_slice %arg5[%add3A_30, %dma_start3A_190] : memref<2560x128xi32, #tpu.memory_space<hbm>> -> memref<16x128xi32, #tpu.memory_space<hbm>>
          tpu.enqueue_dma source(%dma_start3A_191 : memref<16x128xi32, #tpu.memory_space<hbm>>) target(%arg10 : memref<16x128xi32, #tpu.memory_space<vmem>>) target_semaphore(%run_scoped3A : memref<!tpu.dma_semaphore, #tpu.memory_space<semaphore_mem>>)
          %dma_wait3A_192 = arith.constant 0 : i32
          %dma_wait3A_193 = tpu.memref_slice %arg5[%add3A_30, %dma_wait3A_192] : memref<2560x128xi32, #tpu.memory_space<hbm>> -> memref<16x128xi32, #tpu.memory_space<hbm>>
          %dma_wait3A_194 = arith.constant 0 : i32
          %dma_wait3A_195 = tpu.memref_slice %arg5[%add3A_30, %dma_wait3A_194] : memref<2560x128xi32, #tpu.memory_space<hbm>> -> memref<16x128xi32, #tpu.memory_space<hbm>>
          tpu.wait_dma2 semaphore(%run_scoped3A : memref<!tpu.dma_semaphore, #tpu.memory_space<semaphore_mem>>) src(%dma_wait3A_195 : memref<16x128xi32, #tpu.memory_space<hbm>>) dst(%arg10 : memref<16x128xi32, #tpu.memory_space<vmem>>)
          tpu.yield
        }) : () -> ()
        "tpu.region"() ({
          %run_scoped3A = tpu.sem_alloc : memref<!tpu.dma_semaphore, #tpu.memory_space<semaphore_mem>>
          %dma_start3A_188 = arith.constant 0 : i32
          %dma_start3A_189 = tpu.memref_slice %arg6[%add3A_30, %dma_start3A_188] : memref<2560x128xi32, #tpu.memory_space<hbm>> -> memref<16x128xi32, #tpu.memory_space<hbm>>
          %dma_start3A_190 = arith.constant 0 : i32
          %dma_start3A_191 = tpu.memref_slice %arg6[%add3A_30, %dma_start3A_190] : memref<2560x128xi32, #tpu.memory_space<hbm>> -> memref<16x128xi32, #tpu.memory_space<hbm>>
          tpu.enqueue_dma source(%dma_start3A_191 : memref<16x128xi32, #tpu.memory_space<hbm>>) target(%arg11 : memref<16x128xi32, #tpu.memory_space<vmem>>) target_semaphore(%run_scoped3A : memref<!tpu.dma_semaphore, #tpu.memory_space<semaphore_mem>>)
          %dma_wait3A_192 = arith.constant 0 : i32
          %dma_wait3A_193 = tpu.memref_slice %arg6[%add3A_30, %dma_wait3A_192] : memref<2560x128xi32, #tpu.memory_space<hbm>> -> memref<16x128xi32, #tpu.memory_space<hbm>>
          %dma_wait3A_194 = arith.constant 0 : i32
          %dma_wait3A_195 = tpu.memref_slice %arg6[%add3A_30, %dma_wait3A_194] : memref<2560x128xi32, #tpu.memory_space<hbm>> -> memref<16x128xi32, #tpu.memory_space<hbm>>
          tpu.wait_dma2 semaphore(%run_scoped3A : memref<!tpu.dma_semaphore, #tpu.memory_space<semaphore_mem>>) src(%dma_wait3A_195 : memref<16x128xi32, #tpu.memory_space<hbm>>) dst(%arg11 : memref<16x128xi32, #tpu.memory_space<vmem>>)
          tpu.yield
        }) : () -> ()
        %dma_start3A = arith.constant 0 : i32
        %dma_start3A_31 = arith.constant 0 : i32
        %dma_start3A_32 = arith.constant 0 : i32
        %dma_start3A_33 = arith.constant 0 : i32
        %dma_start3A_34 = tpu.memref_slice %arg12[%dma_start3A_31, %dma_start3A_32, %dma_start3A_33] : memref<2x128x128xf32, #tpu.memory_space<vmem>> -> memref<1x128x128xf32, #tpu.memory_space<vmem>>
        %dma_start3A_35 = tpu.memref_squeeze %dma_start3A_34 : memref<1x128x128xf32, #tpu.memory_space<vmem>> -> memref<128x128xf32, #tpu.memory_space<vmem>>
        %dma_start3A_36 = arith.constant 0 : i32
        %dma_start3A_37 = tpu.memref_slice %arg9[%dma_start3A, %dma_start3A_36] : memref<16x128xi32, #tpu.memory_space<vmem>> -> memref<1x128xi32, #tpu.memory_space<vmem>>
        %dma_start3A_38 = tpu.memref_squeeze %dma_start3A_37 : memref<1x128xi32, #tpu.memory_space<vmem>> -> memref<128xi32, #tpu.memory_space<vmem>>
        %dma_start3A_39 = arith.constant 0 : i32
        %dma_start3A_40 = arith.constant 0 : i32
        %dma_start3A_41 = tpu.memref_slice %arg2[%dma_start3A_39, %dma_start3A_40] : memref<90000x128xf32, #tpu.memory_space<hbm>> -> memref<90000x128xf32, #tpu.memory_space<hbm>>
        tpu.enqueue_indirect_dma source(%dma_start3A_41 : memref<90000x128xf32, #tpu.memory_space<hbm>>) target(%dma_start3A_35 : memref<128x128xf32, #tpu.memory_space<vmem>>) offsets(%dma_start3A_38 : memref<128xi32, #tpu.memory_space<vmem>>) semaphore(%arg15 : memref<!tpu.dma_semaphore, #tpu.memory_space<semaphore_mem>>)
        %dma_start3A_42 = arith.constant 0 : i32
        %dma_start3A_43 = arith.constant 0 : i32
        %dma_start3A_44 = arith.constant 0 : i32
        %dma_start3A_45 = arith.constant 0 : i32
        %dma_start3A_46 = tpu.memref_slice %arg13[%dma_start3A_43, %dma_start3A_44, %dma_start3A_45] : memref<2x128x16xf32, #tpu.memory_space<vmem>> -> memref<1x128x16xf32, #tpu.memory_space<vmem>>
        %dma_start3A_47 = tpu.memref_squeeze %dma_start3A_46 : memref<1x128x16xf32, #tpu.memory_space<vmem>> -> memref<128x16xf32, #tpu.memory_space<vmem>>
        %dma_start3A_48 = arith.constant 0 : i32
        %dma_start3A_49 = tpu.memref_slice %arg10[%dma_start3A_42, %dma_start3A_48] : memref<16x128xi32, #tpu.memory_space<vmem>> -> memref<1x128xi32, #tpu.memory_space<vmem>>
        %dma_start3A_50 = tpu.memref_squeeze %dma_start3A_49 : memref<1x128xi32, #tpu.memory_space<vmem>> -> memref<128xi32, #tpu.memory_space<vmem>>
        %dma_start3A_51 = arith.constant 0 : i32
        %dma_start3A_52 = arith.constant 0 : i32
        %dma_start3A_53 = tpu.memref_slice %arg3[%dma_start3A_51, %dma_start3A_52] : memref<80128x16xf32, #tpu.memory_space<hbm>> -> memref<80128x16xf32, #tpu.memory_space<hbm>>
        tpu.enqueue_indirect_dma source(%dma_start3A_53 : memref<80128x16xf32, #tpu.memory_space<hbm>>) target(%dma_start3A_47 : memref<128x16xf32, #tpu.memory_space<vmem>>) offsets(%dma_start3A_50 : memref<128xi32, #tpu.memory_space<vmem>>) semaphore(%arg15 : memref<!tpu.dma_semaphore, #tpu.memory_space<semaphore_mem>>)
        %dma_start3A_54 = arith.constant 1 : i32
        %dma_start3A_55 = arith.constant 1 : i32
        %dma_start3A_56 = arith.constant 0 : i32
        %dma_start3A_57 = arith.constant 0 : i32
        %dma_start3A_58 = tpu.memref_slice %arg12[%dma_start3A_55, %dma_start3A_56, %dma_start3A_57] : memref<2x128x128xf32, #tpu.memory_space<vmem>> -> memref<1x128x128xf32, #tpu.memory_space<vmem>>
        %dma_start3A_59 = tpu.memref_squeeze %dma_start3A_58 : memref<1x128x128xf32, #tpu.memory_space<vmem>> -> memref<128x128xf32, #tpu.memory_space<vmem>>
        %dma_start3A_60 = arith.constant 0 : i32
        %dma_start3A_61 = tpu.memref_slice %arg9[%dma_start3A_54, %dma_start3A_60] : memref<16x128xi32, #tpu.memory_space<vmem>> -> memref<1x128xi32, #tpu.memory_space<vmem>>
        %dma_start3A_62 = tpu.memref_squeeze %dma_start3A_61 : memref<1x128xi32, #tpu.memory_space<vmem>> -> memref<128xi32, #tpu.memory_space<vmem>>
        %dma_start3A_63 = arith.constant 0 : i32
        %dma_start3A_64 = arith.constant 0 : i32
        %dma_start3A_65 = tpu.memref_slice %arg2[%dma_start3A_63, %dma_start3A_64] : memref<90000x128xf32, #tpu.memory_space<hbm>> -> memref<90000x128xf32, #tpu.memory_space<hbm>>
        tpu.enqueue_indirect_dma source(%dma_start3A_65 : memref<90000x128xf32, #tpu.memory_space<hbm>>) target(%dma_start3A_59 : memref<128x128xf32, #tpu.memory_space<vmem>>) offsets(%dma_start3A_62 : memref<128xi32, #tpu.memory_space<vmem>>) semaphore(%arg16 : memref<!tpu.dma_semaphore, #tpu.memory_space<semaphore_mem>>)
        %dma_start3A_66 = arith.constant 1 : i32
        %dma_start3A_67 = arith.constant 1 : i32
        %dma_start3A_68 = arith.constant 0 : i32
        %dma_start3A_69 = arith.constant 0 : i32
        %dma_start3A_70 = tpu.memref_slice %arg13[%dma_start3A_67, %dma_start3A_68, %dma_start3A_69] : memref<2x128x16xf32, #tpu.memory_space<vmem>> -> memref<1x128x16xf32, #tpu.memory_space<vmem>>
        %dma_start3A_71 = tpu.memref_squeeze %dma_start3A_70 : memref<1x128x16xf32, #tpu.memory_space<vmem>> -> memref<128x16xf32, #tpu.memory_space<vmem>>
        %dma_start3A_72 = arith.constant 0 : i32
        %dma_start3A_73 = tpu.memref_slice %arg10[%dma_start3A_66, %dma_start3A_72] : memref<16x128xi32, #tpu.memory_space<vmem>> -> memref<1x128xi32, #tpu.memory_space<vmem>>
        %dma_start3A_74 = tpu.memref_squeeze %dma_start3A_73 : memref<1x128xi32, #tpu.memory_space<vmem>> -> memref<128xi32, #tpu.memory_space<vmem>>
        %dma_start3A_75 = arith.constant 0 : i32
        %dma_start3A_76 = arith.constant 0 : i32
        %dma_start3A_77 = tpu.memref_slice %arg3[%dma_start3A_75, %dma_start3A_76] : memref<80128x16xf32, #tpu.memory_space<hbm>> -> memref<80128x16xf32, #tpu.memory_space<hbm>>
        tpu.enqueue_indirect_dma source(%dma_start3A_77 : memref<80128x16xf32, #tpu.memory_space<hbm>>) target(%dma_start3A_71 : memref<128x16xf32, #tpu.memory_space<vmem>>) offsets(%dma_start3A_74 : memref<128xi32, #tpu.memory_space<vmem>>) semaphore(%arg16 : memref<!tpu.dma_semaphore, #tpu.memory_space<semaphore_mem>>)
        %scan3A_78 = arith.constant 0 : i32
        %scan3A_79 = arith.constant 7 : i32
        %scan3A_80 = arith.addi %scan3A_78, %scan3A_79 : i32
        %scan3A_81 = arith.constant 1 : i32
        scf.for %scan3A_188 = %scan3A_78 to %scan3A_80 step %scan3A_81  : i32 {
          %mul3A_189 = arith.constant 2 : i32
          %mul3A_190 = arith.muli %scan3A_188, %mul3A_189 : i32
          %add3A_191 = arith.constant 2 : i32
          %add3A_192 = arith.addi %add3A_191, %mul3A_190 : i32
          %dma_wait3A_193 = arith.constant 0 : i32
          %dma_wait3A_194 = arith.constant 0 : i32
          %dma_wait3A_195 = arith.constant 0 : i32
          %dma_wait3A_196 = arith.constant 0 : i32
          %dma_wait3A_197 = tpu.memref_slice %arg12[%dma_wait3A_194, %dma_wait3A_195, %dma_wait3A_196] : memref<2x128x128xf32, #tpu.memory_space<vmem>> -> memref<1x128x128xf32, #tpu.memory_space<vmem>>
          %dma_wait3A_198 = tpu.memref_squeeze %dma_wait3A_197 : memref<1x128x128xf32, #tpu.memory_space<vmem>> -> memref<128x128xf32, #tpu.memory_space<vmem>>
          %dma_wait3A_199 = arith.constant 0 : i32
          %dma_wait3A_200 = tpu.memref_slice %arg9[%dma_wait3A_193, %dma_wait3A_199] : memref<16x128xi32, #tpu.memory_space<vmem>> -> memref<1x128xi32, #tpu.memory_space<vmem>>
          %dma_wait3A_201 = tpu.memref_squeeze %dma_wait3A_200 : memref<1x128xi32, #tpu.memory_space<vmem>> -> memref<128xi32, #tpu.memory_space<vmem>>
          %dma_wait3A_202 = arith.constant 0 : i32
          %dma_wait3A_203 = arith.constant 0 : i32
          %dma_wait3A_204 = tpu.memref_slice %arg2[%dma_wait3A_202, %dma_wait3A_203] : memref<90000x128xf32, #tpu.memory_space<hbm>> -> memref<90000x128xf32, #tpu.memory_space<hbm>>
          tpu.wait_indirect_dma semaphore(%arg15 : memref<!tpu.dma_semaphore, #tpu.memory_space<semaphore_mem>>) src(%dma_wait3A_204 : memref<90000x128xf32, #tpu.memory_space<hbm>>) dst(%dma_wait3A_198 : memref<128x128xf32, #tpu.memory_space<vmem>>)
          %dma_wait3A_205 = arith.constant 0 : i32
          %dma_wait3A_206 = arith.constant 0 : i32
          %dma_wait3A_207 = arith.constant 0 : i32
          %dma_wait3A_208 = arith.constant 0 : i32
          %dma_wait3A_209 = tpu.memref_slice %arg13[%dma_wait3A_206, %dma_wait3A_207, %dma_wait3A_208] : memref<2x128x16xf32, #tpu.memory_space<vmem>> -> memref<1x128x16xf32, #tpu.memory_space<vmem>>
          %dma_wait3A_210 = tpu.memref_squeeze %dma_wait3A_209 : memref<1x128x16xf32, #tpu.memory_space<vmem>> -> memref<128x16xf32, #tpu.memory_space<vmem>>
          %dma_wait3A_211 = arith.constant 0 : i32
          %dma_wait3A_212 = tpu.memref_slice %arg10[%dma_wait3A_205, %dma_wait3A_211] : memref<16x128xi32, #tpu.memory_space<vmem>> -> memref<1x128xi32, #tpu.memory_space<vmem>>
          %dma_wait3A_213 = tpu.memref_squeeze %dma_wait3A_212 : memref<1x128xi32, #tpu.memory_space<vmem>> -> memref<128xi32, #tpu.memory_space<vmem>>
          %dma_wait3A_214 = arith.constant 0 : i32
          %dma_wait3A_215 = arith.constant 0 : i32
          %dma_wait3A_216 = tpu.memref_slice %arg3[%dma_wait3A_214, %dma_wait3A_215] : memref<80128x16xf32, #tpu.memory_space<hbm>> -> memref<80128x16xf32, #tpu.memory_space<hbm>>
          tpu.wait_indirect_dma semaphore(%arg15 : memref<!tpu.dma_semaphore, #tpu.memory_space<semaphore_mem>>) src(%dma_wait3A_216 : memref<80128x16xf32, #tpu.memory_space<hbm>>) dst(%dma_wait3A_210 : memref<128x16xf32, #tpu.memory_space<vmem>>)
          %scan3A_217 = arith.constant 0 : i32
          %scan3A_218 = arith.constant 128 : i32
          %scan3A_219 = arith.addi %scan3A_217, %scan3A_218 : i32
          %scan3A_220 = arith.constant 1 : i32
          scf.for %scan3A_346 = %scan3A_217 to %scan3A_219 step %scan3A_220  : i32 {
            %mul3A_347 = arith.constant 1 : i32
            %mul3A_348 = arith.muli %scan3A_346, %mul3A_347 : i32
            %add3A_349 = arith.constant 0 : i32
            %add3A_350 = arith.addi %add3A_349, %mul3A_348 : i32
            %get3A = arith.constant 0 : i32
            %get3A_351 = arith.index_cast %get3A : i32 to index
            %get3A_352 = arith.index_cast %add3A_350 : i32 to index
            %get3A_353 = arith.constant 0 : index
            %get3A_354 = tpu.vector_load %arg13[%get3A_351, %get3A_352, %get3A_353] {strides = array<i32>} : memref<2x128x16xf32, #tpu.memory_space<vmem>>, vector<1x1x16xf32>,
            %get3A_355 = vector.shape_cast %get3A_354 : vector<1x1x16xf32> to vector<16xf32>
            %get3A_356 = arith.constant 0 : i32
            %get3A_357 = arith.index_cast %get3A_356 : i32 to index
            %get3A_358 = arith.index_cast %add3A_350 : i32 to index
            %get3A_359 = arith.constant 0 : index
            %get3A_360 = tpu.vector_load %arg12[%get3A_357, %get3A_358, %get3A_359] {strides = array<i32>} : memref<2x128x128xf32, #tpu.memory_space<vmem>>, vector<1x1x16xf32>,
            %get3A_361 = vector.shape_cast %get3A_360 : vector<1x1x16xf32> to vector<16xf32>
            %mul3A_362 = arith.mulf %get3A_361, %get3A_355 : vector<16xf32>
            %swap3A = arith.constant 0 : i32
            %swap3A_363 = arith.index_cast %swap3A : i32 to index
            %swap3A_364 = arith.index_cast %add3A_350 : i32 to index
            %swap3A_365 = arith.constant 0 : index
            %swap3A_366 = tpu.vector_load %arg12[%swap3A_363, %swap3A_364, %swap3A_365] {strides = array<i32>} : memref<2x128x128xf32, #tpu.memory_space<vmem>>, vector<1x1x16xf32>,
            %swap3A_367 = vector.shape_cast %swap3A_366 : vector<1x1x16xf32> to vector<16xf32>
            %swap3A_368 = vector.shape_cast %mul3A_362 : vector<16xf32> to vector<1x1x16xf32>
            tpu.vector_store %arg12[%swap3A_363, %swap3A_364, %swap3A_365], %swap3A_368 {strides = array<i32>} : memref<2x128x128xf32, #tpu.memory_space<vmem>>, vector<1x1x16xf32>,
            %get3A_369 = arith.constant 0 : i32
            %get3A_370 = arith.index_cast %get3A_369 : i32 to index
            %get3A_371 = arith.index_cast %add3A_350 : i32 to index
            %get3A_372 = arith.constant 16 : index
            %get3A_373 = tpu.vector_load %arg12[%get3A_370, %get3A_371, %get3A_372] {strides = array<i32>} : memref<2x128x128xf32, #tpu.memory_space<vmem>>, vector<1x1x16xf32>,
            %get3A_374 = vector.shape_cast %get3A_373 : vector<1x1x16xf32> to vector<16xf32>
            %mul3A_375 = arith.mulf %get3A_374, %get3A_355 : vector<16xf32>
            %swap3A_376 = arith.constant 0 : i32
            %swap3A_377 = arith.index_cast %swap3A_376 : i32 to index
            %swap3A_378 = arith.index_cast %add3A_350 : i32 to index
            %swap3A_379 = arith.constant 16 : index
            %swap3A_380 = tpu.vector_load %arg12[%swap3A_377, %swap3A_378, %swap3A_379] {strides = array<i32>} : memref<2x128x128xf32, #tpu.memory_space<vmem>>, vector<1x1x16xf32>,
            %swap3A_381 = vector.shape_cast %swap3A_380 : vector<1x1x16xf32> to vector<16xf32>
            %swap3A_382 = vector.shape_cast %mul3A_375 : vector<16xf32> to vector<1x1x16xf32>
            tpu.vector_store %arg12[%swap3A_377, %swap3A_378, %swap3A_379], %swap3A_382 {strides = array<i32>} : memref<2x128x128xf32, #tpu.memory_space<vmem>>, vector<1x1x16xf32>,
            %get3A_383 = arith.constant 0 : i32
            %get3A_384 = arith.index_cast %get3A_383 : i32 to index
            %get3A_385 = arith.index_cast %add3A_350 : i32 to index
            %get3A_386 = arith.constant 32 : index
            %get3A_387 = tpu.vector_load %arg12[%get3A_384, %get3A_385, %get3A_386] {strides = array<i32>} : memref<2x128x128xf32, #tpu.memory_space<vmem>>, vector<1x1x16xf32>,
            %get3A_388 = vector.shape_cast %get3A_387 : vector<1x1x16xf32> to vector<16xf32>
            %mul3A_389 = arith.mulf %get3A_388, %get3A_355 : vector<16xf32>
            %swap3A_390 = arith.constant 0 : i32
            %swap3A_391 = arith.index_cast %swap3A_390 : i32 to index
            %swap3A_392 = arith.index_cast %add3A_350 : i32 to index
            %swap3A_393 = arith.constant 32 : index
            %swap3A_394 = tpu.vector_load %arg12[%swap3A_391, %swap3A_392, %swap3A_393] {strides = array<i32>} : memref<2x128x128xf32, #tpu.memory_space<vmem>>, vector<1x1x16xf32>,
            %swap3A_395 = vector.shape_cast %swap3A_394 : vector<1x1x16xf32> to vector<16xf32>
            %swap3A_396 = vector.shape_cast %mul3A_389 : vector<16xf32> to vector<1x1x16xf32>
            tpu.vector_store %arg12[%swap3A_391, %swap3A_392, %swap3A_393], %swap3A_396 {strides = array<i32>} : memref<2x128x128xf32, #tpu.memory_space<vmem>>, vector<1x1x16xf32>,
            %get3A_397 = arith.constant 0 : i32
            %get3A_398 = arith.index_cast %get3A_397 : i32 to index
            %get3A_399 = arith.index_cast %add3A_350 : i32 to index
            %get3A_400 = arith.constant 48 : index
            %get3A_401 = tpu.vector_load %arg12[%get3A_398, %get3A_399, %get3A_400] {strides = array<i32>} : memref<2x128x128xf32, #tpu.memory_space<vmem>>, vector<1x1x16xf32>,
            %get3A_402 = vector.shape_cast %get3A_401 : vector<1x1x16xf32> to vector<16xf32>
            %mul3A_403 = arith.mulf %get3A_402, %get3A_355 : vector<16xf32>
            %swap3A_404 = arith.constant 0 : i32
            %swap3A_405 = arith.index_cast %swap3A_404 : i32 to index
            %swap3A_406 = arith.index_cast %add3A_350 : i32 to index
            %swap3A_407 = arith.constant 48 : index
            %swap3A_408 = tpu.vector_load %arg12[%swap3A_405, %swap3A_406, %swap3A_407] {strides = array<i32>} : memref<2x128x128xf32, #tpu.memory_space<vmem>>, vector<1x1x16xf32>,
            %swap3A_409 = vector.shape_cast %swap3A_408 : vector<1x1x16xf32> to vector<16xf32>
            %swap3A_410 = vector.shape_cast %mul3A_403 : vector<16xf32> to vector<1x1x16xf32>
            tpu.vector_store %arg12[%swap3A_405, %swap3A_406, %swap3A_407], %swap3A_410 {strides = array<i32>} : memref<2x128x128xf32, #tpu.memory_space<vmem>>, vector<1x1x16xf32>,
            %get3A_411 = arith.constant 0 : i32
            %get3A_412 = arith.index_cast %get3A_411 : i32 to index
            %get3A_413 = arith.index_cast %add3A_350 : i32 to index
            %get3A_414 = arith.constant 64 : index
            %get3A_415 = tpu.vector_load %arg12[%get3A_412, %get3A_413, %get3A_414] {strides = array<i32>} : memref<2x128x128xf32, #tpu.memory_space<vmem>>, vector<1x1x16xf32>,
            %get3A_416 = vector.shape_cast %get3A_415 : vector<1x1x16xf32> to vector<16xf32>
            %mul3A_417 = arith.mulf %get3A_416, %get3A_355 : vector<16xf32>
            %swap3A_418 = arith.constant 0 : i32
            %swap3A_419 = arith.index_cast %swap3A_418 : i32 to index
            %swap3A_420 = arith.index_cast %add3A_350 : i32 to index
            %swap3A_421 = arith.constant 64 : index
            %swap3A_422 = tpu.vector_load %arg12[%swap3A_419, %swap3A_420, %swap3A_421] {strides = array<i32>} : memref<2x128x128xf32, #tpu.memory_space<vmem>>, vector<1x1x16xf32>,
            %swap3A_423 = vector.shape_cast %swap3A_422 : vector<1x1x16xf32> to vector<16xf32>
            %swap3A_424 = vector.shape_cast %mul3A_417 : vector<16xf32> to vector<1x1x16xf32>
            tpu.vector_store %arg12[%swap3A_419, %swap3A_420, %swap3A_421], %swap3A_424 {strides = array<i32>} : memref<2x128x128xf32, #tpu.memory_space<vmem>>, vector<1x1x16xf32>,
            %get3A_425 = arith.constant 0 : i32
            %get3A_426 = arith.index_cast %get3A_425 : i32 to index
            %get3A_427 = arith.index_cast %add3A_350 : i32 to index
            %get3A_428 = arith.constant 80 : index
            %get3A_429 = tpu.vector_load %arg12[%get3A_426, %get3A_427, %get3A_428] {strides = array<i32>} : memref<2x128x128xf32, #tpu.memory_space<vmem>>, vector<1x1x16xf32>,
            %get3A_430 = vector.shape_cast %get3A_429 : vector<1x1x16xf32> to vector<16xf32>
            %mul3A_431 = arith.mulf %get3A_430, %get3A_355 : vector<16xf32>
            %swap3A_432 = arith.constant 0 : i32
            %swap3A_433 = arith.index_cast %swap3A_432 : i32 to index
            %swap3A_434 = arith.index_cast %add3A_350 : i32 to index
            %swap3A_435 = arith.constant 80 : index
            %swap3A_436 = tpu.vector_load %arg12[%swap3A_433, %swap3A_434, %swap3A_435] {strides = array<i32>} : memref<2x128x128xf32, #tpu.memory_space<vmem>>, vector<1x1x16xf32>,
            %swap3A_437 = vector.shape_cast %swap3A_436 : vector<1x1x16xf32> to vector<16xf32>
            %swap3A_438 = vector.shape_cast %mul3A_431 : vector<16xf32> to vector<1x1x16xf32>
            tpu.vector_store %arg12[%swap3A_433, %swap3A_434, %swap3A_435], %swap3A_438 {strides = array<i32>} : memref<2x128x128xf32, #tpu.memory_space<vmem>>, vector<1x1x16xf32>,
            %get3A_439 = arith.constant 0 : i32
            %get3A_440 = arith.index_cast %get3A_439 : i32 to index
            %get3A_441 = arith.index_cast %add3A_350 : i32 to index
            %get3A_442 = arith.constant 96 : index
            %get3A_443 = tpu.vector_load %arg12[%get3A_440, %get3A_441, %get3A_442] {strides = array<i32>} : memref<2x128x128xf32, #tpu.memory_space<vmem>>, vector<1x1x16xf32>,
            %get3A_444 = vector.shape_cast %get3A_443 : vector<1x1x16xf32> to vector<16xf32>
            %mul3A_445 = arith.mulf %get3A_444, %get3A_355 : vector<16xf32>
            %swap3A_446 = arith.constant 0 : i32
            %swap3A_447 = arith.index_cast %swap3A_446 : i32 to index
            %swap3A_448 = arith.index_cast %add3A_350 : i32 to index
            %swap3A_449 = arith.constant 96 : index
            %swap3A_450 = tpu.vector_load %arg12[%swap3A_447, %swap3A_448, %swap3A_449] {strides = array<i32>} : memref<2x128x128xf32, #tpu.memory_space<vmem>>, vector<1x1x16xf32>,
            %swap3A_451 = vector.shape_cast %swap3A_450 : vector<1x1x16xf32> to vector<16xf32>
            %swap3A_452 = vector.shape_cast %mul3A_445 : vector<16xf32> to vector<1x1x16xf32>
            tpu.vector_store %arg12[%swap3A_447, %swap3A_448, %swap3A_449], %swap3A_452 {strides = array<i32>} : memref<2x128x128xf32, #tpu.memory_space<vmem>>, vector<1x1x16xf32>,
            %get3A_453 = arith.constant 0 : i32
            %get3A_454 = arith.index_cast %get3A_453 : i32 to index
            %get3A_455 = arith.index_cast %add3A_350 : i32 to index
            %get3A_456 = arith.constant 112 : index
            %get3A_457 = tpu.vector_load %arg12[%get3A_454, %get3A_455, %get3A_456] {strides = array<i32>} : memref<2x128x128xf32, #tpu.memory_space<vmem>>, vector<1x1x16xf32>,
            %get3A_458 = vector.shape_cast %get3A_457 : vector<1x1x16xf32> to vector<16xf32>
            %mul3A_459 = arith.mulf %get3A_458, %get3A_355 : vector<16xf32>
            %swap3A_460 = arith.constant 0 : i32
            %swap3A_461 = arith.index_cast %swap3A_460 : i32 to index
            %swap3A_462 = arith.index_cast %add3A_350 : i32 to index
            %swap3A_463 = arith.constant 112 : index
            %swap3A_464 = tpu.vector_load %arg12[%swap3A_461, %swap3A_462, %swap3A_463] {strides = array<i32>} : memref<2x128x128xf32, #tpu.memory_space<vmem>>, vector<1x1x16xf32>,
            %swap3A_465 = vector.shape_cast %swap3A_464 : vector<1x1x16xf32> to vector<16xf32>
            %swap3A_466 = vector.shape_cast %mul3A_459 : vector<16xf32> to vector<1x1x16xf32>
            tpu.vector_store %arg12[%swap3A_461, %swap3A_462, %swap3A_463], %swap3A_466 {strides = array<i32>} : memref<2x128x128xf32, #tpu.memory_space<vmem>>, vector<1x1x16xf32>,
          }
          %scan3A_221 = arith.constant 128 : i32
          %sub3A = arith.constant 2 : i32
          %sub3A_222 = arith.subi %add3A_192, %sub3A : i32
          %dma_start3A_223 = arith.constant 0 : i32
          %dma_start3A_224 = arith.constant 0 : i32
          %dma_start3A_225 = arith.constant 0 : i32
          %dma_start3A_226 = tpu.memref_slice %arg12[%dma_start3A_223, %dma_start3A_224, %dma_start3A_225] : memref<2x128x128xf32, #tpu.memory_space<vmem>> -> memref<1x128x128xf32, #tpu.memory_space<vmem>>
          %dma_start3A_227 = tpu.memref_squeeze %dma_start3A_226 : memref<1x128x128xf32, #tpu.memory_space<vmem>> -> memref<128x128xf32, #tpu.memory_space<vmem>>
          %dma_start3A_228 = arith.constant 0 : i32
          %dma_start3A_229 = tpu.memref_slice %arg11[%sub3A_222, %dma_start3A_228] : memref<16x128xi32, #tpu.memory_space<vmem>> -> memref<1x128xi32, #tpu.memory_space<vmem>>
          %dma_start3A_230 = tpu.memref_squeeze %dma_start3A_229 : memref<1x128xi32, #tpu.memory_space<vmem>> -> memref<128xi32, #tpu.memory_space<vmem>>
          %dma_start3A_231 = arith.constant 0 : i32
          %dma_start3A_232 = arith.constant 0 : i32
          %dma_start3A_233 = tpu.memref_slice %arg14[%dma_start3A_231, %dma_start3A_232] : memref<10240x128xf32, #tpu.memory_space<vmem_shared>> -> memref<10240x128xf32, #tpu.memory_space<vmem_shared>>
          tpu.enqueue_indirect_dma source(%dma_start3A_227 : memref<128x128xf32, #tpu.memory_space<vmem>>) target(%dma_start3A_233 : memref<10240x128xf32, #tpu.memory_space<vmem_shared>>) offsets(%dma_start3A_230 : memref<128xi32, #tpu.memory_space<vmem>>) semaphore(%arg17 : memref<!tpu.dma_semaphore, #tpu.memory_space<semaphore_mem>>) {add = true}
          %dma_wait3A_234 = arith.constant 0 : i32
          %dma_wait3A_235 = arith.constant 1 : i32
          %dma_wait3A_236 = arith.constant 0 : i32
          %dma_wait3A_237 = arith.constant 0 : i32
          %dma_wait3A_238 = tpu.memref_slice %arg12[%dma_wait3A_235, %dma_wait3A_236, %dma_wait3A_237] : memref<2x128x128xf32, #tpu.memory_space<vmem>> -> memref<1x128x128xf32, #tpu.memory_space<vmem>>
          %dma_wait3A_239 = tpu.memref_squeeze %dma_wait3A_238 : memref<1x128x128xf32, #tpu.memory_space<vmem>> -> memref<128x128xf32, #tpu.memory_space<vmem>>
          %dma_wait3A_240 = arith.constant 0 : i32
          %dma_wait3A_241 = tpu.memref_slice %arg9[%dma_wait3A_234, %dma_wait3A_240] : memref<16x128xi32, #tpu.memory_space<vmem>> -> memref<1x128xi32, #tpu.memory_space<vmem>>
          %dma_wait3A_242 = tpu.memref_squeeze %dma_wait3A_241 : memref<1x128xi32, #tpu.memory_space<vmem>> -> memref<128xi32, #tpu.memory_space<vmem>>
          %dma_wait3A_243 = arith.constant 0 : i32
          %dma_wait3A_244 = arith.constant 0 : i32
          %dma_wait3A_245 = tpu.memref_slice %arg2[%dma_wait3A_243, %dma_wait3A_244] : memref<90000x128xf32, #tpu.memory_space<hbm>> -> memref<90000x128xf32, #tpu.memory_space<hbm>>
          tpu.wait_indirect_dma semaphore(%arg16 : memref<!tpu.dma_semaphore, #tpu.memory_space<semaphore_mem>>) src(%dma_wait3A_245 : memref<90000x128xf32, #tpu.memory_space<hbm>>) dst(%dma_wait3A_239 : memref<128x128xf32, #tpu.memory_space<vmem>>)
          %dma_wait3A_246 = arith.constant 0 : i32
          %dma_wait3A_247 = arith.constant 1 : i32
          %dma_wait3A_248 = arith.constant 0 : i32
          %dma_wait3A_249 = arith.constant 0 : i32
          %dma_wait3A_250 = tpu.memref_slice %arg13[%dma_wait3A_247, %dma_wait3A_248, %dma_wait3A_249] : memref<2x128x16xf32, #tpu.memory_space<vmem>> -> memref<1x128x16xf32, #tpu.memory_space<vmem>>
          %dma_wait3A_251 = tpu.memref_squeeze %dma_wait3A_250 : memref<1x128x16xf32, #tpu.memory_space<vmem>> -> memref<128x16xf32, #tpu.memory_space<vmem>>
          %dma_wait3A_252 = arith.constant 0 : i32
          %dma_wait3A_253 = tpu.memref_slice %arg10[%dma_wait3A_246, %dma_wait3A_252] : memref<16x128xi32, #tpu.memory_space<vmem>> -> memref<1x128xi32, #tpu.memory_space<vmem>>
          %dma_wait3A_254 = tpu.memref_squeeze %dma_wait3A_253 : memref<1x128xi32, #tpu.memory_space<vmem>> -> memref<128xi32, #tpu.memory_space<vmem>>
          %dma_wait3A_255 = arith.constant 0 : i32
          %dma_wait3A_256 = arith.constant 0 : i32
          %dma_wait3A_257 = tpu.memref_slice %arg3[%dma_wait3A_255, %dma_wait3A_256] : memref<80128x16xf32, #tpu.memory_space<hbm>> -> memref<80128x16xf32, #tpu.memory_space<hbm>>
          tpu.wait_indirect_dma semaphore(%arg16 : memref<!tpu.dma_semaphore, #tpu.memory_space<semaphore_mem>>) src(%dma_wait3A_257 : memref<80128x16xf32, #tpu.memory_space<hbm>>) dst(%dma_wait3A_251 : memref<128x16xf32, #tpu.memory_space<vmem>>)
          %scan3A_258 = arith.constant 0 : i32
          %scan3A_259 = arith.constant 128 : i32
          %scan3A_260 = arith.addi %scan3A_258, %scan3A_259 : i32
          %scan3A_261 = arith.constant 1 : i32
          scf.for %scan3A_346 = %scan3A_258 to %scan3A_260 step %scan3A_261  : i32 {
            %mul3A_347 = arith.constant 1 : i32
            %mul3A_348 = arith.muli %scan3A_346, %mul3A_347 : i32
            %add3A_349 = arith.constant 0 : i32
            %add3A_350 = arith.addi %add3A_349, %mul3A_348 : i32
            %get3A = arith.constant 1 : i32
            %get3A_351 = arith.index_cast %get3A : i32 to index
            %get3A_352 = arith.index_cast %add3A_350 : i32 to index
            %get3A_353 = arith.constant 0 : index
            %get3A_354 = tpu.vector_load %arg13[%get3A_351, %get3A_352, %get3A_353] {strides = array<i32>} : memref<2x128x16xf32, #tpu.memory_space<vmem>>, vector<1x1x16xf32>,
            %get3A_355 = vector.shape_cast %get3A_354 : vector<1x1x16xf32> to vector<16xf32>
            %get3A_356 = arith.constant 1 : i32
            %get3A_357 = arith.index_cast %get3A_356 : i32 to index
            %get3A_358 = arith.index_cast %add3A_350 : i32 to index
            %get3A_359 = arith.constant 0 : index
            %get3A_360 = tpu.vector_load %arg12[%get3A_357, %get3A_358, %get3A_359] {strides = array<i32>} : memref<2x128x128xf32, #tpu.memory_space<vmem>>, vector<1x1x16xf32>,
            %get3A_361 = vector.shape_cast %get3A_360 : vector<1x1x16xf32> to vector<16xf32>
            %mul3A_362 = arith.mulf %get3A_361, %get3A_355 : vector<16xf32>
            %swap3A = arith.constant 1 : i32
            %swap3A_363 = arith.index_cast %swap3A : i32 to index
            %swap3A_364 = arith.index_cast %add3A_350 : i32 to index
            %swap3A_365 = arith.constant 0 : index
            %swap3A_366 = tpu.vector_load %arg12[%swap3A_363, %swap3A_364, %swap3A_365] {strides = array<i32>} : memref<2x128x128xf32, #tpu.memory_space<vmem>>, vector<1x1x16xf32>,
            %swap3A_367 = vector.shape_cast %swap3A_366 : vector<1x1x16xf32> to vector<16xf32>
            %swap3A_368 = vector.shape_cast %mul3A_362 : vector<16xf32> to vector<1x1x16xf32>
            tpu.vector_store %arg12[%swap3A_363, %swap3A_364, %swap3A_365], %swap3A_368 {strides = array<i32>} : memref<2x128x128xf32, #tpu.memory_space<vmem>>, vector<1x1x16xf32>,
            %get3A_369 = arith.constant 1 : i32
            %get3A_370 = arith.index_cast %get3A_369 : i32 to index
            %get3A_371 = arith.index_cast %add3A_350 : i32 to index
            %get3A_372 = arith.constant 16 : index
            %get3A_373 = tpu.vector_load %arg12[%get3A_370, %get3A_371, %get3A_372] {strides = array<i32>} : memref<2x128x128xf32, #tpu.memory_space<vmem>>, vector<1x1x16xf32>,
            %get3A_374 = vector.shape_cast %get3A_373 : vector<1x1x16xf32> to vector<16xf32>
            %mul3A_375 = arith.mulf %get3A_374, %get3A_355 : vector<16xf32>
            %swap3A_376 = arith.constant 1 : i32
            %swap3A_377 = arith.index_cast %swap3A_376 : i32 to index
            %swap3A_378 = arith.index_cast %add3A_350 : i32 to index
            %swap3A_379 = arith.constant 16 : index
            %swap3A_380 = tpu.vector_load %arg12[%swap3A_377, %swap3A_378, %swap3A_379] {strides = array<i32>} : memref<2x128x128xf32, #tpu.memory_space<vmem>>, vector<1x1x16xf32>,
            %swap3A_381 = vector.shape_cast %swap3A_380 : vector<1x1x16xf32> to vector<16xf32>
            %swap3A_382 = vector.shape_cast %mul3A_375 : vector<16xf32> to vector<1x1x16xf32>
            tpu.vector_store %arg12[%swap3A_377, %swap3A_378, %swap3A_379], %swap3A_382 {strides = array<i32>} : memref<2x128x128xf32, #tpu.memory_space<vmem>>, vector<1x1x16xf32>,
            %get3A_383 = arith.constant 1 : i32
            %get3A_384 = arith.index_cast %get3A_383 : i32 to index
            %get3A_385 = arith.index_cast %add3A_350 : i32 to index
            %get3A_386 = arith.constant 32 : index
            %get3A_387 = tpu.vector_load %arg12[%get3A_384, %get3A_385, %get3A_386] {strides = array<i32>} : memref<2x128x128xf32, #tpu.memory_space<vmem>>, vector<1x1x16xf32>,
            %get3A_388 = vector.shape_cast %get3A_387 : vector<1x1x16xf32> to vector<16xf32>
            %mul3A_389 = arith.mulf %get3A_388, %get3A_355 : vector<16xf32>
            %swap3A_390 = arith.constant 1 : i32
            %swap3A_391 = arith.index_cast %swap3A_390 : i32 to index
            %swap3A_392 = arith.index_cast %add3A_350 : i32 to index
            %swap3A_393 = arith.constant 32 : index
            %swap3A_394 = tpu.vector_load %arg12[%swap3A_391, %swap3A_392, %swap3A_393] {strides = array<i32>} : memref<2x128x128xf32, #tpu.memory_space<vmem>>, vector<1x1x16xf32>,
            %swap3A_395 = vector.shape_cast %swap3A_394 : vector<1x1x16xf32> to vector<16xf32>
            %swap3A_396 = vector.shape_cast %mul3A_389 : vector<16xf32> to vector<1x1x16xf32>
            tpu.vector_store %arg12[%swap3A_391, %swap3A_392, %swap3A_393], %swap3A_396 {strides = array<i32>} : memref<2x128x128xf32, #tpu.memory_space<vmem>>, vector<1x1x16xf32>,
            %get3A_397 = arith.constant 1 : i32
            %get3A_398 = arith.index_cast %get3A_397 : i32 to index
            %get3A_399 = arith.index_cast %add3A_350 : i32 to index
            %get3A_400 = arith.constant 48 : index
            %get3A_401 = tpu.vector_load %arg12[%get3A_398, %get3A_399, %get3A_400] {strides = array<i32>} : memref<2x128x128xf32, #tpu.memory_space<vmem>>, vector<1x1x16xf32>,
            %get3A_402 = vector.shape_cast %get3A_401 : vector<1x1x16xf32> to vector<16xf32>
            %mul3A_403 = arith.mulf %get3A_402, %get3A_355 : vector<16xf32>
            %swap3A_404 = arith.constant 1 : i32
            %swap3A_405 = arith.index_cast %swap3A_404 : i32 to index
            %swap3A_406 = arith.index_cast %add3A_350 : i32 to index
            %swap3A_407 = arith.constant 48 : index
            %swap3A_408 = tpu.vector_load %arg12[%swap3A_405, %swap3A_406, %swap3A_407] {strides = array<i32>} : memref<2x128x128xf32, #tpu.memory_space<vmem>>, vector<1x1x16xf32>,
            %swap3A_409 = vector.shape_cast %swap3A_408 : vector<1x1x16xf32> to vector<16xf32>
            %swap3A_410 = vector.shape_cast %mul3A_403 : vector<16xf32> to vector<1x1x16xf32>
            tpu.vector_store %arg12[%swap3A_405, %swap3A_406, %swap3A_407], %swap3A_410 {strides = array<i32>} : memref<2x128x128xf32, #tpu.memory_space<vmem>>, vector<1x1x16xf32>,
            %get3A_411 = arith.constant 1 : i32
            %get3A_412 = arith.index_cast %get3A_411 : i32 to index
            %get3A_413 = arith.index_cast %add3A_350 : i32 to index
            %get3A_414 = arith.constant 64 : index
            %get3A_415 = tpu.vector_load %arg12[%get3A_412, %get3A_413, %get3A_414] {strides = array<i32>} : memref<2x128x128xf32, #tpu.memory_space<vmem>>, vector<1x1x16xf32>,
            %get3A_416 = vector.shape_cast %get3A_415 : vector<1x1x16xf32> to vector<16xf32>
            %mul3A_417 = arith.mulf %get3A_416, %get3A_355 : vector<16xf32>
            %swap3A_418 = arith.constant 1 : i32
            %swap3A_419 = arith.index_cast %swap3A_418 : i32 to index
            %swap3A_420 = arith.index_cast %add3A_350 : i32 to index
            %swap3A_421 = arith.constant 64 : index
            %swap3A_422 = tpu.vector_load %arg12[%swap3A_419, %swap3A_420, %swap3A_421] {strides = array<i32>} : memref<2x128x128xf32, #tpu.memory_space<vmem>>, vector<1x1x16xf32>,
            %swap3A_423 = vector.shape_cast %swap3A_422 : vector<1x1x16xf32> to vector<16xf32>
            %swap3A_424 = vector.shape_cast %mul3A_417 : vector<16xf32> to vector<1x1x16xf32>
            tpu.vector_store %arg12[%swap3A_419, %swap3A_420, %swap3A_421], %swap3A_424 {strides = array<i32>} : memref<2x128x128xf32, #tpu.memory_space<vmem>>, vector<1x1x16xf32>,
            %get3A_425 = arith.constant 1 : i32
            %get3A_426 = arith.index_cast %get3A_425 : i32 to index
            %get3A_427 = arith.index_cast %add3A_350 : i32 to index
            %get3A_428 = arith.constant 80 : index
            %get3A_429 = tpu.vector_load %arg12[%get3A_426, %get3A_427, %get3A_428] {strides = array<i32>} : memref<2x128x128xf32, #tpu.memory_space<vmem>>, vector<1x1x16xf32>,
            %get3A_430 = vector.shape_cast %get3A_429 : vector<1x1x16xf32> to vector<16xf32>
            %mul3A_431 = arith.mulf %get3A_430, %get3A_355 : vector<16xf32>
            %swap3A_432 = arith.constant 1 : i32
            %swap3A_433 = arith.index_cast %swap3A_432 : i32 to index
            %swap3A_434 = arith.index_cast %add3A_350 : i32 to index
            %swap3A_435 = arith.constant 80 : index
            %swap3A_436 = tpu.vector_load %arg12[%swap3A_433, %swap3A_434, %swap3A_435] {strides = array<i32>} : memref<2x128x128xf32, #tpu.memory_space<vmem>>, vector<1x1x16xf32>,
            %swap3A_437 = vector.shape_cast %swap3A_436 : vector<1x1x16xf32> to vector<16xf32>
            %swap3A_438 = vector.shape_cast %mul3A_431 : vector<16xf32> to vector<1x1x16xf32>
            tpu.vector_store %arg12[%swap3A_433, %swap3A_434, %swap3A_435], %swap3A_438 {strides = array<i32>} : memref<2x128x128xf32, #tpu.memory_space<vmem>>, vector<1x1x16xf32>,
            %get3A_439 = arith.constant 1 : i32
            %get3A_440 = arith.index_cast %get3A_439 : i32 to index
            %get3A_441 = arith.index_cast %add3A_350 : i32 to index
            %get3A_442 = arith.constant 96 : index
            %get3A_443 = tpu.vector_load %arg12[%get3A_440, %get3A_441, %get3A_442] {strides = array<i32>} : memref<2x128x128xf32, #tpu.memory_space<vmem>>, vector<1x1x16xf32>,
            %get3A_444 = vector.shape_cast %get3A_443 : vector<1x1x16xf32> to vector<16xf32>
            %mul3A_445 = arith.mulf %get3A_444, %get3A_355 : vector<16xf32>
            %swap3A_446 = arith.constant 1 : i32
            %swap3A_447 = arith.index_cast %swap3A_446 : i32 to index
            %swap3A_448 = arith.index_cast %add3A_350 : i32 to index
            %swap3A_449 = arith.constant 96 : index
            %swap3A_450 = tpu.vector_load %arg12[%swap3A_447, %swap3A_448, %swap3A_449] {strides = array<i32>} : memref<2x128x128xf32, #tpu.memory_space<vmem>>, vector<1x1x16xf32>,
            %swap3A_451 = vector.shape_cast %swap3A_450 : vector<1x1x16xf32> to vector<16xf32>
            %swap3A_452 = vector.shape_cast %mul3A_445 : vector<16xf32> to vector<1x1x16xf32>
            tpu.vector_store %arg12[%swap3A_447, %swap3A_448, %swap3A_449], %swap3A_452 {strides = array<i32>} : memref<2x128x128xf32, #tpu.memory_space<vmem>>, vector<1x1x16xf32>,
            %get3A_453 = arith.constant 1 : i32
            %get3A_454 = arith.index_cast %get3A_453 : i32 to index
            %get3A_455 = arith.index_cast %add3A_350 : i32 to index
            %get3A_456 = arith.constant 112 : index
            %get3A_457 = tpu.vector_load %arg12[%get3A_454, %get3A_455, %get3A_456] {strides = array<i32>} : memref<2x128x128xf32, #tpu.memory_space<vmem>>, vector<1x1x16xf32>,
            %get3A_458 = vector.shape_cast %get3A_457 : vector<1x1x16xf32> to vector<16xf32>
            %mul3A_459 = arith.mulf %get3A_458, %get3A_355 : vector<16xf32>
            %swap3A_460 = arith.constant 1 : i32
            %swap3A_461 = arith.index_cast %swap3A_460 : i32 to index
            %swap3A_462 = arith.index_cast %add3A_350 : i32 to index
            %swap3A_463 = arith.constant 112 : index
            %swap3A_464 = tpu.vector_load %arg12[%swap3A_461, %swap3A_462, %swap3A_463] {strides = array<i32>} : memref<2x128x128xf32, #tpu.memory_space<vmem>>, vector<1x1x16xf32>,
            %swap3A_465 = vector.shape_cast %swap3A_464 : vector<1x1x16xf32> to vector<16xf32>
            %swap3A_466 = vector.shape_cast %mul3A_459 : vector<16xf32> to vector<1x1x16xf32>
            tpu.vector_store %arg12[%swap3A_461, %swap3A_462, %swap3A_463], %swap3A_466 {strides = array<i32>} : memref<2x128x128xf32, #tpu.memory_space<vmem>>, vector<1x1x16xf32>,
          }
          %scan3A_262 = arith.constant 128 : i32
          %sub3A_263 = arith.constant 1 : i32
          %sub3A_264 = arith.subi %add3A_192, %sub3A_263 : i32
          %dma_start3A_265 = arith.constant 1 : i32
          %dma_start3A_266 = arith.constant 0 : i32
          %dma_start3A_267 = arith.constant 0 : i32
          %dma_start3A_268 = tpu.memref_slice %arg12[%dma_start3A_265, %dma_start3A_266, %dma_start3A_267] : memref<2x128x128xf32, #tpu.memory_space<vmem>> -> memref<1x128x128xf32, #tpu.memory_space<vmem>>
          %dma_start3A_269 = tpu.memref_squeeze %dma_start3A_268 : memref<1x128x128xf32, #tpu.memory_space<vmem>> -> memref<128x128xf32, #tpu.memory_space<vmem>>
          %dma_start3A_270 = arith.constant 0 : i32
          %dma_start3A_271 = tpu.memref_slice %arg11[%sub3A_264, %dma_start3A_270] : memref<16x128xi32, #tpu.memory_space<vmem>> -> memref<1x128xi32, #tpu.memory_space<vmem>>
          %dma_start3A_272 = tpu.memref_squeeze %dma_start3A_271 : memref<1x128xi32, #tpu.memory_space<vmem>> -> memref<128xi32, #tpu.memory_space<vmem>>
          %dma_start3A_273 = arith.constant 0 : i32
          %dma_start3A_274 = arith.constant 0 : i32
          %dma_start3A_275 = tpu.memref_slice %arg14[%dma_start3A_273, %dma_start3A_274] : memref<10240x128xf32, #tpu.memory_space<vmem_shared>> -> memref<10240x128xf32, #tpu.memory_space<vmem_shared>>
          tpu.enqueue_indirect_dma source(%dma_start3A_269 : memref<128x128xf32, #tpu.memory_space<vmem>>) target(%dma_start3A_275 : memref<10240x128xf32, #tpu.memory_space<vmem_shared>>) offsets(%dma_start3A_272 : memref<128xi32, #tpu.memory_space<vmem>>) semaphore(%arg18 : memref<!tpu.dma_semaphore, #tpu.memory_space<semaphore_mem>>) {add = true}
          %dma_wait3A_276 = arith.constant 0 : i32
          %dma_wait3A_277 = arith.constant 0 : i32
          %dma_wait3A_278 = arith.constant 0 : i32
          %dma_wait3A_279 = arith.constant 0 : i32
          %dma_wait3A_280 = tpu.memref_slice %arg12[%dma_wait3A_276, %dma_wait3A_278, %dma_wait3A_279] : memref<2x128x128xf32, #tpu.memory_space<vmem>> -> memref<1x128x128xf32, #tpu.memory_space<vmem>>
          %dma_wait3A_281 = tpu.memref_squeeze %dma_wait3A_280 : memref<1x128x128xf32, #tpu.memory_space<vmem>> -> memref<128x128xf32, #tpu.memory_space<vmem>>
          %dma_wait3A_282 = arith.constant 0 : i32
          %dma_wait3A_283 = tpu.memref_slice %arg11[%dma_wait3A_277, %dma_wait3A_282] : memref<16x128xi32, #tpu.memory_space<vmem>> -> memref<1x128xi32, #tpu.memory_space<vmem>>
          %dma_wait3A_284 = tpu.memref_squeeze %dma_wait3A_283 : memref<1x128xi32, #tpu.memory_space<vmem>> -> memref<128xi32, #tpu.memory_space<vmem>>
          %dma_wait3A_285 = arith.constant 0 : i32
          %dma_wait3A_286 = arith.constant 0 : i32
          %dma_wait3A_287 = tpu.memref_slice %arg14[%dma_wait3A_285, %dma_wait3A_286] : memref<10240x128xf32, #tpu.memory_space<vmem_shared>> -> memref<10240x128xf32, #tpu.memory_space<vmem_shared>>
          tpu.wait_indirect_dma semaphore(%arg17 : memref<!tpu.dma_semaphore, #tpu.memory_space<semaphore_mem>>) src(%dma_wait3A_281 : memref<128x128xf32, #tpu.memory_space<vmem>>) dst(%dma_wait3A_287 : memref<10240x128xf32, #tpu.memory_space<vmem_shared>>)
          %dma_start3A_288 = arith.constant 0 : i32
          %dma_start3A_289 = arith.constant 0 : i32
          %dma_start3A_290 = arith.constant 0 : i32
          %dma_start3A_291 = tpu.memref_slice %arg12[%dma_start3A_288, %dma_start3A_289, %dma_start3A_290] : memref<2x128x128xf32, #tpu.memory_space<vmem>> -> memref<1x128x128xf32, #tpu.memory_space<vmem>>
          %dma_start3A_292 = tpu.memref_squeeze %dma_start3A_291 : memref<1x128x128xf32, #tpu.memory_space<vmem>> -> memref<128x128xf32, #tpu.memory_space<vmem>>
          %dma_start3A_293 = arith.constant 0 : i32
          %dma_start3A_294 = tpu.memref_slice %arg9[%add3A_192, %dma_start3A_293] : memref<16x128xi32, #tpu.memory_space<vmem>> -> memref<1x128xi32, #tpu.memory_space<vmem>>
          %dma_start3A_295 = tpu.memref_squeeze %dma_start3A_294 : memref<1x128xi32, #tpu.memory_space<vmem>> -> memref<128xi32, #tpu.memory_space<vmem>>
          %dma_start3A_296 = arith.constant 0 : i32
          %dma_start3A_297 = arith.constant 0 : i32
          %dma_start3A_298 = tpu.memref_slice %arg2[%dma_start3A_296, %dma_start3A_297] : memref<90000x128xf32, #tpu.memory_space<hbm>> -> memref<90000x128xf32, #tpu.memory_space<hbm>>
          tpu.enqueue_indirect_dma source(%dma_start3A_298 : memref<90000x128xf32, #tpu.memory_space<hbm>>) target(%dma_start3A_292 : memref<128x128xf32, #tpu.memory_space<vmem>>) offsets(%dma_start3A_295 : memref<128xi32, #tpu.memory_space<vmem>>) semaphore(%arg15 : memref<!tpu.dma_semaphore, #tpu.memory_space<semaphore_mem>>)
          %dma_start3A_299 = arith.constant 0 : i32
          %dma_start3A_300 = arith.constant 0 : i32
          %dma_start3A_301 = arith.constant 0 : i32
          %dma_start3A_302 = tpu.memref_slice %arg13[%dma_start3A_299, %dma_start3A_300, %dma_start3A_301] : memref<2x128x16xf32, #tpu.memory_space<vmem>> -> memref<1x128x16xf32, #tpu.memory_space<vmem>>
          %dma_start3A_303 = tpu.memref_squeeze %dma_start3A_302 : memref<1x128x16xf32, #tpu.memory_space<vmem>> -> memref<128x16xf32, #tpu.memory_space<vmem>>
          %dma_start3A_304 = arith.constant 0 : i32
          %dma_start3A_305 = tpu.memref_slice %arg10[%add3A_192, %dma_start3A_304] : memref<16x128xi32, #tpu.memory_space<vmem>> -> memref<1x128xi32, #tpu.memory_space<vmem>>
          %dma_start3A_306 = tpu.memref_squeeze %dma_start3A_305 : memref<1x128xi32, #tpu.memory_space<vmem>> -> memref<128xi32, #tpu.memory_space<vmem>>
          %dma_start3A_307 = arith.constant 0 : i32
          %dma_start3A_308 = arith.constant 0 : i32
          %dma_start3A_309 = tpu.memref_slice %arg3[%dma_start3A_307, %dma_start3A_308] : memref<80128x16xf32, #tpu.memory_space<hbm>> -> memref<80128x16xf32, #tpu.memory_space<hbm>>
          tpu.enqueue_indirect_dma source(%dma_start3A_309 : memref<80128x16xf32, #tpu.memory_space<hbm>>) target(%dma_start3A_303 : memref<128x16xf32, #tpu.memory_space<vmem>>) offsets(%dma_start3A_306 : memref<128xi32, #tpu.memory_space<vmem>>) semaphore(%arg15 : memref<!tpu.dma_semaphore, #tpu.memory_space<semaphore_mem>>)
          %dma_wait3A_310 = arith.constant 1 : i32
          %dma_wait3A_311 = arith.constant 0 : i32
          %dma_wait3A_312 = arith.constant 0 : i32
          %dma_wait3A_313 = arith.constant 0 : i32
          %dma_wait3A_314 = tpu.memref_slice %arg12[%dma_wait3A_310, %dma_wait3A_312, %dma_wait3A_313] : memref<2x128x128xf32, #tpu.memory_space<vmem>> -> memref<1x128x128xf32, #tpu.memory_space<vmem>>
          %dma_wait3A_315 = tpu.memref_squeeze %dma_wait3A_314 : memref<1x128x128xf32, #tpu.memory_space<vmem>> -> memref<128x128xf32, #tpu.memory_space<vmem>>
          %dma_wait3A_316 = arith.constant 0 : i32
          %dma_wait3A_317 = tpu.memref_slice %arg11[%dma_wait3A_311, %dma_wait3A_316] : memref<16x128xi32, #tpu.memory_space<vmem>> -> memref<1x128xi32, #tpu.memory_space<vmem>>
          %dma_wait3A_318 = tpu.memref_squeeze %dma_wait3A_317 : memref<1x128xi32, #tpu.memory_space<vmem>> -> memref<128xi32, #tpu.memory_space<vmem>>
          %dma_wait3A_319 = arith.constant 0 : i32
          %dma_wait3A_320 = arith.constant 0 : i32
          %dma_wait3A_321 = tpu.memref_slice %arg14[%dma_wait3A_319, %dma_wait3A_320] : memref<10240x128xf32, #tpu.memory_space<vmem_shared>> -> memref<10240x128xf32, #tpu.memory_space<vmem_shared>>
          tpu.wait_indirect_dma semaphore(%arg18 : memref<!tpu.dma_semaphore, #tpu.memory_space<semaphore_mem>>) src(%dma_wait3A_315 : memref<128x128xf32, #tpu.memory_space<vmem>>) dst(%dma_wait3A_321 : memref<10240x128xf32, #tpu.memory_space<vmem_shared>>)
          %add3A_322 = arith.constant 1 : i32
          %add3A_323 = arith.addi %add3A_192, %add3A_322 : i32
          %dma_start3A_324 = arith.constant 1 : i32
          %dma_start3A_325 = arith.constant 0 : i32
          %dma_start3A_326 = arith.constant 0 : i32
          %dma_start3A_327 = tpu.memref_slice %arg12[%dma_start3A_324, %dma_start3A_325, %dma_start3A_326] : memref<2x128x128xf32, #tpu.memory_space<vmem>> -> memref<1x128x128xf32, #tpu.memory_space<vmem>>
          %dma_start3A_328 = tpu.memref_squeeze %dma_start3A_327 : memref<1x128x128xf32, #tpu.memory_space<vmem>> -> memref<128x128xf32, #tpu.memory_space<vmem>>
          %dma_start3A_329 = arith.constant 0 : i32
          %dma_start3A_330 = tpu.memref_slice %arg9[%add3A_323, %dma_start3A_329] : memref<16x128xi32, #tpu.memory_space<vmem>> -> memref<1x128xi32, #tpu.memory_space<vmem>>
          %dma_start3A_331 = tpu.memref_squeeze %dma_start3A_330 : memref<1x128xi32, #tpu.memory_space<vmem>> -> memref<128xi32, #tpu.memory_space<vmem>>
          %dma_start3A_332 = arith.constant 0 : i32
          %dma_start3A_333 = arith.constant 0 : i32
          %dma_start3A_334 = tpu.memref_slice %arg2[%dma_start3A_332, %dma_start3A_333] : memref<90000x128xf32, #tpu.memory_space<hbm>> -> memref<90000x128xf32, #tpu.memory_space<hbm>>
          tpu.enqueue_indirect_dma source(%dma_start3A_334 : memref<90000x128xf32, #tpu.memory_space<hbm>>) target(%dma_start3A_328 : memref<128x128xf32, #tpu.memory_space<vmem>>) offsets(%dma_start3A_331 : memref<128xi32, #tpu.memory_space<vmem>>) semaphore(%arg16 : memref<!tpu.dma_semaphore, #tpu.memory_space<semaphore_mem>>)
          %dma_start3A_335 = arith.constant 1 : i32
          %dma_start3A_336 = arith.constant 0 : i32
          %dma_start3A_337 = arith.constant 0 : i32
          %dma_start3A_338 = tpu.memref_slice %arg13[%dma_start3A_335, %dma_start3A_336, %dma_start3A_337] : memref<2x128x16xf32, #tpu.memory_space<vmem>> -> memref<1x128x16xf32, #tpu.memory_space<vmem>>
          %dma_start3A_339 = tpu.memref_squeeze %dma_start3A_338 : memref<1x128x16xf32, #tpu.memory_space<vmem>> -> memref<128x16xf32, #tpu.memory_space<vmem>>
          %dma_start3A_340 = arith.constant 0 : i32
          %dma_start3A_341 = tpu.memref_slice %arg10[%add3A_323, %dma_start3A_340] : memref<16x128xi32, #tpu.memory_space<vmem>> -> memref<1x128xi32, #tpu.memory_space<vmem>>
          %dma_start3A_342 = tpu.memref_squeeze %dma_start3A_341 : memref<1x128xi32, #tpu.memory_space<vmem>> -> memref<128xi32, #tpu.memory_space<vmem>>
          %dma_start3A_343 = arith.constant 0 : i32
          %dma_start3A_344 = arith.constant 0 : i32
          %dma_start3A_345 = tpu.memref_slice %arg3[%dma_start3A_343, %dma_start3A_344] : memref<80128x16xf32, #tpu.memory_space<hbm>> -> memref<80128x16xf32, #tpu.memory_space<hbm>>
          tpu.enqueue_indirect_dma source(%dma_start3A_345 : memref<80128x16xf32, #tpu.memory_space<hbm>>) target(%dma_start3A_339 : memref<128x16xf32, #tpu.memory_space<vmem>>) offsets(%dma_start3A_342 : memref<128xi32, #tpu.memory_space<vmem>>) semaphore(%arg16 : memref<!tpu.dma_semaphore, #tpu.memory_space<semaphore_mem>>)
        }
        %scan3A_82 = arith.constant 7 : i32
        %dma_wait3A = arith.constant 0 : i32
        %dma_wait3A_83 = arith.constant 0 : i32
        %dma_wait3A_84 = arith.constant 0 : i32
        %dma_wait3A_85 = arith.constant 0 : i32
        %dma_wait3A_86 = tpu.memref_slice %arg12[%dma_wait3A_83, %dma_wait3A_84, %dma_wait3A_85] : memref<2x128x128xf32, #tpu.memory_space<vmem>> -> memref<1x128x128xf32, #tpu.memory_space<vmem>>
        %dma_wait3A_87 = tpu.memref_squeeze %dma_wait3A_86 : memref<1x128x128xf32, #tpu.memory_space<vmem>> -> memref<128x128xf32, #tpu.memory_space<vmem>>
        %dma_wait3A_88 = arith.constant 0 : i32
        %dma_wait3A_89 = tpu.memref_slice %arg9[%dma_wait3A, %dma_wait3A_88] : memref<16x128xi32, #tpu.memory_space<vmem>> -> memref<1x128xi32, #tpu.memory_space<vmem>>
        %dma_wait3A_90 = tpu.memref_squeeze %dma_wait3A_89 : memref<1x128xi32, #tpu.memory_space<vmem>> -> memref<128xi32, #tpu.memory_space<vmem>>
        %dma_wait3A_91 = arith.constant 0 : i32
        %dma_wait3A_92 = arith.constant 0 : i32
        %dma_wait3A_93 = tpu.memref_slice %arg2[%dma_wait3A_91, %dma_wait3A_92] : memref<90000x128xf32, #tpu.memory_space<hbm>> -> memref<90000x128xf32, #tpu.memory_space<hbm>>
        tpu.wait_indirect_dma semaphore(%arg15 : memref<!tpu.dma_semaphore, #tpu.memory_space<semaphore_mem>>) src(%dma_wait3A_93 : memref<90000x128xf32, #tpu.memory_space<hbm>>) dst(%dma_wait3A_87 : memref<128x128xf32, #tpu.memory_space<vmem>>)
        %dma_wait3A_94 = arith.constant 0 : i32
        %dma_wait3A_95 = arith.constant 0 : i32
        %dma_wait3A_96 = arith.constant 0 : i32
        %dma_wait3A_97 = arith.constant 0 : i32
        %dma_wait3A_98 = tpu.memref_slice %arg13[%dma_wait3A_95, %dma_wait3A_96, %dma_wait3A_97] : memref<2x128x16xf32, #tpu.memory_space<vmem>> -> memref<1x128x16xf32, #tpu.memory_space<vmem>>
        %dma_wait3A_99 = tpu.memref_squeeze %dma_wait3A_98 : memref<1x128x16xf32, #tpu.memory_space<vmem>> -> memref<128x16xf32, #tpu.memory_space<vmem>>
        %dma_wait3A_100 = arith.constant 0 : i32
        %dma_wait3A_101 = tpu.memref_slice %arg10[%dma_wait3A_94, %dma_wait3A_100] : memref<16x128xi32, #tpu.memory_space<vmem>> -> memref<1x128xi32, #tpu.memory_space<vmem>>
        %dma_wait3A_102 = tpu.memref_squeeze %dma_wait3A_101 : memref<1x128xi32, #tpu.memory_space<vmem>> -> memref<128xi32, #tpu.memory_space<vmem>>
        %dma_wait3A_103 = arith.constant 0 : i32
        %dma_wait3A_104 = arith.constant 0 : i32
        %dma_wait3A_105 = tpu.memref_slice %arg3[%dma_wait3A_103, %dma_wait3A_104] : memref<80128x16xf32, #tpu.memory_space<hbm>> -> memref<80128x16xf32, #tpu.memory_space<hbm>>
        tpu.wait_indirect_dma semaphore(%arg15 : memref<!tpu.dma_semaphore, #tpu.memory_space<semaphore_mem>>) src(%dma_wait3A_105 : memref<80128x16xf32, #tpu.memory_space<hbm>>) dst(%dma_wait3A_99 : memref<128x16xf32, #tpu.memory_space<vmem>>)
        %scan3A_106 = arith.constant 0 : i32
        %scan3A_107 = arith.constant 128 : i32
        %scan3A_108 = arith.addi %scan3A_106, %scan3A_107 : i32
        %scan3A_109 = arith.constant 1 : i32
        scf.for %scan3A_188 = %scan3A_106 to %scan3A_108 step %scan3A_109  : i32 {
          %mul3A_189 = arith.constant 1 : i32
          %mul3A_190 = arith.muli %scan3A_188, %mul3A_189 : i32
          %add3A_191 = arith.constant 0 : i32
          %add3A_192 = arith.addi %add3A_191, %mul3A_190 : i32
          %get3A = arith.constant 0 : i32
          %get3A_193 = arith.index_cast %get3A : i32 to index
          %get3A_194 = arith.index_cast %add3A_192 : i32 to index
          %get3A_195 = arith.constant 0 : index
          %get3A_196 = tpu.vector_load %arg13[%get3A_193, %get3A_194, %get3A_195] {strides = array<i32>} : memref<2x128x16xf32, #tpu.memory_space<vmem>>, vector<1x1x16xf32>,
          %get3A_197 = vector.shape_cast %get3A_196 : vector<1x1x16xf32> to vector<16xf32>
          %get3A_198 = arith.constant 0 : i32
          %get3A_199 = arith.index_cast %get3A_198 : i32 to index
          %get3A_200 = arith.index_cast %add3A_192 : i32 to index
          %get3A_201 = arith.constant 0 : index
          %get3A_202 = tpu.vector_load %arg12[%get3A_199, %get3A_200, %get3A_201] {strides = array<i32>} : memref<2x128x128xf32, #tpu.memory_space<vmem>>, vector<1x1x16xf32>,
          %get3A_203 = vector.shape_cast %get3A_202 : vector<1x1x16xf32> to vector<16xf32>
          %mul3A_204 = arith.mulf %get3A_203, %get3A_197 : vector<16xf32>
          %swap3A = arith.constant 0 : i32
          %swap3A_205 = arith.index_cast %swap3A : i32 to index
          %swap3A_206 = arith.index_cast %add3A_192 : i32 to index
          %swap3A_207 = arith.constant 0 : index
          %swap3A_208 = tpu.vector_load %arg12[%swap3A_205, %swap3A_206, %swap3A_207] {strides = array<i32>} : memref<2x128x128xf32, #tpu.memory_space<vmem>>, vector<1x1x16xf32>,
          %swap3A_209 = vector.shape_cast %swap3A_208 : vector<1x1x16xf32> to vector<16xf32>
          %swap3A_210 = vector.shape_cast %mul3A_204 : vector<16xf32> to vector<1x1x16xf32>
          tpu.vector_store %arg12[%swap3A_205, %swap3A_206, %swap3A_207], %swap3A_210 {strides = array<i32>} : memref<2x128x128xf32, #tpu.memory_space<vmem>>, vector<1x1x16xf32>,
          %get3A_211 = arith.constant 0 : i32
          %get3A_212 = arith.index_cast %get3A_211 : i32 to index
          %get3A_213 = arith.index_cast %add3A_192 : i32 to index
          %get3A_214 = arith.constant 16 : index
          %get3A_215 = tpu.vector_load %arg12[%get3A_212, %get3A_213, %get3A_214] {strides = array<i32>} : memref<2x128x128xf32, #tpu.memory_space<vmem>>, vector<1x1x16xf32>,
          %get3A_216 = vector.shape_cast %get3A_215 : vector<1x1x16xf32> to vector<16xf32>
          %mul3A_217 = arith.mulf %get3A_216, %get3A_197 : vector<16xf32>
          %swap3A_218 = arith.constant 0 : i32
          %swap3A_219 = arith.index_cast %swap3A_218 : i32 to index
          %swap3A_220 = arith.index_cast %add3A_192 : i32 to index
          %swap3A_221 = arith.constant 16 : index
          %swap3A_222 = tpu.vector_load %arg12[%swap3A_219, %swap3A_220, %swap3A_221] {strides = array<i32>} : memref<2x128x128xf32, #tpu.memory_space<vmem>>, vector<1x1x16xf32>,
          %swap3A_223 = vector.shape_cast %swap3A_222 : vector<1x1x16xf32> to vector<16xf32>
          %swap3A_224 = vector.shape_cast %mul3A_217 : vector<16xf32> to vector<1x1x16xf32>
          tpu.vector_store %arg12[%swap3A_219, %swap3A_220, %swap3A_221], %swap3A_224 {strides = array<i32>} : memref<2x128x128xf32, #tpu.memory_space<vmem>>, vector<1x1x16xf32>,
          %get3A_225 = arith.constant 0 : i32
          %get3A_226 = arith.index_cast %get3A_225 : i32 to index
          %get3A_227 = arith.index_cast %add3A_192 : i32 to index
          %get3A_228 = arith.constant 32 : index
          %get3A_229 = tpu.vector_load %arg12[%get3A_226, %get3A_227, %get3A_228] {strides = array<i32>} : memref<2x128x128xf32, #tpu.memory_space<vmem>>, vector<1x1x16xf32>,
          %get3A_230 = vector.shape_cast %get3A_229 : vector<1x1x16xf32> to vector<16xf32>
          %mul3A_231 = arith.mulf %get3A_230, %get3A_197 : vector<16xf32>
          %swap3A_232 = arith.constant 0 : i32
          %swap3A_233 = arith.index_cast %swap3A_232 : i32 to index
          %swap3A_234 = arith.index_cast %add3A_192 : i32 to index
          %swap3A_235 = arith.constant 32 : index
          %swap3A_236 = tpu.vector_load %arg12[%swap3A_233, %swap3A_234, %swap3A_235] {strides = array<i32>} : memref<2x128x128xf32, #tpu.memory_space<vmem>>, vector<1x1x16xf32>,
          %swap3A_237 = vector.shape_cast %swap3A_236 : vector<1x1x16xf32> to vector<16xf32>
          %swap3A_238 = vector.shape_cast %mul3A_231 : vector<16xf32> to vector<1x1x16xf32>
          tpu.vector_store %arg12[%swap3A_233, %swap3A_234, %swap3A_235], %swap3A_238 {strides = array<i32>} : memref<2x128x128xf32, #tpu.memory_space<vmem>>, vector<1x1x16xf32>,
          %get3A_239 = arith.constant 0 : i32
          %get3A_240 = arith.index_cast %get3A_239 : i32 to index
          %get3A_241 = arith.index_cast %add3A_192 : i32 to index
          %get3A_242 = arith.constant 48 : index
          %get3A_243 = tpu.vector_load %arg12[%get3A_240, %get3A_241, %get3A_242] {strides = array<i32>} : memref<2x128x128xf32, #tpu.memory_space<vmem>>, vector<1x1x16xf32>,
          %get3A_244 = vector.shape_cast %get3A_243 : vector<1x1x16xf32> to vector<16xf32>
          %mul3A_245 = arith.mulf %get3A_244, %get3A_197 : vector<16xf32>
          %swap3A_246 = arith.constant 0 : i32
          %swap3A_247 = arith.index_cast %swap3A_246 : i32 to index
          %swap3A_248 = arith.index_cast %add3A_192 : i32 to index
          %swap3A_249 = arith.constant 48 : index
          %swap3A_250 = tpu.vector_load %arg12[%swap3A_247, %swap3A_248, %swap3A_249] {strides = array<i32>} : memref<2x128x128xf32, #tpu.memory_space<vmem>>, vector<1x1x16xf32>,
          %swap3A_251 = vector.shape_cast %swap3A_250 : vector<1x1x16xf32> to vector<16xf32>
          %swap3A_252 = vector.shape_cast %mul3A_245 : vector<16xf32> to vector<1x1x16xf32>
          tpu.vector_store %arg12[%swap3A_247, %swap3A_248, %swap3A_249], %swap3A_252 {strides = array<i32>} : memref<2x128x128xf32, #tpu.memory_space<vmem>>, vector<1x1x16xf32>,
          %get3A_253 = arith.constant 0 : i32
          %get3A_254 = arith.index_cast %get3A_253 : i32 to index
          %get3A_255 = arith.index_cast %add3A_192 : i32 to index
          %get3A_256 = arith.constant 64 : index
          %get3A_257 = tpu.vector_load %arg12[%get3A_254, %get3A_255, %get3A_256] {strides = array<i32>} : memref<2x128x128xf32, #tpu.memory_space<vmem>>, vector<1x1x16xf32>,
          %get3A_258 = vector.shape_cast %get3A_257 : vector<1x1x16xf32> to vector<16xf32>
          %mul3A_259 = arith.mulf %get3A_258, %get3A_197 : vector<16xf32>
          %swap3A_260 = arith.constant 0 : i32
          %swap3A_261 = arith.index_cast %swap3A_260 : i32 to index
          %swap3A_262 = arith.index_cast %add3A_192 : i32 to index
          %swap3A_263 = arith.constant 64 : index
          %swap3A_264 = tpu.vector_load %arg12[%swap3A_261, %swap3A_262, %swap3A_263] {strides = array<i32>} : memref<2x128x128xf32, #tpu.memory_space<vmem>>, vector<1x1x16xf32>,
          %swap3A_265 = vector.shape_cast %swap3A_264 : vector<1x1x16xf32> to vector<16xf32>
          %swap3A_266 = vector.shape_cast %mul3A_259 : vector<16xf32> to vector<1x1x16xf32>
          tpu.vector_store %arg12[%swap3A_261, %swap3A_262, %swap3A_263], %swap3A_266 {strides = array<i32>} : memref<2x128x128xf32, #tpu.memory_space<vmem>>, vector<1x1x16xf32>,
          %get3A_267 = arith.constant 0 : i32
          %get3A_268 = arith.index_cast %get3A_267 : i32 to index
          %get3A_269 = arith.index_cast %add3A_192 : i32 to index
          %get3A_270 = arith.constant 80 : index
          %get3A_271 = tpu.vector_load %arg12[%get3A_268, %get3A_269, %get3A_270] {strides = array<i32>} : memref<2x128x128xf32, #tpu.memory_space<vmem>>, vector<1x1x16xf32>,
          %get3A_272 = vector.shape_cast %get3A_271 : vector<1x1x16xf32> to vector<16xf32>
          %mul3A_273 = arith.mulf %get3A_272, %get3A_197 : vector<16xf32>
          %swap3A_274 = arith.constant 0 : i32
          %swap3A_275 = arith.index_cast %swap3A_274 : i32 to index
          %swap3A_276 = arith.index_cast %add3A_192 : i32 to index
          %swap3A_277 = arith.constant 80 : index
          %swap3A_278 = tpu.vector_load %arg12[%swap3A_275, %swap3A_276, %swap3A_277] {strides = array<i32>} : memref<2x128x128xf32, #tpu.memory_space<vmem>>, vector<1x1x16xf32>,
          %swap3A_279 = vector.shape_cast %swap3A_278 : vector<1x1x16xf32> to vector<16xf32>
          %swap3A_280 = vector.shape_cast %mul3A_273 : vector<16xf32> to vector<1x1x16xf32>
          tpu.vector_store %arg12[%swap3A_275, %swap3A_276, %swap3A_277], %swap3A_280 {strides = array<i32>} : memref<2x128x128xf32, #tpu.memory_space<vmem>>, vector<1x1x16xf32>,
          %get3A_281 = arith.constant 0 : i32
          %get3A_282 = arith.index_cast %get3A_281 : i32 to index
          %get3A_283 = arith.index_cast %add3A_192 : i32 to index
          %get3A_284 = arith.constant 96 : index
          %get3A_285 = tpu.vector_load %arg12[%get3A_282, %get3A_283, %get3A_284] {strides = array<i32>} : memref<2x128x128xf32, #tpu.memory_space<vmem>>, vector<1x1x16xf32>,
          %get3A_286 = vector.shape_cast %get3A_285 : vector<1x1x16xf32> to vector<16xf32>
          %mul3A_287 = arith.mulf %get3A_286, %get3A_197 : vector<16xf32>
          %swap3A_288 = arith.constant 0 : i32
          %swap3A_289 = arith.index_cast %swap3A_288 : i32 to index
          %swap3A_290 = arith.index_cast %add3A_192 : i32 to index
          %swap3A_291 = arith.constant 96 : index
          %swap3A_292 = tpu.vector_load %arg12[%swap3A_289, %swap3A_290, %swap3A_291] {strides = array<i32>} : memref<2x128x128xf32, #tpu.memory_space<vmem>>, vector<1x1x16xf32>,
          %swap3A_293 = vector.shape_cast %swap3A_292 : vector<1x1x16xf32> to vector<16xf32>
          %swap3A_294 = vector.shape_cast %mul3A_287 : vector<16xf32> to vector<1x1x16xf32>
          tpu.vector_store %arg12[%swap3A_289, %swap3A_290, %swap3A_291], %swap3A_294 {strides = array<i32>} : memref<2x128x128xf32, #tpu.memory_space<vmem>>, vector<1x1x16xf32>,
          %get3A_295 = arith.constant 0 : i32
          %get3A_296 = arith.index_cast %get3A_295 : i32 to index
          %get3A_297 = arith.index_cast %add3A_192 : i32 to index
          %get3A_298 = arith.constant 112 : index
          %get3A_299 = tpu.vector_load %arg12[%get3A_296, %get3A_297, %get3A_298] {strides = array<i32>} : memref<2x128x128xf32, #tpu.memory_space<vmem>>, vector<1x1x16xf32>,
          %get3A_300 = vector.shape_cast %get3A_299 : vector<1x1x16xf32> to vector<16xf32>
          %mul3A_301 = arith.mulf %get3A_300, %get3A_197 : vector<16xf32>
          %swap3A_302 = arith.constant 0 : i32
          %swap3A_303 = arith.index_cast %swap3A_302 : i32 to index
          %swap3A_304 = arith.index_cast %add3A_192 : i32 to index
          %swap3A_305 = arith.constant 112 : index
          %swap3A_306 = tpu.vector_load %arg12[%swap3A_303, %swap3A_304, %swap3A_305] {strides = array<i32>} : memref<2x128x128xf32, #tpu.memory_space<vmem>>, vector<1x1x16xf32>,
          %swap3A_307 = vector.shape_cast %swap3A_306 : vector<1x1x16xf32> to vector<16xf32>
          %swap3A_308 = vector.shape_cast %mul3A_301 : vector<16xf32> to vector<1x1x16xf32>
          tpu.vector_store %arg12[%swap3A_303, %swap3A_304, %swap3A_305], %swap3A_308 {strides = array<i32>} : memref<2x128x128xf32, #tpu.memory_space<vmem>>, vector<1x1x16xf32>,
        }
        %scan3A_110 = arith.constant 128 : i32
        %dma_start3A_111 = arith.constant 0 : i32
        %dma_start3A_112 = arith.constant 14 : i32
        %dma_start3A_113 = arith.constant 0 : i32
        %dma_start3A_114 = arith.constant 0 : i32
        %dma_start3A_115 = tpu.memref_slice %arg12[%dma_start3A_111, %dma_start3A_113, %dma_start3A_114] : memref<2x128x128xf32, #tpu.memory_space<vmem>> -> memref<1x128x128xf32, #tpu.memory_space<vmem>>
        %dma_start3A_116 = tpu.memref_squeeze %dma_start3A_115 : memref<1x128x128xf32, #tpu.memory_space<vmem>> -> memref<128x128xf32, #tpu.memory_space<vmem>>
        %dma_start3A_117 = arith.constant 0 : i32
        %dma_start3A_118 = tpu.memref_slice %arg11[%dma_start3A_112, %dma_start3A_117] : memref<16x128xi32, #tpu.memory_space<vmem>> -> memref<1x128xi32, #tpu.memory_space<vmem>>
        %dma_start3A_119 = tpu.memref_squeeze %dma_start3A_118 : memref<1x128xi32, #tpu.memory_space<vmem>> -> memref<128xi32, #tpu.memory_space<vmem>>
        %dma_start3A_120 = arith.constant 0 : i32
        %dma_start3A_121 = arith.constant 0 : i32
        %dma_start3A_122 = tpu.memref_slice %arg14[%dma_start3A_120, %dma_start3A_121] : memref<10240x128xf32, #tpu.memory_space<vmem_shared>> -> memref<10240x128xf32, #tpu.memory_space<vmem_shared>>
        tpu.enqueue_indirect_dma source(%dma_start3A_116 : memref<128x128xf32, #tpu.memory_space<vmem>>) target(%dma_start3A_122 : memref<10240x128xf32, #tpu.memory_space<vmem_shared>>) offsets(%dma_start3A_119 : memref<128xi32, #tpu.memory_space<vmem>>) semaphore(%arg17 : memref<!tpu.dma_semaphore, #tpu.memory_space<semaphore_mem>>) {add = true}
        %dma_wait3A_123 = arith.constant 0 : i32
        %dma_wait3A_124 = arith.constant 1 : i32
        %dma_wait3A_125 = arith.constant 0 : i32
        %dma_wait3A_126 = arith.constant 0 : i32
        %dma_wait3A_127 = tpu.memref_slice %arg12[%dma_wait3A_124, %dma_wait3A_125, %dma_wait3A_126] : memref<2x128x128xf32, #tpu.memory_space<vmem>> -> memref<1x128x128xf32, #tpu.memory_space<vmem>>
        %dma_wait3A_128 = tpu.memref_squeeze %dma_wait3A_127 : memref<1x128x128xf32, #tpu.memory_space<vmem>> -> memref<128x128xf32, #tpu.memory_space<vmem>>
        %dma_wait3A_129 = arith.constant 0 : i32
        %dma_wait3A_130 = tpu.memref_slice %arg9[%dma_wait3A_123, %dma_wait3A_129] : memref<16x128xi32, #tpu.memory_space<vmem>> -> memref<1x128xi32, #tpu.memory_space<vmem>>
        %dma_wait3A_131 = tpu.memref_squeeze %dma_wait3A_130 : memref<1x128xi32, #tpu.memory_space<vmem>> -> memref<128xi32, #tpu.memory_space<vmem>>
        %dma_wait3A_132 = arith.constant 0 : i32
        %dma_wait3A_133 = arith.constant 0 : i32
        %dma_wait3A_134 = tpu.memref_slice %arg2[%dma_wait3A_132, %dma_wait3A_133] : memref<90000x128xf32, #tpu.memory_space<hbm>> -> memref<90000x128xf32, #tpu.memory_space<hbm>>
        tpu.wait_indirect_dma semaphore(%arg16 : memref<!tpu.dma_semaphore, #tpu.memory_space<semaphore_mem>>) src(%dma_wait3A_134 : memref<90000x128xf32, #tpu.memory_space<hbm>>) dst(%dma_wait3A_128 : memref<128x128xf32, #tpu.memory_space<vmem>>)
        %dma_wait3A_135 = arith.constant 0 : i32
        %dma_wait3A_136 = arith.constant 1 : i32
        %dma_wait3A_137 = arith.constant 0 : i32
        %dma_wait3A_138 = arith.constant 0 : i32
        %dma_wait3A_139 = tpu.memref_slice %arg13[%dma_wait3A_136, %dma_wait3A_137, %dma_wait3A_138] : memref<2x128x16xf32, #tpu.memory_space<vmem>> -> memref<1x128x16xf32, #tpu.memory_space<vmem>>
        %dma_wait3A_140 = tpu.memref_squeeze %dma_wait3A_139 : memref<1x128x16xf32, #tpu.memory_space<vmem>> -> memref<128x16xf32, #tpu.memory_space<vmem>>
        %dma_wait3A_141 = arith.constant 0 : i32
        %dma_wait3A_142 = tpu.memref_slice %arg10[%dma_wait3A_135, %dma_wait3A_141] : memref<16x128xi32, #tpu.memory_space<vmem>> -> memref<1x128xi32, #tpu.memory_space<vmem>>
        %dma_wait3A_143 = tpu.memref_squeeze %dma_wait3A_142 : memref<1x128xi32, #tpu.memory_space<vmem>> -> memref<128xi32, #tpu.memory_space<vmem>>
        %dma_wait3A_144 = arith.constant 0 : i32
        %dma_wait3A_145 = arith.constant 0 : i32
        %dma_wait3A_146 = tpu.memref_slice %arg3[%dma_wait3A_144, %dma_wait3A_145] : memref<80128x16xf32, #tpu.memory_space<hbm>> -> memref<80128x16xf32, #tpu.memory_space<hbm>>
        tpu.wait_indirect_dma semaphore(%arg16 : memref<!tpu.dma_semaphore, #tpu.memory_space<semaphore_mem>>) src(%dma_wait3A_146 : memref<80128x16xf32, #tpu.memory_space<hbm>>) dst(%dma_wait3A_140 : memref<128x16xf32, #tpu.memory_space<vmem>>)
        %scan3A_147 = arith.constant 0 : i32
        %scan3A_148 = arith.constant 128 : i32
        %scan3A_149 = arith.addi %scan3A_147, %scan3A_148 : i32
        %scan3A_150 = arith.constant 1 : i32
        scf.for %scan3A_188 = %scan3A_147 to %scan3A_149 step %scan3A_150  : i32 {
          %mul3A_189 = arith.constant 1 : i32
          %mul3A_190 = arith.muli %scan3A_188, %mul3A_189 : i32
          %add3A_191 = arith.constant 0 : i32
          %add3A_192 = arith.addi %add3A_191, %mul3A_190 : i32
          %get3A = arith.constant 1 : i32
          %get3A_193 = arith.index_cast %get3A : i32 to index
          %get3A_194 = arith.index_cast %add3A_192 : i32 to index
          %get3A_195 = arith.constant 0 : index
          %get3A_196 = tpu.vector_load %arg13[%get3A_193, %get3A_194, %get3A_195] {strides = array<i32>} : memref<2x128x16xf32, #tpu.memory_space<vmem>>, vector<1x1x16xf32>,
          %get3A_197 = vector.shape_cast %get3A_196 : vector<1x1x16xf32> to vector<16xf32>
          %get3A_198 = arith.constant 1 : i32
          %get3A_199 = arith.index_cast %get3A_198 : i32 to index
          %get3A_200 = arith.index_cast %add3A_192 : i32 to index
          %get3A_201 = arith.constant 0 : index
          %get3A_202 = tpu.vector_load %arg12[%get3A_199, %get3A_200, %get3A_201] {strides = array<i32>} : memref<2x128x128xf32, #tpu.memory_space<vmem>>, vector<1x1x16xf32>,
          %get3A_203 = vector.shape_cast %get3A_202 : vector<1x1x16xf32> to vector<16xf32>
          %mul3A_204 = arith.mulf %get3A_203, %get3A_197 : vector<16xf32>
          %swap3A = arith.constant 1 : i32
          %swap3A_205 = arith.index_cast %swap3A : i32 to index
          %swap3A_206 = arith.index_cast %add3A_192 : i32 to index
          %swap3A_207 = arith.constant 0 : index
          %swap3A_208 = tpu.vector_load %arg12[%swap3A_205, %swap3A_206, %swap3A_207] {strides = array<i32>} : memref<2x128x128xf32, #tpu.memory_space<vmem>>, vector<1x1x16xf32>,
          %swap3A_209 = vector.shape_cast %swap3A_208 : vector<1x1x16xf32> to vector<16xf32>
          %swap3A_210 = vector.shape_cast %mul3A_204 : vector<16xf32> to vector<1x1x16xf32>
          tpu.vector_store %arg12[%swap3A_205, %swap3A_206, %swap3A_207], %swap3A_210 {strides = array<i32>} : memref<2x128x128xf32, #tpu.memory_space<vmem>>, vector<1x1x16xf32>,
          %get3A_211 = arith.constant 1 : i32
          %get3A_212 = arith.index_cast %get3A_211 : i32 to index
          %get3A_213 = arith.index_cast %add3A_192 : i32 to index
          %get3A_214 = arith.constant 16 : index
          %get3A_215 = tpu.vector_load %arg12[%get3A_212, %get3A_213, %get3A_214] {strides = array<i32>} : memref<2x128x128xf32, #tpu.memory_space<vmem>>, vector<1x1x16xf32>,
          %get3A_216 = vector.shape_cast %get3A_215 : vector<1x1x16xf32> to vector<16xf32>
          %mul3A_217 = arith.mulf %get3A_216, %get3A_197 : vector<16xf32>
          %swap3A_218 = arith.constant 1 : i32
          %swap3A_219 = arith.index_cast %swap3A_218 : i32 to index
          %swap3A_220 = arith.index_cast %add3A_192 : i32 to index
          %swap3A_221 = arith.constant 16 : index
          %swap3A_222 = tpu.vector_load %arg12[%swap3A_219, %swap3A_220, %swap3A_221] {strides = array<i32>} : memref<2x128x128xf32, #tpu.memory_space<vmem>>, vector<1x1x16xf32>,
          %swap3A_223 = vector.shape_cast %swap3A_222 : vector<1x1x16xf32> to vector<16xf32>
          %swap3A_224 = vector.shape_cast %mul3A_217 : vector<16xf32> to vector<1x1x16xf32>
          tpu.vector_store %arg12[%swap3A_219, %swap3A_220, %swap3A_221], %swap3A_224 {strides = array<i32>} : memref<2x128x128xf32, #tpu.memory_space<vmem>>, vector<1x1x16xf32>,
          %get3A_225 = arith.constant 1 : i32
          %get3A_226 = arith.index_cast %get3A_225 : i32 to index
          %get3A_227 = arith.index_cast %add3A_192 : i32 to index
          %get3A_228 = arith.constant 32 : index
          %get3A_229 = tpu.vector_load %arg12[%get3A_226, %get3A_227, %get3A_228] {strides = array<i32>} : memref<2x128x128xf32, #tpu.memory_space<vmem>>, vector<1x1x16xf32>,
          %get3A_230 = vector.shape_cast %get3A_229 : vector<1x1x16xf32> to vector<16xf32>
          %mul3A_231 = arith.mulf %get3A_230, %get3A_197 : vector<16xf32>
          %swap3A_232 = arith.constant 1 : i32
          %swap3A_233 = arith.index_cast %swap3A_232 : i32 to index
          %swap3A_234 = arith.index_cast %add3A_192 : i32 to index
          %swap3A_235 = arith.constant 32 : index
          %swap3A_236 = tpu.vector_load %arg12[%swap3A_233, %swap3A_234, %swap3A_235] {strides = array<i32>} : memref<2x128x128xf32, #tpu.memory_space<vmem>>, vector<1x1x16xf32>,
          %swap3A_237 = vector.shape_cast %swap3A_236 : vector<1x1x16xf32> to vector<16xf32>
          %swap3A_238 = vector.shape_cast %mul3A_231 : vector<16xf32> to vector<1x1x16xf32>
          tpu.vector_store %arg12[%swap3A_233, %swap3A_234, %swap3A_235], %swap3A_238 {strides = array<i32>} : memref<2x128x128xf32, #tpu.memory_space<vmem>>, vector<1x1x16xf32>,
          %get3A_239 = arith.constant 1 : i32
          %get3A_240 = arith.index_cast %get3A_239 : i32 to index
          %get3A_241 = arith.index_cast %add3A_192 : i32 to index
          %get3A_242 = arith.constant 48 : index
          %get3A_243 = tpu.vector_load %arg12[%get3A_240, %get3A_241, %get3A_242] {strides = array<i32>} : memref<2x128x128xf32, #tpu.memory_space<vmem>>, vector<1x1x16xf32>,
          %get3A_244 = vector.shape_cast %get3A_243 : vector<1x1x16xf32> to vector<16xf32>
          %mul3A_245 = arith.mulf %get3A_244, %get3A_197 : vector<16xf32>
          %swap3A_246 = arith.constant 1 : i32
          %swap3A_247 = arith.index_cast %swap3A_246 : i32 to index
          %swap3A_248 = arith.index_cast %add3A_192 : i32 to index
          %swap3A_249 = arith.constant 48 : index
          %swap3A_250 = tpu.vector_load %arg12[%swap3A_247, %swap3A_248, %swap3A_249] {strides = array<i32>} : memref<2x128x128xf32, #tpu.memory_space<vmem>>, vector<1x1x16xf32>,
          %swap3A_251 = vector.shape_cast %swap3A_250 : vector<1x1x16xf32> to vector<16xf32>
          %swap3A_252 = vector.shape_cast %mul3A_245 : vector<16xf32> to vector<1x1x16xf32>
          tpu.vector_store %arg12[%swap3A_247, %swap3A_248, %swap3A_249], %swap3A_252 {strides = array<i32>} : memref<2x128x128xf32, #tpu.memory_space<vmem>>, vector<1x1x16xf32>,
          %get3A_253 = arith.constant 1 : i32
          %get3A_254 = arith.index_cast %get3A_253 : i32 to index
          %get3A_255 = arith.index_cast %add3A_192 : i32 to index
          %get3A_256 = arith.constant 64 : index
          %get3A_257 = tpu.vector_load %arg12[%get3A_254, %get3A_255, %get3A_256] {strides = array<i32>} : memref<2x128x128xf32, #tpu.memory_space<vmem>>, vector<1x1x16xf32>,
          %get3A_258 = vector.shape_cast %get3A_257 : vector<1x1x16xf32> to vector<16xf32>
          %mul3A_259 = arith.mulf %get3A_258, %get3A_197 : vector<16xf32>
          %swap3A_260 = arith.constant 1 : i32
          %swap3A_261 = arith.index_cast %swap3A_260 : i32 to index
          %swap3A_262 = arith.index_cast %add3A_192 : i32 to index
          %swap3A_263 = arith.constant 64 : index
          %swap3A_264 = tpu.vector_load %arg12[%swap3A_261, %swap3A_262, %swap3A_263] {strides = array<i32>} : memref<2x128x128xf32, #tpu.memory_space<vmem>>, vector<1x1x16xf32>,
          %swap3A_265 = vector.shape_cast %swap3A_264 : vector<1x1x16xf32> to vector<16xf32>
          %swap3A_266 = vector.shape_cast %mul3A_259 : vector<16xf32> to vector<1x1x16xf32>
          tpu.vector_store %arg12[%swap3A_261, %swap3A_262, %swap3A_263], %swap3A_266 {strides = array<i32>} : memref<2x128x128xf32, #tpu.memory_space<vmem>>, vector<1x1x16xf32>,
          %get3A_267 = arith.constant 1 : i32
          %get3A_268 = arith.index_cast %get3A_267 : i32 to index
          %get3A_269 = arith.index_cast %add3A_192 : i32 to index
          %get3A_270 = arith.constant 80 : index
          %get3A_271 = tpu.vector_load %arg12[%get3A_268, %get3A_269, %get3A_270] {strides = array<i32>} : memref<2x128x128xf32, #tpu.memory_space<vmem>>, vector<1x1x16xf32>,
          %get3A_272 = vector.shape_cast %get3A_271 : vector<1x1x16xf32> to vector<16xf32>
          %mul3A_273 = arith.mulf %get3A_272, %get3A_197 : vector<16xf32>
          %swap3A_274 = arith.constant 1 : i32
          %swap3A_275 = arith.index_cast %swap3A_274 : i32 to index
          %swap3A_276 = arith.index_cast %add3A_192 : i32 to index
          %swap3A_277 = arith.constant 80 : index
          %swap3A_278 = tpu.vector_load %arg12[%swap3A_275, %swap3A_276, %swap3A_277] {strides = array<i32>} : memref<2x128x128xf32, #tpu.memory_space<vmem>>, vector<1x1x16xf32>,
          %swap3A_279 = vector.shape_cast %swap3A_278 : vector<1x1x16xf32> to vector<16xf32>
          %swap3A_280 = vector.shape_cast %mul3A_273 : vector<16xf32> to vector<1x1x16xf32>
          tpu.vector_store %arg12[%swap3A_275, %swap3A_276, %swap3A_277], %swap3A_280 {strides = array<i32>} : memref<2x128x128xf32, #tpu.memory_space<vmem>>, vector<1x1x16xf32>,
          %get3A_281 = arith.constant 1 : i32
          %get3A_282 = arith.index_cast %get3A_281 : i32 to index
          %get3A_283 = arith.index_cast %add3A_192 : i32 to index
          %get3A_284 = arith.constant 96 : index
          %get3A_285 = tpu.vector_load %arg12[%get3A_282, %get3A_283, %get3A_284] {strides = array<i32>} : memref<2x128x128xf32, #tpu.memory_space<vmem>>, vector<1x1x16xf32>,
          %get3A_286 = vector.shape_cast %get3A_285 : vector<1x1x16xf32> to vector<16xf32>
          %mul3A_287 = arith.mulf %get3A_286, %get3A_197 : vector<16xf32>
          %swap3A_288 = arith.constant 1 : i32
          %swap3A_289 = arith.index_cast %swap3A_288 : i32 to index
          %swap3A_290 = arith.index_cast %add3A_192 : i32 to index
          %swap3A_291 = arith.constant 96 : index
          %swap3A_292 = tpu.vector_load %arg12[%swap3A_289, %swap3A_290, %swap3A_291] {strides = array<i32>} : memref<2x128x128xf32, #tpu.memory_space<vmem>>, vector<1x1x16xf32>,
          %swap3A_293 = vector.shape_cast %swap3A_292 : vector<1x1x16xf32> to vector<16xf32>
          %swap3A_294 = vector.shape_cast %mul3A_287 : vector<16xf32> to vector<1x1x16xf32>
          tpu.vector_store %arg12[%swap3A_289, %swap3A_290, %swap3A_291], %swap3A_294 {strides = array<i32>} : memref<2x128x128xf32, #tpu.memory_space<vmem>>, vector<1x1x16xf32>,
          %get3A_295 = arith.constant 1 : i32
          %get3A_296 = arith.index_cast %get3A_295 : i32 to index
          %get3A_297 = arith.index_cast %add3A_192 : i32 to index
          %get3A_298 = arith.constant 112 : index
          %get3A_299 = tpu.vector_load %arg12[%get3A_296, %get3A_297, %get3A_298] {strides = array<i32>} : memref<2x128x128xf32, #tpu.memory_space<vmem>>, vector<1x1x16xf32>,
          %get3A_300 = vector.shape_cast %get3A_299 : vector<1x1x16xf32> to vector<16xf32>
          %mul3A_301 = arith.mulf %get3A_300, %get3A_197 : vector<16xf32>
          %swap3A_302 = arith.constant 1 : i32
          %swap3A_303 = arith.index_cast %swap3A_302 : i32 to index
          %swap3A_304 = arith.index_cast %add3A_192 : i32 to index
          %swap3A_305 = arith.constant 112 : index
          %swap3A_306 = tpu.vector_load %arg12[%swap3A_303, %swap3A_304, %swap3A_305] {strides = array<i32>} : memref<2x128x128xf32, #tpu.memory_space<vmem>>, vector<1x1x16xf32>,
          %swap3A_307 = vector.shape_cast %swap3A_306 : vector<1x1x16xf32> to vector<16xf32>
          %swap3A_308 = vector.shape_cast %mul3A_301 : vector<16xf32> to vector<1x1x16xf32>
          tpu.vector_store %arg12[%swap3A_303, %swap3A_304, %swap3A_305], %swap3A_308 {strides = array<i32>} : memref<2x128x128xf32, #tpu.memory_space<vmem>>, vector<1x1x16xf32>,
        }
        %scan3A_151 = arith.constant 128 : i32
        %dma_start3A_152 = arith.constant 1 : i32
        %dma_start3A_153 = arith.constant 15 : i32
        %dma_start3A_154 = arith.constant 0 : i32
        %dma_start3A_155 = arith.constant 0 : i32
        %dma_start3A_156 = tpu.memref_slice %arg12[%dma_start3A_152, %dma_start3A_154, %dma_start3A_155] : memref<2x128x128xf32, #tpu.memory_space<vmem>> -> memref<1x128x128xf32, #tpu.memory_space<vmem>>
        %dma_start3A_157 = tpu.memref_squeeze %dma_start3A_156 : memref<1x128x128xf32, #tpu.memory_space<vmem>> -> memref<128x128xf32, #tpu.memory_space<vmem>>
        %dma_start3A_158 = arith.constant 0 : i32
        %dma_start3A_159 = tpu.memref_slice %arg11[%dma_start3A_153, %dma_start3A_158] : memref<16x128xi32, #tpu.memory_space<vmem>> -> memref<1x128xi32, #tpu.memory_space<vmem>>
        %dma_start3A_160 = tpu.memref_squeeze %dma_start3A_159 : memref<1x128xi32, #tpu.memory_space<vmem>> -> memref<128xi32, #tpu.memory_space<vmem>>
        %dma_start3A_161 = arith.constant 0 : i32
        %dma_start3A_162 = arith.constant 0 : i32
        %dma_start3A_163 = tpu.memref_slice %arg14[%dma_start3A_161, %dma_start3A_162] : memref<10240x128xf32, #tpu.memory_space<vmem_shared>> -> memref<10240x128xf32, #tpu.memory_space<vmem_shared>>
        tpu.enqueue_indirect_dma source(%dma_start3A_157 : memref<128x128xf32, #tpu.memory_space<vmem>>) target(%dma_start3A_163 : memref<10240x128xf32, #tpu.memory_space<vmem_shared>>) offsets(%dma_start3A_160 : memref<128xi32, #tpu.memory_space<vmem>>) semaphore(%arg18 : memref<!tpu.dma_semaphore, #tpu.memory_space<semaphore_mem>>) {add = true}
        %dma_wait3A_164 = arith.constant 0 : i32
        %dma_wait3A_165 = arith.constant 0 : i32
        %dma_wait3A_166 = arith.constant 0 : i32
        %dma_wait3A_167 = arith.constant 0 : i32
        %dma_wait3A_168 = tpu.memref_slice %arg12[%dma_wait3A_164, %dma_wait3A_166, %dma_wait3A_167] : memref<2x128x128xf32, #tpu.memory_space<vmem>> -> memref<1x128x128xf32, #tpu.memory_space<vmem>>
        %dma_wait3A_169 = tpu.memref_squeeze %dma_wait3A_168 : memref<1x128x128xf32, #tpu.memory_space<vmem>> -> memref<128x128xf32, #tpu.memory_space<vmem>>
        %dma_wait3A_170 = arith.constant 0 : i32
        %dma_wait3A_171 = tpu.memref_slice %arg11[%dma_wait3A_165, %dma_wait3A_170] : memref<16x128xi32, #tpu.memory_space<vmem>> -> memref<1x128xi32, #tpu.memory_space<vmem>>
        %dma_wait3A_172 = tpu.memref_squeeze %dma_wait3A_171 : memref<1x128xi32, #tpu.memory_space<vmem>> -> memref<128xi32, #tpu.memory_space<vmem>>
        %dma_wait3A_173 = arith.constant 0 : i32
        %dma_wait3A_174 = arith.constant 0 : i32
        %dma_wait3A_175 = tpu.memref_slice %arg14[%dma_wait3A_173, %dma_wait3A_174] : memref<10240x128xf32, #tpu.memory_space<vmem_shared>> -> memref<10240x128xf32, #tpu.memory_space<vmem_shared>>
        tpu.wait_indirect_dma semaphore(%arg17 : memref<!tpu.dma_semaphore, #tpu.memory_space<semaphore_mem>>) src(%dma_wait3A_169 : memref<128x128xf32, #tpu.memory_space<vmem>>) dst(%dma_wait3A_175 : memref<10240x128xf32, #tpu.memory_space<vmem_shared>>)
        %dma_wait3A_176 = arith.constant 1 : i32
        %dma_wait3A_177 = arith.constant 0 : i32
        %dma_wait3A_178 = arith.constant 0 : i32
        %dma_wait3A_179 = arith.constant 0 : i32
        %dma_wait3A_180 = tpu.memref_slice %arg12[%dma_wait3A_176, %dma_wait3A_178, %dma_wait3A_179] : memref<2x128x128xf32, #tpu.memory_space<vmem>> -> memref<1x128x128xf32, #tpu.memory_space<vmem>>
        %dma_wait3A_181 = tpu.memref_squeeze %dma_wait3A_180 : memref<1x128x128xf32, #tpu.memory_space<vmem>> -> memref<128x128xf32, #tpu.memory_space<vmem>>
        %dma_wait3A_182 = arith.constant 0 : i32
        %dma_wait3A_183 = tpu.memref_slice %arg11[%dma_wait3A_177, %dma_wait3A_182] : memref<16x128xi32, #tpu.memory_space<vmem>> -> memref<1x128xi32, #tpu.memory_space<vmem>>
        %dma_wait3A_184 = tpu.memref_squeeze %dma_wait3A_183 : memref<1x128xi32, #tpu.memory_space<vmem>> -> memref<128xi32, #tpu.memory_space<vmem>>
        %dma_wait3A_185 = arith.constant 0 : i32
        %dma_wait3A_186 = arith.constant 0 : i32
        %dma_wait3A_187 = tpu.memref_slice %arg14[%dma_wait3A_185, %dma_wait3A_186] : memref<10240x128xf32, #tpu.memory_space<vmem_shared>> -> memref<10240x128xf32, #tpu.memory_space<vmem_shared>>
        tpu.wait_indirect_dma semaphore(%arg18 : memref<!tpu.dma_semaphore, #tpu.memory_space<semaphore_mem>>) src(%dma_wait3A_181 : memref<128x128xf32, #tpu.memory_space<vmem>>) dst(%dma_wait3A_187 : memref<10240x128xf32, #tpu.memory_space<vmem_shared>>)
      }
      %scan3A_19 = arith.constant 2 : i32
    } else {
    }
    "tpu.trace_stop"() : () -> ()
    "tpu.trace_start"() <{level = 10 : i32, message = "agg_out"}> : () -> ()
    %barrier3A_10 = arith.constant 0 : index
    tpu.barrier barrier_id(%barrier3A_10)
    %scan3A = arith.constant 0 : i32
    %scan3A_11 = arith.constant 5 : i32
    %scan3A_12 = arith.addi %scan3A, %scan3A_11 : i32
    %scan3A_13 = arith.constant 1 : i32
    scf.for %scan3A_15 = %scan3A to %scan3A_12 step %scan3A_13  : i32 {
      %mul3A_16 = arith.constant 1 : i32
      %mul3A_17 = arith.muli %scan3A_15, %mul3A_16 : i32
      %add3A = arith.constant 0 : i32
      %add3A_18 = arith.addi %add3A, %mul3A_17 : i32
      %mul3A_19 = arith.constant 640 : i32
      %mul3A_20 = arith.muli %arg1, %mul3A_19 : i32
      %mul3A_21 = arith.constant 128 : i32
      %mul3A_22 = arith.muli %add3A_18, %mul3A_21 : i32
      %add3A_23 = arith.addi %mul3A_20, %mul3A_22 : i32
      %run_scoped3A = arith.constant 0 : i32
      "tpu.region"() ({
        %run_scoped3A_25 = tpu.sem_alloc : memref<!tpu.dma_semaphore, #tpu.memory_space<semaphore_mem>>
        %dma_start3A = arith.constant 0 : i32
        %dma_start3A_26 = arith.constant 0 : i32
        %dma_start3A_27 = tpu.memref_slice %arg12[%run_scoped3A, %dma_start3A, %dma_start3A_26] : memref<2x128x128xf32, #tpu.memory_space<vmem>> -> memref<1x128x128xf32, #tpu.memory_space<vmem>>
        %dma_start3A_28 = tpu.memref_squeeze %dma_start3A_27 : memref<1x128x128xf32, #tpu.memory_space<vmem>> -> memref<128x128xf32, #tpu.memory_space<vmem>>
        %dma_start3A_29 = arith.constant 0 : i32
        %dma_start3A_30 = tpu.memref_slice %arg14[%add3A_23, %dma_start3A_29] : memref<10240x128xf32, #tpu.memory_space<vmem_shared>> -> memref<128x128xf32, #tpu.memory_space<vmem_shared>>
        %dma_start3A_31 = arith.constant 0 : i32
        %dma_start3A_32 = arith.constant 0 : i32
        %dma_start3A_33 = tpu.memref_slice %arg12[%run_scoped3A, %dma_start3A_31, %dma_start3A_32] : memref<2x128x128xf32, #tpu.memory_space<vmem>> -> memref<1x128x128xf32, #tpu.memory_space<vmem>>
        %dma_start3A_34 = tpu.memref_squeeze %dma_start3A_33 : memref<1x128x128xf32, #tpu.memory_space<vmem>> -> memref<128x128xf32, #tpu.memory_space<vmem>>
        %dma_start3A_35 = arith.constant 0 : i32
        %dma_start3A_36 = tpu.memref_slice %arg14[%add3A_23, %dma_start3A_35] : memref<10240x128xf32, #tpu.memory_space<vmem_shared>> -> memref<128x128xf32, #tpu.memory_space<vmem_shared>>
        tpu.enqueue_dma source(%dma_start3A_36 : memref<128x128xf32, #tpu.memory_space<vmem_shared>>) target(%dma_start3A_34 : memref<128x128xf32, #tpu.memory_space<vmem>>) target_semaphore(%run_scoped3A_25 : memref<!tpu.dma_semaphore, #tpu.memory_space<semaphore_mem>>)
        %dma_wait3A = arith.constant 0 : i32
        %dma_wait3A_37 = arith.constant 0 : i32
        %dma_wait3A_38 = tpu.memref_slice %arg12[%run_scoped3A, %dma_wait3A, %dma_wait3A_37] : memref<2x128x128xf32, #tpu.memory_space<vmem>> -> memref<1x128x128xf32, #tpu.memory_space<vmem>>
        %dma_wait3A_39 = tpu.memref_squeeze %dma_wait3A_38 : memref<1x128x128xf32, #tpu.memory_space<vmem>> -> memref<128x128xf32, #tpu.memory_space<vmem>>
        %dma_wait3A_40 = arith.constant 0 : i32
        %dma_wait3A_41 = tpu.memref_slice %arg14[%add3A_23, %dma_wait3A_40] : memref<10240x128xf32, #tpu.memory_space<vmem_shared>> -> memref<128x128xf32, #tpu.memory_space<vmem_shared>>
        %dma_wait3A_42 = arith.constant 0 : i32
        %dma_wait3A_43 = arith.constant 0 : i32
        %dma_wait3A_44 = tpu.memref_slice %arg12[%run_scoped3A, %dma_wait3A_42, %dma_wait3A_43] : memref<2x128x128xf32, #tpu.memory_space<vmem>> -> memref<1x128x128xf32, #tpu.memory_space<vmem>>
        %dma_wait3A_45 = tpu.memref_squeeze %dma_wait3A_44 : memref<1x128x128xf32, #tpu.memory_space<vmem>> -> memref<128x128xf32, #tpu.memory_space<vmem>>
        %dma_wait3A_46 = arith.constant 0 : i32
        %dma_wait3A_47 = tpu.memref_slice %arg14[%add3A_23, %dma_wait3A_46] : memref<10240x128xf32, #tpu.memory_space<vmem_shared>> -> memref<128x128xf32, #tpu.memory_space<vmem_shared>>
        tpu.wait_dma2 semaphore(%run_scoped3A_25 : memref<!tpu.dma_semaphore, #tpu.memory_space<semaphore_mem>>) src(%dma_wait3A_47 : memref<128x128xf32, #tpu.memory_space<vmem_shared>>) dst(%dma_wait3A_45 : memref<128x128xf32, #tpu.memory_space<vmem>>)
        tpu.yield
      }) : () -> ()
      %run_scoped3A_24 = arith.constant 0 : i32
      "tpu.region"() ({
        %run_scoped3A_25 = tpu.sem_alloc : memref<!tpu.dma_semaphore, #tpu.memory_space<semaphore_mem>>
        %dma_start3A = arith.constant 0 : i32
        %dma_start3A_26 = arith.constant 0 : i32
        %dma_start3A_27 = tpu.memref_slice %arg12[%run_scoped3A_24, %dma_start3A, %dma_start3A_26] : memref<2x128x128xf32, #tpu.memory_space<vmem>> -> memref<1x128x128xf32, #tpu.memory_space<vmem>>
        %dma_start3A_28 = tpu.memref_squeeze %dma_start3A_27 : memref<1x128x128xf32, #tpu.memory_space<vmem>> -> memref<128x128xf32, #tpu.memory_space<vmem>>
        %dma_start3A_29 = arith.constant 0 : i32
        %dma_start3A_30 = arith.constant 0 : i32
        %dma_start3A_31 = tpu.memref_slice %arg8[%arg0, %dma_start3A_29, %dma_start3A_30] : memref<2x10240x128xf32, #tpu.memory_space<hbm>> -> memref<1x10240x128xf32, #tpu.memory_space<hbm>>
        %dma_start3A_32 = tpu.memref_squeeze %dma_start3A_31 : memref<1x10240x128xf32, #tpu.memory_space<hbm>> -> memref<10240x128xf32, #tpu.memory_space<hbm>>
        %dma_start3A_33 = arith.constant 0 : i32
        %dma_start3A_34 = tpu.memref_slice %dma_start3A_32[%add3A_23, %dma_start3A_33] : memref<10240x128xf32, #tpu.memory_space<hbm>> -> memref<128x128xf32, #tpu.memory_space<hbm>>
        %dma_start3A_35 = arith.constant 0 : i32
        %dma_start3A_36 = arith.constant 0 : i32
        %dma_start3A_37 = tpu.memref_slice %arg8[%arg0, %dma_start3A_35, %dma_start3A_36] : memref<2x10240x128xf32, #tpu.memory_space<hbm>> -> memref<1x10240x128xf32, #tpu.memory_space<hbm>>
        %dma_start3A_38 = tpu.memref_squeeze %dma_start3A_37 : memref<1x10240x128xf32, #tpu.memory_space<hbm>> -> memref<10240x128xf32, #tpu.memory_space<hbm>>
        %dma_start3A_39 = arith.constant 0 : i32
        %dma_start3A_40 = tpu.memref_slice %dma_start3A_38[%add3A_23, %dma_start3A_39] : memref<10240x128xf32, #tpu.memory_space<hbm>> -> memref<128x128xf32, #tpu.memory_space<hbm>>
        %dma_start3A_41 = arith.constant 0 : i32
        %dma_start3A_42 = arith.constant 0 : i32
        %dma_start3A_43 = tpu.memref_slice %arg12[%run_scoped3A_24, %dma_start3A_41, %dma_start3A_42] : memref<2x128x128xf32, #tpu.memory_space<vmem>> -> memref<1x128x128xf32, #tpu.memory_space<vmem>>
        %dma_start3A_44 = tpu.memref_squeeze %dma_start3A_43 : memref<1x128x128xf32, #tpu.memory_space<vmem>> -> memref<128x128xf32, #tpu.memory_space<vmem>>
        tpu.enqueue_dma source(%dma_start3A_44 : memref<128x128xf32, #tpu.memory_space<vmem>>) target(%dma_start3A_40 : memref<128x128xf32, #tpu.memory_space<hbm>>) target_semaphore(%run_scoped3A_25 : memref<!tpu.dma_semaphore, #tpu.memory_space<semaphore_mem>>)
        %dma_wait3A = arith.constant 0 : i32
        %dma_wait3A_45 = arith.constant 0 : i32
        %dma_wait3A_46 = tpu.memref_slice %arg12[%run_scoped3A_24, %dma_wait3A, %dma_wait3A_45] : memref<2x128x128xf32, #tpu.memory_space<vmem>> -> memref<1x128x128xf32, #tpu.memory_space<vmem>>
        %dma_wait3A_47 = tpu.memref_squeeze %dma_wait3A_46 : memref<1x128x128xf32, #tpu.memory_space<vmem>> -> memref<128x128xf32, #tpu.memory_space<vmem>>
        %dma_wait3A_48 = arith.constant 0 : i32
        %dma_wait3A_49 = arith.constant 0 : i32
        %dma_wait3A_50 = tpu.memref_slice %arg8[%arg0, %dma_wait3A_48, %dma_wait3A_49] : memref<2x10240x128xf32, #tpu.memory_space<hbm>> -> memref<1x10240x128xf32, #tpu.memory_space<hbm>>
        %dma_wait3A_51 = tpu.memref_squeeze %dma_wait3A_50 : memref<1x10240x128xf32, #tpu.memory_space<hbm>> -> memref<10240x128xf32, #tpu.memory_space<hbm>>
        %dma_wait3A_52 = arith.constant 0 : i32
        %dma_wait3A_53 = tpu.memref_slice %dma_wait3A_51[%add3A_23, %dma_wait3A_52] : memref<10240x128xf32, #tpu.memory_space<hbm>> -> memref<128x128xf32, #tpu.memory_space<hbm>>
        %dma_wait3A_54 = arith.constant 0 : i32
        %dma_wait3A_55 = arith.constant 0 : i32
        %dma_wait3A_56 = tpu.memref_slice %arg8[%arg0, %dma_wait3A_54, %dma_wait3A_55] : memref<2x10240x128xf32, #tpu.memory_space<hbm>> -> memref<1x10240x128xf32, #tpu.memory_space<hbm>>
        %dma_wait3A_57 = tpu.memref_squeeze %dma_wait3A_56 : memref<1x10240x128xf32, #tpu.memory_space<hbm>> -> memref<10240x128xf32, #tpu.memory_space<hbm>>
        %dma_wait3A_58 = arith.constant 0 : i32
        %dma_wait3A_59 = tpu.memref_slice %dma_wait3A_57[%add3A_23, %dma_wait3A_58] : memref<10240x128xf32, #tpu.memory_space<hbm>> -> memref<128x128xf32, #tpu.memory_space<hbm>>
        %dma_wait3A_60 = arith.constant 0 : i32
        %dma_wait3A_61 = arith.constant 0 : i32
        %dma_wait3A_62 = tpu.memref_slice %arg12[%run_scoped3A_24, %dma_wait3A_60, %dma_wait3A_61] : memref<2x128x128xf32, #tpu.memory_space<vmem>> -> memref<1x128x128xf32, #tpu.memory_space<vmem>>
        %dma_wait3A_63 = tpu.memref_squeeze %dma_wait3A_62 : memref<1x128x128xf32, #tpu.memory_space<vmem>> -> memref<128x128xf32, #tpu.memory_space<vmem>>
        tpu.wait_dma2 semaphore(%run_scoped3A_25 : memref<!tpu.dma_semaphore, #tpu.memory_space<semaphore_mem>>) src(%dma_wait3A_63 : memref<128x128xf32, #tpu.memory_space<vmem>>) dst(%dma_wait3A_59 : memref<128x128xf32, #tpu.memory_space<hbm>>)
        tpu.yield
      }) : () -> ()
    }
    %scan3A_14 = arith.constant 5 : i32
    "tpu.trace_stop"() : () -> ()
    return
  }
}

module attributes {stable_mosaic.version = 14 : i64} {
  func.func @_mm_body(%arg0: i32, %arg1: i32, %arg2: memref<2000x128xf32, #tpu.memory_space<vmem>>, %arg3: memref<1x128x128xf32, #tpu.memory_space<vmem>>, %arg4: memref<1x2000x128xf32, #tpu.memory_space<vmem>>) attributes {dimension_semantics = [#tpu.dimension_semantics<arbitrary>, #tpu.dimension_semantics<arbitrary>], iteration_bounds = array<i64: 5, 9>, scalar_prefetch = 0 : i64, scratch_operands = 0 : i64, tpu.core_type = #tpu.core_type<tc>, window_params = [{transform_indices = @transform_0, window_bounds = array<i64: 2000, 128>}, {transform_indices = @transform_1, window_bounds = array<i64: 1, 128, 128>}, {transform_indices = @transform_2, window_bounds = array<i64: 1, 2000, 128>}]} {
    %get3A = arith.constant 0 : index
    %get3A_0 = arith.constant 0 : index
    %get3A_1 = vector.load %arg2[%get3A, %get3A_0] : memref<2000x128xf32, #tpu.memory_space<vmem>>, vector<2000x128xf32>
    %get3A_2 = arith.constant 0 : index
    %get3A_3 = arith.constant 0 : index
    %get3A_4 = arith.constant 0 : index
    %get3A_5 = vector.load %arg3[%get3A_2, %get3A_3, %get3A_4] : memref<1x128x128xf32, #tpu.memory_space<vmem>>, vector<1x128x128xf32>
    %get3A_6 = vector.shape_cast %get3A_5 : vector<1x128x128xf32> to vector<128x128xf32>
    %dot_general3A = arith.constant dense<0.000000e+00> : vector<2000x128xf32>
    %dot_general3A_7 = tpu.matmul %get3A_1, %get3A_6, %dot_general3A {dimension_numbers = #tpu.dot_dimension_numbers<[1], [0], [0], [1], [0, 0, 1, 1], [], []>, precision = #tpu.contract_precision<fp32>, transpose_lhs_hint = false} : vector<2000x128xf32>, vector<128x128xf32>, vector<2000x128xf32> -> vector<2000x128xf32>
    %swap3A = arith.constant 0 : index
    %swap3A_8 = arith.constant 0 : index
    %swap3A_9 = arith.constant 0 : index
    %swap3A_10 = vector.load %arg4[%swap3A, %swap3A_8, %swap3A_9] : memref<1x2000x128xf32, #tpu.memory_space<vmem>>, vector<1x2000x128xf32>
    %swap3A_11 = vector.shape_cast %swap3A_10 : vector<1x2000x128xf32> to vector<2000x128xf32>
    %swap3A_12 = vector.shape_cast %dot_general3A_7 : vector<2000x128xf32> to vector<1x2000x128xf32>
    tpu.vector_store %arg4[%swap3A, %swap3A_8, %swap3A_9], %swap3A_12 {strides = array<i32>} : memref<1x2000x128xf32, #tpu.memory_space<vmem>>, vector<1x2000x128xf32>,
    return
  }
  func.func @transform_0(%arg0: i32, %arg1: i32) -> (i32, i32) {
    %c0_i32 = arith.constant 0 : i32
    %c0_i32_0 = arith.constant 0 : i32
    return %arg0, %c0_i32 : i32, i32
  }
  func.func @transform_1(%arg0: i32, %arg1: i32) -> (i32, i32, i32) {
    %c0_i32 = arith.constant 0 : i32
    %c0_i32_0 = arith.constant 0 : i32
    %c0_i32_1 = arith.constant 0 : i32
    return %arg1, %c0_i32, %c0_i32_0 : i32, i32, i32
  }
  func.func @transform_2(%arg0: i32, %arg1: i32) -> (i32, i32, i32) {
    %c0_i32 = arith.constant 0 : i32
    %c0_i32_0 = arith.constant 0 : i32
    return %arg1, %arg0, %c0_i32 : i32, i32, i32
  }
}

module attributes {stable_mosaic.version = 14 : i64} {
  func.func @_inv_body(%arg0: i32, %arg1: memref<2x2504x128xf32, #tpu.memory_space<vmem>>, %arg2: memref<2504x128xf32, #tpu.memory_space<vmem>>) attributes {dimension_semantics = [#tpu.dimension_semantics<arbitrary>], iteration_bounds = array<i64: 4>, scalar_prefetch = 0 : i64, scratch_operands = 0 : i64, tpu.core_type = #tpu.core_type<tc>, window_params = [{transform_indices = @transform_0, window_bounds = array<i64: 2, 2504, 128>}, {transform_indices = @transform_1, window_bounds = array<i64: 2504, 128>}]} {
    %get3A = arith.constant 0 : index
    %get3A_0 = arith.constant 0 : index
    %get3A_1 = arith.constant 0 : index
    %get3A_2 = vector.load %arg1[%get3A, %get3A_0, %get3A_1] : memref<2x2504x128xf32, #tpu.memory_space<vmem>>, vector<1x2504x128xf32>
    %get3A_3 = vector.shape_cast %get3A_2 : vector<1x2504x128xf32> to vector<2504x128xf32>
    %get3A_4 = arith.constant 1 : index
    %get3A_5 = arith.constant 0 : index
    %get3A_6 = arith.constant 0 : index
    %get3A_7 = vector.load %arg1[%get3A_4, %get3A_5, %get3A_6] : memref<2x2504x128xf32, #tpu.memory_space<vmem>>, vector<1x2504x128xf32>
    %get3A_8 = vector.shape_cast %get3A_7 : vector<1x2504x128xf32> to vector<2504x128xf32>
    %add3A = arith.addf %get3A_3, %get3A_8 : vector<2504x128xf32>
    %max3A = arith.constant 1.000000e+00 : f32
    %max3A_9 = vector.broadcast %max3A : f32 to vector<2504x128xf32>
    %max3A_10 = arith.maximumf %add3A, %max3A_9 : vector<2504x128xf32>
    %div3A = arith.constant 1.000000e+00 : f32
    %div3A_11 = vector.broadcast %div3A : f32 to vector<2504x128xf32>
    %div3A_12 = arith.divf %div3A_11, %max3A_10 : vector<2504x128xf32>
    %swap3A = arith.constant 0 : index
    %swap3A_13 = arith.constant 0 : index
    %swap3A_14 = vector.load %arg2[%swap3A, %swap3A_13] : memref<2504x128xf32, #tpu.memory_space<vmem>>, vector<2504x128xf32>
    tpu.vector_store %arg2[%swap3A, %swap3A_13], %div3A_12 {strides = array<i32>} : memref<2504x128xf32, #tpu.memory_space<vmem>>, vector<2504x128xf32>,
    return
  }
  func.func @transform_0(%arg0: i32) -> (i32, i32, i32) {
    %c0_i32 = arith.constant 0 : i32
    %c0_i32_0 = arith.constant 0 : i32
    %c0_i32_1 = arith.constant 0 : i32
    return %c0_i32, %arg0, %c0_i32_0 : i32, i32, i32
  }
  func.func @transform_1(%arg0: i32) -> (i32, i32) {
    %c0_i32 = arith.constant 0 : i32
    %c0_i32_0 = arith.constant 0 : i32
    return %arg0, %c0_i32 : i32, i32
  }
}

module attributes {stable_mosaic.version = 14 : i64} {
  func.func @_combine_body(%arg0: i32, %arg1: memref<1x2000x128xf32, #tpu.memory_space<vmem>>, %arg2: memref<2x2000x128xf32, #tpu.memory_space<vmem>>, %arg3: memref<1x128xf32, #tpu.memory_space<vmem>>, %arg4: memref<2000x128xf32, #tpu.memory_space<vmem>>) attributes {dimension_semantics = [#tpu.dimension_semantics<arbitrary>], iteration_bounds = array<i64: 5>, scalar_prefetch = 0 : i64, scratch_operands = 0 : i64, tpu.core_type = #tpu.core_type<tc>, window_params = [{transform_indices = @transform_0, window_bounds = array<i64: 1, 2000, 128>}, {transform_indices = @transform_1, window_bounds = array<i64: 2, 2000, 128>}, {pipeline_mode = #tpu.pipeline_mode<synchronous>, transform_indices = @transform_2, window_bounds = array<i64: 1, 128>}, {transform_indices = @transform_3, window_bounds = array<i64: 2000, 128>}]} {
    %get3A = arith.constant 0 : index
    %get3A_0 = arith.constant 0 : index
    %get3A_1 = arith.constant 0 : index
    %get3A_2 = vector.load %arg1[%get3A, %get3A_0, %get3A_1] : memref<1x2000x128xf32, #tpu.memory_space<vmem>>, vector<1x2000x128xf32>
    %get3A_3 = vector.shape_cast %get3A_2 : vector<1x2000x128xf32> to vector<2000x128xf32>
    %get3A_4 = arith.constant 0 : index
    %get3A_5 = arith.constant 0 : index
    %get3A_6 = arith.constant 0 : index
    %get3A_7 = vector.load %arg2[%get3A_4, %get3A_5, %get3A_6] : memref<2x2000x128xf32, #tpu.memory_space<vmem>>, vector<1x2000x128xf32>
    %get3A_8 = vector.shape_cast %get3A_7 : vector<1x2000x128xf32> to vector<2000x128xf32>
    %add3A = arith.addf %get3A_3, %get3A_8 : vector<2000x128xf32>
    %get3A_9 = arith.constant 1 : index
    %get3A_10 = arith.constant 0 : index
    %get3A_11 = arith.constant 0 : index
    %get3A_12 = vector.load %arg2[%get3A_9, %get3A_10, %get3A_11] : memref<2x2000x128xf32, #tpu.memory_space<vmem>>, vector<1x2000x128xf32>
    %get3A_13 = vector.shape_cast %get3A_12 : vector<1x2000x128xf32> to vector<2000x128xf32>
    %add3A_14 = arith.addf %add3A, %get3A_13 : vector<2000x128xf32>
    %get3A_15 = arith.constant 0 : index
    %get3A_16 = arith.constant 0 : index
    %get3A_17 = vector.load %arg3[%get3A_15, %get3A_16] : memref<1x128xf32, #tpu.memory_space<vmem>>, vector<1x128xf32>
    %add3A_18 = vector.broadcast %get3A_17 : vector<1x128xf32> to vector<2000x128xf32>
    %add3A_19 = arith.addf %add3A_14, %add3A_18 : vector<2000x128xf32>
    %max3A = arith.constant 0.000000e+00 : f32
    %max3A_20 = vector.broadcast %max3A : f32 to vector<2000x128xf32>
    %max3A_21 = arith.maximumf %add3A_19, %max3A_20 : vector<2000x128xf32>
    %swap3A = arith.constant 0 : index
    %swap3A_22 = arith.constant 0 : index
    %swap3A_23 = vector.load %arg4[%swap3A, %swap3A_22] : memref<2000x128xf32, #tpu.memory_space<vmem>>, vector<2000x128xf32>
    tpu.vector_store %arg4[%swap3A, %swap3A_22], %max3A_21 {strides = array<i32>} : memref<2000x128xf32, #tpu.memory_space<vmem>>, vector<2000x128xf32>,
    return
  }
  func.func @transform_0(%arg0: i32) -> (i32, i32, i32) {
    %c8_i32 = arith.constant 8 : i32
    %c0_i32 = arith.constant 0 : i32
    %c0_i32_0 = arith.constant 0 : i32
    return %c8_i32, %arg0, %c0_i32 : i32, i32, i32
  }
  func.func @transform_1(%arg0: i32) -> (i32, i32, i32) {
    %c0_i32 = arith.constant 0 : i32
    %c0_i32_0 = arith.constant 0 : i32
    %c0_i32_1 = arith.constant 0 : i32
    return %c0_i32, %arg0, %c0_i32_0 : i32, i32, i32
  }
  func.func @transform_2(%arg0: i32) -> (i32, i32) {
    %c0_i32 = arith.constant 0 : i32
    %c0_i32_0 = arith.constant 0 : i32
    %c0_i32_1 = arith.constant 0 : i32
    return %c0_i32, %c0_i32_0 : i32, i32
  }
  func.func @transform_3(%arg0: i32) -> (i32, i32) {
    %c0_i32 = arith.constant 0 : i32
    %c0_i32_0 = arith.constant 0 : i32
    return %arg0, %c0_i32 : i32, i32
  }
}

module attributes {stable_mosaic.version = 14 : i64} {
  func.func @_combine_body(%arg0: i32, %arg1: memref<1x2000x128xf32, #tpu.memory_space<vmem>>, %arg2: memref<2x2000x128xf32, #tpu.memory_space<vmem>>, %arg3: memref<1x128xf32, #tpu.memory_space<vmem>>, %arg4: memref<2000x128xf32, #tpu.memory_space<vmem>>) attributes {dimension_semantics = [#tpu.dimension_semantics<arbitrary>], iteration_bounds = array<i64: 5>, scalar_prefetch = 0 : i64, scratch_operands = 0 : i64, tpu.core_type = #tpu.core_type<tc>, window_params = [{transform_indices = @transform_0, window_bounds = array<i64: 1, 2000, 128>}, {transform_indices = @transform_1, window_bounds = array<i64: 2, 2000, 128>}, {pipeline_mode = #tpu.pipeline_mode<synchronous>, transform_indices = @transform_2, window_bounds = array<i64: 1, 128>}, {transform_indices = @transform_3, window_bounds = array<i64: 2000, 128>}]} {
    %get3A = arith.constant 0 : index
    %get3A_0 = arith.constant 0 : index
    %get3A_1 = arith.constant 0 : index
    %get3A_2 = vector.load %arg1[%get3A, %get3A_0, %get3A_1] : memref<1x2000x128xf32, #tpu.memory_space<vmem>>, vector<1x2000x128xf32>
    %get3A_3 = vector.shape_cast %get3A_2 : vector<1x2000x128xf32> to vector<2000x128xf32>
    %get3A_4 = arith.constant 0 : index
    %get3A_5 = arith.constant 0 : index
    %get3A_6 = arith.constant 0 : index
    %get3A_7 = vector.load %arg2[%get3A_4, %get3A_5, %get3A_6] : memref<2x2000x128xf32, #tpu.memory_space<vmem>>, vector<1x2000x128xf32>
    %get3A_8 = vector.shape_cast %get3A_7 : vector<1x2000x128xf32> to vector<2000x128xf32>
    %add3A = arith.addf %get3A_3, %get3A_8 : vector<2000x128xf32>
    %get3A_9 = arith.constant 1 : index
    %get3A_10 = arith.constant 0 : index
    %get3A_11 = arith.constant 0 : index
    %get3A_12 = vector.load %arg2[%get3A_9, %get3A_10, %get3A_11] : memref<2x2000x128xf32, #tpu.memory_space<vmem>>, vector<1x2000x128xf32>
    %get3A_13 = vector.shape_cast %get3A_12 : vector<1x2000x128xf32> to vector<2000x128xf32>
    %add3A_14 = arith.addf %add3A, %get3A_13 : vector<2000x128xf32>
    %get3A_15 = arith.constant 0 : index
    %get3A_16 = arith.constant 0 : index
    %get3A_17 = vector.load %arg3[%get3A_15, %get3A_16] : memref<1x128xf32, #tpu.memory_space<vmem>>, vector<1x128xf32>
    %add3A_18 = vector.broadcast %get3A_17 : vector<1x128xf32> to vector<2000x128xf32>
    %add3A_19 = arith.addf %add3A_14, %add3A_18 : vector<2000x128xf32>
    %swap3A = arith.constant 0 : index
    %swap3A_20 = arith.constant 0 : index
    %swap3A_21 = vector.load %arg4[%swap3A, %swap3A_20] : memref<2000x128xf32, #tpu.memory_space<vmem>>, vector<2000x128xf32>
    tpu.vector_store %arg4[%swap3A, %swap3A_20], %add3A_19 {strides = array<i32>} : memref<2000x128xf32, #tpu.memory_space<vmem>>, vector<2000x128xf32>,
    return
  }
  func.func @transform_0(%arg0: i32) -> (i32, i32, i32) {
    %c8_i32 = arith.constant 8 : i32
    %c0_i32 = arith.constant 0 : i32
    %c0_i32_0 = arith.constant 0 : i32
    return %c8_i32, %arg0, %c0_i32 : i32, i32, i32
  }
  func.func @transform_1(%arg0: i32) -> (i32, i32, i32) {
    %c0_i32 = arith.constant 0 : i32
    %c0_i32_0 = arith.constant 0 : i32
    %c0_i32_1 = arith.constant 0 : i32
    return %c0_i32, %arg0, %c0_i32_0 : i32, i32, i32
  }
  func.func @transform_2(%arg0: i32) -> (i32, i32) {
    %c0_i32 = arith.constant 0 : i32
    %c0_i32_0 = arith.constant 0 : i32
    %c0_i32_1 = arith.constant 0 : i32
    return %c0_i32, %c0_i32_0 : i32, i32
  }
  func.func @transform_3(%arg0: i32) -> (i32, i32) {
    %c0_i32 = arith.constant 0 : i32
    %c0_i32_0 = arith.constant 0 : i32
    return %arg0, %c0_i32 : i32, i32
  }
}

</mosaic_0001>

<sc_bundles>
// kernel: kernel.10.cloned.1.call-start
scs
__scs_entry_jumppad:
0x0: {  	(pc) =	sbr.rel $0x88, $3  }
0x1: {  	(tag) =	ssettag $0x0;
	lr =	simm.s32 $0x1  }
0x2: {  	[smem:$0x3F98] =	sst lr;
	_ =	strace $0xD0000000  }
0x3: {  	_ = 	snop  }
0x4: {  	_ = 	snop  }
0x5: {  	_ = 	snop  }
0x6: {  	_ = 	snop  }
0x7: {  	_ = 	snop  }
__scs_overlays_trampoline_lowered:
0x8: {  	[smem:$0x3FA7] =	sst s0  }
0x9: {  	[smem:$0x3FA8] =	sst s1  }
0xa: {  	[smem:$0x3FA9] =	sst s2  }
0xb: {  	[smem:$0x3FAA] =	sst s3  }
0xc: {  	[smem:$0x3FAB] =	sst s4  }
0xd: {  	[smem:$0x3FAC] =	sst s5  }
0xe: {  	[smem:$0x3FAD] =	sst s6  }
0xf: {  	[smem:$0x3FAE] =	sst s7  }
0x10: {  	[smem:$0x3FAF] =	sst s8  }
0x11: {  	[smem:$0x3FB0] =	sst s9;
	s0 =	simm.s32 @!p0 $0x0  }
0x12: {  	s1 =	sld [smem:$0x3F96];
	s0 =	simm.s32 @p0 $0x1  }
0x13: {  	[smem:$0x3FB1] =	sst s0;
	s0 =	simm.s32 @!p1 $0x0  }
0x14: {  	s2 =	sld [smem:$0x3F95];
	s0 =	simm.s32 @p1 $0x1  }
0x15: {  	[smem:$0x3FB2] =	sst s0;
	s0 =	simm.s32 @!p2 $0x0  }
0x16: {  	s3 =	sld [smem:$0x3FDB];
	s0 =	simm.s32 @p2 $0x1  }
0x17: {  	s4 =	simm.s32 $0x1BF5;
	[smem:$0x3FB4] =	sst s0  }
0x18: {  	s0 =	sld [smem:$0x3F97];
	_ =	swait.ge [sflag:s4], $0x0  }
0x19: {  	s7 =	sld [smem:$0x3F98]  }
0x1a: {  	s8 =	sadd.s32 $0xFFFFE003, lr  }
0x1b: {  	s9 =	sadd.s32 $0xFFFFFEF7, lr;
	s5 =	simm.s32 $0xFFFFFFFF;
	p2 =	slt.u32 s8, $0xFFFFF086  }
0x1c: {  	p1 =	slt.u32 s9, $0xF7A;
	s5 =	simm.s32 @!p2 $0x0  }
0x1d: {  	s5 =	simm.s32 @p1 $0x1;
	p0 =	seq.s32 s7, s2  }
0x1e: {  	s7 =	smul.u32 @!p0 $0xF7A, s2;
	p2 =	seq.s32 @!p0 s5, $0x0  }
0x1f: {  	s9 =	smul.u32 $0xF7A, s1;
	s8 =	simm.s32 @!p0 $0x1BF5;
	p2 =	por !p2, p0  }
0x20: {  	[sflag:s8] =	ssyncset.s32 @!p0 $0xFFFFF086;
	s6 =	sadd.s32 @!p0 s3, s7;
	s7 =	simm.s32 @!p0 $0x108  }
0x21: {  	s3 =	sadd.s32 s3, s9;
	s6 =	sadd.s32 @!p0 $0x88, s6;
	s7 =	simm.s32 @p2 $0x1082  }
0x22: {  	[simem:s7], [sflag:s8] =	dma.local @!p0 [hbm:s6], $0xF7A  }
0x23: {  	s9 =	sor.u32 $0xD0000000, s2;
	s6 =	simm.s32 $0x108;
	_ =	swait.ge @!p0 [sflag:s8], $0x0  }
0x24: {  	s3 =	sadd.s32 $0x88, s3;
	s6 =	simm.s32 @!p1 $0x1082;
	[sflag:s4] =	ssyncset.s32 $0xFFFFF086  }
0x25: {  	[simem:s6], [sflag:s4] =	dma.local [hbm:s3], $0xF7A  }
0x26: {  	[smem:$0x3F98] =	sst s1;
	(tag) =	ssettag s2;
	_ =	strace s9  }
0x27: {  	s1 =	sld [smem:$0x3FA8]  }
0x28: {  	s2 =	sld [smem:$0x3FA9]  }
0x29: {  	s4 =	sld [smem:$0x3FAB]  }
0x2a: {  	p0 =	seq.s32 s5, $0x0;
	s5 =	sld [smem:$0x3FAC]  }
0x2b: {  	s6 =	sld [smem:$0x3FAD]  }
0x2c: {  	s7 =	sld [smem:$0x3FAE]  }
0x2d: {  	s3 =	simm.s32 $0x108;
	s8 =	sld [smem:$0x3FAF]  }
0x2e: {  	s3 =	simm.s32 @!p0 $0x1082;
	s9 =	sld [smem:$0x3FB0]  }
0x2f: {  	lr =	sadd.s32 s0, s3;
	s0 =	sld [smem:$0x3FA7]  }
0x30: {  	s3 =	sld [smem:$0x3FAA]  }
0x31: {  	[smem:$0x3FB3] =	sst s10  }
0x32: {  	s10 =	sld [smem:$0x3FB1];
	_ =	sdelay $0x3  }
0x33: {  	p0 =	seq.s32 s10, $0x1;
	s10 =	sld [smem:$0x3FB3];
	_ =	sdelay $0x3  }
0x34: {  	[smem:$0x3FB3] =	sst s10  }
0x35: {  	s10 =	sld [smem:$0x3FB2];
	_ =	sdelay $0x3  }
0x36: {  	p1 =	seq.s32 s10, $0x1;
	s10 =	sld [smem:$0x3FB3];
	_ =	sdelay $0x3  }
0x37: {  	[smem:$0x3FB3] =	sst s10  }
0x38: {  	s10 =	sld [smem:$0x3FB4]  }
0x39: {  	_ = 	snop;
	(pc) =	sbr.ind lr, $3  }
0x3a: {  	_ = 	snop  }
0x3b: {  	_ = 	snop  }
0x3c: {  	p2 =	seq.s32 s10, $0x1;
	s10 =	sld [smem:$0x3FB3]  }
0x3d: {  	_ =	shalt  }
0x3e: {  	_ =	shalt  }
0x3f: {  	_ =	shalt  }
0x40: {  	_ =	shalt  }
0x41: {  	_ =	shalt  }
0x42: {  	_ =	shalt  }
0x43: {  	_ =	shalt  }
0x44: {  	_ =	shalt  }
0x45: {  	_ =	shalt  }
0x46: {  	_ =	shalt  }
0x47: {  	_ =	shalt  }
0x48: {  	_ =	shalt  }
0x49: {  	_ =	shalt  }
0x4a: {  	_ =	shalt  }
0x4b: {  	_ =	shalt  }
0x4c: {  	_ =	shalt  }
0x4d: {  	_ =	shalt  }
0x4e: {  	_ =	shalt  }
0x4f: {  	_ =	shalt  }
0x50: {  	_ =	shalt  }
0x51: {  	_ =	shalt  }
0x52: {  	_ =	shalt  }
0x53: {  	_ =	shalt  }
0x54: {  	_ =	shalt  }
0x55: {  	_ =	shalt  }
0x56: {  	_ =	shalt  }
0x57: {  	_ =	shalt  }
0x58: {  	_ =	shalt  }
0x59: {  	_ =	shalt  }
0x5a: {  	_ =	shalt  }
0x5b: {  	_ =	shalt  }
0x5c: {  	_ =	shalt  }
0x5d: {  	_ =	shalt  }
0x5e: {  	_ =	shalt  }
0x5f: {  	_ =	shalt  }
0x60: {  	_ =	shalt  }
0x61: {  	_ =	shalt  }
0x62: {  	_ =	shalt  }
0x63: {  	_ =	shalt  }
0x64: {  	_ =	shalt  }
0x65: {  	_ =	shalt  }
0x66: {  	_ =	shalt  }
0x67: {  	_ =	shalt  }
0x68: {  	_ =	shalt  }
0x69: {  	_ =	shalt  }
0x6a: {  	_ =	shalt  }
0x6b: {  	_ =	shalt  }
0x6c: {  	_ =	shalt  }
0x6d: {  	_ =	shalt  }
0x6e: {  	_ =	shalt  }
0x6f: {  	_ =	shalt  }
0x70: {  	_ =	shalt  }
0x71: {  	_ =	shalt  }
0x72: {  	_ =	shalt  }
0x73: {  	_ =	shalt  }
0x74: {  	_ =	shalt  }
0x75: {  	_ =	shalt  }
0x76: {  	_ =	shalt  }
0x77: {  	_ =	shalt  }
0x78: {  	_ =	shalt  }
0x79: {  	_ =	shalt  }
0x7a: {  	_ =	shalt  }
0x7b: {  	_ =	shalt  }
0x7c: {  	_ =	shalt  }
0x7d: {  	_ =	shalt  }
0x7e: {  	_ =	shalt  }
0x7f: {  	_ =	shalt  }
0x80: {  	_ =	shalt  }
0x81: {  	_ =	shalt  }
0x82: {  	_ =	shalt  }
0x83: {  	_ =	shalt  }
0x84: {  	_ =	shalt  }
0x85: {  	_ =	shalt  }
0x86: {  	_ =	shalt  }
0x87: {  	_ =	shalt  }
.Lfunc_end0:
.L_simem_size_0:
called_computation_lowered:
.L_overlay_start_0:
0x88: {  	s2 =	sld [smem:$0x3FD9]  }
0x89: {  	s3 =	sld [smem:$0x3FFE];
	_ =	sdelay $0x1  }
0x8a: {  	s1 =	srdreg.scid  }
0x8b: {  	s0 =	sand.u32 $0x1, s1  }
0x8c: {  	s17 =	sshll.u32 s0, $0xA;
	s2 =	sadd.s32 s3, s2  }
0x8d: {  	s2 =	sadd.s32 s2, s17  }
0x8e: {  	[smem:$0x3FBF] =	sst s2  }
0x8f: {  	_ = 	snop  }
0x90: {  	s2 =	sld [smem:$0x3FD0];
	(tm) =	ssettm $0x1  }
0x91: {  	s18 =	sld [smem:$0x3FFB];
	_ =	sdelay $0x3  }
0x92: {  	_ =	strace s18  }
0x93: {  	s3 =	sld [smem:$0x3FFC];
	_ =	sdelay $0x3  }
0x94: {  	_ =	strace s3  }
0x95: {  	s3 =	sld [smem:$0x3FFD];
	_ =	sdelay $0x3  }
0x96: {  	_ =	strace s3  }
0x97: {  	_ =	strace $0x8FFFFFFF  }
0x98: {  	s19 =	sld [smem:$0x3FDB];
	_ =	sdelay $0x1  }
0x99: {  	s4 =	simm.s32 $_scs_section_size  }
0x9a: {  	s5 =	simm.s32 $_size__tile_overlayer_lowered;
	s6 =	simm.s32 $_tile_overlayer_lowered  }
0x9b: {  	s22 =	simm.s32 $0x1BFF;
	s21 =	sshll.u32 s6, $0x1;
	s3 =	sadd.s32 s4, s19  }
0x9c: {  	s7 =	simm.s32 $0x0;
	s20 =	sshll.u32 s5, $0x1;
	s5 =	sadd.s32 s21, s3  }
0x9d: {  	[timem:s7], [sflag:s22] =	dma.local [hbm:s5], s20  }
0x9e: {  	_ =	swait.ge [sflag:s22], s20  }
0x9f: {  	s4 =	ssub.s32 $0x0, s20;
	[sflag:s22] =	ssyncset.done $0x0  }
0xa0: {  	[sflag:s22] =	ssyncadd.s32 s4;
	_ =	sdelay $0x1  }
0xa1: {  	s23 =	simm.s32 $0x1B8B  }
0xa2: {  	_ =	swait.ge [sflag:s23], $0x1  }
0xa3: {  	[sflag:s23] =	ssyncset.done $0x0  }
0xa4: {  	s25 =	simm.s32 $0x1B8E;
	s24 =	sld [smem:$0x3FFE];
	[sflag:s23] =	ssyncadd.s32 $0xFFFFFFFF  }
0xa5: {  	s26 =	simm.s32 $execute0_lowered;
	[smem:$0x3FD2] =	sst s25  }
0xa6: {  	s5 =	sshll.u32 s26, $0x1;
	_ =	strace $0x80000046;
	[dreg:$0x1] =	wrdreg $0xFFFFFFFF  }
0xa7: {  	s28 =	simm.s32 $_size_execute0_lowered;
	s3 =	sadd.s32 s3, s5;
	[dreg:$0x0] =	wrdreg $0x0  }
0xa8: {  	s5 =	sshll.u32 s28, $0x1;
	[dreg:$0x2] =	wrdreg s3  }
0xa9: {  	[dreg:$0x3] =	wrdreg s5  }
0xaa: {  	[dreg:$0x4] =	wrdreg $0xC0  }
0xab: {  	_ =	task [dreg:s7], $0x5FFFF  }
0xac: {  	[dreg:$0x1] =	wrdreg $0xFFFFFFFF  }
0xad: {  	[dreg:$0x0] =	wrdreg $0x60  }
0xae: {  	[dreg:$0x2] =	wrdreg s2  }
0xaf: {  	[dreg:$0x3] =	wrdreg s24  }
0xb0: {  	[dreg:$0x4] =	wrdreg $0x30000  }
0xb1: {  	[dreg:$0x5] =	wrdreg $0x9  }
0xb2: {  	_ =	task.clear_ibuf [dreg:s7], $0x6FFFF;
	_ =	strace $0x90000046  }
0xb3: {  	s29 =	simm.s32 $0x9;
	_ =	strace $0x80000048  }
0xb4: {  	_ =	swait.ge [sflag:s29], $0x1  }
0xb5: {  	[sflag:s29] =	ssyncadd.s32 $0xFFFFFFFF  }
0xb6: {  	_ =	strace $0x90000048  }
0xb7: {  	_ =	sfence  }
0xb8: {  	s30 =	sld [smem:$0x0];
	_ =	sdelay $0x2  }
0xb9: {  	s31 =	sshll.u32 s1, $0xD;
	s1 =	sshrl.u32 s1, $0x2  }
0xba: {  	s3 =	sand.u32 $0x4000, s31;
	s1 =	sadd.s32 s1, s30  }
0xbb: {  	s0 =	sor.u32 s3, s0;
	s1 =	sshll.u32 s1, $0x11  }
0xbc: {  	s0 =	sor.u32 s1, s0  }
0xbd: {  	s0 =	sadd.s32 $0x8F2B, s0  }
0xbe: {  	[sflag:s0] =	ssyncadd.remote.s32 $0x1  }
0xbf: {  	_ =	sfence.sel $0xFFFF  }
0xc0: {  	[dreg:$0x0] =	wrdreg $0xFFFFFFFF;
	(pc) =	sbr.abs _section_cstart, $3  }
0xc1: {  	[dreg:$0x1] =	wrdreg $0xFFFFFFFF  }
0xc2: {  	_ =	task.clear_ibuf [dreg:s7], $0x2FFFF;
	_ =	strace $0x9FFFFFFF  }
0xc3: {  	(tm) =	ssettm $0x7FFFFFFF  }
tec
execute0_lowered:
.L_overlay_start_1:
0x0: {  	(tag) =	ssettag $0x1  }
0x1: {  	s6 =	rddreg [dreg:$0x0]  }
0x2: {  	s4 =	rddreg [dreg:$0x1]  }
0x3: {  	s2 =	rddreg [dreg:$0x2]  }
0x4: {  	s0 =	rddreg [dreg:$0x3]  }
0x5: {  	s1 =	stileid.u32;
	s3 =	simm.s32 $0x0;
	s7 =	srdreg.scid  }
0x6: {  	s5 =	smul.u32 $0x13900, s1;
	[smem:$0x7FF] =	sst s3;
	s7 =	sand.u32 $0x1, s7  }
0x7: {  	s11 =	sshll.u32 s1, $0x6;
	_ =	strace $0x80000047;
	s8 =	smul.u32 $0x27200, s7  }
0x8: {  	s10 =	ssub.s32 $0x2, s7;
	s7 =	sshll.u32 s7, $0x4;
	s12 =	sshrl.u32 s5, $0x3  }
0x9: {  	s31 =	sshrl.u32 s10, $0x1;
	s7 =	sor.u32 s1, s7;
	s13 =	sadd.s32 s5, s2  }
0xa: {  	s5 =	sor.u32 $0x1C01, s11;
	s11 =	simm.s32 $0x2800;
	s9 =	sadd.s32 s12, s4  }
0xb: {  	s8 =	sadd.s32 s8, s4;
	s10 =	ssub.s32 s10, s31;
	s7 =	smul.u32 $0x500, s7  }
0xc: {  	s4 =	sadd.s32 $0x2400, s9;
	s14 =	sadd.s32 $0x29600, s8;
	s8 =	sshrl.u32 s13, $0x3  }
0xd: {  	s9 =	simm.s32 $0x1;
	s13 =	simm.s32 $0x0;
	s6 =	sadd.s32 s6, s7  }
0xe: {  	v0 =	vimm.f32 $1.000000000e+00;
	s7 =	smax.u32 s10, $0x1;
	s10 =	simm.s32 $0x80;
	s12 =	sadd.s32 s12, s14  }
.LBB2_1:
0xf: {  	[spmem:s8], [sflag:s5] =	dma.local [hbm:s4], $0x2720  }
0x10: {  	_ =	swait.ge [sflag:s9], $0x2720  }
0x11: {  	[sflag:s9] =	ssyncset.done $0x0  }
0x12: {  	[sflag:s9] =	ssyncadd.s32 $0xFFFFD8E0  }
0x13: {  	[tilespmem:s3], [sflag:$0x1] =	stream.linear.gather [hbm4b:s6+s3], $0x2800, $0x38;
	[tilespmem:$0x16900] =	vst v63  }
0x14: {  	_ =	swait.ge [sflag:s9], $0x2800  }
0x15: {  	[sflag:s9] =	ssyncset.done $0x0  }
0x16: {  	s14 =	simm.s32 $0x40;
	s15 =	simm.s32 $0x0;
	[sflag:s9] =	ssyncadd.s32 $0xFFFFD800  }
.LBB2_2:
0x17: {  	p0 =	sne.s32 s14, $0x1FC0;
	[tilespmem:s15+$0x2800] =	vst v0;
	s15 =	smov.u32 s14;
	s14 =	sadd.s32 $0x40, s14  }
.Ltmp0:
0x18: {  	(pc) =	sbr.rel @p0 .LBB2_2-.Ltmp0, $2  }
0x19: {  	_ =	sdelay $0x2  }
0x1a: {  	s15 =	sshra.s32 s15, $0x2  }
0x1b: {  	[tilespmem:s15+$0x2800] =	vst v0  }
0x1c: {  	s14 =	simm.s32 $0x0;
	[bflag:$0x0] =	sbarrier.arrive $0xFFFF  }
0x1d: {  	[spmem:s2] =	stream.indirect.scatter.add.f32 [tilespmem:s11], [sflag:$0x1], $0x10, s14, s10, $0xb8;
	[tilespmem:$0x16900] =	vst v63  }
0x1e: {  	_ =	swait.ge [sflag:s9], $0x800  }
0x1f: {  	s14 =	simm.s32 $0x200;
	[sflag:s9] =	ssyncset.done $0x0  }
.LBB2_4:
0x20: {  	s15 =	sshra.s32 s14, $0x2;
	[sflag:s9] =	ssyncadd.s32 $0xFFFFF800;
	p0 =	sne.s32 s14, $0x9E00  }
0x21: {  	[spmem:s2] =	stream.indirect.scatter.add.f32 [tilespmem:s11], [sflag:$0x1], $0x10, s15, s10, $0xb8;
	[tilespmem:$0x16900] =	vst v63  }
.Ltmp1:
0x22: {  	_ = 	snop;
	(pc) =	sbr.rel @p0 .LBB2_4-.Ltmp1, $4  }
0x23: {  	_ = 	snop  }
0x24: {  	s14 =	sadd.s32 $0x200, s14  }
0x25: {  	_ =	swait.ge [sflag:s9], $0x800  }
0x26: {  	[sflag:s9] =	ssyncset.done $0x0  }
0x27: {  	s13 =	sadd.s32 $0x1, s13  }
0x28: {  	[sflag:s9] =	ssyncadd.s32 $0xFFFFF800;
	p0 =	sne.s32 s13, s7  }
.Ltmp2:
0x29: {  	[bflag:$0x0] =	sbarrier.arrive $0xFFFF;
	(pc) =	sbr.rel @p0 .LBB2_1-.Ltmp2, $4  }
0x2a: {  	[hbm:s12], [sflag:s5] =	dma.local [spmem:s8], $0x2720  }
0x2b: {  	_ =	swait.ge [sflag:s9], $0x2720  }
0x2c: {  	[sflag:s9] =	ssyncset.done $0x0  }
0x2d: {  	[sflag:s9] =	ssyncadd.s32 $0xFFFFD8E0  }
0x2e: {  	_ =	sfence.sel $0x180000  }
0x2f: {  	[bflag:$0x0] =	sbarrier.arrive $0xFFFF  }
0x30: {  	p0 =	sne.s32 s1, $0x0;
	_ =	strace $0x90000047  }
0x31: {  	s0 =	sadd.s32 @!p0 $0x100000, s0;
	[bflag:$0x2] =	sbarrier.arrive $0xFFFF  }
0x32: {  	[sflag:s0] =	ssyncadd.tile.s32 @!p0 $0x1;
	_ =	shalt  }
.Lfunc_end2:
_tile_overlayer_lowered:
.L_overlay_start_2:
0x33: {  	(tag) =	ssettag $0x2  }
0x34: {  	s0 =	rddreg [dreg:$0x0];
	s2 =	stileid.u32  }
0x35: {  	s1 =	rddreg [dreg:$0x1];
	p0 =	sne.s32 s2, $0x0  }
0x36: {  	s3 =	rddreg [dreg:$0x2];
	[bflag:$0x3] =	sbarrier.arrive $0xFFFF;
	s2 =	simm.s32 @!p0 $0x1C01  }
0x37: {  	[timem:s3], [sflag:s2] =	dma.local @!p0 [hbm:s0], s1  }
0x38: {  	s0 =	simm.s32 @!p0 $0x1  }
0x39: {  	_ =	swait.ge @!p0 [sflag:s0], s1  }
0x3a: {  	s1 =	ssub.s32 @!p0 $0x0, s1;
	[sflag:s0] =	ssyncset.done @!p0 $0x0  }
0x3b: {  	[sflag:s0] =	ssyncadd.s32 @!p0 s1  }
0x3c: {  	[bflag:$0x3] =	sbarrier.arrive $0xFFFF  }
0x3d: {  	_ =	shalt  }

// kernel: kernel.13.cloned.1.call-start
scs
__scs_entry_jumppad:
0x0: {  	(pc) =	sbr.rel $0x88, $3  }
0x1: {  	(tag) =	ssettag $0x0;
	lr =	simm.s32 $0x1  }
0x2: {  	[smem:$0x3F98] =	sst lr;
	_ =	strace $0xD0000000  }
0x3: {  	_ = 	snop  }
0x4: {  	_ = 	snop  }
0x5: {  	_ = 	snop  }
0x6: {  	_ = 	snop  }
0x7: {  	_ = 	snop  }
__scs_overlays_trampoline_lowered:
0x8: {  	[smem:$0x3FA7] =	sst s0  }
0x9: {  	[smem:$0x3FA8] =	sst s1  }
0xa: {  	[smem:$0x3FA9] =	sst s2  }
0xb: {  	[smem:$0x3FAA] =	sst s3  }
0xc: {  	[smem:$0x3FAB] =	sst s4  }
0xd: {  	[smem:$0x3FAC] =	sst s5  }
0xe: {  	[smem:$0x3FAD] =	sst s6  }
0xf: {  	[smem:$0x3FAE] =	sst s7  }
0x10: {  	[smem:$0x3FAF] =	sst s8  }
0x11: {  	[smem:$0x3FB0] =	sst s9;
	s0 =	simm.s32 @!p0 $0x0  }
0x12: {  	s1 =	sld [smem:$0x3F96];
	s0 =	simm.s32 @p0 $0x1  }
0x13: {  	[smem:$0x3FB1] =	sst s0;
	s0 =	simm.s32 @!p1 $0x0  }
0x14: {  	s2 =	sld [smem:$0x3F95];
	s0 =	simm.s32 @p1 $0x1  }
0x15: {  	[smem:$0x3FB2] =	sst s0;
	s0 =	simm.s32 @!p2 $0x0  }
0x16: {  	s3 =	sld [smem:$0x3FDB];
	s0 =	simm.s32 @p2 $0x1  }
0x17: {  	s4 =	simm.s32 $0x1BF5;
	[smem:$0x3FB4] =	sst s0  }
0x18: {  	s0 =	sld [smem:$0x3F97];
	_ =	swait.ge [sflag:s4], $0x0  }
0x19: {  	s7 =	sld [smem:$0x3F98]  }
0x1a: {  	s8 =	sadd.s32 $0xFFFFE003, lr  }
0x1b: {  	s9 =	sadd.s32 $0xFFFFFEF7, lr;
	s5 =	simm.s32 $0xFFFFFFFF;
	p2 =	slt.u32 s8, $0xFFFFF086  }
0x1c: {  	p1 =	slt.u32 s9, $0xF7A;
	s5 =	simm.s32 @!p2 $0x0  }
0x1d: {  	s5 =	simm.s32 @p1 $0x1;
	p0 =	seq.s32 s7, s2  }
0x1e: {  	s7 =	smul.u32 @!p0 $0xF7A, s2;
	p2 =	seq.s32 @!p0 s5, $0x0  }
0x1f: {  	s9 =	smul.u32 $0xF7A, s1;
	s8 =	simm.s32 @!p0 $0x1BF5;
	p2 =	por !p2, p0  }
0x20: {  	[sflag:s8] =	ssyncset.s32 @!p0 $0xFFFFF086;
	s6 =	sadd.s32 @!p0 s3, s7;
	s7 =	simm.s32 @!p0 $0x108  }
0x21: {  	s3 =	sadd.s32 s3, s9;
	s6 =	sadd.s32 @!p0 $0x88, s6;
	s7 =	simm.s32 @p2 $0x1082  }
0x22: {  	[simem:s7], [sflag:s8] =	dma.local @!p0 [hbm:s6], $0xF7A  }
0x23: {  	s9 =	sor.u32 $0xD0000000, s2;
	s6 =	simm.s32 $0x108;
	_ =	swait.ge @!p0 [sflag:s8], $0x0  }
0x24: {  	s3 =	sadd.s32 $0x88, s3;
	s6 =	simm.s32 @!p1 $0x1082;
	[sflag:s4] =	ssyncset.s32 $0xFFFFF086  }
0x25: {  	[simem:s6], [sflag:s4] =	dma.local [hbm:s3], $0xF7A  }
0x26: {  	[smem:$0x3F98] =	sst s1;
	(tag) =	ssettag s2;
	_ =	strace s9  }
0x27: {  	s1 =	sld [smem:$0x3FA8]  }
0x28: {  	s2 =	sld [smem:$0x3FA9]  }
0x29: {  	s4 =	sld [smem:$0x3FAB]  }
0x2a: {  	p0 =	seq.s32 s5, $0x0;
	s5 =	sld [smem:$0x3FAC]  }
0x2b: {  	s6 =	sld [smem:$0x3FAD]  }
0x2c: {  	s7 =	sld [smem:$0x3FAE]  }
0x2d: {  	s3 =	simm.s32 $0x108;
	s8 =	sld [smem:$0x3FAF]  }
0x2e: {  	s3 =	simm.s32 @!p0 $0x1082;
	s9 =	sld [smem:$0x3FB0]  }
0x2f: {  	lr =	sadd.s32 s0, s3;
	s0 =	sld [smem:$0x3FA7]  }
0x30: {  	s3 =	sld [smem:$0x3FAA]  }
0x31: {  	[smem:$0x3FB3] =	sst s10  }
0x32: {  	s10 =	sld [smem:$0x3FB1];
	_ =	sdelay $0x3  }
0x33: {  	p0 =	seq.s32 s10, $0x1;
	s10 =	sld [smem:$0x3FB3];
	_ =	sdelay $0x3  }
0x34: {  	[smem:$0x3FB3] =	sst s10  }
0x35: {  	s10 =	sld [smem:$0x3FB2];
	_ =	sdelay $0x3  }
0x36: {  	p1 =	seq.s32 s10, $0x1;
	s10 =	sld [smem:$0x3FB3];
	_ =	sdelay $0x3  }
0x37: {  	[smem:$0x3FB3] =	sst s10  }
0x38: {  	s10 =	sld [smem:$0x3FB4]  }
0x39: {  	_ = 	snop;
	(pc) =	sbr.ind lr, $3  }
0x3a: {  	_ = 	snop  }
0x3b: {  	_ = 	snop  }
0x3c: {  	p2 =	seq.s32 s10, $0x1;
	s10 =	sld [smem:$0x3FB3]  }
0x3d: {  	_ =	shalt  }
0x3e: {  	_ =	shalt  }
0x3f: {  	_ =	shalt  }
0x40: {  	_ =	shalt  }
0x41: {  	_ =	shalt  }
0x42: {  	_ =	shalt  }
0x43: {  	_ =	shalt  }
0x44: {  	_ =	shalt  }
0x45: {  	_ =	shalt  }
0x46: {  	_ =	shalt  }
0x47: {  	_ =	shalt  }
0x48: {  	_ =	shalt  }
0x49: {  	_ =	shalt  }
0x4a: {  	_ =	shalt  }
0x4b: {  	_ =	shalt  }
0x4c: {  	_ =	shalt  }
0x4d: {  	_ =	shalt  }
0x4e: {  	_ =	shalt  }
0x4f: {  	_ =	shalt  }
0x50: {  	_ =	shalt  }
0x51: {  	_ =	shalt  }
0x52: {  	_ =	shalt  }
0x53: {  	_ =	shalt  }
0x54: {  	_ =	shalt  }
0x55: {  	_ =	shalt  }
0x56: {  	_ =	shalt  }
0x57: {  	_ =	shalt  }
0x58: {  	_ =	shalt  }
0x59: {  	_ =	shalt  }
0x5a: {  	_ =	shalt  }
0x5b: {  	_ =	shalt  }
0x5c: {  	_ =	shalt  }
0x5d: {  	_ =	shalt  }
0x5e: {  	_ =	shalt  }
0x5f: {  	_ =	shalt  }
0x60: {  	_ =	shalt  }
0x61: {  	_ =	shalt  }
0x62: {  	_ =	shalt  }
0x63: {  	_ =	shalt  }
0x64: {  	_ =	shalt  }
0x65: {  	_ =	shalt  }
0x66: {  	_ =	shalt  }
0x67: {  	_ =	shalt  }
0x68: {  	_ =	shalt  }
0x69: {  	_ =	shalt  }
0x6a: {  	_ =	shalt  }
0x6b: {  	_ =	shalt  }
0x6c: {  	_ =	shalt  }
0x6d: {  	_ =	shalt  }
0x6e: {  	_ =	shalt  }
0x6f: {  	_ =	shalt  }
0x70: {  	_ =	shalt  }
0x71: {  	_ =	shalt  }
0x72: {  	_ =	shalt  }
0x73: {  	_ =	shalt  }
0x74: {  	_ =	shalt  }
0x75: {  	_ =	shalt  }
0x76: {  	_ =	shalt  }
0x77: {  	_ =	shalt  }
0x78: {  	_ =	shalt  }
0x79: {  	_ =	shalt  }
0x7a: {  	_ =	shalt  }
0x7b: {  	_ =	shalt  }
0x7c: {  	_ =	shalt  }
0x7d: {  	_ =	shalt  }
0x7e: {  	_ =	shalt  }
0x7f: {  	_ =	shalt  }
0x80: {  	_ =	shalt  }
0x81: {  	_ =	shalt  }
0x82: {  	_ =	shalt  }
0x83: {  	_ =	shalt  }
0x84: {  	_ =	shalt  }
0x85: {  	_ =	shalt  }
0x86: {  	_ =	shalt  }
0x87: {  	_ =	shalt  }
.Lfunc_end0:
.L_simem_size_0:
called_computation.1_lowered:
.L_overlay_start_0:
0x88: {  	s2 =	sld [smem:$0x3FD9]  }
0x89: {  	s3 =	sld [smem:$0x3FFE];
	_ =	sdelay $0x1  }
0x8a: {  	s1 =	srdreg.scid  }
0x8b: {  	s0 =	sand.u32 $0x1, s1  }
0x8c: {  	s17 =	sshll.u32 s0, $0xA;
	s2 =	sadd.s32 s3, s2  }
0x8d: {  	s2 =	sadd.s32 s2, s17  }
0x8e: {  	[smem:$0x3FBF] =	sst s2  }
0x8f: {  	_ = 	snop  }
0x90: {  	s2 =	sld [smem:$0x3FD0];
	(tm) =	ssettm $0x1  }
0x91: {  	s18 =	sld [smem:$0x3FFB];
	_ =	sdelay $0x3  }
0x92: {  	_ =	strace s18  }
0x93: {  	s3 =	sld [smem:$0x3FFC];
	_ =	sdelay $0x3  }
0x94: {  	_ =	strace s3  }
0x95: {  	s3 =	sld [smem:$0x3FFD];
	_ =	sdelay $0x3  }
0x96: {  	_ =	strace s3  }
0x97: {  	_ =	strace $0x8FFFFFFF  }
0x98: {  	s19 =	sld [smem:$0x3FDB];
	_ =	sdelay $0x1  }
0x99: {  	s4 =	simm.s32 $_scs_section_size  }
0x9a: {  	s5 =	simm.s32 $_size__tile_overlayer_lowered;
	s6 =	simm.s32 $_tile_overlayer_lowered  }
0x9b: {  	s22 =	simm.s32 $0x1BFF;
	s21 =	sshll.u32 s6, $0x1;
	s3 =	sadd.s32 s4, s19  }
0x9c: {  	s7 =	simm.s32 $0x0;
	s20 =	sshll.u32 s5, $0x1;
	s5 =	sadd.s32 s21, s3  }
0x9d: {  	[timem:s7], [sflag:s22] =	dma.local [hbm:s5], s20  }
0x9e: {  	_ =	swait.ge [sflag:s22], s20  }
0x9f: {  	s4 =	ssub.s32 $0x0, s20;
	[sflag:s22] =	ssyncset.done $0x0  }
0xa0: {  	[sflag:s22] =	ssyncadd.s32 s4;
	_ =	sdelay $0x1  }
0xa1: {  	s23 =	simm.s32 $0x1B8B  }
0xa2: {  	_ =	swait.ge [sflag:s23], $0x1  }
0xa3: {  	[sflag:s23] =	ssyncset.done $0x0  }
0xa4: {  	s25 =	simm.s32 $0x1B8E;
	s24 =	sld [smem:$0x3FFE];
	[sflag:s23] =	ssyncadd.s32 $0xFFFFFFFF  }
0xa5: {  	s26 =	simm.s32 $execute0_lowered;
	[smem:$0x3FD2] =	sst s25  }
0xa6: {  	s5 =	sshll.u32 s26, $0x1;
	_ =	strace $0x80000049;
	[dreg:$0x1] =	wrdreg $0xFFFFFFFF  }
0xa7: {  	s28 =	simm.s32 $_size_execute0_lowered;
	s3 =	sadd.s32 s3, s5;
	[dreg:$0x0] =	wrdreg $0x0  }
0xa8: {  	s5 =	sshll.u32 s28, $0x1;
	[dreg:$0x2] =	wrdreg s3  }
0xa9: {  	[dreg:$0x3] =	wrdreg s5  }
0xaa: {  	[dreg:$0x4] =	wrdreg $0xC0  }
0xab: {  	_ =	task [dreg:s7], $0x5FFFF  }
0xac: {  	[dreg:$0x1] =	wrdreg $0xFFFFFFFF  }
0xad: {  	[dreg:$0x0] =	wrdreg $0x60  }
0xae: {  	[dreg:$0x2] =	wrdreg s24  }
0xaf: {  	[dreg:$0x3] =	wrdreg s2  }
0xb0: {  	[dreg:$0x4] =	wrdreg $0xA8000  }
0xb1: {  	[dreg:$0x5] =	wrdreg $0x9  }
0xb2: {  	_ =	task.clear_ibuf [dreg:s7], $0x6FFFF;
	_ =	strace $0x90000049  }
0xb3: {  	s29 =	simm.s32 $0x9;
	_ =	strace $0x8000004E  }
0xb4: {  	_ =	swait.ge [sflag:s29], $0x1  }
0xb5: {  	[sflag:s29] =	ssyncadd.s32 $0xFFFFFFFF  }
0xb6: {  	_ =	strace $0x9000004E  }
0xb7: {  	_ =	sfence  }
0xb8: {  	s30 =	sld [smem:$0x0];
	_ =	sdelay $0x2  }
0xb9: {  	s31 =	sshll.u32 s1, $0xD;
	s1 =	sshrl.u32 s1, $0x2  }
0xba: {  	s3 =	sand.u32 $0x4000, s31;
	s1 =	sadd.s32 s1, s30  }
0xbb: {  	s0 =	sor.u32 s3, s0;
	s1 =	sshll.u32 s1, $0x11  }
0xbc: {  	s0 =	sor.u32 s1, s0  }
0xbd: {  	s0 =	sadd.s32 $0x8F2B, s0  }
0xbe: {  	[sflag:s0] =	ssyncadd.remote.s32 $0x1  }
0xbf: {  	_ =	sfence.sel $0xFFFF  }
0xc0: {  	[dreg:$0x0] =	wrdreg $0xFFFFFFFF;
	(pc) =	sbr.abs _section_cstart, $3  }
0xc1: {  	[dreg:$0x1] =	wrdreg $0xFFFFFFFF  }
0xc2: {  	_ =	task.clear_ibuf [dreg:s7], $0x2FFFF;
	_ =	strace $0x9FFFFFFF  }
0xc3: {  	(tm) =	ssettm $0x7FFFFFFF  }
tec
execute0_lowered:
.L_overlay_start_1:
0x0: {  	(tag) =	ssettag $0x1  }
0x1: {  	s0 =	rddreg [dreg:$0x0]  }
0x2: {  	s1 =	rddreg [dreg:$0x1]  }
0x3: {  	s2 =	rddreg [dreg:$0x2]  }
0x4: {  	s3 =	simm.s32 $0x0;
	s13 =	stileid.u32;
	s4 =	srdreg.scid  }
0x5: {  	s28 =	simm.s32 $0x80;
	s29 =	simm.s32 $0x1800;
	s30 =	simm.s32 $0x9800  }
0x6: {  	s31 =	simm.s32 $0x5800;
	[smem:$0x7FF] =	sst s3;
	s5 =	sadd.s32 $0x81A00, s0  }
0x7: {  	s26 =	smul.u32 $0x14000, s13;
	s6 =	sadd.s32 $0x2400, s0;
	s7 =	sadd.s32 $0x77A00, s0  }
0x8: {  	s4 =	sand.u32 $0x1, s4;
	s9 =	sadd.s32 $0x1E1400, s0;
	s15 =	sshll.u32 s13, $0x9  }
0x9: {  	_ =	strace $0x8000004A;
	s8 =	smul.u32 $0x28000, s4;
	s10 =	ssub.s32 $0x2, s4  }
0xa: {  	p0 =	seq.s32 s4, $0x1;
	s11 =	sshrl.u32 s26, $0x3;
	s12 =	sshrl.u32 s10, $0x1  }
0xb: {  	s18 =	sadd.s32 $0x4000, s26;
	s19 =	sadd.s32 $0x8000, s26;
	s22 =	sadd.s32 $0xC000, s26  }
0xc: {  	s3 =	sadd.s32 $0x10000, s26;
	[dreg:$0x4] =	wrdreg s11;
	s11 =	sadd.s32 s11, s0  }
0xd: {  	s0 =	sadd.s32 s8, s0;
	s14 =	ssub.s32 s10, s12;
	s10 =	sadd.s32 s26, s2  }
0xe: {  	s12 =	sshll.u32 s13, $0xB;
	s13 =	sor.u32 $0x8000, s15;
	s20 =	sadd.s32 s18, s2  }
0xf: {  	s21 =	sadd.s32 s19, s2;
	s4 =	sshrl.u32 s19, $0x3;
	s8 =	sshrl.u32 s22, $0x3  }
0x10: {  	s23 =	sadd.s32 s3, s2;
	s3 =	sshrl.u32 s3, $0x3;
	[dreg:$0x9] =	wrdreg s20  }
0x11: {  	s15 =	simm.s32 $0x2;
	s19 =	simm.s32 $0x1780;
	[dreg:$0xa] =	wrdreg s21  }
0x12: {  	s11 =	sadd.s32 $0x29600, s11;
	s16 =	sadd.s32 $0x1EB400, s0;
	[dreg:$0xc] =	wrdreg s23  }
0x13: {  	s17 =	smax.u32 s14, $0x1;
	s0 =	sshrl.u32 s18, $0x3;
	[dreg:$0x5] =	wrdreg s10  }
0x14: {  	s14 =	sadd.s32 s22, s2;
	s20 =	simm.s32 $0x5;
	[dreg:$0x6] =	wrdreg s11  }
0x15: {  	s21 =	simm.s32 $0x800;
	s18 =	simm.s32 $0x1700;
	[dreg:$0x8] =	wrdreg s17  }
0x16: {  	[dreg:$0xb] =	wrdreg s14;
	s0 =	sadd.s32 s0, s16;
	s24 =	sadd.s32 s4, s16  }
.Ltmp0:
0x17: {  	s25 =	sadd.s32 s8, s16;
	[dreg:$0x7] =	wrdreg s16;
	(pc) =	sbr.rel .LBB2_1-.Ltmp0, $4  }
0x18: {  	s26 =	sadd.s32 s3, s16;
	s3 =	simm.s32 $0xA000;
	[dreg:$0xd] =	wrdreg s0  }
0x19: {  	s11 =	simm.s32 $0x1;
	s16 =	simm.s32 $0x3;
	[dreg:$0xe] =	wrdreg s24  }
0x1a: {  	s17 =	simm.s32 $0x4;
	s8 =	simm.s32 $0x0;
	[dreg:$0xf] =	wrdreg s25  }
0x1b: {  	[dreg:$0x10] =	wrdreg s26;
	s26 =	simm.s32 $0x1000;
	s0 =	simm.s32 $0x880  }
.LBB2_24:
0x1c: {  	_ =	strace $0x9000004C  }
0x1d: {  	_ =	strace $0x8000004D  }
0x1e: {  	[bflag:$0x0] =	sbarrier.arrive $0xFFFF  }
0x1f: {  	s10 =	rddreg [dreg:$0x5]  }
0x20: {  	[tilespmem:s29], [sflag:$0x5] =	stream.linear.gather [spmem:s10], $0x4000, $0x200038;
	[tilespmem:$0x1E800] =	vst v63  }
0x21: {  	_ =	swait.ge [sflag:s20], $0x4000  }
0x22: {  	s4 =	rddreg [dreg:$0x4]  }
0x23: {  	[sflag:s20] =	ssyncset.done $0x0;
	s8 =	rddreg [dreg:$0x7]  }
0x24: {  	[sflag:s20] =	ssyncadd.s32 $0xFFFFC000;
	s4 =	sadd.s32 s4, s8;
	s8 =	simm.s32 $0x0  }
0x25: {  	[hbm4b:s4+s8] =	stream.linear.scatter [tilespmem:s29], [sflag:$0x5], $0x4000, $0x200038;
	[tilespmem:$0x1E800] =	vst v63  }
0x26: {  	_ =	swait.ge [sflag:s20], $0x4000  }
0x27: {  	[sflag:s20] =	ssyncset.done $0x0  }
0x28: {  	s14 =	rddreg [dreg:$0x9];
	[sflag:s20] =	ssyncadd.s32 $0xFFFFC000  }
0x29: {  	[tilespmem:s29], [sflag:$0x5] =	stream.linear.gather [spmem:s14], $0x4000, $0x200038;
	[tilespmem:$0x1E800] =	vst v63  }
0x2a: {  	_ =	swait.ge [sflag:s20], $0x4000  }
0x2b: {  	[sflag:s20] =	ssyncset.done $0x0  }
0x2c: {  	s22 =	rddreg [dreg:$0xd];
	[sflag:s20] =	ssyncadd.s32 $0xFFFFC000  }
0x2d: {  	[hbm4b:s22+s8] =	stream.linear.scatter [tilespmem:s29], [sflag:$0x5], $0x4000, $0x200038;
	[tilespmem:$0x1E800] =	vst v63  }
0x2e: {  	_ =	swait.ge [sflag:s20], $0x4000  }
0x2f: {  	[sflag:s20] =	ssyncset.done $0x0  }
0x30: {  	s23 =	rddreg [dreg:$0xa];
	[sflag:s20] =	ssyncadd.s32 $0xFFFFC000  }
0x31: {  	[tilespmem:s29], [sflag:$0x5] =	stream.linear.gather [spmem:s23], $0x4000, $0x200038;
	[tilespmem:$0x1E800] =	vst v63  }
0x32: {  	_ =	swait.ge [sflag:s20], $0x4000  }
0x33: {  	[sflag:s20] =	ssyncset.done $0x0  }
0x34: {  	s24 =	rddreg [dreg:$0xe];
	[sflag:s20] =	ssyncadd.s32 $0xFFFFC000  }
0x35: {  	[hbm4b:s24+s8] =	stream.linear.scatter [tilespmem:s29], [sflag:$0x5], $0x4000, $0x200038;
	[tilespmem:$0x1E800] =	vst v63  }
0x36: {  	_ =	swait.ge [sflag:s20], $0x4000  }
0x37: {  	[sflag:s20] =	ssyncset.done $0x0  }
0x38: {  	s25 =	rddreg [dreg:$0xb];
	[sflag:s20] =	ssyncadd.s32 $0xFFFFC000  }
0x39: {  	[tilespmem:s29], [sflag:$0x5] =	stream.linear.gather [spmem:s25], $0x4000, $0x200038;
	[tilespmem:$0x1E800] =	vst v63  }
0x3a: {  	_ =	swait.ge [sflag:s20], $0x4000  }
0x3b: {  	[sflag:s20] =	ssyncset.done $0x0  }
0x3c: {  	s14 =	rddreg [dreg:$0xf];
	[sflag:s20] =	ssyncadd.s32 $0xFFFFC000  }
0x3d: {  	[hbm4b:s14+s8] =	stream.linear.scatter [tilespmem:s29], [sflag:$0x5], $0x4000, $0x200038;
	[tilespmem:$0x1E800] =	vst v63  }
0x3e: {  	_ =	swait.ge [sflag:s20], $0x4000  }
0x3f: {  	[sflag:s20] =	ssyncset.done $0x0  }
0x40: {  	s22 =	rddreg [dreg:$0xc];
	[sflag:s20] =	ssyncadd.s32 $0xFFFFC000  }
0x41: {  	[tilespmem:s29], [sflag:$0x5] =	stream.linear.gather [spmem:s22], $0x4000, $0x200038;
	[tilespmem:$0x1E800] =	vst v63  }
0x42: {  	_ =	swait.ge [sflag:s20], $0x4000  }
0x43: {  	[sflag:s20] =	ssyncset.done $0x0  }
0x44: {  	s23 =	rddreg [dreg:$0x10];
	[sflag:s20] =	ssyncadd.s32 $0xFFFFC000  }
0x45: {  	[hbm4b:s23+s8] =	stream.linear.scatter [tilespmem:s29], [sflag:$0x5], $0x4000, $0x200038;
	[tilespmem:$0x1E800] =	vst v63  }
0x46: {  	_ =	swait.ge [sflag:s20], $0x4000  }
0x47: {  	s24 =	rddreg [dreg:$0x11]  }
0x48: {  	s25 =	rddreg [dreg:$0x8];
	s8 =	sadd.s32 $0x1, s24  }
0x49: {  	p1 =	sne.s32 s8, s25  }
.Ltmp1:
0x4a: {  	_ = 	snop;
	(pc) =	sbr.rel @!p1 .LBB2_25-.Ltmp1, $4  }
0x4b: {  	_ = 	snop  }
0x4c: {  	[sflag:s20] =	ssyncset.done $0x0  }
0x4d: {  	[sflag:s20] =	ssyncadd.s32 $0xFFFFC000  }
0x4e: {  	_ =	strace $0x9000004D  }
.LBB2_1:
0x4f: {  	[dreg:$0x11] =	wrdreg s8;
	s4 =	stileid.u32  }
0x50: {  	s4 =	sshll.u32 s4, $0x6;
	_ =	strace $0x8000004B  }
0x51: {  	s10 =	sshrl.u32 s10, $0x3;
	s4 =	sor.u32 $0x1C05, s4;
	s25 =	rddreg [dreg:$0x6]  }
0x52: {  	[spmem:s10], [sflag:s4] =	dma.local [hbm:s25], $0x2800  }
0x53: {  	_ =	swait.ge [sflag:s20], $0x2800  }
.Ltmp2:
0x54: {  	[sflag:s20] =	ssyncset.done $0x0;
	(pc) =	sbr.rel @!p0 .LBB2_2-.Ltmp2, $4  }
0x55: {  	[sflag:s20] =	ssyncadd.s32 $0xFFFFD800  }
0x56: {  	[bflag:$0x0] =	sbarrier.arrive $0xFFFF  }
0x57: {  	p2 =	por $0x1, $0x1;
	_ =	strace $0x9000004B  }
0x58: {  	s22 =	simm.s32 $0x0;
	s4 =	simm.s32 $0x0;
	_ =	strace $0x8000004C  }
.LBB2_13:
0x59: {  	s4 =	sor.u32 s13, s4  }
0x5a: {  	s22 =	simm.s32 $0x0;
	s8 =	sadd.s32 s7, s4  }
0x5b: {  	[tilespmem:s22], [sflag:$0x5] =	stream.linear.gather [hbm4b:s8+s22], $0x800, $0x200038;
	[tilespmem:$0x1E800] =	vst v63  }
0x5c: {  	_ =	swait.ge [sflag:s20], $0x800  }
0x5d: {  	[sflag:s20] =	ssyncset.done $0x0  }
0x5e: {  	s25 =	sadd.s32 s1, s4;
	[sflag:s20] =	ssyncadd.s32 $0xFFFFF800  }
0x5f: {  	[tilespmem:s21], [sflag:$0x5] =	stream.linear.gather [hbm4b:s25+s22], $0x800, $0x200038;
	[tilespmem:$0x1E800] =	vst v63  }
0x60: {  	_ =	swait.ge [sflag:s20], $0x800  }
0x61: {  	[sflag:s20] =	ssyncset.done $0x0  }
0x62: {  	s4 =	sadd.s32 s9, s4;
	[sflag:s20] =	ssyncadd.s32 $0xFFFFF800  }
0x63: {  	[tilespmem:s26], [sflag:$0x5] =	stream.linear.gather [hbm4b:s4+s22], $0x800, $0x200038;
	[tilespmem:$0x1E800] =	vst v63  }
0x64: {  	_ =	swait.ge [sflag:s20], $0x800  }
0x65: {  	[sflag:s20] =	ssyncset.done $0x0  }
0x66: {  	[sflag:s20] =	ssyncadd.s32 $0xFFFFF800  }
0x67: {  	[tilespmem:s29], [sflag:$0x1] =	stream.indirect.gather [hbm4b:s5+s28], $0x80, s22, s28, $0x2000b8;
	[tilespmem:$0x1E800] =	vst v63  }
0x68: {  	_ = 	snop  }
0x69: {  	[tilespmem:s30], [sflag:$0x1] =	stream.indirect.gather [hbm4b:s6+s28], $0x10, s21, s28, $0x2000b8;
	[tilespmem:$0x1E800] =	vst v63  }
0x6a: {  	_ = 	snop  }
0x6b: {  	[tilespmem:s31], [sflag:$0x2] =	stream.indirect.gather [hbm4b:s5+s28], $0x80, s28, s28, $0x2000b8;
	[tilespmem:$0x1E800] =	vst v63  }
0x6c: {  	p1 =	por p2, p2  }
0x6d: {  	[tilespmem:s3], [sflag:$0x2] =	stream.indirect.gather [hbm4b:s6+s28], $0x10, s0, s28, $0x2000b8;
	[tilespmem:$0x1E800] =	vst v63  }
.LBB2_14:
0x6e: {  	_ =	swait.ge [sflag:s11], $0x4000  }
0x6f: {  	[sflag:s11] =	ssyncset.done $0x0  }
0x70: {  	[sflag:s11] =	ssyncadd.s32 $0xFFFFC000  }
0x71: {  	_ =	swait.ge [sflag:s11], $0x800  }
0x72: {  	[sflag:s11] =	ssyncset.done $0x0  }
0x73: {  	s14 =	simm.s32 $0x1840;
	[sflag:s11] =	ssyncadd.s32 $0xFFFFF800  }
0x74: {  	v4 =	vld [tilespmem:s14+$0x30]  }
0x75: {  	v7 =	vld [tilespmem:s14+$0x10]  }
0x76: {  	s4 =	simm.s32 $0x0;
	v5 =	vld [tilespmem:s14+$0xFFFFFFC0]  }
0x77: {  	v1 =	vld [tilespmem:s4+$0x9800]  }
0x78: {  	v9 =	vld [tilespmem:s14+$0xFFFFFFE0]  }
0x79: {  	v0 =	vld [tilespmem:s14+$0xFFFFFFF0]  }
0x7a: {  	v2 =	vld [tilespmem:s14+$0x20]  }
0x7b: {  	v3 =	vld [tilespmem:s14+$0xFFFFFFD0]  }
0x7c: {  	v8 =	vmul.f32 v4, v1;
	v4 =	vld [tilespmem:s14+$0x0]  }
0x7d: {  	v6 =	vmul.f32 v5, v1  }
0x7e: {  	s10 =	simm.s32 $0x40;
	s4 =	simm.s32 $0x1840;
	v5 =	vmul.f32 v9, v1;
	v7 =	vmul.f32 v7, v1  }
.LBB2_15:
0x7f: {  	p2 =	sne.s32 s10, $0x1FC0  }
0x80: {  	v3 =	vmul.f32 v3, v1;
	v2 =	vmul.f32 v2, v1;
	[tilespmem:s14+$0x30] =	vst v8;
	s4 =	sadd.s32 $0x80, s4;
	s8 =	smov.u32 s10;
	s10 =	sadd.s32 $0x40, s10  }
0x81: {  	[tilespmem:s14+$0xFFFFFFC0] =	vst v6;
	v6 =	vmul.f32 v0, v1;
	v1 =	vmul.f32 v4, v1  }
0x82: {  	[tilespmem:s14+$0x10] =	vst v7  }
0x83: {  	v0 =	vld [tilespmem:s4+$0xFFFFFFF0];
	[tilespmem:s14+$0xFFFFFFE0] =	vst v5  }
0x84: {  	v5 =	vld [tilespmem:s4+$0x30];
	[tilespmem:s14+$0xFFFFFFF0] =	vst v6  }
0x85: {  	v7 =	vld [tilespmem:s4+$0x10];
	[tilespmem:s14+$0x0] =	vst v1  }
0x86: {  	v6 =	vld [tilespmem:s4+$0xFFFFFFC0];
	[tilespmem:s14+$0x20] =	vst v2  }
0x87: {  	s8 =	sshra.s32 s8, $0x2;
	v9 =	vld [tilespmem:s4+$0xFFFFFFE0];
	[tilespmem:s14+$0xFFFFFFD0] =	vst v3;
	s14 =	smov.u32 s4  }
0x88: {  	v1 =	vld [tilespmem:s8+$0x9800]  }
0x89: {  	v2 =	vld [tilespmem:s4+$0x20]  }
.Ltmp3:
0x8a: {  	v3 =	vld [tilespmem:s4+$0xFFFFFFD0];
	(pc) =	sbr.rel @p2 .LBB2_15-.Ltmp3, $3  }
0x8b: {  	v4 =	vld [tilespmem:s4+$0x0];
	_ =	sdelay $0x1  }
0x8c: {  	v6 =	vmul.f32 v6, v1;
	v8 =	vmul.f32 v5, v1  }
0x8d: {  	v5 =	vmul.f32 v9, v1;
	v7 =	vmul.f32 v7, v1  }
0x8e: {  	[tilespmem:s14+$0x30] =	vst v8  }
0x8f: {  	[tilespmem:s14+$0xFFFFFFC0] =	vst v6  }
0x90: {  	v0 =	vmul.f32 v0, v1;
	[tilespmem:s14+$0x10] =	vst v7  }
0x91: {  	v2 =	vmul.f32 v2, v1;
	[tilespmem:s14+$0xFFFFFFE0] =	vst v5  }
0x92: {  	v4 =	vmul.f32 v4, v1;
	[tilespmem:s14+$0xFFFFFFF0] =	vst v0  }
0x93: {  	s23 =	sshll.u32 s22, $0x8;
	v0 =	vmul.f32 v3, v1;
	[tilespmem:s14+$0x20] =	vst v2  }
0x94: {  	s24 =	sand.u32 $0x3FFFFF00, s23;
	[tilespmem:s14+$0x0] =	vst v4  }
0x95: {  	s4 =	sadd.s32 $0x1000, s24;
	[tilespmem:s14+$0xFFFFFFD0] =	vst v0  }
0x96: {  	[spmem:s2] =	stream.indirect.scatter.add.f32 [tilespmem:s29], [sflag:$0x3], $0x80, s4, s28, $0x2000b8;
	[tilespmem:$0x1E800] =	vst v63  }
0x97: {  	_ =	swait.ge [sflag:s15], $0x4000  }
0x98: {  	[sflag:s15] =	ssyncset.done $0x0  }
0x99: {  	[sflag:s15] =	ssyncadd.s32 $0xFFFFC000  }
0x9a: {  	_ =	swait.ge [sflag:s15], $0x800  }
0x9b: {  	[sflag:s15] =	ssyncset.done $0x0  }
0x9c: {  	s14 =	simm.s32 $0x0;
	[sflag:s15] =	ssyncadd.s32 $0xFFFFF800  }
0x9d: {  	s10 =	simm.s32 $0xA000;
	v6 =	vld [tilespmem:s14+$0x5870]  }
0x9e: {  	v0 =	vld [tilespmem:s10+$0x0]  }
0x9f: {  	v5 =	vld [tilespmem:s14+$0x5820]  }
0xa0: {  	v4 =	vld [tilespmem:s14+$0x5850]  }
0xa1: {  	v2 =	vld [tilespmem:s14+$0x5860]  }
0xa2: {  	v3 =	vld [tilespmem:s14+$0x5840]  }
0xa3: {  	s4 =	simm.s32 $0x200;
	v1 =	vld [tilespmem:s14+$0x5810];
	v6 =	vmul.f32 v6, v0  }
.LBB2_17:
0xa4: {  	p2 =	sne.s32 s4, $0xFE00  }
0xa5: {  	v5 =	vmul.f32 v5, v0;
	v7 =	vld [tilespmem:s14+$0x5830];
	s10 =	sadd.s32 $0x10, s10;
	s8 =	smov.u32 s4;
	s4 =	sadd.s32 $0x200, s4  }
0xa6: {  	v8 =	vld [tilespmem:s14+$0x5800];
	v4 =	vmul.f32 v4, v0;
	[tilespmem:s14+$0x5870] =	vst v6  }
0xa7: {  	[tilespmem:s14+$0x5820] =	vst v5;
	v2 =	vmul.f32 v2, v0  }
0xa8: {  	v3 =	vmul.f32 v3, v0;
	[tilespmem:s14+$0x5850] =	vst v4  }
0xa9: {  	v1 =	vmul.f32 v1, v0;
	[tilespmem:s14+$0x5860] =	vst v2  }
0xaa: {  	v2 =	vmul.f32 v7, v0;
	[tilespmem:s14+$0x5840] =	vst v3  }
0xab: {  	v0 =	vmul.f32 v8, v0;
	[tilespmem:s14+$0x5810] =	vst v1  }
0xac: {  	s8 =	sshra.s32 s8, $0x2;
	[tilespmem:s14+$0x5830] =	vst v2  }
0xad: {  	v6 =	vld [tilespmem:s8+$0x5870];
	[tilespmem:s14+$0x5800] =	vst v0;
	s14 =	smov.u32 s8  }
0xae: {  	v0 =	vld [tilespmem:s10+$0x0]  }
.Ltmp4:
0xaf: {  	v5 =	vld [tilespmem:s14+$0x5820];
	(pc) =	sbr.rel @p2 .LBB2_17-.Ltmp4, $4  }
0xb0: {  	v4 =	vld [tilespmem:s14+$0x5850]  }
0xb1: {  	v2 =	vld [tilespmem:s14+$0x5860]  }
0xb2: {  	v3 =	vld [tilespmem:s14+$0x5840]  }
0xb3: {  	v1 =	vld [tilespmem:s14+$0x5810];
	v6 =	vmul.f32 v6, v0  }
0xb4: {  	v7 =	vld [tilespmem:s14+$0x5830];
	v5 =	vmul.f32 v5, v0  }
0xb5: {  	v8 =	vld [tilespmem:s14+$0x5800];
	v4 =	vmul.f32 v4, v0;
	[tilespmem:s14+$0x5870] =	vst v6  }
0xb6: {  	[tilespmem:s14+$0x5820] =	vst v5;
	v2 =	vmul.f32 v2, v0  }
0xb7: {  	v3 =	vmul.f32 v3, v0;
	[tilespmem:s14+$0x5850] =	vst v4  }
0xb8: {  	v1 =	vmul.f32 v1, v0;
	[tilespmem:s14+$0x5860] =	vst v2  }
0xb9: {  	v62 =	vmul.f32 v7, v0;
	[tilespmem:s14+$0x5840] =	vst v3  }
0xba: {  	v63 =	vmul.f32 v8, v0;
	[tilespmem:s14+$0x5810] =	vst v1  }
0xbb: {  	[tilespmem:s14+$0x5830] =	vst v62  }
0xbc: {  	s4 =	sadd.s32 $0x1080, s24;
	[tilespmem:s14+$0x5800] =	vst v63  }
0xbd: {  	[spmem:s2] =	stream.indirect.scatter.add.f32 [tilespmem:s31], [sflag:$0x4], $0x80, s4, s28, $0x2000b8;
	[tilespmem:$0x1E800] =	vst v63  }
0xbe: {  	_ =	swait.ge [sflag:s16], $0x4000  }
0xbf: {  	[sflag:s16] =	ssyncset.done $0x0  }
0xc0: {  	s10 =	sadd.s32 $0x100, s23;
	[sflag:s16] =	ssyncadd.s32 $0xFFFFC000  }
0xc1: {  	[tilespmem:s29], [sflag:$0x1] =	stream.indirect.gather [hbm4b:s5+s28], $0x80, s10, s28, $0x2000b8;
	[tilespmem:$0x1E800] =	vst v63  }
0xc2: {  	s22 =	sadd.s32 $0x1, s22;
	s14 =	sadd.s32 $0x900, s23  }
0xc3: {  	[tilespmem:s30], [sflag:$0x1] =	stream.indirect.gather [hbm4b:s6+s28], $0x10, s14, s28, $0x2000b8;
	[tilespmem:$0x1E800] =	vst v63  }
0xc4: {  	p2 =	sne.s32 s22, $0x7;
	_ =	swait.ge [sflag:s17], $0x4000  }
.Ltmp5:
0xc5: {  	[sflag:s17] =	ssyncset.done $0x0;
	(pc) =	sbr.rel @p2 .LBB2_14-.Ltmp5, $4  }
0xc6: {  	s24 =	sadd.s32 $0x180, s23;
	[sflag:s17] =	ssyncadd.s32 $0xFFFFC000  }
0xc7: {  	[tilespmem:s31], [sflag:$0x2] =	stream.indirect.gather [hbm4b:s5+s28], $0x80, s24, s28, $0x2000b8;
	[tilespmem:$0x1E800] =	vst v63  }
0xc8: {  	s25 =	sadd.s32 $0x980, s23  }
0xc9: {  	[tilespmem:s3], [sflag:$0x2] =	stream.indirect.gather [hbm4b:s6+s28], $0x10, s25, s28, $0x2000b8;
	[tilespmem:$0x1E800] =	vst v63  }
0xca: {  	_ =	swait.ge [sflag:s11], $0x4000  }
0xcb: {  	[sflag:s11] =	ssyncset.done $0x0  }
0xcc: {  	[sflag:s11] =	ssyncadd.s32 $0xFFFFC000  }
0xcd: {  	_ =	swait.ge [sflag:s11], $0x800  }
0xce: {  	[sflag:s11] =	ssyncset.done $0x0  }
0xcf: {  	s14 =	simm.s32 $0x1840;
	[sflag:s11] =	ssyncadd.s32 $0xFFFFF800  }
0xd0: {  	v4 =	vld [tilespmem:s14+$0x30]  }
0xd1: {  	v7 =	vld [tilespmem:s14+$0x10]  }
0xd2: {  	s4 =	simm.s32 $0x0;
	v5 =	vld [tilespmem:s14+$0xFFFFFFC0]  }
0xd3: {  	v1 =	vld [tilespmem:s4+$0x9800]  }
0xd4: {  	v9 =	vld [tilespmem:s14+$0xFFFFFFE0]  }
0xd5: {  	v0 =	vld [tilespmem:s14+$0xFFFFFFF0]  }
0xd6: {  	v2 =	vld [tilespmem:s14+$0x20]  }
0xd7: {  	v3 =	vld [tilespmem:s14+$0xFFFFFFD0]  }
0xd8: {  	v8 =	vmul.f32 v4, v1;
	v4 =	vld [tilespmem:s14+$0x0]  }
0xd9: {  	v6 =	vmul.f32 v5, v1  }
0xda: {  	s10 =	simm.s32 $0x40;
	s4 =	simm.s32 $0x1840;
	v5 =	vmul.f32 v9, v1;
	v7 =	vmul.f32 v7, v1  }
.LBB2_20:
0xdb: {  	p2 =	sne.s32 s10, $0x1FC0  }
0xdc: {  	v3 =	vmul.f32 v3, v1;
	v2 =	vmul.f32 v2, v1;
	[tilespmem:s14+$0x30] =	vst v8;
	s4 =	sadd.s32 $0x80, s4;
	s8 =	smov.u32 s10;
	s10 =	sadd.s32 $0x40, s10  }
0xdd: {  	[tilespmem:s14+$0xFFFFFFC0] =	vst v6;
	v6 =	vmul.f32 v0, v1;
	v1 =	vmul.f32 v4, v1  }
0xde: {  	[tilespmem:s14+$0x10] =	vst v7  }
0xdf: {  	v0 =	vld [tilespmem:s4+$0xFFFFFFF0];
	[tilespmem:s14+$0xFFFFFFE0] =	vst v5  }
0xe0: {  	v5 =	vld [tilespmem:s4+$0x30];
	[tilespmem:s14+$0xFFFFFFF0] =	vst v6  }
0xe1: {  	v7 =	vld [tilespmem:s4+$0x10];
	[tilespmem:s14+$0x0] =	vst v1  }
0xe2: {  	v6 =	vld [tilespmem:s4+$0xFFFFFFC0];
	[tilespmem:s14+$0x20] =	vst v2  }
0xe3: {  	s8 =	sshra.s32 s8, $0x2;
	v9 =	vld [tilespmem:s4+$0xFFFFFFE0];
	[tilespmem:s14+$0xFFFFFFD0] =	vst v3;
	s14 =	smov.u32 s4  }
0xe4: {  	v1 =	vld [tilespmem:s8+$0x9800]  }
0xe5: {  	v2 =	vld [tilespmem:s4+$0x20]  }
.Ltmp6:
0xe6: {  	v3 =	vld [tilespmem:s4+$0xFFFFFFD0];
	(pc) =	sbr.rel @p2 .LBB2_20-.Ltmp6, $3  }
0xe7: {  	v4 =	vld [tilespmem:s4+$0x0];
	_ =	sdelay $0x1  }
0xe8: {  	v6 =	vmul.f32 v6, v1;
	v8 =	vmul.f32 v5, v1  }
0xe9: {  	v5 =	vmul.f32 v9, v1;
	v7 =	vmul.f32 v7, v1  }
0xea: {  	[tilespmem:s14+$0x30] =	vst v8  }
0xeb: {  	[tilespmem:s14+$0xFFFFFFC0] =	vst v6  }
0xec: {  	v0 =	vmul.f32 v0, v1;
	[tilespmem:s14+$0x10] =	vst v7  }
0xed: {  	v2 =	vmul.f32 v2, v1;
	[tilespmem:s14+$0xFFFFFFE0] =	vst v5  }
0xee: {  	v4 =	vmul.f32 v4, v1;
	[tilespmem:s14+$0xFFFFFFF0] =	vst v0  }
0xef: {  	v0 =	vmul.f32 v3, v1;
	[tilespmem:s14+$0x20] =	vst v2  }
0xf0: {  	[tilespmem:s14+$0x0] =	vst v4  }
0xf1: {  	[tilespmem:s14+$0xFFFFFFD0] =	vst v0  }
0xf2: {  	[spmem:s2] =	stream.indirect.scatter.add.f32 [tilespmem:s29], [sflag:$0x3], $0x80, s18, s28, $0x2000b8;
	[tilespmem:$0x1E800] =	vst v63  }
0xf3: {  	_ =	swait.ge [sflag:s15], $0x4000  }
0xf4: {  	[sflag:s15] =	ssyncset.done $0x0  }
0xf5: {  	[sflag:s15] =	ssyncadd.s32 $0xFFFFC000  }
0xf6: {  	_ =	swait.ge [sflag:s15], $0x800  }
0xf7: {  	[sflag:s15] =	ssyncset.done $0x0  }
0xf8: {  	s14 =	simm.s32 $0x0;
	[sflag:s15] =	ssyncadd.s32 $0xFFFFF800  }
0xf9: {  	s10 =	simm.s32 $0xA000;
	v6 =	vld [tilespmem:s14+$0x5870]  }
0xfa: {  	v0 =	vld [tilespmem:s10+$0x0]  }
0xfb: {  	v5 =	vld [tilespmem:s14+$0x5820]  }
0xfc: {  	v4 =	vld [tilespmem:s14+$0x5850]  }
0xfd: {  	v2 =	vld [tilespmem:s14+$0x5860]  }
0xfe: {  	v3 =	vld [tilespmem:s14+$0x5840]  }
0xff: {  	s4 =	simm.s32 $0x200;
	v1 =	vld [tilespmem:s14+$0x5810];
	v6 =	vmul.f32 v6, v0  }
.LBB2_22:
0x100: {  	p2 =	sne.s32 s4, $0xFE00  }
0x101: {  	v5 =	vmul.f32 v5, v0;
	v7 =	vld [tilespmem:s14+$0x5830];
	s10 =	sadd.s32 $0x10, s10;
	s8 =	smov.u32 s4;
	s4 =	sadd.s32 $0x200, s4  }
0x102: {  	v8 =	vld [tilespmem:s14+$0x5800];
	v4 =	vmul.f32 v4, v0;
	[tilespmem:s14+$0x5870] =	vst v6  }
0x103: {  	[tilespmem:s14+$0x5820] =	vst v5;
	v2 =	vmul.f32 v2, v0  }
0x104: {  	v3 =	vmul.f32 v3, v0;
	[tilespmem:s14+$0x5850] =	vst v4  }
0x105: {  	v1 =	vmul.f32 v1, v0;
	[tilespmem:s14+$0x5860] =	vst v2  }
0x106: {  	v2 =	vmul.f32 v7, v0;
	[tilespmem:s14+$0x5840] =	vst v3  }
0x107: {  	v0 =	vmul.f32 v8, v0;
	[tilespmem:s14+$0x5810] =	vst v1  }
0x108: {  	s8 =	sshra.s32 s8, $0x2;
	[tilespmem:s14+$0x5830] =	vst v2  }
0x109: {  	v6 =	vld [tilespmem:s8+$0x5870];
	[tilespmem:s14+$0x5800] =	vst v0;
	s14 =	smov.u32 s8  }
0x10a: {  	v0 =	vld [tilespmem:s10+$0x0]  }
.Ltmp7:
0x10b: {  	v5 =	vld [tilespmem:s14+$0x5820];
	(pc) =	sbr.rel @p2 .LBB2_22-.Ltmp7, $4  }
0x10c: {  	v4 =	vld [tilespmem:s14+$0x5850]  }
0x10d: {  	v2 =	vld [tilespmem:s14+$0x5860]  }
0x10e: {  	v3 =	vld [tilespmem:s14+$0x5840]  }
0x10f: {  	v1 =	vld [tilespmem:s14+$0x5810];
	v6 =	vmul.f32 v6, v0  }
0x110: {  	v7 =	vld [tilespmem:s14+$0x5830];
	v5 =	vmul.f32 v5, v0  }
0x111: {  	v8 =	vld [tilespmem:s14+$0x5800];
	v4 =	vmul.f32 v4, v0;
	[tilespmem:s14+$0x5870] =	vst v6  }
0x112: {  	[tilespmem:s14+$0x5820] =	vst v5;
	v2 =	vmul.f32 v2, v0  }
0x113: {  	v3 =	vmul.f32 v3, v0;
	[tilespmem:s14+$0x5850] =	vst v4  }
0x114: {  	v1 =	vmul.f32 v1, v0;
	[tilespmem:s14+$0x5860] =	vst v2  }
0x115: {  	v62 =	vmul.f32 v7, v0;
	[tilespmem:s14+$0x5840] =	vst v3  }
0x116: {  	v63 =	vmul.f32 v8, v0;
	[tilespmem:s14+$0x5810] =	vst v1  }
0x117: {  	[tilespmem:s14+$0x5830] =	vst v62  }
0x118: {  	[tilespmem:s14+$0x5800] =	vst v63  }
0x119: {  	[spmem:s2] =	stream.indirect.scatter.add.f32 [tilespmem:s31], [sflag:$0x4], $0x80, s19, s28, $0x2000b8;
	[tilespmem:$0x1E800] =	vst v63  }
0x11a: {  	_ =	swait.ge [sflag:s16], $0x4000  }
.Ltmp8:
0x11b: {  	[sflag:s16] =	ssyncset.done $0x0;
	(pc) =	sbr.rel @p1 .LBB2_13-.Ltmp8, $4  }
.Ltmp9:
0x11c: {  	[sflag:s16] =	ssyncadd.s32 $0xFFFFC000;
	(pc) =	sbr.rel @!p1 .LBB2_24-.Ltmp9, $4  }
0x11d: {  	_ =	swait.ge [sflag:s17], $0x4000  }
0x11e: {  	[sflag:s17] =	ssyncset.done $0x0  }
0x11f: {  	s4 =	simm.s32 $0x100;
	p2 =	por $0x0, $0x0;
	[sflag:s17] =	ssyncadd.s32 $0xFFFFC000  }
0x120: {  	_ = 	snop  }
.LBB2_2:
0x121: {  	s4 =	sshll.u32 s22, $0x8  }
0x122: {  	s4 =	sadd.s32 s12, s4  }
0x123: {  	s23 =	simm.s32 $0x0;
	s10 =	sadd.s32 s7, s4  }
0x124: {  	[tilespmem:s23], [sflag:$0x5] =	stream.linear.gather [hbm4b:s10+s23], $0x800, $0x200038;
	[tilespmem:$0x1E800] =	vst v63  }
0x125: {  	_ =	swait.ge [sflag:s20], $0x800  }
0x126: {  	[sflag:s20] =	ssyncset.done $0x0  }
0x127: {  	s25 =	sadd.s32 s1, s4;
	[sflag:s20] =	ssyncadd.s32 $0xFFFFF800  }
0x128: {  	[tilespmem:s21], [sflag:$0x5] =	stream.linear.gather [hbm4b:s25+s23], $0x800, $0x200038;
	[tilespmem:$0x1E800] =	vst v63  }
0x129: {  	_ =	swait.ge [sflag:s20], $0x800  }
0x12a: {  	[sflag:s20] =	ssyncset.done $0x0  }
0x12b: {  	s4 =	sadd.s32 s9, s4;
	[sflag:s20] =	ssyncadd.s32 $0xFFFFF800  }
0x12c: {  	[tilespmem:s26], [sflag:$0x5] =	stream.linear.gather [hbm4b:s4+s23], $0x800, $0x200038;
	[tilespmem:$0x1E800] =	vst v63  }
0x12d: {  	_ =	swait.ge [sflag:s20], $0x800  }
0x12e: {  	[sflag:s20] =	ssyncset.done $0x0  }
0x12f: {  	[sflag:s20] =	ssyncadd.s32 $0xFFFFF800  }
0x130: {  	[tilespmem:s29], [sflag:$0x1] =	stream.indirect.gather [hbm4b:s5+s28], $0x80, s23, s28, $0x2000b8;
	[tilespmem:$0x1E800] =	vst v63  }
0x131: {  	_ = 	snop  }
0x132: {  	[tilespmem:s30], [sflag:$0x1] =	stream.indirect.gather [hbm4b:s6+s28], $0x10, s21, s28, $0x2000b8;
	[tilespmem:$0x1E800] =	vst v63  }
0x133: {  	_ = 	snop  }
0x134: {  	[tilespmem:s31], [sflag:$0x2] =	stream.indirect.gather [hbm4b:s5+s28], $0x80, s28, s28, $0x2000b8;
	[tilespmem:$0x1E800] =	vst v63  }
0x135: {  	_ = 	snop  }
0x136: {  	[tilespmem:s3], [sflag:$0x2] =	stream.indirect.gather [hbm4b:s6+s28], $0x10, s0, s28, $0x2000b8;
	[tilespmem:$0x1E800] =	vst v63  }
.LBB2_3:
0x137: {  	_ =	swait.ge [sflag:s11], $0x4000  }
0x138: {  	[sflag:s11] =	ssyncset.done $0x0  }
0x139: {  	[sflag:s11] =	ssyncadd.s32 $0xFFFFC000  }
0x13a: {  	_ =	swait.ge [sflag:s11], $0x800  }
0x13b: {  	[sflag:s11] =	ssyncset.done $0x0  }
0x13c: {  	s14 =	simm.s32 $0x1840;
	[sflag:s11] =	ssyncadd.s32 $0xFFFFF800  }
0x13d: {  	v4 =	vld [tilespmem:s14+$0x30]  }
0x13e: {  	v7 =	vld [tilespmem:s14+$0x10]  }
0x13f: {  	s4 =	simm.s32 $0x0;
	v5 =	vld [tilespmem:s14+$0xFFFFFFC0]  }
0x140: {  	v1 =	vld [tilespmem:s4+$0x9800]  }
0x141: {  	v9 =	vld [tilespmem:s14+$0xFFFFFFE0]  }
0x142: {  	v0 =	vld [tilespmem:s14+$0xFFFFFFF0]  }
0x143: {  	v2 =	vld [tilespmem:s14+$0x20]  }
0x144: {  	v3 =	vld [tilespmem:s14+$0xFFFFFFD0]  }
0x145: {  	v8 =	vmul.f32 v4, v1;
	v4 =	vld [tilespmem:s14+$0x0]  }
0x146: {  	v6 =	vmul.f32 v5, v1  }
0x147: {  	s10 =	simm.s32 $0x40;
	s4 =	simm.s32 $0x1840;
	v5 =	vmul.f32 v9, v1;
	v7 =	vmul.f32 v7, v1  }
.LBB2_4:
0x148: {  	p1 =	sne.s32 s10, $0x1FC0  }
0x149: {  	v3 =	vmul.f32 v3, v1;
	v2 =	vmul.f32 v2, v1;
	[tilespmem:s14+$0x30] =	vst v8;
	s4 =	sadd.s32 $0x80, s4;
	s24 =	smov.u32 s10;
	s10 =	sadd.s32 $0x40, s10  }
0x14a: {  	[tilespmem:s14+$0xFFFFFFC0] =	vst v6;
	v6 =	vmul.f32 v0, v1;
	v1 =	vmul.f32 v4, v1  }
0x14b: {  	[tilespmem:s14+$0x10] =	vst v7  }
0x14c: {  	v0 =	vld [tilespmem:s4+$0xFFFFFFF0];
	[tilespmem:s14+$0xFFFFFFE0] =	vst v5  }
0x14d: {  	v5 =	vld [tilespmem:s4+$0x30];
	[tilespmem:s14+$0xFFFFFFF0] =	vst v6  }
0x14e: {  	v7 =	vld [tilespmem:s4+$0x10];
	[tilespmem:s14+$0x0] =	vst v1  }
0x14f: {  	v6 =	vld [tilespmem:s4+$0xFFFFFFC0];
	[tilespmem:s14+$0x20] =	vst v2  }
0x150: {  	s24 =	sshra.s32 s24, $0x2;
	v9 =	vld [tilespmem:s4+$0xFFFFFFE0];
	[tilespmem:s14+$0xFFFFFFD0] =	vst v3;
	s14 =	smov.u32 s4  }
0x151: {  	v1 =	vld [tilespmem:s24+$0x9800]  }
0x152: {  	v2 =	vld [tilespmem:s4+$0x20]  }
.Ltmp10:
0x153: {  	v3 =	vld [tilespmem:s4+$0xFFFFFFD0];
	(pc) =	sbr.rel @p1 .LBB2_4-.Ltmp10, $3  }
0x154: {  	v4 =	vld [tilespmem:s4+$0x0];
	_ =	sdelay $0x1  }
0x155: {  	v6 =	vmul.f32 v6, v1;
	v8 =	vmul.f32 v5, v1  }
0x156: {  	v5 =	vmul.f32 v9, v1;
	v7 =	vmul.f32 v7, v1  }
0x157: {  	[tilespmem:s14+$0x30] =	vst v8  }
0x158: {  	[tilespmem:s14+$0xFFFFFFC0] =	vst v6  }
0x159: {  	v0 =	vmul.f32 v0, v1;
	[tilespmem:s14+$0x10] =	vst v7  }
0x15a: {  	v2 =	vmul.f32 v2, v1;
	[tilespmem:s14+$0xFFFFFFE0] =	vst v5  }
0x15b: {  	v4 =	vmul.f32 v4, v1;
	[tilespmem:s14+$0xFFFFFFF0] =	vst v0  }
0x15c: {  	s24 =	sshll.u32 s23, $0x8;
	v0 =	vmul.f32 v3, v1;
	[tilespmem:s14+$0x20] =	vst v2  }
0x15d: {  	s25 =	sand.u32 $0x3FFFFF00, s24;
	[tilespmem:s14+$0x0] =	vst v4  }
0x15e: {  	s4 =	sadd.s32 $0x1000, s25;
	[tilespmem:s14+$0xFFFFFFD0] =	vst v0  }
0x15f: {  	[spmem:s2] =	stream.indirect.scatter.add.f32 [tilespmem:s29], [sflag:$0x3], $0x80, s4, s28, $0x2000b8;
	[tilespmem:$0x1E800] =	vst v63  }
0x160: {  	_ =	swait.ge [sflag:s15], $0x4000  }
0x161: {  	[sflag:s15] =	ssyncset.done $0x0  }
0x162: {  	[sflag:s15] =	ssyncadd.s32 $0xFFFFC000  }
0x163: {  	_ =	swait.ge [sflag:s15], $0x800  }
0x164: {  	[sflag:s15] =	ssyncset.done $0x0  }
0x165: {  	s14 =	simm.s32 $0x0;
	[sflag:s15] =	ssyncadd.s32 $0xFFFFF800  }
0x166: {  	s10 =	simm.s32 $0xA000;
	v6 =	vld [tilespmem:s14+$0x5870]  }
0x167: {  	v0 =	vld [tilespmem:s10+$0x0]  }
0x168: {  	v5 =	vld [tilespmem:s14+$0x5820]  }
0x169: {  	v4 =	vld [tilespmem:s14+$0x5850]  }
0x16a: {  	v2 =	vld [tilespmem:s14+$0x5860]  }
0x16b: {  	v3 =	vld [tilespmem:s14+$0x5840]  }
0x16c: {  	s4 =	simm.s32 $0x200;
	v1 =	vld [tilespmem:s14+$0x5810];
	v6 =	vmul.f32 v6, v0  }
.LBB2_6:
0x16d: {  	p1 =	sne.s32 s4, $0xFE00  }
0x16e: {  	v5 =	vmul.f32 v5, v0;
	v7 =	vld [tilespmem:s14+$0x5830];
	s10 =	sadd.s32 $0x10, s10;
	s8 =	smov.u32 s4;
	s4 =	sadd.s32 $0x200, s4  }
0x16f: {  	v8 =	vld [tilespmem:s14+$0x5800];
	v4 =	vmul.f32 v4, v0;
	[tilespmem:s14+$0x5870] =	vst v6  }
0x170: {  	[tilespmem:s14+$0x5820] =	vst v5;
	v2 =	vmul.f32 v2, v0  }
0x171: {  	v3 =	vmul.f32 v3, v0;
	[tilespmem:s14+$0x5850] =	vst v4  }
0x172: {  	v1 =	vmul.f32 v1, v0;
	[tilespmem:s14+$0x5860] =	vst v2  }
0x173: {  	v2 =	vmul.f32 v7, v0;
	[tilespmem:s14+$0x5840] =	vst v3  }
0x174: {  	v0 =	vmul.f32 v8, v0;
	[tilespmem:s14+$0x5810] =	vst v1  }
0x175: {  	s8 =	sshra.s32 s8, $0x2;
	[tilespmem:s14+$0x5830] =	vst v2  }
0x176: {  	v6 =	vld [tilespmem:s8+$0x5870];
	[tilespmem:s14+$0x5800] =	vst v0;
	s14 =	smov.u32 s8  }
0x177: {  	v0 =	vld [tilespmem:s10+$0x0]  }
.Ltmp11:
0x178: {  	v5 =	vld [tilespmem:s14+$0x5820];
	(pc) =	sbr.rel @p1 .LBB2_6-.Ltmp11, $4  }
0x179: {  	v4 =	vld [tilespmem:s14+$0x5850]  }
0x17a: {  	v2 =	vld [tilespmem:s14+$0x5860]  }
0x17b: {  	v3 =	vld [tilespmem:s14+$0x5840]  }
0x17c: {  	v1 =	vld [tilespmem:s14+$0x5810];
	v6 =	vmul.f32 v6, v0  }
0x17d: {  	v7 =	vld [tilespmem:s14+$0x5830];
	v5 =	vmul.f32 v5, v0  }
0x17e: {  	v8 =	vld [tilespmem:s14+$0x5800];
	v4 =	vmul.f32 v4, v0;
	[tilespmem:s14+$0x5870] =	vst v6  }
0x17f: {  	[tilespmem:s14+$0x5820] =	vst v5;
	v2 =	vmul.f32 v2, v0  }
0x180: {  	v3 =	vmul.f32 v3, v0;
	[tilespmem:s14+$0x5850] =	vst v4  }
0x181: {  	v1 =	vmul.f32 v1, v0;
	[tilespmem:s14+$0x5860] =	vst v2  }
0x182: {  	v62 =	vmul.f32 v7, v0;
	[tilespmem:s14+$0x5840] =	vst v3  }
0x183: {  	v63 =	vmul.f32 v8, v0;
	[tilespmem:s14+$0x5810] =	vst v1  }
0x184: {  	[tilespmem:s14+$0x5830] =	vst v62  }
0x185: {  	s4 =	sadd.s32 $0x1080, s25;
	[tilespmem:s14+$0x5800] =	vst v63  }
0x186: {  	[spmem:s2] =	stream.indirect.scatter.add.f32 [tilespmem:s31], [sflag:$0x4], $0x80, s4, s28, $0x2000b8;
	[tilespmem:$0x1E800] =	vst v63  }
0x187: {  	_ =	swait.ge [sflag:s16], $0x4000  }
0x188: {  	[sflag:s16] =	ssyncset.done $0x0  }
0x189: {  	s8 =	sadd.s32 $0x100, s24;
	[sflag:s16] =	ssyncadd.s32 $0xFFFFC000  }
0x18a: {  	[tilespmem:s29], [sflag:$0x1] =	stream.indirect.gather [hbm4b:s5+s28], $0x80, s8, s28, $0x2000b8;
	[tilespmem:$0x1E800] =	vst v63  }
0x18b: {  	s10 =	sadd.s32 $0x900, s24;
	s23 =	sadd.s32 $0x1, s23  }
0x18c: {  	[tilespmem:s30], [sflag:$0x1] =	stream.indirect.gather [hbm4b:s6+s28], $0x10, s10, s28, $0x2000b8;
	[tilespmem:$0x1E800] =	vst v63  }
0x18d: {  	p1 =	sne.s32 s23, $0x7;
	_ =	swait.ge [sflag:s17], $0x4000  }
.Ltmp12:
0x18e: {  	[sflag:s17] =	ssyncset.done $0x0;
	(pc) =	sbr.rel @p1 .LBB2_3-.Ltmp12, $4  }
0x18f: {  	s14 =	sadd.s32 $0x180, s24;
	[sflag:s17] =	ssyncadd.s32 $0xFFFFC000  }
0x190: {  	[tilespmem:s31], [sflag:$0x2] =	stream.indirect.gather [hbm4b:s5+s28], $0x80, s14, s28, $0x2000b8;
	[tilespmem:$0x1E800] =	vst v63  }
0x191: {  	s25 =	sadd.s32 $0x980, s24  }
0x192: {  	[tilespmem:s3], [sflag:$0x2] =	stream.indirect.gather [hbm4b:s6+s28], $0x10, s25, s28, $0x2000b8;
	[tilespmem:$0x1E800] =	vst v63  }
0x193: {  	_ =	swait.ge [sflag:s11], $0x4000  }
0x194: {  	[sflag:s11] =	ssyncset.done $0x0  }
0x195: {  	[sflag:s11] =	ssyncadd.s32 $0xFFFFC000  }
0x196: {  	_ =	swait.ge [sflag:s11], $0x800  }
0x197: {  	[sflag:s11] =	ssyncset.done $0x0  }
0x198: {  	s14 =	simm.s32 $0x1840;
	[sflag:s11] =	ssyncadd.s32 $0xFFFFF800  }
0x199: {  	v4 =	vld [tilespmem:s14+$0x30]  }
0x19a: {  	v7 =	vld [tilespmem:s14+$0x10]  }
0x19b: {  	s4 =	simm.s32 $0x0;
	v5 =	vld [tilespmem:s14+$0xFFFFFFC0]  }
0x19c: {  	v1 =	vld [tilespmem:s4+$0x9800]  }
0x19d: {  	v9 =	vld [tilespmem:s14+$0xFFFFFFE0]  }
0x19e: {  	v0 =	vld [tilespmem:s14+$0xFFFFFFF0]  }
0x19f: {  	v2 =	vld [tilespmem:s14+$0x20]  }
0x1a0: {  	v3 =	vld [tilespmem:s14+$0xFFFFFFD0]  }
0x1a1: {  	v8 =	vmul.f32 v4, v1;
	v4 =	vld [tilespmem:s14+$0x0]  }
0x1a2: {  	v6 =	vmul.f32 v5, v1  }
0x1a3: {  	s10 =	simm.s32 $0x40;
	s4 =	simm.s32 $0x1840;
	v5 =	vmul.f32 v9, v1;
	v7 =	vmul.f32 v7, v1  }
.LBB2_9:
0x1a4: {  	p1 =	sne.s32 s10, $0x1FC0  }
0x1a5: {  	v3 =	vmul.f32 v3, v1;
	v2 =	vmul.f32 v2, v1;
	[tilespmem:s14+$0x30] =	vst v8;
	s4 =	sadd.s32 $0x80, s4;
	s8 =	smov.u32 s10;
	s10 =	sadd.s32 $0x40, s10  }
0x1a6: {  	[tilespmem:s14+$0xFFFFFFC0] =	vst v6;
	v6 =	vmul.f32 v0, v1;
	v1 =	vmul.f32 v4, v1  }
0x1a7: {  	[tilespmem:s14+$0x10] =	vst v7  }
0x1a8: {  	v0 =	vld [tilespmem:s4+$0xFFFFFFF0];
	[tilespmem:s14+$0xFFFFFFE0] =	vst v5  }
0x1a9: {  	v5 =	vld [tilespmem:s4+$0x30];
	[tilespmem:s14+$0xFFFFFFF0] =	vst v6  }
0x1aa: {  	v7 =	vld [tilespmem:s4+$0x10];
	[tilespmem:s14+$0x0] =	vst v1  }
0x1ab: {  	v6 =	vld [tilespmem:s4+$0xFFFFFFC0];
	[tilespmem:s14+$0x20] =	vst v2  }
0x1ac: {  	s8 =	sshra.s32 s8, $0x2;
	v9 =	vld [tilespmem:s4+$0xFFFFFFE0];
	[tilespmem:s14+$0xFFFFFFD0] =	vst v3;
	s14 =	smov.u32 s4  }
0x1ad: {  	v1 =	vld [tilespmem:s8+$0x9800]  }
0x1ae: {  	v2 =	vld [tilespmem:s4+$0x20]  }
.Ltmp13:
0x1af: {  	v3 =	vld [tilespmem:s4+$0xFFFFFFD0];
	(pc) =	sbr.rel @p1 .LBB2_9-.Ltmp13, $3  }
0x1b0: {  	v4 =	vld [tilespmem:s4+$0x0];
	_ =	sdelay $0x1  }
0x1b1: {  	v6 =	vmul.f32 v6, v1;
	v8 =	vmul.f32 v5, v1  }
0x1b2: {  	v5 =	vmul.f32 v9, v1;
	v7 =	vmul.f32 v7, v1  }
0x1b3: {  	[tilespmem:s14+$0x30] =	vst v8  }
0x1b4: {  	[tilespmem:s14+$0xFFFFFFC0] =	vst v6  }
0x1b5: {  	v0 =	vmul.f32 v0, v1;
	[tilespmem:s14+$0x10] =	vst v7  }
0x1b6: {  	v2 =	vmul.f32 v2, v1;
	[tilespmem:s14+$0xFFFFFFE0] =	vst v5  }
0x1b7: {  	v4 =	vmul.f32 v4, v1;
	[tilespmem:s14+$0xFFFFFFF0] =	vst v0  }
0x1b8: {  	v0 =	vmul.f32 v3, v1;
	[tilespmem:s14+$0x20] =	vst v2  }
0x1b9: {  	[tilespmem:s14+$0x0] =	vst v4  }
0x1ba: {  	[tilespmem:s14+$0xFFFFFFD0] =	vst v0  }
0x1bb: {  	[spmem:s2] =	stream.indirect.scatter.add.f32 [tilespmem:s29], [sflag:$0x3], $0x80, s18, s28, $0x2000b8;
	[tilespmem:$0x1E800] =	vst v63  }
0x1bc: {  	_ =	swait.ge [sflag:s15], $0x4000  }
0x1bd: {  	[sflag:s15] =	ssyncset.done $0x0  }
0x1be: {  	[sflag:s15] =	ssyncadd.s32 $0xFFFFC000  }
0x1bf: {  	_ =	swait.ge [sflag:s15], $0x800  }
0x1c0: {  	[sflag:s15] =	ssyncset.done $0x0  }
0x1c1: {  	s14 =	simm.s32 $0x0;
	[sflag:s15] =	ssyncadd.s32 $0xFFFFF800  }
0x1c2: {  	s10 =	simm.s32 $0xA000;
	v6 =	vld [tilespmem:s14+$0x5870]  }
0x1c3: {  	v0 =	vld [tilespmem:s10+$0x0]  }
0x1c4: {  	v5 =	vld [tilespmem:s14+$0x5820]  }
0x1c5: {  	v4 =	vld [tilespmem:s14+$0x5850]  }
0x1c6: {  	v2 =	vld [tilespmem:s14+$0x5860]  }
0x1c7: {  	v3 =	vld [tilespmem:s14+$0x5840]  }
0x1c8: {  	s4 =	simm.s32 $0x200;
	v1 =	vld [tilespmem:s14+$0x5810];
	v6 =	vmul.f32 v6, v0  }
.LBB2_11:
0x1c9: {  	p1 =	sne.s32 s4, $0xFE00  }
0x1ca: {  	v5 =	vmul.f32 v5, v0;
	v7 =	vld [tilespmem:s14+$0x5830];
	s10 =	sadd.s32 $0x10, s10;
	s8 =	smov.u32 s4;
	s4 =	sadd.s32 $0x200, s4  }
0x1cb: {  	v8 =	vld [tilespmem:s14+$0x5800];
	v4 =	vmul.f32 v4, v0;
	[tilespmem:s14+$0x5870] =	vst v6  }
0x1cc: {  	[tilespmem:s14+$0x5820] =	vst v5;
	v2 =	vmul.f32 v2, v0  }
0x1cd: {  	v3 =	vmul.f32 v3, v0;
	[tilespmem:s14+$0x5850] =	vst v4  }
0x1ce: {  	v1 =	vmul.f32 v1, v0;
	[tilespmem:s14+$0x5860] =	vst v2  }
0x1cf: {  	v2 =	vmul.f32 v7, v0;
	[tilespmem:s14+$0x5840] =	vst v3  }
0x1d0: {  	v0 =	vmul.f32 v8, v0;
	[tilespmem:s14+$0x5810] =	vst v1  }
0x1d1: {  	s8 =	sshra.s32 s8, $0x2;
	[tilespmem:s14+$0x5830] =	vst v2  }
0x1d2: {  	v6 =	vld [tilespmem:s8+$0x5870];
	[tilespmem:s14+$0x5800] =	vst v0;
	s14 =	smov.u32 s8  }
0x1d3: {  	v0 =	vld [tilespmem:s10+$0x0]  }
.Ltmp14:
0x1d4: {  	v5 =	vld [tilespmem:s14+$0x5820];
	(pc) =	sbr.rel @p1 .LBB2_11-.Ltmp14, $4  }
0x1d5: {  	v4 =	vld [tilespmem:s14+$0x5850]  }
0x1d6: {  	v2 =	vld [tilespmem:s14+$0x5860]  }
0x1d7: {  	v3 =	vld [tilespmem:s14+$0x5840]  }
0x1d8: {  	v1 =	vld [tilespmem:s14+$0x5810];
	v6 =	vmul.f32 v6, v0  }
0x1d9: {  	v7 =	vld [tilespmem:s14+$0x5830];
	v5 =	vmul.f32 v5, v0  }
0x1da: {  	v8 =	vld [tilespmem:s14+$0x5800];
	v4 =	vmul.f32 v4, v0;
	[tilespmem:s14+$0x5870] =	vst v6  }
0x1db: {  	[tilespmem:s14+$0x5820] =	vst v5;
	v2 =	vmul.f32 v2, v0  }
0x1dc: {  	v3 =	vmul.f32 v3, v0;
	[tilespmem:s14+$0x5850] =	vst v4  }
0x1dd: {  	v1 =	vmul.f32 v1, v0;
	[tilespmem:s14+$0x5860] =	vst v2  }
0x1de: {  	v62 =	vmul.f32 v7, v0;
	[tilespmem:s14+$0x5840] =	vst v3  }
0x1df: {  	v63 =	vmul.f32 v8, v0;
	[tilespmem:s14+$0x5810] =	vst v1  }
0x1e0: {  	[tilespmem:s14+$0x5830] =	vst v62  }
0x1e1: {  	s22 =	sadd.s32 $0x1, s22;
	[tilespmem:s14+$0x5800] =	vst v63  }
0x1e2: {  	[spmem:s2] =	stream.indirect.scatter.add.f32 [tilespmem:s31], [sflag:$0x4], $0x80, s19, s28, $0x2000b8;
	[tilespmem:$0x1E800] =	vst v63  }
0x1e3: {  	p1 =	seq.s32 s22, $0x8;
	_ =	swait.ge [sflag:s16], $0x4000  }
.Ltmp15:
0x1e4: {  	[sflag:s16] =	ssyncset.done $0x0;
	(pc) =	sbr.rel @!p1 .LBB2_2-.Ltmp15, $4  }
.Ltmp16:
0x1e5: {  	[sflag:s16] =	ssyncadd.s32 $0xFFFFC000;
	(pc) =	sbr.rel @p1 .LBB2_24-.Ltmp16, $4  }
0x1e6: {  	_ =	swait.ge [sflag:s17], $0x4000  }
0x1e7: {  	[sflag:s17] =	ssyncset.done $0x0  }
0x1e8: {  	[sflag:s17] =	ssyncadd.s32 $0xFFFFC000  }
0x1e9: {  	_ = 	snop  }
.LBB2_25:
0x1ea: {  	_ =	sfence.sel $0x180000  }
0x1eb: {  	[bflag:$0x0] =	sbarrier.arrive $0xFFFF  }
0x1ec: {  	_ =	strace $0x9000004A  }
0x1ed: {  	s0 =	stileid.u32;
	[bflag:$0x2] =	sbarrier.arrive $0xFFFF  }
0x1ee: {  	p0 =	sne.s32 s0, $0x0;
	s0 =	rddreg [dreg:$0x3]  }
0x1ef: {  	s0 =	sadd.s32 @!p0 $0x100000, s0  }
0x1f0: {  	[sflag:s0] =	ssyncadd.tile.s32 @!p0 $0x1;
	_ =	shalt  }
.Lfunc_end2:
_tile_overlayer_lowered:
.L_overlay_start_2:
0x1f1: {  	(tag) =	ssettag $0x2  }
0x1f2: {  	s0 =	rddreg [dreg:$0x0];
	s2 =	stileid.u32  }
0x1f3: {  	s1 =	rddreg [dreg:$0x1];
	p0 =	sne.s32 s2, $0x0  }
0x1f4: {  	s3 =	rddreg [dreg:$0x2];
	[bflag:$0x3] =	sbarrier.arrive $0xFFFF;
	s2 =	simm.s32 @!p0 $0x1C05  }
0x1f5: {  	[timem:s3], [sflag:s2] =	dma.local @!p0 [hbm:s0], s1  }
0x1f6: {  	s0 =	simm.s32 @!p0 $0x5  }
0x1f7: {  	_ =	swait.ge @!p0 [sflag:s0], s1  }
0x1f8: {  	s1 =	ssub.s32 @!p0 $0x0, s1;
	[sflag:s0] =	ssyncset.done @!p0 $0x0  }
0x1f9: {  	[sflag:s0] =	ssyncadd.s32 @!p0 s1  }
0x1fa: {  	[bflag:$0x3] =	sbarrier.arrive $0xFFFF  }
0x1fb: {  	_ =	shalt  }

// kernel: kernel.16.cloned.1.call-start
scs
__scs_entry_jumppad:
0x0: {  	(pc) =	sbr.rel $0x88, $3  }
0x1: {  	(tag) =	ssettag $0x0;
	lr =	simm.s32 $0x1  }
0x2: {  	[smem:$0x3F98] =	sst lr;
	_ =	strace $0xD0000000  }
0x3: {  	_ = 	snop  }
0x4: {  	_ = 	snop  }
0x5: {  	_ = 	snop  }
0x6: {  	_ = 	snop  }
0x7: {  	_ = 	snop  }
__scs_overlays_trampoline_lowered:
0x8: {  	[smem:$0x3FA7] =	sst s0  }
0x9: {  	[smem:$0x3FA8] =	sst s1  }
0xa: {  	[smem:$0x3FA9] =	sst s2  }
0xb: {  	[smem:$0x3FAA] =	sst s3  }
0xc: {  	[smem:$0x3FAB] =	sst s4  }
0xd: {  	[smem:$0x3FAC] =	sst s5  }
0xe: {  	[smem:$0x3FAD] =	sst s6  }
0xf: {  	[smem:$0x3FAE] =	sst s7  }
0x10: {  	[smem:$0x3FAF] =	sst s8  }
0x11: {  	[smem:$0x3FB0] =	sst s9;
	s0 =	simm.s32 @!p0 $0x0  }
0x12: {  	s1 =	sld [smem:$0x3F96];
	s0 =	simm.s32 @p0 $0x1  }
0x13: {  	[smem:$0x3FB1] =	sst s0;
	s0 =	simm.s32 @!p1 $0x0  }
0x14: {  	s2 =	sld [smem:$0x3F95];
	s0 =	simm.s32 @p1 $0x1  }
0x15: {  	[smem:$0x3FB2] =	sst s0;
	s0 =	simm.s32 @!p2 $0x0  }
0x16: {  	s3 =	sld [smem:$0x3FDB];
	s0 =	simm.s32 @p2 $0x1  }
0x17: {  	s4 =	simm.s32 $0x1BF5;
	[smem:$0x3FB4] =	sst s0  }
0x18: {  	s0 =	sld [smem:$0x3F97];
	_ =	swait.ge [sflag:s4], $0x0  }
0x19: {  	s7 =	sld [smem:$0x3F98]  }
0x1a: {  	s8 =	sadd.s32 $0xFFFFE003, lr  }
0x1b: {  	s9 =	sadd.s32 $0xFFFFFEF7, lr;
	s5 =	simm.s32 $0xFFFFFFFF;
	p2 =	slt.u32 s8, $0xFFFFF086  }
0x1c: {  	p1 =	slt.u32 s9, $0xF7A;
	s5 =	simm.s32 @!p2 $0x0  }
0x1d: {  	s5 =	simm.s32 @p1 $0x1;
	p0 =	seq.s32 s7, s2  }
0x1e: {  	s7 =	smul.u32 @!p0 $0xF7A, s2;
	p2 =	seq.s32 @!p0 s5, $0x0  }
0x1f: {  	s9 =	smul.u32 $0xF7A, s1;
	s8 =	simm.s32 @!p0 $0x1BF5;
	p2 =	por !p2, p0  }
0x20: {  	[sflag:s8] =	ssyncset.s32 @!p0 $0xFFFFF086;
	s6 =	sadd.s32 @!p0 s3, s7;
	s7 =	simm.s32 @!p0 $0x108  }
0x21: {  	s3 =	sadd.s32 s3, s9;
	s6 =	sadd.s32 @!p0 $0x88, s6;
	s7 =	simm.s32 @p2 $0x1082  }
0x22: {  	[simem:s7], [sflag:s8] =	dma.local @!p0 [hbm:s6], $0xF7A  }
0x23: {  	s9 =	sor.u32 $0xD0000000, s2;
	s6 =	simm.s32 $0x108;
	_ =	swait.ge @!p0 [sflag:s8], $0x0  }
0x24: {  	s3 =	sadd.s32 $0x88, s3;
	s6 =	simm.s32 @!p1 $0x1082;
	[sflag:s4] =	ssyncset.s32 $0xFFFFF086  }
0x25: {  	[simem:s6], [sflag:s4] =	dma.local [hbm:s3], $0xF7A  }
0x26: {  	[smem:$0x3F98] =	sst s1;
	(tag) =	ssettag s2;
	_ =	strace s9  }
0x27: {  	s1 =	sld [smem:$0x3FA8]  }
0x28: {  	s2 =	sld [smem:$0x3FA9]  }
0x29: {  	s4 =	sld [smem:$0x3FAB]  }
0x2a: {  	p0 =	seq.s32 s5, $0x0;
	s5 =	sld [smem:$0x3FAC]  }
0x2b: {  	s6 =	sld [smem:$0x3FAD]  }
0x2c: {  	s7 =	sld [smem:$0x3FAE]  }
0x2d: {  	s3 =	simm.s32 $0x108;
	s8 =	sld [smem:$0x3FAF]  }
0x2e: {  	s3 =	simm.s32 @!p0 $0x1082;
	s9 =	sld [smem:$0x3FB0]  }
0x2f: {  	lr =	sadd.s32 s0, s3;
	s0 =	sld [smem:$0x3FA7]  }
0x30: {  	s3 =	sld [smem:$0x3FAA]  }
0x31: {  	[smem:$0x3FB3] =	sst s10  }
0x32: {  	s10 =	sld [smem:$0x3FB1];
	_ =	sdelay $0x3  }
0x33: {  	p0 =	seq.s32 s10, $0x1;
	s10 =	sld [smem:$0x3FB3];
	_ =	sdelay $0x3  }
0x34: {  	[smem:$0x3FB3] =	sst s10  }
0x35: {  	s10 =	sld [smem:$0x3FB2];
	_ =	sdelay $0x3  }
0x36: {  	p1 =	seq.s32 s10, $0x1;
	s10 =	sld [smem:$0x3FB3];
	_ =	sdelay $0x3  }
0x37: {  	[smem:$0x3FB3] =	sst s10  }
0x38: {  	s10 =	sld [smem:$0x3FB4]  }
0x39: {  	_ = 	snop;
	(pc) =	sbr.ind lr, $3  }
0x3a: {  	_ = 	snop  }
0x3b: {  	_ = 	snop  }
0x3c: {  	p2 =	seq.s32 s10, $0x1;
	s10 =	sld [smem:$0x3FB3]  }
0x3d: {  	_ =	shalt  }
0x3e: {  	_ =	shalt  }
0x3f: {  	_ =	shalt  }
0x40: {  	_ =	shalt  }
0x41: {  	_ =	shalt  }
0x42: {  	_ =	shalt  }
0x43: {  	_ =	shalt  }
0x44: {  	_ =	shalt  }
0x45: {  	_ =	shalt  }
0x46: {  	_ =	shalt  }
0x47: {  	_ =	shalt  }
0x48: {  	_ =	shalt  }
0x49: {  	_ =	shalt  }
0x4a: {  	_ =	shalt  }
0x4b: {  	_ =	shalt  }
0x4c: {  	_ =	shalt  }
0x4d: {  	_ =	shalt  }
0x4e: {  	_ =	shalt  }
0x4f: {  	_ =	shalt  }
0x50: {  	_ =	shalt  }
0x51: {  	_ =	shalt  }
0x52: {  	_ =	shalt  }
0x53: {  	_ =	shalt  }
0x54: {  	_ =	shalt  }
0x55: {  	_ =	shalt  }
0x56: {  	_ =	shalt  }
0x57: {  	_ =	shalt  }
0x58: {  	_ =	shalt  }
0x59: {  	_ =	shalt  }
0x5a: {  	_ =	shalt  }
0x5b: {  	_ =	shalt  }
0x5c: {  	_ =	shalt  }
0x5d: {  	_ =	shalt  }
0x5e: {  	_ =	shalt  }
0x5f: {  	_ =	shalt  }
0x60: {  	_ =	shalt  }
0x61: {  	_ =	shalt  }
0x62: {  	_ =	shalt  }
0x63: {  	_ =	shalt  }
0x64: {  	_ =	shalt  }
0x65: {  	_ =	shalt  }
0x66: {  	_ =	shalt  }
0x67: {  	_ =	shalt  }
0x68: {  	_ =	shalt  }
0x69: {  	_ =	shalt  }
0x6a: {  	_ =	shalt  }
0x6b: {  	_ =	shalt  }
0x6c: {  	_ =	shalt  }
0x6d: {  	_ =	shalt  }
0x6e: {  	_ =	shalt  }
0x6f: {  	_ =	shalt  }
0x70: {  	_ =	shalt  }
0x71: {  	_ =	shalt  }
0x72: {  	_ =	shalt  }
0x73: {  	_ =	shalt  }
0x74: {  	_ =	shalt  }
0x75: {  	_ =	shalt  }
0x76: {  	_ =	shalt  }
0x77: {  	_ =	shalt  }
0x78: {  	_ =	shalt  }
0x79: {  	_ =	shalt  }
0x7a: {  	_ =	shalt  }
0x7b: {  	_ =	shalt  }
0x7c: {  	_ =	shalt  }
0x7d: {  	_ =	shalt  }
0x7e: {  	_ =	shalt  }
0x7f: {  	_ =	shalt  }
0x80: {  	_ =	shalt  }
0x81: {  	_ =	shalt  }
0x82: {  	_ =	shalt  }
0x83: {  	_ =	shalt  }
0x84: {  	_ =	shalt  }
0x85: {  	_ =	shalt  }
0x86: {  	_ =	shalt  }
0x87: {  	_ =	shalt  }
.Lfunc_end0:
.L_simem_size_0:
called_computation.2_lowered:
.L_overlay_start_0:
0x88: {  	s2 =	sld [smem:$0x3FD9]  }
0x89: {  	s3 =	sld [smem:$0x3FFE];
	_ =	sdelay $0x1  }
0x8a: {  	s1 =	srdreg.scid  }
0x8b: {  	s0 =	sand.u32 $0x1, s1  }
0x8c: {  	s17 =	sshll.u32 s0, $0xA;
	s2 =	sadd.s32 s3, s2  }
0x8d: {  	s2 =	sadd.s32 s2, s17  }
0x8e: {  	[smem:$0x3FBF] =	sst s2  }
0x8f: {  	_ = 	snop  }
0x90: {  	s2 =	sld [smem:$0x3FD0];
	(tm) =	ssettm $0x1  }
0x91: {  	s18 =	sld [smem:$0x3FFB];
	_ =	sdelay $0x3  }
0x92: {  	_ =	strace s18  }
0x93: {  	s3 =	sld [smem:$0x3FFC];
	_ =	sdelay $0x3  }
0x94: {  	_ =	strace s3  }
0x95: {  	s3 =	sld [smem:$0x3FFD];
	_ =	sdelay $0x3  }
0x96: {  	_ =	strace s3  }
0x97: {  	_ =	strace $0x8FFFFFFF  }
0x98: {  	s19 =	sld [smem:$0x3FDB];
	_ =	sdelay $0x1  }
0x99: {  	s4 =	simm.s32 $_scs_section_size  }
0x9a: {  	s5 =	simm.s32 $_size__tile_overlayer_lowered;
	s6 =	simm.s32 $_tile_overlayer_lowered  }
0x9b: {  	s22 =	simm.s32 $0x1BFF;
	s21 =	sshll.u32 s6, $0x1;
	s3 =	sadd.s32 s4, s19  }
0x9c: {  	s7 =	simm.s32 $0x0;
	s20 =	sshll.u32 s5, $0x1;
	s5 =	sadd.s32 s21, s3  }
0x9d: {  	[timem:s7], [sflag:s22] =	dma.local [hbm:s5], s20  }
0x9e: {  	_ =	swait.ge [sflag:s22], s20  }
0x9f: {  	s4 =	ssub.s32 $0x0, s20;
	[sflag:s22] =	ssyncset.done $0x0  }
0xa0: {  	[sflag:s22] =	ssyncadd.s32 s4;
	_ =	sdelay $0x1  }
0xa1: {  	s23 =	simm.s32 $0x1B8B  }
0xa2: {  	_ =	swait.ge [sflag:s23], $0x1  }
0xa3: {  	[sflag:s23] =	ssyncset.done $0x0  }
0xa4: {  	s25 =	simm.s32 $0x1B8E;
	s24 =	sld [smem:$0x3FFE];
	[sflag:s23] =	ssyncadd.s32 $0xFFFFFFFF  }
0xa5: {  	s26 =	simm.s32 $execute0_lowered;
	[smem:$0x3FD2] =	sst s25  }
0xa6: {  	s5 =	sshll.u32 s26, $0x1;
	_ =	strace $0x8000004F;
	[dreg:$0x1] =	wrdreg $0xFFFFFFFF  }
0xa7: {  	s28 =	simm.s32 $_size_execute0_lowered;
	s3 =	sadd.s32 s3, s5;
	[dreg:$0x0] =	wrdreg $0x0  }
0xa8: {  	s5 =	sshll.u32 s28, $0x1;
	[dreg:$0x2] =	wrdreg s3  }
0xa9: {  	[dreg:$0x3] =	wrdreg s5  }
0xaa: {  	[dreg:$0x4] =	wrdreg $0xC0  }
0xab: {  	_ =	task [dreg:s7], $0x5FFFF  }
0xac: {  	[dreg:$0x1] =	wrdreg $0xFFFFFFFF  }
0xad: {  	[dreg:$0x0] =	wrdreg $0x60  }
0xae: {  	[dreg:$0x2] =	wrdreg s24  }
0xaf: {  	[dreg:$0x3] =	wrdreg s2  }
0xb0: {  	[dreg:$0x4] =	wrdreg $0xA8000  }
0xb1: {  	[dreg:$0x5] =	wrdreg $0x9  }
0xb2: {  	_ =	task.clear_ibuf [dreg:s7], $0x6FFFF;
	_ =	strace $0x9000004F  }
0xb3: {  	s29 =	simm.s32 $0x9;
	_ =	strace $0x80000054  }
0xb4: {  	_ =	swait.ge [sflag:s29], $0x1  }
0xb5: {  	[sflag:s29] =	ssyncadd.s32 $0xFFFFFFFF  }
0xb6: {  	_ =	strace $0x90000054  }
0xb7: {  	_ =	sfence  }
0xb8: {  	s30 =	sld [smem:$0x0];
	_ =	sdelay $0x2  }
0xb9: {  	s31 =	sshll.u32 s1, $0xD;
	s1 =	sshrl.u32 s1, $0x2  }
0xba: {  	s3 =	sand.u32 $0x4000, s31;
	s1 =	sadd.s32 s1, s30  }
0xbb: {  	s0 =	sor.u32 s3, s0;
	s1 =	sshll.u32 s1, $0x11  }
0xbc: {  	s0 =	sor.u32 s1, s0  }
0xbd: {  	s0 =	sadd.s32 $0x8F2B, s0  }
0xbe: {  	[sflag:s0] =	ssyncadd.remote.s32 $0x1  }
0xbf: {  	_ =	sfence.sel $0xFFFF  }
0xc0: {  	[dreg:$0x0] =	wrdreg $0xFFFFFFFF;
	(pc) =	sbr.abs _section_cstart, $3  }
0xc1: {  	[dreg:$0x1] =	wrdreg $0xFFFFFFFF  }
0xc2: {  	_ =	task.clear_ibuf [dreg:s7], $0x2FFFF;
	_ =	strace $0x9FFFFFFF  }
0xc3: {  	(tm) =	ssettm $0x7FFFFFFF  }
tec
execute0_lowered:
.L_overlay_start_1:
0x0: {  	(tag) =	ssettag $0x1  }
0x1: {  	s0 =	rddreg [dreg:$0x0]  }
0x2: {  	s1 =	rddreg [dreg:$0x1]  }
0x3: {  	s2 =	rddreg [dreg:$0x2]  }
0x4: {  	s3 =	simm.s32 $0x0;
	s13 =	stileid.u32;
	s4 =	srdreg.scid  }
0x5: {  	s28 =	simm.s32 $0x80;
	s29 =	simm.s32 $0x1800;
	s30 =	simm.s32 $0x9800  }
0x6: {  	s31 =	simm.s32 $0x5800;
	[smem:$0x7FF] =	sst s3;
	s5 =	sadd.s32 $0x81A00, s0  }
0x7: {  	s26 =	smul.u32 $0x14000, s13;
	s6 =	sadd.s32 $0x2400, s0;
	s7 =	sadd.s32 $0x77A00, s0  }
0x8: {  	s4 =	sand.u32 $0x1, s4;
	s9 =	sadd.s32 $0x1E1400, s0;
	s15 =	sshll.u32 s13, $0x9  }
0x9: {  	_ =	strace $0x80000050;
	s8 =	smul.u32 $0x28000, s4;
	s10 =	ssub.s32 $0x2, s4  }
0xa: {  	p0 =	seq.s32 s4, $0x1;
	s11 =	sshrl.u32 s26, $0x3;
	s12 =	sshrl.u32 s10, $0x1  }
0xb: {  	s18 =	sadd.s32 $0x4000, s26;
	s19 =	sadd.s32 $0x8000, s26;
	s22 =	sadd.s32 $0xC000, s26  }
0xc: {  	s3 =	sadd.s32 $0x10000, s26;
	[dreg:$0x4] =	wrdreg s11;
	s11 =	sadd.s32 s11, s0  }
0xd: {  	s0 =	sadd.s32 s8, s0;
	s14 =	ssub.s32 s10, s12;
	s10 =	sadd.s32 s26, s2  }
0xe: {  	s12 =	sshll.u32 s13, $0xB;
	s13 =	sor.u32 $0x8000, s15;
	s20 =	sadd.s32 s18, s2  }
0xf: {  	s21 =	sadd.s32 s19, s2;
	s4 =	sshrl.u32 s19, $0x3;
	s8 =	sshrl.u32 s22, $0x3  }
0x10: {  	s23 =	sadd.s32 s3, s2;
	s3 =	sshrl.u32 s3, $0x3;
	[dreg:$0x9] =	wrdreg s20  }
0x11: {  	s15 =	simm.s32 $0x2;
	s19 =	simm.s32 $0x1780;
	[dreg:$0xa] =	wrdreg s21  }
0x12: {  	s11 =	sadd.s32 $0x29600, s11;
	s16 =	sadd.s32 $0x1EB400, s0;
	[dreg:$0xc] =	wrdreg s23  }
0x13: {  	s17 =	smax.u32 s14, $0x1;
	s0 =	sshrl.u32 s18, $0x3;
	[dreg:$0x5] =	wrdreg s10  }
0x14: {  	s14 =	sadd.s32 s22, s2;
	s20 =	simm.s32 $0x5;
	[dreg:$0x6] =	wrdreg s11  }
0x15: {  	s21 =	simm.s32 $0x800;
	s18 =	simm.s32 $0x1700;
	[dreg:$0x8] =	wrdreg s17  }
0x16: {  	[dreg:$0xb] =	wrdreg s14;
	s0 =	sadd.s32 s0, s16;
	s24 =	sadd.s32 s4, s16  }
.Ltmp0:
0x17: {  	s25 =	sadd.s32 s8, s16;
	[dreg:$0x7] =	wrdreg s16;
	(pc) =	sbr.rel .LBB2_1-.Ltmp0, $4  }
0x18: {  	s26 =	sadd.s32 s3, s16;
	s3 =	simm.s32 $0xA000;
	[dreg:$0xd] =	wrdreg s0  }
0x19: {  	s11 =	simm.s32 $0x1;
	s16 =	simm.s32 $0x3;
	[dreg:$0xe] =	wrdreg s24  }
0x1a: {  	s17 =	simm.s32 $0x4;
	s8 =	simm.s32 $0x0;
	[dreg:$0xf] =	wrdreg s25  }
0x1b: {  	[dreg:$0x10] =	wrdreg s26;
	s26 =	simm.s32 $0x1000;
	s0 =	simm.s32 $0x880  }
.LBB2_24:
0x1c: {  	_ =	strace $0x90000052  }
0x1d: {  	_ =	strace $0x80000053  }
0x1e: {  	[bflag:$0x0] =	sbarrier.arrive $0xFFFF  }
0x1f: {  	s10 =	rddreg [dreg:$0x5]  }
0x20: {  	[tilespmem:s29], [sflag:$0x5] =	stream.linear.gather [spmem:s10], $0x4000, $0x200038;
	[tilespmem:$0x1E800] =	vst v63  }
0x21: {  	_ =	swait.ge [sflag:s20], $0x4000  }
0x22: {  	s4 =	rddreg [dreg:$0x4]  }
0x23: {  	[sflag:s20] =	ssyncset.done $0x0;
	s8 =	rddreg [dreg:$0x7]  }
0x24: {  	[sflag:s20] =	ssyncadd.s32 $0xFFFFC000;
	s4 =	sadd.s32 s4, s8;
	s8 =	simm.s32 $0x0  }
0x25: {  	[hbm4b:s4+s8] =	stream.linear.scatter [tilespmem:s29], [sflag:$0x5], $0x4000, $0x200038;
	[tilespmem:$0x1E800] =	vst v63  }
0x26: {  	_ =	swait.ge [sflag:s20], $0x4000  }
0x27: {  	[sflag:s20] =	ssyncset.done $0x0  }
0x28: {  	s14 =	rddreg [dreg:$0x9];
	[sflag:s20] =	ssyncadd.s32 $0xFFFFC000  }
0x29: {  	[tilespmem:s29], [sflag:$0x5] =	stream.linear.gather [spmem:s14], $0x4000, $0x200038;
	[tilespmem:$0x1E800] =	vst v63  }
0x2a: {  	_ =	swait.ge [sflag:s20], $0x4000  }
0x2b: {  	[sflag:s20] =	ssyncset.done $0x0  }
0x2c: {  	s22 =	rddreg [dreg:$0xd];
	[sflag:s20] =	ssyncadd.s32 $0xFFFFC000  }
0x2d: {  	[hbm4b:s22+s8] =	stream.linear.scatter [tilespmem:s29], [sflag:$0x5], $0x4000, $0x200038;
	[tilespmem:$0x1E800] =	vst v63  }
0x2e: {  	_ =	swait.ge [sflag:s20], $0x4000  }
0x2f: {  	[sflag:s20] =	ssyncset.done $0x0  }
0x30: {  	s23 =	rddreg [dreg:$0xa];
	[sflag:s20] =	ssyncadd.s32 $0xFFFFC000  }
0x31: {  	[tilespmem:s29], [sflag:$0x5] =	stream.linear.gather [spmem:s23], $0x4000, $0x200038;
	[tilespmem:$0x1E800] =	vst v63  }
0x32: {  	_ =	swait.ge [sflag:s20], $0x4000  }
0x33: {  	[sflag:s20] =	ssyncset.done $0x0  }
0x34: {  	s24 =	rddreg [dreg:$0xe];
	[sflag:s20] =	ssyncadd.s32 $0xFFFFC000  }
0x35: {  	[hbm4b:s24+s8] =	stream.linear.scatter [tilespmem:s29], [sflag:$0x5], $0x4000, $0x200038;
	[tilespmem:$0x1E800] =	vst v63  }
0x36: {  	_ =	swait.ge [sflag:s20], $0x4000  }
0x37: {  	[sflag:s20] =	ssyncset.done $0x0  }
0x38: {  	s25 =	rddreg [dreg:$0xb];
	[sflag:s20] =	ssyncadd.s32 $0xFFFFC000  }
0x39: {  	[tilespmem:s29], [sflag:$0x5] =	stream.linear.gather [spmem:s25], $0x4000, $0x200038;
	[tilespmem:$0x1E800] =	vst v63  }
0x3a: {  	_ =	swait.ge [sflag:s20], $0x4000  }
0x3b: {  	[sflag:s20] =	ssyncset.done $0x0  }
0x3c: {  	s14 =	rddreg [dreg:$0xf];
	[sflag:s20] =	ssyncadd.s32 $0xFFFFC000  }
0x3d: {  	[hbm4b:s14+s8] =	stream.linear.scatter [tilespmem:s29], [sflag:$0x5], $0x4000, $0x200038;
	[tilespmem:$0x1E800] =	vst v63  }
0x3e: {  	_ =	swait.ge [sflag:s20], $0x4000  }
0x3f: {  	[sflag:s20] =	ssyncset.done $0x0  }
0x40: {  	s22 =	rddreg [dreg:$0xc];
	[sflag:s20] =	ssyncadd.s32 $0xFFFFC000  }
0x41: {  	[tilespmem:s29], [sflag:$0x5] =	stream.linear.gather [spmem:s22], $0x4000, $0x200038;
	[tilespmem:$0x1E800] =	vst v63  }
0x42: {  	_ =	swait.ge [sflag:s20], $0x4000  }
0x43: {  	[sflag:s20] =	ssyncset.done $0x0  }
0x44: {  	s23 =	rddreg [dreg:$0x10];
	[sflag:s20] =	ssyncadd.s32 $0xFFFFC000  }
0x45: {  	[hbm4b:s23+s8] =	stream.linear.scatter [tilespmem:s29], [sflag:$0x5], $0x4000, $0x200038;
	[tilespmem:$0x1E800] =	vst v63  }
0x46: {  	_ =	swait.ge [sflag:s20], $0x4000  }
0x47: {  	s24 =	rddreg [dreg:$0x11]  }
0x48: {  	s25 =	rddreg [dreg:$0x8];
	s8 =	sadd.s32 $0x1, s24  }
0x49: {  	p1 =	sne.s32 s8, s25  }
.Ltmp1:
0x4a: {  	_ = 	snop;
	(pc) =	sbr.rel @!p1 .LBB2_25-.Ltmp1, $4  }
0x4b: {  	_ = 	snop  }
0x4c: {  	[sflag:s20] =	ssyncset.done $0x0  }
0x4d: {  	[sflag:s20] =	ssyncadd.s32 $0xFFFFC000  }
0x4e: {  	_ =	strace $0x90000053  }
.LBB2_1:
0x4f: {  	[dreg:$0x11] =	wrdreg s8;
	s4 =	stileid.u32  }
0x50: {  	s4 =	sshll.u32 s4, $0x6;
	_ =	strace $0x80000051  }
0x51: {  	s10 =	sshrl.u32 s10, $0x3;
	s4 =	sor.u32 $0x1C05, s4;
	s25 =	rddreg [dreg:$0x6]  }
0x52: {  	[spmem:s10], [sflag:s4] =	dma.local [hbm:s25], $0x2800  }
0x53: {  	_ =	swait.ge [sflag:s20], $0x2800  }
.Ltmp2:
0x54: {  	[sflag:s20] =	ssyncset.done $0x0;
	(pc) =	sbr.rel @!p0 .LBB2_2-.Ltmp2, $4  }
0x55: {  	[sflag:s20] =	ssyncadd.s32 $0xFFFFD800  }
0x56: {  	[bflag:$0x0] =	sbarrier.arrive $0xFFFF  }
0x57: {  	p2 =	por $0x1, $0x1;
	_ =	strace $0x90000051  }
0x58: {  	s22 =	simm.s32 $0x0;
	s4 =	simm.s32 $0x0;
	_ =	strace $0x80000052  }
.LBB2_13:
0x59: {  	s4 =	sor.u32 s13, s4  }
0x5a: {  	s22 =	simm.s32 $0x0;
	s8 =	sadd.s32 s7, s4  }
0x5b: {  	[tilespmem:s22], [sflag:$0x5] =	stream.linear.gather [hbm4b:s8+s22], $0x800, $0x200038;
	[tilespmem:$0x1E800] =	vst v63  }
0x5c: {  	_ =	swait.ge [sflag:s20], $0x800  }
0x5d: {  	[sflag:s20] =	ssyncset.done $0x0  }
0x5e: {  	s25 =	sadd.s32 s1, s4;
	[sflag:s20] =	ssyncadd.s32 $0xFFFFF800  }
0x5f: {  	[tilespmem:s21], [sflag:$0x5] =	stream.linear.gather [hbm4b:s25+s22], $0x800, $0x200038;
	[tilespmem:$0x1E800] =	vst v63  }
0x60: {  	_ =	swait.ge [sflag:s20], $0x800  }
0x61: {  	[sflag:s20] =	ssyncset.done $0x0  }
0x62: {  	s4 =	sadd.s32 s9, s4;
	[sflag:s20] =	ssyncadd.s32 $0xFFFFF800  }
0x63: {  	[tilespmem:s26], [sflag:$0x5] =	stream.linear.gather [hbm4b:s4+s22], $0x800, $0x200038;
	[tilespmem:$0x1E800] =	vst v63  }
0x64: {  	_ =	swait.ge [sflag:s20], $0x800  }
0x65: {  	[sflag:s20] =	ssyncset.done $0x0  }
0x66: {  	[sflag:s20] =	ssyncadd.s32 $0xFFFFF800  }
0x67: {  	[tilespmem:s29], [sflag:$0x1] =	stream.indirect.gather [hbm4b:s5+s28], $0x80, s22, s28, $0x2000b8;
	[tilespmem:$0x1E800] =	vst v63  }
0x68: {  	_ = 	snop  }
0x69: {  	[tilespmem:s30], [sflag:$0x1] =	stream.indirect.gather [hbm4b:s6+s28], $0x10, s21, s28, $0x2000b8;
	[tilespmem:$0x1E800] =	vst v63  }
0x6a: {  	_ = 	snop  }
0x6b: {  	[tilespmem:s31], [sflag:$0x2] =	stream.indirect.gather [hbm4b:s5+s28], $0x80, s28, s28, $0x2000b8;
	[tilespmem:$0x1E800] =	vst v63  }
0x6c: {  	p1 =	por p2, p2  }
0x6d: {  	[tilespmem:s3], [sflag:$0x2] =	stream.indirect.gather [hbm4b:s6+s28], $0x10, s0, s28, $0x2000b8;
	[tilespmem:$0x1E800] =	vst v63  }
.LBB2_14:
0x6e: {  	_ =	swait.ge [sflag:s11], $0x4000  }
0x6f: {  	[sflag:s11] =	ssyncset.done $0x0  }
0x70: {  	[sflag:s11] =	ssyncadd.s32 $0xFFFFC000  }
0x71: {  	_ =	swait.ge [sflag:s11], $0x800  }
0x72: {  	[sflag:s11] =	ssyncset.done $0x0  }
0x73: {  	s14 =	simm.s32 $0x1840;
	[sflag:s11] =	ssyncadd.s32 $0xFFFFF800  }
0x74: {  	v4 =	vld [tilespmem:s14+$0x30]  }
0x75: {  	v7 =	vld [tilespmem:s14+$0x10]  }
0x76: {  	s4 =	simm.s32 $0x0;
	v5 =	vld [tilespmem:s14+$0xFFFFFFC0]  }
0x77: {  	v1 =	vld [tilespmem:s4+$0x9800]  }
0x78: {  	v9 =	vld [tilespmem:s14+$0xFFFFFFE0]  }
0x79: {  	v0 =	vld [tilespmem:s14+$0xFFFFFFF0]  }
0x7a: {  	v2 =	vld [tilespmem:s14+$0x20]  }
0x7b: {  	v3 =	vld [tilespmem:s14+$0xFFFFFFD0]  }
0x7c: {  	v8 =	vmul.f32 v4, v1;
	v4 =	vld [tilespmem:s14+$0x0]  }
0x7d: {  	v6 =	vmul.f32 v5, v1  }
0x7e: {  	s10 =	simm.s32 $0x40;
	s4 =	simm.s32 $0x1840;
	v5 =	vmul.f32 v9, v1;
	v7 =	vmul.f32 v7, v1  }
.LBB2_15:
0x7f: {  	p2 =	sne.s32 s10, $0x1FC0  }
0x80: {  	v3 =	vmul.f32 v3, v1;
	v2 =	vmul.f32 v2, v1;
	[tilespmem:s14+$0x30] =	vst v8;
	s4 =	sadd.s32 $0x80, s4;
	s8 =	smov.u32 s10;
	s10 =	sadd.s32 $0x40, s10  }
0x81: {  	[tilespmem:s14+$0xFFFFFFC0] =	vst v6;
	v6 =	vmul.f32 v0, v1;
	v1 =	vmul.f32 v4, v1  }
0x82: {  	[tilespmem:s14+$0x10] =	vst v7  }
0x83: {  	v0 =	vld [tilespmem:s4+$0xFFFFFFF0];
	[tilespmem:s14+$0xFFFFFFE0] =	vst v5  }
0x84: {  	v5 =	vld [tilespmem:s4+$0x30];
	[tilespmem:s14+$0xFFFFFFF0] =	vst v6  }
0x85: {  	v7 =	vld [tilespmem:s4+$0x10];
	[tilespmem:s14+$0x0] =	vst v1  }
0x86: {  	v6 =	vld [tilespmem:s4+$0xFFFFFFC0];
	[tilespmem:s14+$0x20] =	vst v2  }
0x87: {  	s8 =	sshra.s32 s8, $0x2;
	v9 =	vld [tilespmem:s4+$0xFFFFFFE0];
	[tilespmem:s14+$0xFFFFFFD0] =	vst v3;
	s14 =	smov.u32 s4  }
0x88: {  	v1 =	vld [tilespmem:s8+$0x9800]  }
0x89: {  	v2 =	vld [tilespmem:s4+$0x20]  }
.Ltmp3:
0x8a: {  	v3 =	vld [tilespmem:s4+$0xFFFFFFD0];
	(pc) =	sbr.rel @p2 .LBB2_15-.Ltmp3, $3  }
0x8b: {  	v4 =	vld [tilespmem:s4+$0x0];
	_ =	sdelay $0x1  }
0x8c: {  	v6 =	vmul.f32 v6, v1;
	v8 =	vmul.f32 v5, v1  }
0x8d: {  	v5 =	vmul.f32 v9, v1;
	v7 =	vmul.f32 v7, v1  }
0x8e: {  	[tilespmem:s14+$0x30] =	vst v8  }
0x8f: {  	[tilespmem:s14+$0xFFFFFFC0] =	vst v6  }
0x90: {  	v0 =	vmul.f32 v0, v1;
	[tilespmem:s14+$0x10] =	vst v7  }
0x91: {  	v2 =	vmul.f32 v2, v1;
	[tilespmem:s14+$0xFFFFFFE0] =	vst v5  }
0x92: {  	v4 =	vmul.f32 v4, v1;
	[tilespmem:s14+$0xFFFFFFF0] =	vst v0  }
0x93: {  	s23 =	sshll.u32 s22, $0x8;
	v0 =	vmul.f32 v3, v1;
	[tilespmem:s14+$0x20] =	vst v2  }
0x94: {  	s24 =	sand.u32 $0x3FFFFF00, s23;
	[tilespmem:s14+$0x0] =	vst v4  }
0x95: {  	s4 =	sadd.s32 $0x1000, s24;
	[tilespmem:s14+$0xFFFFFFD0] =	vst v0  }
0x96: {  	[spmem:s2] =	stream.indirect.scatter.add.f32 [tilespmem:s29], [sflag:$0x3], $0x80, s4, s28, $0x2000b8;
	[tilespmem:$0x1E800] =	vst v63  }
0x97: {  	_ =	swait.ge [sflag:s15], $0x4000  }
0x98: {  	[sflag:s15] =	ssyncset.done $0x0  }
0x99: {  	[sflag:s15] =	ssyncadd.s32 $0xFFFFC000  }
0x9a: {  	_ =	swait.ge [sflag:s15], $0x800  }
0x9b: {  	[sflag:s15] =	ssyncset.done $0x0  }
0x9c: {  	s14 =	simm.s32 $0x0;
	[sflag:s15] =	ssyncadd.s32 $0xFFFFF800  }
0x9d: {  	s10 =	simm.s32 $0xA000;
	v6 =	vld [tilespmem:s14+$0x5870]  }
0x9e: {  	v0 =	vld [tilespmem:s10+$0x0]  }
0x9f: {  	v5 =	vld [tilespmem:s14+$0x5820]  }
0xa0: {  	v4 =	vld [tilespmem:s14+$0x5850]  }
0xa1: {  	v2 =	vld [tilespmem:s14+$0x5860]  }
0xa2: {  	v3 =	vld [tilespmem:s14+$0x5840]  }
0xa3: {  	s4 =	simm.s32 $0x200;
	v1 =	vld [tilespmem:s14+$0x5810];
	v6 =	vmul.f32 v6, v0  }
.LBB2_17:
0xa4: {  	p2 =	sne.s32 s4, $0xFE00  }
0xa5: {  	v5 =	vmul.f32 v5, v0;
	v7 =	vld [tilespmem:s14+$0x5830];
	s10 =	sadd.s32 $0x10, s10;
	s8 =	smov.u32 s4;
	s4 =	sadd.s32 $0x200, s4  }
0xa6: {  	v8 =	vld [tilespmem:s14+$0x5800];
	v4 =	vmul.f32 v4, v0;
	[tilespmem:s14+$0x5870] =	vst v6  }
0xa7: {  	[tilespmem:s14+$0x5820] =	vst v5;
	v2 =	vmul.f32 v2, v0  }
0xa8: {  	v3 =	vmul.f32 v3, v0;
	[tilespmem:s14+$0x5850] =	vst v4  }
0xa9: {  	v1 =	vmul.f32 v1, v0;
	[tilespmem:s14+$0x5860] =	vst v2  }
0xaa: {  	v2 =	vmul.f32 v7, v0;
	[tilespmem:s14+$0x5840] =	vst v3  }
0xab: {  	v0 =	vmul.f32 v8, v0;
	[tilespmem:s14+$0x5810] =	vst v1  }
0xac: {  	s8 =	sshra.s32 s8, $0x2;
	[tilespmem:s14+$0x5830] =	vst v2  }
0xad: {  	v6 =	vld [tilespmem:s8+$0x5870];
	[tilespmem:s14+$0x5800] =	vst v0;
	s14 =	smov.u32 s8  }
0xae: {  	v0 =	vld [tilespmem:s10+$0x0]  }
.Ltmp4:
0xaf: {  	v5 =	vld [tilespmem:s14+$0x5820];
	(pc) =	sbr.rel @p2 .LBB2_17-.Ltmp4, $4  }
0xb0: {  	v4 =	vld [tilespmem:s14+$0x5850]  }
0xb1: {  	v2 =	vld [tilespmem:s14+$0x5860]  }
0xb2: {  	v3 =	vld [tilespmem:s14+$0x5840]  }
0xb3: {  	v1 =	vld [tilespmem:s14+$0x5810];
	v6 =	vmul.f32 v6, v0  }
0xb4: {  	v7 =	vld [tilespmem:s14+$0x5830];
	v5 =	vmul.f32 v5, v0  }
0xb5: {  	v8 =	vld [tilespmem:s14+$0x5800];
	v4 =	vmul.f32 v4, v0;
	[tilespmem:s14+$0x5870] =	vst v6  }
0xb6: {  	[tilespmem:s14+$0x5820] =	vst v5;
	v2 =	vmul.f32 v2, v0  }
0xb7: {  	v3 =	vmul.f32 v3, v0;
	[tilespmem:s14+$0x5850] =	vst v4  }
0xb8: {  	v1 =	vmul.f32 v1, v0;
	[tilespmem:s14+$0x5860] =	vst v2  }
0xb9: {  	v62 =	vmul.f32 v7, v0;
	[tilespmem:s14+$0x5840] =	vst v3  }
0xba: {  	v63 =	vmul.f32 v8, v0;
	[tilespmem:s14+$0x5810] =	vst v1  }
0xbb: {  	[tilespmem:s14+$0x5830] =	vst v62  }
0xbc: {  	s4 =	sadd.s32 $0x1080, s24;
	[tilespmem:s14+$0x5800] =	vst v63  }
0xbd: {  	[spmem:s2] =	stream.indirect.scatter.add.f32 [tilespmem:s31], [sflag:$0x4], $0x80, s4, s28, $0x2000b8;
	[tilespmem:$0x1E800] =	vst v63  }
0xbe: {  	_ =	swait.ge [sflag:s16], $0x4000  }
0xbf: {  	[sflag:s16] =	ssyncset.done $0x0  }
0xc0: {  	s10 =	sadd.s32 $0x100, s23;
	[sflag:s16] =	ssyncadd.s32 $0xFFFFC000  }
0xc1: {  	[tilespmem:s29], [sflag:$0x1] =	stream.indirect.gather [hbm4b:s5+s28], $0x80, s10, s28, $0x2000b8;
	[tilespmem:$0x1E800] =	vst v63  }
0xc2: {  	s22 =	sadd.s32 $0x1, s22;
	s14 =	sadd.s32 $0x900, s23  }
0xc3: {  	[tilespmem:s30], [sflag:$0x1] =	stream.indirect.gather [hbm4b:s6+s28], $0x10, s14, s28, $0x2000b8;
	[tilespmem:$0x1E800] =	vst v63  }
0xc4: {  	p2 =	sne.s32 s22, $0x7;
	_ =	swait.ge [sflag:s17], $0x4000  }
.Ltmp5:
0xc5: {  	[sflag:s17] =	ssyncset.done $0x0;
	(pc) =	sbr.rel @p2 .LBB2_14-.Ltmp5, $4  }
0xc6: {  	s24 =	sadd.s32 $0x180, s23;
	[sflag:s17] =	ssyncadd.s32 $0xFFFFC000  }
0xc7: {  	[tilespmem:s31], [sflag:$0x2] =	stream.indirect.gather [hbm4b:s5+s28], $0x80, s24, s28, $0x2000b8;
	[tilespmem:$0x1E800] =	vst v63  }
0xc8: {  	s25 =	sadd.s32 $0x980, s23  }
0xc9: {  	[tilespmem:s3], [sflag:$0x2] =	stream.indirect.gather [hbm4b:s6+s28], $0x10, s25, s28, $0x2000b8;
	[tilespmem:$0x1E800] =	vst v63  }
0xca: {  	_ =	swait.ge [sflag:s11], $0x4000  }
0xcb: {  	[sflag:s11] =	ssyncset.done $0x0  }
0xcc: {  	[sflag:s11] =	ssyncadd.s32 $0xFFFFC000  }
0xcd: {  	_ =	swait.ge [sflag:s11], $0x800  }
0xce: {  	[sflag:s11] =	ssyncset.done $0x0  }
0xcf: {  	s14 =	simm.s32 $0x1840;
	[sflag:s11] =	ssyncadd.s32 $0xFFFFF800  }
0xd0: {  	v4 =	vld [tilespmem:s14+$0x30]  }
0xd1: {  	v7 =	vld [tilespmem:s14+$0x10]  }
0xd2: {  	s4 =	simm.s32 $0x0;
	v5 =	vld [tilespmem:s14+$0xFFFFFFC0]  }
0xd3: {  	v1 =	vld [tilespmem:s4+$0x9800]  }
0xd4: {  	v9 =	vld [tilespmem:s14+$0xFFFFFFE0]  }
0xd5: {  	v0 =	vld [tilespmem:s14+$0xFFFFFFF0]  }
0xd6: {  	v2 =	vld [tilespmem:s14+$0x20]  }
0xd7: {  	v3 =	vld [tilespmem:s14+$0xFFFFFFD0]  }
0xd8: {  	v8 =	vmul.f32 v4, v1;
	v4 =	vld [tilespmem:s14+$0x0]  }
0xd9: {  	v6 =	vmul.f32 v5, v1  }
0xda: {  	s10 =	simm.s32 $0x40;
	s4 =	simm.s32 $0x1840;
	v5 =	vmul.f32 v9, v1;
	v7 =	vmul.f32 v7, v1  }
.LBB2_20:
0xdb: {  	p2 =	sne.s32 s10, $0x1FC0  }
0xdc: {  	v3 =	vmul.f32 v3, v1;
	v2 =	vmul.f32 v2, v1;
	[tilespmem:s14+$0x30] =	vst v8;
	s4 =	sadd.s32 $0x80, s4;
	s8 =	smov.u32 s10;
	s10 =	sadd.s32 $0x40, s10  }
0xdd: {  	[tilespmem:s14+$0xFFFFFFC0] =	vst v6;
	v6 =	vmul.f32 v0, v1;
	v1 =	vmul.f32 v4, v1  }
0xde: {  	[tilespmem:s14+$0x10] =	vst v7  }
0xdf: {  	v0 =	vld [tilespmem:s4+$0xFFFFFFF0];
	[tilespmem:s14+$0xFFFFFFE0] =	vst v5  }
0xe0: {  	v5 =	vld [tilespmem:s4+$0x30];
	[tilespmem:s14+$0xFFFFFFF0] =	vst v6  }
0xe1: {  	v7 =	vld [tilespmem:s4+$0x10];
	[tilespmem:s14+$0x0] =	vst v1  }
0xe2: {  	v6 =	vld [tilespmem:s4+$0xFFFFFFC0];
	[tilespmem:s14+$0x20] =	vst v2  }
0xe3: {  	s8 =	sshra.s32 s8, $0x2;
	v9 =	vld [tilespmem:s4+$0xFFFFFFE0];
	[tilespmem:s14+$0xFFFFFFD0] =	vst v3;
	s14 =	smov.u32 s4  }
0xe4: {  	v1 =	vld [tilespmem:s8+$0x9800]  }
0xe5: {  	v2 =	vld [tilespmem:s4+$0x20]  }
.Ltmp6:
0xe6: {  	v3 =	vld [tilespmem:s4+$0xFFFFFFD0];
	(pc) =	sbr.rel @p2 .LBB2_20-.Ltmp6, $3  }
0xe7: {  	v4 =	vld [tilespmem:s4+$0x0];
	_ =	sdelay $0x1  }
0xe8: {  	v6 =	vmul.f32 v6, v1;
	v8 =	vmul.f32 v5, v1  }
0xe9: {  	v5 =	vmul.f32 v9, v1;
	v7 =	vmul.f32 v7, v1  }
0xea: {  	[tilespmem:s14+$0x30] =	vst v8  }
0xeb: {  	[tilespmem:s14+$0xFFFFFFC0] =	vst v6  }
0xec: {  	v0 =	vmul.f32 v0, v1;
	[tilespmem:s14+$0x10] =	vst v7  }
0xed: {  	v2 =	vmul.f32 v2, v1;
	[tilespmem:s14+$0xFFFFFFE0] =	vst v5  }
0xee: {  	v4 =	vmul.f32 v4, v1;
	[tilespmem:s14+$0xFFFFFFF0] =	vst v0  }
0xef: {  	v0 =	vmul.f32 v3, v1;
	[tilespmem:s14+$0x20] =	vst v2  }
0xf0: {  	[tilespmem:s14+$0x0] =	vst v4  }
0xf1: {  	[tilespmem:s14+$0xFFFFFFD0] =	vst v0  }
0xf2: {  	[spmem:s2] =	stream.indirect.scatter.add.f32 [tilespmem:s29], [sflag:$0x3], $0x80, s18, s28, $0x2000b8;
	[tilespmem:$0x1E800] =	vst v63  }
0xf3: {  	_ =	swait.ge [sflag:s15], $0x4000  }
0xf4: {  	[sflag:s15] =	ssyncset.done $0x0  }
0xf5: {  	[sflag:s15] =	ssyncadd.s32 $0xFFFFC000  }
0xf6: {  	_ =	swait.ge [sflag:s15], $0x800  }
0xf7: {  	[sflag:s15] =	ssyncset.done $0x0  }
0xf8: {  	s14 =	simm.s32 $0x0;
	[sflag:s15] =	ssyncadd.s32 $0xFFFFF800  }
0xf9: {  	s10 =	simm.s32 $0xA000;
	v6 =	vld [tilespmem:s14+$0x5870]  }
0xfa: {  	v0 =	vld [tilespmem:s10+$0x0]  }
0xfb: {  	v5 =	vld [tilespmem:s14+$0x5820]  }
0xfc: {  	v4 =	vld [tilespmem:s14+$0x5850]  }
0xfd: {  	v2 =	vld [tilespmem:s14+$0x5860]  }
0xfe: {  	v3 =	vld [tilespmem:s14+$0x5840]  }
0xff: {  	s4 =	simm.s32 $0x200;
	v1 =	vld [tilespmem:s14+$0x5810];
	v6 =	vmul.f32 v6, v0  }
.LBB2_22:
0x100: {  	p2 =	sne.s32 s4, $0xFE00  }
0x101: {  	v5 =	vmul.f32 v5, v0;
	v7 =	vld [tilespmem:s14+$0x5830];
	s10 =	sadd.s32 $0x10, s10;
	s8 =	smov.u32 s4;
	s4 =	sadd.s32 $0x200, s4  }
0x102: {  	v8 =	vld [tilespmem:s14+$0x5800];
	v4 =	vmul.f32 v4, v0;
	[tilespmem:s14+$0x5870] =	vst v6  }
0x103: {  	[tilespmem:s14+$0x5820] =	vst v5;
	v2 =	vmul.f32 v2, v0  }
0x104: {  	v3 =	vmul.f32 v3, v0;
	[tilespmem:s14+$0x5850] =	vst v4  }
0x105: {  	v1 =	vmul.f32 v1, v0;
	[tilespmem:s14+$0x5860] =	vst v2  }
0x106: {  	v2 =	vmul.f32 v7, v0;
	[tilespmem:s14+$0x5840] =	vst v3  }
0x107: {  	v0 =	vmul.f32 v8, v0;
	[tilespmem:s14+$0x5810] =	vst v1  }
0x108: {  	s8 =	sshra.s32 s8, $0x2;
	[tilespmem:s14+$0x5830] =	vst v2  }
0x109: {  	v6 =	vld [tilespmem:s8+$0x5870];
	[tilespmem:s14+$0x5800] =	vst v0;
	s14 =	smov.u32 s8  }
0x10a: {  	v0 =	vld [tilespmem:s10+$0x0]  }
.Ltmp7:
0x10b: {  	v5 =	vld [tilespmem:s14+$0x5820];
	(pc) =	sbr.rel @p2 .LBB2_22-.Ltmp7, $4  }
0x10c: {  	v4 =	vld [tilespmem:s14+$0x5850]  }
0x10d: {  	v2 =	vld [tilespmem:s14+$0x5860]  }
0x10e: {  	v3 =	vld [tilespmem:s14+$0x5840]  }
0x10f: {  	v1 =	vld [tilespmem:s14+$0x5810];
	v6 =	vmul.f32 v6, v0  }
0x110: {  	v7 =	vld [tilespmem:s14+$0x5830];
	v5 =	vmul.f32 v5, v0  }
0x111: {  	v8 =	vld [tilespmem:s14+$0x5800];
	v4 =	vmul.f32 v4, v0;
	[tilespmem:s14+$0x5870] =	vst v6  }
0x112: {  	[tilespmem:s14+$0x5820] =	vst v5;
	v2 =	vmul.f32 v2, v0  }
0x113: {  	v3 =	vmul.f32 v3, v0;
	[tilespmem:s14+$0x5850] =	vst v4  }
0x114: {  	v1 =	vmul.f32 v1, v0;
	[tilespmem:s14+$0x5860] =	vst v2  }
0x115: {  	v62 =	vmul.f32 v7, v0;
	[tilespmem:s14+$0x5840] =	vst v3  }
0x116: {  	v63 =	vmul.f32 v8, v0;
	[tilespmem:s14+$0x5810] =	vst v1  }
0x117: {  	[tilespmem:s14+$0x5830] =	vst v62  }
0x118: {  	[tilespmem:s14+$0x5800] =	vst v63  }
0x119: {  	[spmem:s2] =	stream.indirect.scatter.add.f32 [tilespmem:s31], [sflag:$0x4], $0x80, s19, s28, $0x2000b8;
	[tilespmem:$0x1E800] =	vst v63  }
0x11a: {  	_ =	swait.ge [sflag:s16], $0x4000  }
.Ltmp8:
0x11b: {  	[sflag:s16] =	ssyncset.done $0x0;
	(pc) =	sbr.rel @p1 .LBB2_13-.Ltmp8, $4  }
.Ltmp9:
0x11c: {  	[sflag:s16] =	ssyncadd.s32 $0xFFFFC000;
	(pc) =	sbr.rel @!p1 .LBB2_24-.Ltmp9, $4  }
0x11d: {  	_ =	swait.ge [sflag:s17], $0x4000  }
0x11e: {  	[sflag:s17] =	ssyncset.done $0x0  }
0x11f: {  	s4 =	simm.s32 $0x100;
	p2 =	por $0x0, $0x0;
	[sflag:s17] =	ssyncadd.s32 $0xFFFFC000  }
0x120: {  	_ = 	snop  }
.LBB2_2:
0x121: {  	s4 =	sshll.u32 s22, $0x8  }
0x122: {  	s4 =	sadd.s32 s12, s4  }
0x123: {  	s23 =	simm.s32 $0x0;
	s10 =	sadd.s32 s7, s4  }
0x124: {  	[tilespmem:s23], [sflag:$0x5] =	stream.linear.gather [hbm4b:s10+s23], $0x800, $0x200038;
	[tilespmem:$0x1E800] =	vst v63  }
0x125: {  	_ =	swait.ge [sflag:s20], $0x800  }
0x126: {  	[sflag:s20] =	ssyncset.done $0x0  }
0x127: {  	s25 =	sadd.s32 s1, s4;
	[sflag:s20] =	ssyncadd.s32 $0xFFFFF800  }
0x128: {  	[tilespmem:s21], [sflag:$0x5] =	stream.linear.gather [hbm4b:s25+s23], $0x800, $0x200038;
	[tilespmem:$0x1E800] =	vst v63  }
0x129: {  	_ =	swait.ge [sflag:s20], $0x800  }
0x12a: {  	[sflag:s20] =	ssyncset.done $0x0  }
0x12b: {  	s4 =	sadd.s32 s9, s4;
	[sflag:s20] =	ssyncadd.s32 $0xFFFFF800  }
0x12c: {  	[tilespmem:s26], [sflag:$0x5] =	stream.linear.gather [hbm4b:s4+s23], $0x800, $0x200038;
	[tilespmem:$0x1E800] =	vst v63  }
0x12d: {  	_ =	swait.ge [sflag:s20], $0x800  }
0x12e: {  	[sflag:s20] =	ssyncset.done $0x0  }
0x12f: {  	[sflag:s20] =	ssyncadd.s32 $0xFFFFF800  }
0x130: {  	[tilespmem:s29], [sflag:$0x1] =	stream.indirect.gather [hbm4b:s5+s28], $0x80, s23, s28, $0x2000b8;
	[tilespmem:$0x1E800] =	vst v63  }
0x131: {  	_ = 	snop  }
0x132: {  	[tilespmem:s30], [sflag:$0x1] =	stream.indirect.gather [hbm4b:s6+s28], $0x10, s21, s28, $0x2000b8;
	[tilespmem:$0x1E800] =	vst v63  }
0x133: {  	_ = 	snop  }
0x134: {  	[tilespmem:s31], [sflag:$0x2] =	stream.indirect.gather [hbm4b:s5+s28], $0x80, s28, s28, $0x2000b8;
	[tilespmem:$0x1E800] =	vst v63  }
0x135: {  	_ = 	snop  }
0x136: {  	[tilespmem:s3], [sflag:$0x2] =	stream.indirect.gather [hbm4b:s6+s28], $0x10, s0, s28, $0x2000b8;
	[tilespmem:$0x1E800] =	vst v63  }
.LBB2_3:
0x137: {  	_ =	swait.ge [sflag:s11], $0x4000  }
0x138: {  	[sflag:s11] =	ssyncset.done $0x0  }
0x139: {  	[sflag:s11] =	ssyncadd.s32 $0xFFFFC000  }
0x13a: {  	_ =	swait.ge [sflag:s11], $0x800  }
0x13b: {  	[sflag:s11] =	ssyncset.done $0x0  }
0x13c: {  	s14 =	simm.s32 $0x1840;
	[sflag:s11] =	ssyncadd.s32 $0xFFFFF800  }
0x13d: {  	v4 =	vld [tilespmem:s14+$0x30]  }
0x13e: {  	v7 =	vld [tilespmem:s14+$0x10]  }
0x13f: {  	s4 =	simm.s32 $0x0;
	v5 =	vld [tilespmem:s14+$0xFFFFFFC0]  }
0x140: {  	v1 =	vld [tilespmem:s4+$0x9800]  }
0x141: {  	v9 =	vld [tilespmem:s14+$0xFFFFFFE0]  }
0x142: {  	v0 =	vld [tilespmem:s14+$0xFFFFFFF0]  }
0x143: {  	v2 =	vld [tilespmem:s14+$0x20]  }
0x144: {  	v3 =	vld [tilespmem:s14+$0xFFFFFFD0]  }
0x145: {  	v8 =	vmul.f32 v4, v1;
	v4 =	vld [tilespmem:s14+$0x0]  }
0x146: {  	v6 =	vmul.f32 v5, v1  }
0x147: {  	s10 =	simm.s32 $0x40;
	s4 =	simm.s32 $0x1840;
	v5 =	vmul.f32 v9, v1;
	v7 =	vmul.f32 v7, v1  }
.LBB2_4:
0x148: {  	p1 =	sne.s32 s10, $0x1FC0  }
0x149: {  	v3 =	vmul.f32 v3, v1;
	v2 =	vmul.f32 v2, v1;
	[tilespmem:s14+$0x30] =	vst v8;
	s4 =	sadd.s32 $0x80, s4;
	s24 =	smov.u32 s10;
	s10 =	sadd.s32 $0x40, s10  }
0x14a: {  	[tilespmem:s14+$0xFFFFFFC0] =	vst v6;
	v6 =	vmul.f32 v0, v1;
	v1 =	vmul.f32 v4, v1  }
0x14b: {  	[tilespmem:s14+$0x10] =	vst v7  }
0x14c: {  	v0 =	vld [tilespmem:s4+$0xFFFFFFF0];
	[tilespmem:s14+$0xFFFFFFE0] =	vst v5  }
0x14d: {  	v5 =	vld [tilespmem:s4+$0x30];
	[tilespmem:s14+$0xFFFFFFF0] =	vst v6  }
0x14e: {  	v7 =	vld [tilespmem:s4+$0x10];
	[tilespmem:s14+$0x0] =	vst v1  }
0x14f: {  	v6 =	vld [tilespmem:s4+$0xFFFFFFC0];
	[tilespmem:s14+$0x20] =	vst v2  }
0x150: {  	s24 =	sshra.s32 s24, $0x2;
	v9 =	vld [tilespmem:s4+$0xFFFFFFE0];
	[tilespmem:s14+$0xFFFFFFD0] =	vst v3;
	s14 =	smov.u32 s4  }
0x151: {  	v1 =	vld [tilespmem:s24+$0x9800]  }
0x152: {  	v2 =	vld [tilespmem:s4+$0x20]  }
.Ltmp10:
0x153: {  	v3 =	vld [tilespmem:s4+$0xFFFFFFD0];
	(pc) =	sbr.rel @p1 .LBB2_4-.Ltmp10, $3  }
0x154: {  	v4 =	vld [tilespmem:s4+$0x0];
	_ =	sdelay $0x1  }
0x155: {  	v6 =	vmul.f32 v6, v1;
	v8 =	vmul.f32 v5, v1  }
0x156: {  	v5 =	vmul.f32 v9, v1;
	v7 =	vmul.f32 v7, v1  }
0x157: {  	[tilespmem:s14+$0x30] =	vst v8  }
0x158: {  	[tilespmem:s14+$0xFFFFFFC0] =	vst v6  }
0x159: {  	v0 =	vmul.f32 v0, v1;
	[tilespmem:s14+$0x10] =	vst v7  }
0x15a: {  	v2 =	vmul.f32 v2, v1;
	[tilespmem:s14+$0xFFFFFFE0] =	vst v5  }
0x15b: {  	v4 =	vmul.f32 v4, v1;
	[tilespmem:s14+$0xFFFFFFF0] =	vst v0  }
0x15c: {  	s24 =	sshll.u32 s23, $0x8;
	v0 =	vmul.f32 v3, v1;
	[tilespmem:s14+$0x20] =	vst v2  }
0x15d: {  	s25 =	sand.u32 $0x3FFFFF00, s24;
	[tilespmem:s14+$0x0] =	vst v4  }
0x15e: {  	s4 =	sadd.s32 $0x1000, s25;
	[tilespmem:s14+$0xFFFFFFD0] =	vst v0  }
0x15f: {  	[spmem:s2] =	stream.indirect.scatter.add.f32 [tilespmem:s29], [sflag:$0x3], $0x80, s4, s28, $0x2000b8;
	[tilespmem:$0x1E800] =	vst v63  }
0x160: {  	_ =	swait.ge [sflag:s15], $0x4000  }
0x161: {  	[sflag:s15] =	ssyncset.done $0x0  }
0x162: {  	[sflag:s15] =	ssyncadd.s32 $0xFFFFC000  }
0x163: {  	_ =	swait.ge [sflag:s15], $0x800  }
0x164: {  	[sflag:s15] =	ssyncset.done $0x0  }
0x165: {  	s14 =	simm.s32 $0x0;
	[sflag:s15] =	ssyncadd.s32 $0xFFFFF800  }
0x166: {  	s10 =	simm.s32 $0xA000;
	v6 =	vld [tilespmem:s14+$0x5870]  }
0x167: {  	v0 =	vld [tilespmem:s10+$0x0]  }
0x168: {  	v5 =	vld [tilespmem:s14+$0x5820]  }
0x169: {  	v4 =	vld [tilespmem:s14+$0x5850]  }
0x16a: {  	v2 =	vld [tilespmem:s14+$0x5860]  }
0x16b: {  	v3 =	vld [tilespmem:s14+$0x5840]  }
0x16c: {  	s4 =	simm.s32 $0x200;
	v1 =	vld [tilespmem:s14+$0x5810];
	v6 =	vmul.f32 v6, v0  }
.LBB2_6:
0x16d: {  	p1 =	sne.s32 s4, $0xFE00  }
0x16e: {  	v5 =	vmul.f32 v5, v0;
	v7 =	vld [tilespmem:s14+$0x5830];
	s10 =	sadd.s32 $0x10, s10;
	s8 =	smov.u32 s4;
	s4 =	sadd.s32 $0x200, s4  }
0x16f: {  	v8 =	vld [tilespmem:s14+$0x5800];
	v4 =	vmul.f32 v4, v0;
	[tilespmem:s14+$0x5870] =	vst v6  }
0x170: {  	[tilespmem:s14+$0x5820] =	vst v5;
	v2 =	vmul.f32 v2, v0  }
0x171: {  	v3 =	vmul.f32 v3, v0;
	[tilespmem:s14+$0x5850] =	vst v4  }
0x172: {  	v1 =	vmul.f32 v1, v0;
	[tilespmem:s14+$0x5860] =	vst v2  }
0x173: {  	v2 =	vmul.f32 v7, v0;
	[tilespmem:s14+$0x5840] =	vst v3  }
0x174: {  	v0 =	vmul.f32 v8, v0;
	[tilespmem:s14+$0x5810] =	vst v1  }
0x175: {  	s8 =	sshra.s32 s8, $0x2;
	[tilespmem:s14+$0x5830] =	vst v2  }
0x176: {  	v6 =	vld [tilespmem:s8+$0x5870];
	[tilespmem:s14+$0x5800] =	vst v0;
	s14 =	smov.u32 s8  }
0x177: {  	v0 =	vld [tilespmem:s10+$0x0]  }
.Ltmp11:
0x178: {  	v5 =	vld [tilespmem:s14+$0x5820];
	(pc) =	sbr.rel @p1 .LBB2_6-.Ltmp11, $4  }
0x179: {  	v4 =	vld [tilespmem:s14+$0x5850]  }
0x17a: {  	v2 =	vld [tilespmem:s14+$0x5860]  }
0x17b: {  	v3 =	vld [tilespmem:s14+$0x5840]  }
0x17c: {  	v1 =	vld [tilespmem:s14+$0x5810];
	v6 =	vmul.f32 v6, v0  }
0x17d: {  	v7 =	vld [tilespmem:s14+$0x5830];
	v5 =	vmul.f32 v5, v0  }
0x17e: {  	v8 =	vld [tilespmem:s14+$0x5800];
	v4 =	vmul.f32 v4, v0;
	[tilespmem:s14+$0x5870] =	vst v6  }
0x17f: {  	[tilespmem:s14+$0x5820] =	vst v5;
	v2 =	vmul.f32 v2, v0  }
0x180: {  	v3 =	vmul.f32 v3, v0;
	[tilespmem:s14+$0x5850] =	vst v4  }
0x181: {  	v1 =	vmul.f32 v1, v0;
	[tilespmem:s14+$0x5860] =	vst v2  }
0x182: {  	v62 =	vmul.f32 v7, v0;
	[tilespmem:s14+$0x5840] =	vst v3  }
0x183: {  	v63 =	vmul.f32 v8, v0;
	[tilespmem:s14+$0x5810] =	vst v1  }
0x184: {  	[tilespmem:s14+$0x5830] =	vst v62  }
0x185: {  	s4 =	sadd.s32 $0x1080, s25;
	[tilespmem:s14+$0x5800] =	vst v63  }
0x186: {  	[spmem:s2] =	stream.indirect.scatter.add.f32 [tilespmem:s31], [sflag:$0x4], $0x80, s4, s28, $0x2000b8;
	[tilespmem:$0x1E800] =	vst v63  }
0x187: {  	_ =	swait.ge [sflag:s16], $0x4000  }
0x188: {  	[sflag:s16] =	ssyncset.done $0x0  }
0x189: {  	s8 =	sadd.s32 $0x100, s24;
	[sflag:s16] =	ssyncadd.s32 $0xFFFFC000  }
0x18a: {  	[tilespmem:s29], [sflag:$0x1] =	stream.indirect.gather [hbm4b:s5+s28], $0x80, s8, s28, $0x2000b8;
	[tilespmem:$0x1E800] =	vst v63  }
0x18b: {  	s10 =	sadd.s32 $0x900, s24;
	s23 =	sadd.s32 $0x1, s23  }
0x18c: {  	[tilespmem:s30], [sflag:$0x1] =	stream.indirect.gather [hbm4b:s6+s28], $0x10, s10, s28, $0x2000b8;
	[tilespmem:$0x1E800] =	vst v63  }
0x18d: {  	p1 =	sne.s32 s23, $0x7;
	_ =	swait.ge [sflag:s17], $0x4000  }
.Ltmp12:
0x18e: {  	[sflag:s17] =	ssyncset.done $0x0;
	(pc) =	sbr.rel @p1 .LBB2_3-.Ltmp12, $4  }
0x18f: {  	s14 =	sadd.s32 $0x180, s24;
	[sflag:s17] =	ssyncadd.s32 $0xFFFFC000  }
0x190: {  	[tilespmem:s31], [sflag:$0x2] =	stream.indirect.gather [hbm4b:s5+s28], $0x80, s14, s28, $0x2000b8;
	[tilespmem:$0x1E800] =	vst v63  }
0x191: {  	s25 =	sadd.s32 $0x980, s24  }
0x192: {  	[tilespmem:s3], [sflag:$0x2] =	stream.indirect.gather [hbm4b:s6+s28], $0x10, s25, s28, $0x2000b8;
	[tilespmem:$0x1E800] =	vst v63  }
0x193: {  	_ =	swait.ge [sflag:s11], $0x4000  }
0x194: {  	[sflag:s11] =	ssyncset.done $0x0  }
0x195: {  	[sflag:s11] =	ssyncadd.s32 $0xFFFFC000  }
0x196: {  	_ =	swait.ge [sflag:s11], $0x800  }
0x197: {  	[sflag:s11] =	ssyncset.done $0x0  }
0x198: {  	s14 =	simm.s32 $0x1840;
	[sflag:s11] =	ssyncadd.s32 $0xFFFFF800  }
0x199: {  	v4 =	vld [tilespmem:s14+$0x30]  }
0x19a: {  	v7 =	vld [tilespmem:s14+$0x10]  }
0x19b: {  	s4 =	simm.s32 $0x0;
	v5 =	vld [tilespmem:s14+$0xFFFFFFC0]  }
0x19c: {  	v1 =	vld [tilespmem:s4+$0x9800]  }
0x19d: {  	v9 =	vld [tilespmem:s14+$0xFFFFFFE0]  }
0x19e: {  	v0 =	vld [tilespmem:s14+$0xFFFFFFF0]  }
0x19f: {  	v2 =	vld [tilespmem:s14+$0x20]  }
0x1a0: {  	v3 =	vld [tilespmem:s14+$0xFFFFFFD0]  }
0x1a1: {  	v8 =	vmul.f32 v4, v1;
	v4 =	vld [tilespmem:s14+$0x0]  }
0x1a2: {  	v6 =	vmul.f32 v5, v1  }
0x1a3: {  	s10 =	simm.s32 $0x40;
	s4 =	simm.s32 $0x1840;
	v5 =	vmul.f32 v9, v1;
	v7 =	vmul.f32 v7, v1  }
.LBB2_9:
0x1a4: {  	p1 =	sne.s32 s10, $0x1FC0  }
0x1a5: {  	v3 =	vmul.f32 v3, v1;
	v2 =	vmul.f32 v2, v1;
	[tilespmem:s14+$0x30] =	vst v8;
	s4 =	sadd.s32 $0x80, s4;
	s8 =	smov.u32 s10;
	s10 =	sadd.s32 $0x40, s10  }
0x1a6: {  	[tilespmem:s14+$0xFFFFFFC0] =	vst v6;
	v6 =	vmul.f32 v0, v1;
	v1 =	vmul.f32 v4, v1  }
0x1a7: {  	[tilespmem:s14+$0x10] =	vst v7  }
0x1a8: {  	v0 =	vld [tilespmem:s4+$0xFFFFFFF0];
	[tilespmem:s14+$0xFFFFFFE0] =	vst v5  }
0x1a9: {  	v5 =	vld [tilespmem:s4+$0x30];
	[tilespmem:s14+$0xFFFFFFF0] =	vst v6  }
0x1aa: {  	v7 =	vld [tilespmem:s4+$0x10];
	[tilespmem:s14+$0x0] =	vst v1  }
0x1ab: {  	v6 =	vld [tilespmem:s4+$0xFFFFFFC0];
	[tilespmem:s14+$0x20] =	vst v2  }
0x1ac: {  	s8 =	sshra.s32 s8, $0x2;
	v9 =	vld [tilespmem:s4+$0xFFFFFFE0];
	[tilespmem:s14+$0xFFFFFFD0] =	vst v3;
	s14 =	smov.u32 s4  }
0x1ad: {  	v1 =	vld [tilespmem:s8+$0x9800]  }
0x1ae: {  	v2 =	vld [tilespmem:s4+$0x20]  }
.Ltmp13:
0x1af: {  	v3 =	vld [tilespmem:s4+$0xFFFFFFD0];
	(pc) =	sbr.rel @p1 .LBB2_9-.Ltmp13, $3  }
0x1b0: {  	v4 =	vld [tilespmem:s4+$0x0];
	_ =	sdelay $0x1  }
0x1b1: {  	v6 =	vmul.f32 v6, v1;
	v8 =	vmul.f32 v5, v1  }
0x1b2: {  	v5 =	vmul.f32 v9, v1;
	v7 =	vmul.f32 v7, v1  }
0x1b3: {  	[tilespmem:s14+$0x30] =	vst v8  }
0x1b4: {  	[tilespmem:s14+$0xFFFFFFC0] =	vst v6  }
0x1b5: {  	v0 =	vmul.f32 v0, v1;
	[tilespmem:s14+$0x10] =	vst v7  }
0x1b6: {  	v2 =	vmul.f32 v2, v1;
	[tilespmem:s14+$0xFFFFFFE0] =	vst v5  }
0x1b7: {  	v4 =	vmul.f32 v4, v1;
	[tilespmem:s14+$0xFFFFFFF0] =	vst v0  }
0x1b8: {  	v0 =	vmul.f32 v3, v1;
	[tilespmem:s14+$0x20] =	vst v2  }
0x1b9: {  	[tilespmem:s14+$0x0] =	vst v4  }
0x1ba: {  	[tilespmem:s14+$0xFFFFFFD0] =	vst v0  }
0x1bb: {  	[spmem:s2] =	stream.indirect.scatter.add.f32 [tilespmem:s29], [sflag:$0x3], $0x80, s18, s28, $0x2000b8;
	[tilespmem:$0x1E800] =	vst v63  }
0x1bc: {  	_ =	swait.ge [sflag:s15], $0x4000  }
0x1bd: {  	[sflag:s15] =	ssyncset.done $0x0  }
0x1be: {  	[sflag:s15] =	ssyncadd.s32 $0xFFFFC000  }
0x1bf: {  	_ =	swait.ge [sflag:s15], $0x800  }
0x1c0: {  	[sflag:s15] =	ssyncset.done $0x0  }
0x1c1: {  	s14 =	simm.s32 $0x0;
	[sflag:s15] =	ssyncadd.s32 $0xFFFFF800  }
0x1c2: {  	s10 =	simm.s32 $0xA000;
	v6 =	vld [tilespmem:s14+$0x5870]  }
0x1c3: {  	v0 =	vld [tilespmem:s10+$0x0]  }
0x1c4: {  	v5 =	vld [tilespmem:s14+$0x5820]  }
0x1c5: {  	v4 =	vld [tilespmem:s14+$0x5850]  }
0x1c6: {  	v2 =	vld [tilespmem:s14+$0x5860]  }
0x1c7: {  	v3 =	vld [tilespmem:s14+$0x5840]  }
0x1c8: {  	s4 =	simm.s32 $0x200;
	v1 =	vld [tilespmem:s14+$0x5810];
	v6 =	vmul.f32 v6, v0  }
.LBB2_11:
0x1c9: {  	p1 =	sne.s32 s4, $0xFE00  }
0x1ca: {  	v5 =	vmul.f32 v5, v0;
	v7 =	vld [tilespmem:s14+$0x5830];
	s10 =	sadd.s32 $0x10, s10;
	s8 =	smov.u32 s4;
	s4 =	sadd.s32 $0x200, s4  }
0x1cb: {  	v8 =	vld [tilespmem:s14+$0x5800];
	v4 =	vmul.f32 v4, v0;
	[tilespmem:s14+$0x5870] =	vst v6  }
0x1cc: {  	[tilespmem:s14+$0x5820] =	vst v5;
	v2 =	vmul.f32 v2, v0  }
0x1cd: {  	v3 =	vmul.f32 v3, v0;
	[tilespmem:s14+$0x5850] =	vst v4  }
0x1ce: {  	v1 =	vmul.f32 v1, v0;
	[tilespmem:s14+$0x5860] =	vst v2  }
0x1cf: {  	v2 =	vmul.f32 v7, v0;
	[tilespmem:s14+$0x5840] =	vst v3  }
0x1d0: {  	v0 =	vmul.f32 v8, v0;
	[tilespmem:s14+$0x5810] =	vst v1  }
0x1d1: {  	s8 =	sshra.s32 s8, $0x2;
	[tilespmem:s14+$0x5830] =	vst v2  }
0x1d2: {  	v6 =	vld [tilespmem:s8+$0x5870];
	[tilespmem:s14+$0x5800] =	vst v0;
	s14 =	smov.u32 s8  }
0x1d3: {  	v0 =	vld [tilespmem:s10+$0x0]  }
.Ltmp14:
0x1d4: {  	v5 =	vld [tilespmem:s14+$0x5820];
	(pc) =	sbr.rel @p1 .LBB2_11-.Ltmp14, $4  }
0x1d5: {  	v4 =	vld [tilespmem:s14+$0x5850]  }
0x1d6: {  	v2 =	vld [tilespmem:s14+$0x5860]  }
0x1d7: {  	v3 =	vld [tilespmem:s14+$0x5840]  }
0x1d8: {  	v1 =	vld [tilespmem:s14+$0x5810];
	v6 =	vmul.f32 v6, v0  }
0x1d9: {  	v7 =	vld [tilespmem:s14+$0x5830];
	v5 =	vmul.f32 v5, v0  }
0x1da: {  	v8 =	vld [tilespmem:s14+$0x5800];
	v4 =	vmul.f32 v4, v0;
	[tilespmem:s14+$0x5870] =	vst v6  }
0x1db: {  	[tilespmem:s14+$0x5820] =	vst v5;
	v2 =	vmul.f32 v2, v0  }
0x1dc: {  	v3 =	vmul.f32 v3, v0;
	[tilespmem:s14+$0x5850] =	vst v4  }
0x1dd: {  	v1 =	vmul.f32 v1, v0;
	[tilespmem:s14+$0x5860] =	vst v2  }
0x1de: {  	v62 =	vmul.f32 v7, v0;
	[tilespmem:s14+$0x5840] =	vst v3  }
0x1df: {  	v63 =	vmul.f32 v8, v0;
	[tilespmem:s14+$0x5810] =	vst v1  }
0x1e0: {  	[tilespmem:s14+$0x5830] =	vst v62  }
0x1e1: {  	s22 =	sadd.s32 $0x1, s22;
	[tilespmem:s14+$0x5800] =	vst v63  }
0x1e2: {  	[spmem:s2] =	stream.indirect.scatter.add.f32 [tilespmem:s31], [sflag:$0x4], $0x80, s19, s28, $0x2000b8;
	[tilespmem:$0x1E800] =	vst v63  }
0x1e3: {  	p1 =	seq.s32 s22, $0x8;
	_ =	swait.ge [sflag:s16], $0x4000  }
.Ltmp15:
0x1e4: {  	[sflag:s16] =	ssyncset.done $0x0;
	(pc) =	sbr.rel @!p1 .LBB2_2-.Ltmp15, $4  }
.Ltmp16:
0x1e5: {  	[sflag:s16] =	ssyncadd.s32 $0xFFFFC000;
	(pc) =	sbr.rel @p1 .LBB2_24-.Ltmp16, $4  }
0x1e6: {  	_ =	swait.ge [sflag:s17], $0x4000  }
0x1e7: {  	[sflag:s17] =	ssyncset.done $0x0  }
0x1e8: {  	[sflag:s17] =	ssyncadd.s32 $0xFFFFC000  }
0x1e9: {  	_ = 	snop  }
.LBB2_25:
0x1ea: {  	_ =	sfence.sel $0x180000  }
0x1eb: {  	[bflag:$0x0] =	sbarrier.arrive $0xFFFF  }
0x1ec: {  	_ =	strace $0x90000050  }
0x1ed: {  	s0 =	stileid.u32;
	[bflag:$0x2] =	sbarrier.arrive $0xFFFF  }
0x1ee: {  	p0 =	sne.s32 s0, $0x0;
	s0 =	rddreg [dreg:$0x3]  }
0x1ef: {  	s0 =	sadd.s32 @!p0 $0x100000, s0  }
0x1f0: {  	[sflag:s0] =	ssyncadd.tile.s32 @!p0 $0x1;
	_ =	shalt  }
.Lfunc_end2:
_tile_overlayer_lowered:
.L_overlay_start_2:
0x1f1: {  	(tag) =	ssettag $0x2  }
0x1f2: {  	s0 =	rddreg [dreg:$0x0];
	s2 =	stileid.u32  }
0x1f3: {  	s1 =	rddreg [dreg:$0x1];
	p0 =	sne.s32 s2, $0x0  }
0x1f4: {  	s3 =	rddreg [dreg:$0x2];
	[bflag:$0x3] =	sbarrier.arrive $0xFFFF;
	s2 =	simm.s32 @!p0 $0x1C05  }
0x1f5: {  	[timem:s3], [sflag:s2] =	dma.local @!p0 [hbm:s0], s1  }
0x1f6: {  	s0 =	simm.s32 @!p0 $0x5  }
0x1f7: {  	_ =	swait.ge @!p0 [sflag:s0], s1  }
0x1f8: {  	s1 =	ssub.s32 @!p0 $0x0, s1;
	[sflag:s0] =	ssyncset.done @!p0 $0x0  }
0x1f9: {  	[sflag:s0] =	ssyncadd.s32 @!p0 s1  }
0x1fa: {  	[bflag:$0x3] =	sbarrier.arrive $0xFFFF  }
0x1fb: {  	_ =	shalt  }

</sc_bundles>
